<compile_context>
chip_gen: v7x
topology: tpu7x:2x2x1
jax: 0.10.2.dev20260603
libtpu: 0.0.44.dev20260713+nightly
codegen_flags: <defaults>
</compile_context>

<pallas_src>
import functools
import math

import jax
import jax.numpy as jnp
from jax import lax
from jax.experimental import pallas as pl
from jax.experimental.pallas import tpu as pltpu
from jax.experimental.pallas import tpu_sc as plsc

T = 16
N = 10000
E = 5000
D = 128

NC = 2
NS = 16
L = 16

EDGES_PER_TILE = 320
E_PAD = NS * EDGES_PER_TILE
CHUNK = 80
NCHUNK = EDGES_PER_TILE // CHUNK
ROWS_PER_TILE = 640
N_Y = NS * ROWS_PER_TILE
N_PAD = N_Y + L
SLICES_PER_SC = T // NC
RCHUNK = 80
NR = ROWS_PER_TILE // RCHUNK
NEG = -3.0e38


def _pe_table(t, d_model):
    position = jnp.arange(t, dtype=jnp.float32)[:, None]
    div_term = jnp.exp(
        jnp.arange(0, d_model, 2, dtype=jnp.float32) * (-math.log(10000.0) / d_model))
    pe = jnp.zeros((t, d_model), dtype=jnp.float32)
    pe = pe.at[:, 0::2].set(jnp.sin(position * div_term))
    pe = pe.at[:, 1::2].set(jnp.cos(position * div_term))
    return pe


def _matmul_body(q_ref, w_ref, y_ref):
    y_ref[...] = jnp.dot(q_ref[...], w_ref[...],
                         preferred_element_type=jnp.float32)


def _compute_y(q, w):
    blk = 1280
    return pl.pallas_call(
        _matmul_body,
        grid=(N_Y // blk,),
        in_specs=[pl.BlockSpec((blk, D), lambda i: (i, 0)),
                  pl.BlockSpec((D, D), lambda i: (0, 0))],
        out_specs=pl.BlockSpec((blk, D), lambda i: (i, 0)),
        out_shape=jax.ShapeDtypeStruct((N_Y, D), jnp.float32),
    )(q, w)


_mesh = plsc.VectorSubcoreMesh(core_axis_name="c", subcore_axis_name="s")


@functools.partial(
    pl.kernel,
    mesh=_mesh,
    out_type=jax.ShapeDtypeStruct((T * D,), jnp.float32),
    scratch_types=[
        pltpu.VMEM_SHARED((N_PAD, D), jnp.float32),
        pltpu.VMEM_SHARED((NS, D), jnp.float32),
        pltpu.VMEM((NCHUNK, CHUNK), jnp.int32),
        pltpu.VMEM((NCHUNK, CHUNK), jnp.int32),
        pltpu.VMEM((2, CHUNK, D), jnp.float32),
        pltpu.VMEM((2, RCHUNK, D), jnp.float32),
        pltpu.VMEM((D,), jnp.float32),
        pltpu.VMEM((NS, D), jnp.float32),
        pltpu.VMEM((D,), jnp.float32),
        pltpu.VMEM((D,), jnp.float32),
        pltpu.SemaphoreType.DMA,
        pltpu.SemaphoreType.DMA,
        pltpu.SemaphoreType.DMA,
        pltpu.SemaphoreType.DMA,
    ],
)
def _encoder_sc(y_hbm, src_hbm, dst_hbm, pe_hbm, out_hbm,
                agg_sh, partials_sh, src_idx_v, dst_idx_v, rows_v,
                stripe_v, vec_v, partials_v, pe_v, out_v, gsem, ssem, msem, isem):
    c = lax.axis_index("c")
    s = lax.axis_index("s")
    rbase = s * ROWS_PER_TILE

    t0 = c * SLICES_PER_SC
    pltpu.sync_copy(src_hbm.at[t0, s], src_idx_v)
    pltpu.sync_copy(dst_hbm.at[t0, s], dst_idx_v)
    pltpu.async_copy(y_hbm.at[src_idx_v.at[0]], rows_v.at[0], gsem)
    pltpu.sync_copy(y_hbm.at[pl.ds(rbase, ROWS_PER_TILE)],
                    agg_sh.at[pl.ds(rbase, ROWS_PER_TILE)])
    plsc.subcore_barrier()

    def slice_body(k, carry):
        t = c * SLICES_PER_SC + k
        for j in range(NCHUNK):
            pltpu.make_async_copy(y_hbm.at[src_idx_v.at[j]],
                                  rows_v.at[j % 2], gsem).wait()
            pltpu.async_copy(rows_v.at[j % 2],
                             agg_sh.at[dst_idx_v.at[j]], ssem, add=True)
            if j + 1 < NCHUNK:
                if j >= 1:
                    pltpu.make_async_copy(rows_v.at[(j - 1) % 2],
                                          agg_sh.at[dst_idx_v.at[j - 1]],
                                          ssem).wait()
                pltpu.async_copy(y_hbm.at[src_idx_v.at[j + 1]],
                                 rows_v.at[(j + 1) % 2], gsem)
        for j in (NCHUNK - 2, NCHUNK - 1):
            pltpu.make_async_copy(rows_v.at[j % 2],
                                  agg_sh.at[dst_idx_v.at[j]], ssem).wait()
        plsc.subcore_barrier()
        pltpu.async_copy(agg_sh.at[pl.ds(rbase, RCHUNK)], stripe_v.at[0], msem)

        @pl.when(k + 1 < SLICES_PER_SC)
        def _():
            tn = t + 1
            pltpu.sync_copy(src_hbm.at[tn, s], src_idx_v)
            pltpu.sync_copy(dst_hbm.at[tn, s], dst_idx_v)
            pltpu.async_copy(y_hbm.at[src_idx_v.at[0]], rows_v.at[0], gsem)

        acc = tuple(jnp.full((L,), NEG, jnp.float32) for _ in range(D // L))
        for cb in range(NR):
            pltpu.make_async_copy(
                agg_sh.at[pl.ds(rbase + cb * RCHUNK, RCHUNK)],
                stripe_v.at[cb % 2], msem).wait()
            if cb + 1 < NR:
                pltpu.async_copy(
                    agg_sh.at[pl.ds(rbase + (cb + 1) * RCHUNK, RCHUNK)],
                    stripe_v.at[(cb + 1) % 2], msem)

            @pl.when(k + 1 < SLICES_PER_SC)
            def _():
                pltpu.async_copy(
                    y_hbm.at[pl.ds(rbase + cb * RCHUNK, RCHUNK)],
                    agg_sh.at[pl.ds(rbase + cb * RCHUNK, RCHUNK)], isem)

            buf = cb % 2

            def row_body(r4, a):
                r = r4 * 4
                for u in range(4):
                    a = tuple(
                        jnp.maximum(a[j], stripe_v[buf, r + u, pl.ds(j * L, L)])
                        for j in range(D // L))
                return a

            acc = lax.fori_loop(0, RCHUNK // 4, row_body, acc)

        @pl.when(k + 1 < SLICES_PER_SC)
        def _():
            for cb in range(NR):
                pltpu.make_async_copy(
                    y_hbm.at[pl.ds(rbase + cb * RCHUNK, RCHUNK)],
                    agg_sh.at[pl.ds(rbase + cb * RCHUNK, RCHUNK)],
                    isem).wait()

        for j in range(D // L):
            vec_v[pl.ds(j * L, L)] = jnp.maximum(acc[j], 0.0)
        pltpu.sync_copy(vec_v, partials_sh.at[s])
        plsc.subcore_barrier()

        @pl.when(s == 0)
        def _():
            pltpu.sync_copy(partials_sh, partials_v)
            pltpu.sync_copy(pe_hbm.at[pl.ds(t * D, D)], pe_v)
            for j in range(D // L):
                m = partials_v[0, pl.ds(j * L, L)]
                for i in range(1, NS):
                    m = jnp.maximum(m, partials_v[i, pl.ds(j * L, L)])
                out_v[pl.ds(j * L, L)] = m + pe_v[pl.ds(j * L, L)]
            pltpu.sync_copy(out_v, out_hbm.at[pl.ds(t * D, D)])

        return carry

    lax.fori_loop(0, SLICES_PER_SC, slice_body, 0)


def kernel(q_embeddings, W, edge_index):
    q_pad = jnp.concatenate(
        [q_embeddings, jnp.zeros((N_Y - N, D), jnp.float32)], axis=0)
    y = _compute_y(q_pad, W)
    ei = edge_index.astype(jnp.int32)
    src = ei[:, 0, :]
    dst = ei[:, 1, :]
    pad_src = jnp.zeros((T, E_PAD - E), jnp.int32)
    pad_dst = jnp.full((T, E_PAD - E), N_Y, jnp.int32)
    src_p = jnp.concatenate([src, pad_src], axis=1).reshape(T, NS, NCHUNK, CHUNK)
    dst_p = jnp.concatenate([dst, pad_dst], axis=1).reshape(T, NS, NCHUNK, CHUNK)
    pe = _pe_table(T, D).reshape(T * D)
    out = _encoder_sc(y, src_p, dst_p, pe)
    return out.reshape(T, D)

# --- scband reference (transcript-rebuilt; emitter-appended) ---
"""Pipeline reference for scband-circuit-encoder-18296560681505 (READ-ONLY COPY).

The authoritative reference and input builder live on the scoring server;
editing this copy changes nothing except your own understanding.
"""

import math
import jax
import jax.numpy as jnp
import numpy as np

T = 16
NUM_LQ = 10000
E = 5000
D = 128


def positional_embedding(t, d_model):
    position = jnp.arange(t, dtype=jnp.float32)[:, None]
    div_term = jnp.exp(jnp.arange(0, d_model, 2, dtype=jnp.float32) * (-math.log(10000.0) / d_model))
    pe = jnp.zeros((t, d_model), dtype=jnp.float32)
    pe = pe.at[:, 0::2].set(jnp.sin(position * div_term))
    pe = pe.at[:, 1::2].set(jnp.cos(position * div_term))
    return pe


def setup_inputs(seed: int = 0):
    key = jax.random.key(seed)
    k1, k2, k3 = jax.random.split(key, 3)
    q_embeddings = jax.random.normal(k1, (NUM_LQ, D), dtype=jnp.float32)
    edge_index = jax.random.randint(k2, (T, 2, E), 0, NUM_LQ, dtype=jnp.int64)
    W = jax.random.normal(k3, (D, D), dtype=jnp.float32) * (1.0 / math.sqrt(D))
    return {"q_embeddings": q_embeddings, "W": W, "edge_index": edge_index}


def reference(q_embeddings, W, edge_index):
    # CircuitEncoder.forward():
    #   Ht_IQ = self.gnn(self.q_embeddings)   -- per-slice message passing over gate adjacency
    #   Ht_I  = max over qubit dim
    #   Ht_I += positional embedding
    pe = positional_embedding(T, D)

    def slice_gnn(ei):
        src = ei[0]
        dst = ei[1]
        msgs = jnp.take(q_embeddings, src, axis=0)              # gather
        agg = jax.ops.segment_sum(msgs, dst, num_segments=NUM_LQ)  # scatter-add
        h = jax.nn.relu((agg + q_embeddings) @ W)
        return h

    Ht_IQ = jax.vmap(slice_gnn)(edge_index)   # [T, NUM_LQ, D]
    Ht_I = jnp.max(Ht_IQ, axis=1)             # [T, D]
    Ht_I = Ht_I + pe
    return Ht_I

if __name__ == "__main__":
    import jax
    _d = setup_inputs()
    print(jax.jit(kernel)(*tuple(_d.values())))

</pallas_src>

<mosaic_0001>
#map = affine_map<(d0, d1) -> (0, 0)>
#map1 = affine_map<(d0, d1) -> (0, 0, 0, 0)>
#map2 = affine_map<(d0, d1) -> (0)>
module attributes {stable_mosaic.version = 14 : i64} {
  func.func @_encoder_sc(%arg0: i32, %arg1: i32, %arg2: memref<10240x128xf32, #tpu.memory_space<hbm>>, %arg3: memref<16x16x4x80xi32, #tpu.memory_space<hbm>>, %arg4: memref<16x16x4x80xi32, #tpu.memory_space<hbm>>, %arg5: memref<2048xf32, #tpu.memory_space<hbm>>, %arg6: memref<2048xf32, #tpu.memory_space<hbm>>, %arg7: memref<10256x128xf32, #tpu.memory_space<vmem_shared>>, %arg8: memref<16x128xf32, #tpu.memory_space<vmem_shared>>, %arg9: memref<4x80xi32, #tpu.memory_space<vmem>>, %arg10: memref<4x80xi32, #tpu.memory_space<vmem>>, %arg11: memref<2x80x128xf32, #tpu.memory_space<vmem>>, %arg12: memref<2x80x128xf32, #tpu.memory_space<vmem>>, %arg13: memref<128xf32, #tpu.memory_space<vmem>>, %arg14: memref<16x128xf32, #tpu.memory_space<vmem>>, %arg15: memref<128xf32, #tpu.memory_space<vmem>>, %arg16: memref<128xf32, #tpu.memory_space<vmem>>, %arg17: memref<!tpu.dma_semaphore, #tpu.memory_space<semaphore_mem>>, %arg18: memref<!tpu.dma_semaphore, #tpu.memory_space<semaphore_mem>>, %arg19: memref<!tpu.dma_semaphore, #tpu.memory_space<semaphore_mem>>, %arg20: memref<!tpu.dma_semaphore, #tpu.memory_space<semaphore_mem>>) attributes {dimension_semantics = [#tpu.dimension_semantics<core_parallel>, #tpu.dimension_semantics<subcore_parallel>], iteration_bounds = array<i64: 2, 16>, scalar_prefetch = 0 : i64, scratch_operands = 14 : i64, tpu.core_type = #tpu.core_type<sc_vector_subcore>, window_params = [{transform_indices = #map}, {transform_indices = #map1}, {transform_indices = #map1}, {transform_indices = #map2}, {transform_indices = #map2}]} {
    %mul3A = arith.constant 640 : i32
    %mul3A_0 = arith.muli %arg1, %mul3A : i32
    %mul3A_1 = arith.constant 8 : i32
    %mul3A_2 = arith.muli %arg0, %mul3A_1 : i32
    "tpu.region"() ({
      %run_scoped3A = tpu.sem_alloc : memref<!tpu.dma_semaphore, #tpu.memory_space<semaphore_mem>>
      %dma_start3A_19 = arith.constant 0 : i32
      %dma_start3A_20 = arith.constant 0 : i32
      %dma_start3A_21 = tpu.memref_slice %arg3[%mul3A_2, %arg1, %dma_start3A_19, %dma_start3A_20] : memref<16x16x4x80xi32, #tpu.memory_space<hbm>> -> memref<1x1x4x80xi32, #tpu.memory_space<hbm>>
      %dma_start3A_22 = tpu.memref_squeeze %dma_start3A_21 : memref<1x1x4x80xi32, #tpu.memory_space<hbm>> -> memref<4x80xi32, #tpu.memory_space<hbm>>
      %dma_start3A_23 = arith.constant 0 : i32
      %dma_start3A_24 = arith.constant 0 : i32
      %dma_start3A_25 = tpu.memref_slice %arg3[%mul3A_2, %arg1, %dma_start3A_23, %dma_start3A_24] : memref<16x16x4x80xi32, #tpu.memory_space<hbm>> -> memref<1x1x4x80xi32, #tpu.memory_space<hbm>>
      %dma_start3A_26 = tpu.memref_squeeze %dma_start3A_25 : memref<1x1x4x80xi32, #tpu.memory_space<hbm>> -> memref<4x80xi32, #tpu.memory_space<hbm>>
      tpu.enqueue_dma source(%dma_start3A_26 : memref<4x80xi32, #tpu.memory_space<hbm>>) target(%arg9 : memref<4x80xi32, #tpu.memory_space<vmem>>) target_semaphore(%run_scoped3A : memref<!tpu.dma_semaphore, #tpu.memory_space<semaphore_mem>>)
      %dma_wait3A = arith.constant 0 : i32
      %dma_wait3A_27 = arith.constant 0 : i32
      %dma_wait3A_28 = tpu.memref_slice %arg3[%mul3A_2, %arg1, %dma_wait3A, %dma_wait3A_27] : memref<16x16x4x80xi32, #tpu.memory_space<hbm>> -> memref<1x1x4x80xi32, #tpu.memory_space<hbm>>
      %dma_wait3A_29 = tpu.memref_squeeze %dma_wait3A_28 : memref<1x1x4x80xi32, #tpu.memory_space<hbm>> -> memref<4x80xi32, #tpu.memory_space<hbm>>
      %dma_wait3A_30 = arith.constant 0 : i32
      %dma_wait3A_31 = arith.constant 0 : i32
      %dma_wait3A_32 = tpu.memref_slice %arg3[%mul3A_2, %arg1, %dma_wait3A_30, %dma_wait3A_31] : memref<16x16x4x80xi32, #tpu.memory_space<hbm>> -> memref<1x1x4x80xi32, #tpu.memory_space<hbm>>
      %dma_wait3A_33 = tpu.memref_squeeze %dma_wait3A_32 : memref<1x1x4x80xi32, #tpu.memory_space<hbm>> -> memref<4x80xi32, #tpu.memory_space<hbm>>
      tpu.wait_dma2 semaphore(%run_scoped3A : memref<!tpu.dma_semaphore, #tpu.memory_space<semaphore_mem>>) src(%dma_wait3A_33 : memref<4x80xi32, #tpu.memory_space<hbm>>) dst(%arg9 : memref<4x80xi32, #tpu.memory_space<vmem>>)
      tpu.yield
    }) : () -> ()
    "tpu.region"() ({
      %run_scoped3A = tpu.sem_alloc : memref<!tpu.dma_semaphore, #tpu.memory_space<semaphore_mem>>
      %dma_start3A_19 = arith.constant 0 : i32
      %dma_start3A_20 = arith.constant 0 : i32
      %dma_start3A_21 = tpu.memref_slice %arg4[%mul3A_2, %arg1, %dma_start3A_19, %dma_start3A_20] : memref<16x16x4x80xi32, #tpu.memory_space<hbm>> -> memref<1x1x4x80xi32, #tpu.memory_space<hbm>>
      %dma_start3A_22 = tpu.memref_squeeze %dma_start3A_21 : memref<1x1x4x80xi32, #tpu.memory_space<hbm>> -> memref<4x80xi32, #tpu.memory_space<hbm>>
      %dma_start3A_23 = arith.constant 0 : i32
      %dma_start3A_24 = arith.constant 0 : i32
      %dma_start3A_25 = tpu.memref_slice %arg4[%mul3A_2, %arg1, %dma_start3A_23, %dma_start3A_24] : memref<16x16x4x80xi32, #tpu.memory_space<hbm>> -> memref<1x1x4x80xi32, #tpu.memory_space<hbm>>
      %dma_start3A_26 = tpu.memref_squeeze %dma_start3A_25 : memref<1x1x4x80xi32, #tpu.memory_space<hbm>> -> memref<4x80xi32, #tpu.memory_space<hbm>>
      tpu.enqueue_dma source(%dma_start3A_26 : memref<4x80xi32, #tpu.memory_space<hbm>>) target(%arg10 : memref<4x80xi32, #tpu.memory_space<vmem>>) target_semaphore(%run_scoped3A : memref<!tpu.dma_semaphore, #tpu.memory_space<semaphore_mem>>)
      %dma_wait3A = arith.constant 0 : i32
      %dma_wait3A_27 = arith.constant 0 : i32
      %dma_wait3A_28 = tpu.memref_slice %arg4[%mul3A_2, %arg1, %dma_wait3A, %dma_wait3A_27] : memref<16x16x4x80xi32, #tpu.memory_space<hbm>> -> memref<1x1x4x80xi32, #tpu.memory_space<hbm>>
      %dma_wait3A_29 = tpu.memref_squeeze %dma_wait3A_28 : memref<1x1x4x80xi32, #tpu.memory_space<hbm>> -> memref<4x80xi32, #tpu.memory_space<hbm>>
      %dma_wait3A_30 = arith.constant 0 : i32
      %dma_wait3A_31 = arith.constant 0 : i32
      %dma_wait3A_32 = tpu.memref_slice %arg4[%mul3A_2, %arg1, %dma_wait3A_30, %dma_wait3A_31] : memref<16x16x4x80xi32, #tpu.memory_space<hbm>> -> memref<1x1x4x80xi32, #tpu.memory_space<hbm>>
      %dma_wait3A_33 = tpu.memref_squeeze %dma_wait3A_32 : memref<1x1x4x80xi32, #tpu.memory_space<hbm>> -> memref<4x80xi32, #tpu.memory_space<hbm>>
      tpu.wait_dma2 semaphore(%run_scoped3A : memref<!tpu.dma_semaphore, #tpu.memory_space<semaphore_mem>>) src(%dma_wait3A_33 : memref<4x80xi32, #tpu.memory_space<hbm>>) dst(%arg10 : memref<4x80xi32, #tpu.memory_space<vmem>>)
      tpu.yield
    }) : () -> ()
    %dma_start3A = arith.constant 0 : i32
    %dma_start3A_3 = arith.constant 0 : i32
    %dma_start3A_4 = arith.constant 0 : i32
    %dma_start3A_5 = arith.constant 0 : i32
    %dma_start3A_6 = tpu.memref_slice %arg11[%dma_start3A_3, %dma_start3A_4, %dma_start3A_5] : memref<2x80x128xf32, #tpu.memory_space<vmem>> -> memref<1x80x128xf32, #tpu.memory_space<vmem>>
    %dma_start3A_7 = tpu.memref_squeeze %dma_start3A_6 : memref<1x80x128xf32, #tpu.memory_space<vmem>> -> memref<80x128xf32, #tpu.memory_space<vmem>>
    %dma_start3A_8 = arith.constant 0 : i32
    %dma_start3A_9 = tpu.memref_slice %arg9[%dma_start3A, %dma_start3A_8] : memref<4x80xi32, #tpu.memory_space<vmem>> -> memref<1x80xi32, #tpu.memory_space<vmem>>
    %dma_start3A_10 = tpu.memref_squeeze %dma_start3A_9 : memref<1x80xi32, #tpu.memory_space<vmem>> -> memref<80xi32, #tpu.memory_space<vmem>>
    %dma_start3A_11 = arith.constant 0 : i32
    %dma_start3A_12 = arith.constant 0 : i32
    %dma_start3A_13 = tpu.memref_slice %arg2[%dma_start3A_11, %dma_start3A_12] : memref<10240x128xf32, #tpu.memory_space<hbm>> -> memref<10240x128xf32, #tpu.memory_space<hbm>>
    tpu.enqueue_indirect_dma source(%dma_start3A_13 : memref<10240x128xf32, #tpu.memory_space<hbm>>) target(%dma_start3A_7 : memref<80x128xf32, #tpu.memory_space<vmem>>) offsets(%dma_start3A_10 : memref<80xi32, #tpu.memory_space<vmem>>) semaphore(%arg17 : memref<!tpu.dma_semaphore, #tpu.memory_space<semaphore_mem>>)
    "tpu.region"() ({
      %run_scoped3A = tpu.sem_alloc : memref<!tpu.dma_semaphore, #tpu.memory_space<semaphore_mem>>
      %dma_start3A_19 = arith.constant 0 : i32
      %dma_start3A_20 = tpu.memref_slice %arg7[%mul3A_0, %dma_start3A_19] : memref<10256x128xf32, #tpu.memory_space<vmem_shared>> -> memref<640x128xf32, #tpu.memory_space<vmem_shared>>
      %dma_start3A_21 = arith.constant 0 : i32
      %dma_start3A_22 = tpu.memref_slice %arg2[%mul3A_0, %dma_start3A_21] : memref<10240x128xf32, #tpu.memory_space<hbm>> -> memref<640x128xf32, #tpu.memory_space<hbm>>
      tpu.enqueue_dma source(%dma_start3A_22 : memref<640x128xf32, #tpu.memory_space<hbm>>) target(%dma_start3A_20 : memref<640x128xf32, #tpu.memory_space<vmem_shared>>) target_semaphore(%run_scoped3A : memref<!tpu.dma_semaphore, #tpu.memory_space<semaphore_mem>>)
      %dma_wait3A = arith.constant 0 : i32
      %dma_wait3A_23 = tpu.memref_slice %arg7[%mul3A_0, %dma_wait3A] : memref<10256x128xf32, #tpu.memory_space<vmem_shared>> -> memref<640x128xf32, #tpu.memory_space<vmem_shared>>
      %dma_wait3A_24 = arith.constant 0 : i32
      %dma_wait3A_25 = tpu.memref_slice %arg2[%mul3A_0, %dma_wait3A_24] : memref<10240x128xf32, #tpu.memory_space<hbm>> -> memref<640x128xf32, #tpu.memory_space<hbm>>
      tpu.wait_dma2 semaphore(%run_scoped3A : memref<!tpu.dma_semaphore, #tpu.memory_space<semaphore_mem>>) src(%dma_wait3A_25 : memref<640x128xf32, #tpu.memory_space<hbm>>) dst(%dma_wait3A_23 : memref<640x128xf32, #tpu.memory_space<vmem_shared>>)
      tpu.yield
    }) : () -> ()
    %barrier3A = arith.constant 0 : index
    tpu.barrier barrier_id(%barrier3A)
    %scan3A = arith.constant 0 : i32
    %scan3A_14 = arith.constant 0 : i32
    %scan3A_15 = arith.constant 8 : i32
    %scan3A_16 = arith.addi %scan3A_14, %scan3A_15 : i32
    %scan3A_17 = arith.constant 1 : i32
    scf.for %scan3A_19 = %scan3A_14 to %scan3A_16 step %scan3A_17  : i32 {
      %mul3A_20 = arith.constant 8 : i32
      %mul3A_21 = arith.muli %arg0, %mul3A_20 : i32
      %add3A = arith.addi %mul3A_21, %scan3A_19 : i32
      %dma_wait3A = arith.constant 0 : i32
      %dma_wait3A_22 = arith.constant 0 : i32
      %dma_wait3A_23 = arith.constant 0 : i32
      %dma_wait3A_24 = arith.constant 0 : i32
      %dma_wait3A_25 = tpu.memref_slice %arg11[%dma_wait3A_22, %dma_wait3A_23, %dma_wait3A_24] : memref<2x80x128xf32, #tpu.memory_space<vmem>> -> memref<1x80x128xf32, #tpu.memory_space<vmem>>
      %dma_wait3A_26 = tpu.memref_squeeze %dma_wait3A_25 : memref<1x80x128xf32, #tpu.memory_space<vmem>> -> memref<80x128xf32, #tpu.memory_space<vmem>>
      %dma_wait3A_27 = arith.constant 0 : i32
      %dma_wait3A_28 = tpu.memref_slice %arg9[%dma_wait3A, %dma_wait3A_27] : memref<4x80xi32, #tpu.memory_space<vmem>> -> memref<1x80xi32, #tpu.memory_space<vmem>>
      %dma_wait3A_29 = tpu.memref_squeeze %dma_wait3A_28 : memref<1x80xi32, #tpu.memory_space<vmem>> -> memref<80xi32, #tpu.memory_space<vmem>>
      %dma_wait3A_30 = arith.constant 0 : i32
      %dma_wait3A_31 = arith.constant 0 : i32
      %dma_wait3A_32 = tpu.memref_slice %arg2[%dma_wait3A_30, %dma_wait3A_31] : memref<10240x128xf32, #tpu.memory_space<hbm>> -> memref<10240x128xf32, #tpu.memory_space<hbm>>
      tpu.wait_indirect_dma semaphore(%arg17 : memref<!tpu.dma_semaphore, #tpu.memory_space<semaphore_mem>>) src(%dma_wait3A_32 : memref<10240x128xf32, #tpu.memory_space<hbm>>) dst(%dma_wait3A_26 : memref<80x128xf32, #tpu.memory_space<vmem>>)
      %dma_start3A_33 = arith.constant 0 : i32
      %dma_start3A_34 = arith.constant 0 : i32
      %dma_start3A_35 = arith.constant 0 : i32
      %dma_start3A_36 = arith.constant 0 : i32
      %dma_start3A_37 = tpu.memref_slice %arg11[%dma_start3A_33, %dma_start3A_35, %dma_start3A_36] : memref<2x80x128xf32, #tpu.memory_space<vmem>> -> memref<1x80x128xf32, #tpu.memory_space<vmem>>
      %dma_start3A_38 = tpu.memref_squeeze %dma_start3A_37 : memref<1x80x128xf32, #tpu.memory_space<vmem>> -> memref<80x128xf32, #tpu.memory_space<vmem>>
      %dma_start3A_39 = arith.constant 0 : i32
      %dma_start3A_40 = tpu.memref_slice %arg10[%dma_start3A_34, %dma_start3A_39] : memref<4x80xi32, #tpu.memory_space<vmem>> -> memref<1x80xi32, #tpu.memory_space<vmem>>
      %dma_start3A_41 = tpu.memref_squeeze %dma_start3A_40 : memref<1x80xi32, #tpu.memory_space<vmem>> -> memref<80xi32, #tpu.memory_space<vmem>>
      %dma_start3A_42 = arith.constant 0 : i32
      %dma_start3A_43 = arith.constant 0 : i32
      %dma_start3A_44 = tpu.memref_slice %arg7[%dma_start3A_42, %dma_start3A_43] : memref<10256x128xf32, #tpu.memory_space<vmem_shared>> -> memref<10256x128xf32, #tpu.memory_space<vmem_shared>>
      tpu.enqueue_indirect_dma source(%dma_start3A_38 : memref<80x128xf32, #tpu.memory_space<vmem>>) target(%dma_start3A_44 : memref<10256x128xf32, #tpu.memory_space<vmem_shared>>) offsets(%dma_start3A_41 : memref<80xi32, #tpu.memory_space<vmem>>) semaphore(%arg18 : memref<!tpu.dma_semaphore, #tpu.memory_space<semaphore_mem>>) {add = true}
      %dma_start3A_45 = arith.constant 1 : i32
      %dma_start3A_46 = arith.constant 1 : i32
      %dma_start3A_47 = arith.constant 0 : i32
      %dma_start3A_48 = arith.constant 0 : i32
      %dma_start3A_49 = tpu.memref_slice %arg11[%dma_start3A_46, %dma_start3A_47, %dma_start3A_48] : memref<2x80x128xf32, #tpu.memory_space<vmem>> -> memref<1x80x128xf32, #tpu.memory_space<vmem>>
      %dma_start3A_50 = tpu.memref_squeeze %dma_start3A_49 : memref<1x80x128xf32, #tpu.memory_space<vmem>> -> memref<80x128xf32, #tpu.memory_space<vmem>>
      %dma_start3A_51 = arith.constant 0 : i32
      %dma_start3A_52 = tpu.memref_slice %arg9[%dma_start3A_45, %dma_start3A_51] : memref<4x80xi32, #tpu.memory_space<vmem>> -> memref<1x80xi32, #tpu.memory_space<vmem>>
      %dma_start3A_53 = tpu.memref_squeeze %dma_start3A_52 : memref<1x80xi32, #tpu.memory_space<vmem>> -> memref<80xi32, #tpu.memory_space<vmem>>
      %dma_start3A_54 = arith.constant 0 : i32
      %dma_start3A_55 = arith.constant 0 : i32
      %dma_start3A_56 = tpu.memref_slice %arg2[%dma_start3A_54, %dma_start3A_55] : memref<10240x128xf32, #tpu.memory_space<hbm>> -> memref<10240x128xf32, #tpu.memory_space<hbm>>
      tpu.enqueue_indirect_dma source(%dma_start3A_56 : memref<10240x128xf32, #tpu.memory_space<hbm>>) target(%dma_start3A_50 : memref<80x128xf32, #tpu.memory_space<vmem>>) offsets(%dma_start3A_53 : memref<80xi32, #tpu.memory_space<vmem>>) semaphore(%arg17 : memref<!tpu.dma_semaphore, #tpu.memory_space<semaphore_mem>>)
      %dma_wait3A_57 = arith.constant 1 : i32
      %dma_wait3A_58 = arith.constant 1 : i32
      %dma_wait3A_59 = arith.constant 0 : i32
      %dma_wait3A_60 = arith.constant 0 : i32
      %dma_wait3A_61 = tpu.memref_slice %arg11[%dma_wait3A_58, %dma_wait3A_59, %dma_wait3A_60] : memref<2x80x128xf32, #tpu.memory_space<vmem>> -> memref<1x80x128xf32, #tpu.memory_space<vmem>>
      %dma_wait3A_62 = tpu.memref_squeeze %dma_wait3A_61 : memref<1x80x128xf32, #tpu.memory_space<vmem>> -> memref<80x128xf32, #tpu.memory_space<vmem>>
      %dma_wait3A_63 = arith.constant 0 : i32
      %dma_wait3A_64 = tpu.memref_slice %arg9[%dma_wait3A_57, %dma_wait3A_63] : memref<4x80xi32, #tpu.memory_space<vmem>> -> memref<1x80xi32, #tpu.memory_space<vmem>>
      %dma_wait3A_65 = tpu.memref_squeeze %dma_wait3A_64 : memref<1x80xi32, #tpu.memory_space<vmem>> -> memref<80xi32, #tpu.memory_space<vmem>>
      %dma_wait3A_66 = arith.constant 0 : i32
      %dma_wait3A_67 = arith.constant 0 : i32
      %dma_wait3A_68 = tpu.memref_slice %arg2[%dma_wait3A_66, %dma_wait3A_67] : memref<10240x128xf32, #tpu.memory_space<hbm>> -> memref<10240x128xf32, #tpu.memory_space<hbm>>
      tpu.wait_indirect_dma semaphore(%arg17 : memref<!tpu.dma_semaphore, #tpu.memory_space<semaphore_mem>>) src(%dma_wait3A_68 : memref<10240x128xf32, #tpu.memory_space<hbm>>) dst(%dma_wait3A_62 : memref<80x128xf32, #tpu.memory_space<vmem>>)
      %dma_start3A_69 = arith.constant 1 : i32
      %dma_start3A_70 = arith.constant 1 : i32
      %dma_start3A_71 = arith.constant 0 : i32
      %dma_start3A_72 = arith.constant 0 : i32
      %dma_start3A_73 = tpu.memref_slice %arg11[%dma_start3A_69, %dma_start3A_71, %dma_start3A_72] : memref<2x80x128xf32, #tpu.memory_space<vmem>> -> memref<1x80x128xf32, #tpu.memory_space<vmem>>
      %dma_start3A_74 = tpu.memref_squeeze %dma_start3A_73 : memref<1x80x128xf32, #tpu.memory_space<vmem>> -> memref<80x128xf32, #tpu.memory_space<vmem>>
      %dma_start3A_75 = arith.constant 0 : i32
      %dma_start3A_76 = tpu.memref_slice %arg10[%dma_start3A_70, %dma_start3A_75] : memref<4x80xi32, #tpu.memory_space<vmem>> -> memref<1x80xi32, #tpu.memory_space<vmem>>
      %dma_start3A_77 = tpu.memref_squeeze %dma_start3A_76 : memref<1x80xi32, #tpu.memory_space<vmem>> -> memref<80xi32, #tpu.memory_space<vmem>>
      %dma_start3A_78 = arith.constant 0 : i32
      %dma_start3A_79 = arith.constant 0 : i32
      %dma_start3A_80 = tpu.memref_slice %arg7[%dma_start3A_78, %dma_start3A_79] : memref<10256x128xf32, #tpu.memory_space<vmem_shared>> -> memref<10256x128xf32, #tpu.memory_space<vmem_shared>>
      tpu.enqueue_indirect_dma source(%dma_start3A_74 : memref<80x128xf32, #tpu.memory_space<vmem>>) target(%dma_start3A_80 : memref<10256x128xf32, #tpu.memory_space<vmem_shared>>) offsets(%dma_start3A_77 : memref<80xi32, #tpu.memory_space<vmem>>) semaphore(%arg18 : memref<!tpu.dma_semaphore, #tpu.memory_space<semaphore_mem>>) {add = true}
      %dma_wait3A_81 = arith.constant 0 : i32
      %dma_wait3A_82 = arith.constant 0 : i32
      %dma_wait3A_83 = arith.constant 0 : i32
      %dma_wait3A_84 = arith.constant 0 : i32
      %dma_wait3A_85 = tpu.memref_slice %arg11[%dma_wait3A_81, %dma_wait3A_83, %dma_wait3A_84] : memref<2x80x128xf32, #tpu.memory_space<vmem>> -> memref<1x80x128xf32, #tpu.memory_space<vmem>>
      %dma_wait3A_86 = tpu.memref_squeeze %dma_wait3A_85 : memref<1x80x128xf32, #tpu.memory_space<vmem>> -> memref<80x128xf32, #tpu.memory_space<vmem>>
      %dma_wait3A_87 = arith.constant 0 : i32
      %dma_wait3A_88 = tpu.memref_slice %arg10[%dma_wait3A_82, %dma_wait3A_87] : memref<4x80xi32, #tpu.memory_space<vmem>> -> memref<1x80xi32, #tpu.memory_space<vmem>>
      %dma_wait3A_89 = tpu.memref_squeeze %dma_wait3A_88 : memref<1x80xi32, #tpu.memory_space<vmem>> -> memref<80xi32, #tpu.memory_space<vmem>>
      %dma_wait3A_90 = arith.constant 0 : i32
      %dma_wait3A_91 = arith.constant 0 : i32
      %dma_wait3A_92 = tpu.memref_slice %arg7[%dma_wait3A_90, %dma_wait3A_91] : memref<10256x128xf32, #tpu.memory_space<vmem_shared>> -> memref<10256x128xf32, #tpu.memory_space<vmem_shared>>
      tpu.wait_indirect_dma semaphore(%arg18 : memref<!tpu.dma_semaphore, #tpu.memory_space<semaphore_mem>>) src(%dma_wait3A_86 : memref<80x128xf32, #tpu.memory_space<vmem>>) dst(%dma_wait3A_92 : memref<10256x128xf32, #tpu.memory_space<vmem_shared>>)
      %dma_start3A_93 = arith.constant 2 : i32
      %dma_start3A_94 = arith.constant 0 : i32
      %dma_start3A_95 = arith.constant 0 : i32
      %dma_start3A_96 = arith.constant 0 : i32
      %dma_start3A_97 = tpu.memref_slice %arg11[%dma_start3A_94, %dma_start3A_95, %dma_start3A_96] : memref<2x80x128xf32, #tpu.memory_space<vmem>> -> memref<1x80x128xf32, #tpu.memory_space<vmem>>
      %dma_start3A_98 = tpu.memref_squeeze %dma_start3A_97 : memref<1x80x128xf32, #tpu.memory_space<vmem>> -> memref<80x128xf32, #tpu.memory_space<vmem>>
      %dma_start3A_99 = arith.constant 0 : i32
      %dma_start3A_100 = tpu.memref_slice %arg9[%dma_start3A_93, %dma_start3A_99] : memref<4x80xi32, #tpu.memory_space<vmem>> -> memref<1x80xi32, #tpu.memory_space<vmem>>
      %dma_start3A_101 = tpu.memref_squeeze %dma_start3A_100 : memref<1x80xi32, #tpu.memory_space<vmem>> -> memref<80xi32, #tpu.memory_space<vmem>>
      %dma_start3A_102 = arith.constant 0 : i32
      %dma_start3A_103 = arith.constant 0 : i32
      %dma_start3A_104 = tpu.memref_slice %arg2[%dma_start3A_102, %dma_start3A_103] : memref<10240x128xf32, #tpu.memory_space<hbm>> -> memref<10240x128xf32, #tpu.memory_space<hbm>>
      tpu.enqueue_indirect_dma source(%dma_start3A_104 : memref<10240x128xf32, #tpu.memory_space<hbm>>) target(%dma_start3A_98 : memref<80x128xf32, #tpu.memory_space<vmem>>) offsets(%dma_start3A_101 : memref<80xi32, #tpu.memory_space<vmem>>) semaphore(%arg17 : memref<!tpu.dma_semaphore, #tpu.memory_space<semaphore_mem>>)
      %dma_wait3A_105 = arith.constant 2 : i32
      %dma_wait3A_106 = arith.constant 0 : i32
      %dma_wait3A_107 = arith.constant 0 : i32
      %dma_wait3A_108 = arith.constant 0 : i32
      %dma_wait3A_109 = tpu.memref_slice %arg11[%dma_wait3A_106, %dma_wait3A_107, %dma_wait3A_108] : memref<2x80x128xf32, #tpu.memory_space<vmem>> -> memref<1x80x128xf32, #tpu.memory_space<vmem>>
      %dma_wait3A_110 = tpu.memref_squeeze %dma_wait3A_109 : memref<1x80x128xf32, #tpu.memory_space<vmem>> -> memref<80x128xf32, #tpu.memory_space<vmem>>
      %dma_wait3A_111 = arith.constant 0 : i32
      %dma_wait3A_112 = tpu.memref_slice %arg9[%dma_wait3A_105, %dma_wait3A_111] : memref<4x80xi32, #tpu.memory_space<vmem>> -> memref<1x80xi32, #tpu.memory_space<vmem>>
      %dma_wait3A_113 = tpu.memref_squeeze %dma_wait3A_112 : memref<1x80xi32, #tpu.memory_space<vmem>> -> memref<80xi32, #tpu.memory_space<vmem>>
      %dma_wait3A_114 = arith.constant 0 : i32
      %dma_wait3A_115 = arith.constant 0 : i32
      %dma_wait3A_116 = tpu.memref_slice %arg2[%dma_wait3A_114, %dma_wait3A_115] : memref<10240x128xf32, #tpu.memory_space<hbm>> -> memref<10240x128xf32, #tpu.memory_space<hbm>>
      tpu.wait_indirect_dma semaphore(%arg17 : memref<!tpu.dma_semaphore, #tpu.memory_space<semaphore_mem>>) src(%dma_wait3A_116 : memref<10240x128xf32, #tpu.memory_space<hbm>>) dst(%dma_wait3A_110 : memref<80x128xf32, #tpu.memory_space<vmem>>)
      %dma_start3A_117 = arith.constant 0 : i32
      %dma_start3A_118 = arith.constant 2 : i32
      %dma_start3A_119 = arith.constant 0 : i32
      %dma_start3A_120 = arith.constant 0 : i32
      %dma_start3A_121 = tpu.memref_slice %arg11[%dma_start3A_117, %dma_start3A_119, %dma_start3A_120] : memref<2x80x128xf32, #tpu.memory_space<vmem>> -> memref<1x80x128xf32, #tpu.memory_space<vmem>>
      %dma_start3A_122 = tpu.memref_squeeze %dma_start3A_121 : memref<1x80x128xf32, #tpu.memory_space<vmem>> -> memref<80x128xf32, #tpu.memory_space<vmem>>
      %dma_start3A_123 = arith.constant 0 : i32
      %dma_start3A_124 = tpu.memref_slice %arg10[%dma_start3A_118, %dma_start3A_123] : memref<4x80xi32, #tpu.memory_space<vmem>> -> memref<1x80xi32, #tpu.memory_space<vmem>>
      %dma_start3A_125 = tpu.memref_squeeze %dma_start3A_124 : memref<1x80xi32, #tpu.memory_space<vmem>> -> memref<80xi32, #tpu.memory_space<vmem>>
      %dma_start3A_126 = arith.constant 0 : i32
      %dma_start3A_127 = arith.constant 0 : i32
      %dma_start3A_128 = tpu.memref_slice %arg7[%dma_start3A_126, %dma_start3A_127] : memref<10256x128xf32, #tpu.memory_space<vmem_shared>> -> memref<10256x128xf32, #tpu.memory_space<vmem_shared>>
      tpu.enqueue_indirect_dma source(%dma_start3A_122 : memref<80x128xf32, #tpu.memory_space<vmem>>) target(%dma_start3A_128 : memref<10256x128xf32, #tpu.memory_space<vmem_shared>>) offsets(%dma_start3A_125 : memref<80xi32, #tpu.memory_space<vmem>>) semaphore(%arg18 : memref<!tpu.dma_semaphore, #tpu.memory_space<semaphore_mem>>) {add = true}
      %dma_wait3A_129 = arith.constant 1 : i32
      %dma_wait3A_130 = arith.constant 1 : i32
      %dma_wait3A_131 = arith.constant 0 : i32
      %dma_wait3A_132 = arith.constant 0 : i32
      %dma_wait3A_133 = tpu.memref_slice %arg11[%dma_wait3A_129, %dma_wait3A_131, %dma_wait3A_132] : memref<2x80x128xf32, #tpu.memory_space<vmem>> -> memref<1x80x128xf32, #tpu.memory_space<vmem>>
      %dma_wait3A_134 = tpu.memref_squeeze %dma_wait3A_133 : memref<1x80x128xf32, #tpu.memory_space<vmem>> -> memref<80x128xf32, #tpu.memory_space<vmem>>
      %dma_wait3A_135 = arith.constant 0 : i32
      %dma_wait3A_136 = tpu.memref_slice %arg10[%dma_wait3A_130, %dma_wait3A_135] : memref<4x80xi32, #tpu.memory_space<vmem>> -> memref<1x80xi32, #tpu.memory_space<vmem>>
      %dma_wait3A_137 = tpu.memref_squeeze %dma_wait3A_136 : memref<1x80xi32, #tpu.memory_space<vmem>> -> memref<80xi32, #tpu.memory_space<vmem>>
      %dma_wait3A_138 = arith.constant 0 : i32
      %dma_wait3A_139 = arith.constant 0 : i32
      %dma_wait3A_140 = tpu.memref_slice %arg7[%dma_wait3A_138, %dma_wait3A_139] : memref<10256x128xf32, #tpu.memory_space<vmem_shared>> -> memref<10256x128xf32, #tpu.memory_space<vmem_shared>>
      tpu.wait_indirect_dma semaphore(%arg18 : memref<!tpu.dma_semaphore, #tpu.memory_space<semaphore_mem>>) src(%dma_wait3A_134 : memref<80x128xf32, #tpu.memory_space<vmem>>) dst(%dma_wait3A_140 : memref<10256x128xf32, #tpu.memory_space<vmem_shared>>)
      %dma_start3A_141 = arith.constant 3 : i32
      %dma_start3A_142 = arith.constant 1 : i32
      %dma_start3A_143 = arith.constant 0 : i32
      %dma_start3A_144 = arith.constant 0 : i32
      %dma_start3A_145 = tpu.memref_slice %arg11[%dma_start3A_142, %dma_start3A_143, %dma_start3A_144] : memref<2x80x128xf32, #tpu.memory_space<vmem>> -> memref<1x80x128xf32, #tpu.memory_space<vmem>>
      %dma_start3A_146 = tpu.memref_squeeze %dma_start3A_145 : memref<1x80x128xf32, #tpu.memory_space<vmem>> -> memref<80x128xf32, #tpu.memory_space<vmem>>
      %dma_start3A_147 = arith.constant 0 : i32
      %dma_start3A_148 = tpu.memref_slice %arg9[%dma_start3A_141, %dma_start3A_147] : memref<4x80xi32, #tpu.memory_space<vmem>> -> memref<1x80xi32, #tpu.memory_space<vmem>>
      %dma_start3A_149 = tpu.memref_squeeze %dma_start3A_148 : memref<1x80xi32, #tpu.memory_space<vmem>> -> memref<80xi32, #tpu.memory_space<vmem>>
      %dma_start3A_150 = arith.constant 0 : i32
      %dma_start3A_151 = arith.constant 0 : i32
      %dma_start3A_152 = tpu.memref_slice %arg2[%dma_start3A_150, %dma_start3A_151] : memref<10240x128xf32, #tpu.memory_space<hbm>> -> memref<10240x128xf32, #tpu.memory_space<hbm>>
      tpu.enqueue_indirect_dma source(%dma_start3A_152 : memref<10240x128xf32, #tpu.memory_space<hbm>>) target(%dma_start3A_146 : memref<80x128xf32, #tpu.memory_space<vmem>>) offsets(%dma_start3A_149 : memref<80xi32, #tpu.memory_space<vmem>>) semaphore(%arg17 : memref<!tpu.dma_semaphore, #tpu.memory_space<semaphore_mem>>)
      %dma_wait3A_153 = arith.constant 3 : i32
      %dma_wait3A_154 = arith.constant 1 : i32
      %dma_wait3A_155 = arith.constant 0 : i32
      %dma_wait3A_156 = arith.constant 0 : i32
      %dma_wait3A_157 = tpu.memref_slice %arg11[%dma_wait3A_154, %dma_wait3A_155, %dma_wait3A_156] : memref<2x80x128xf32, #tpu.memory_space<vmem>> -> memref<1x80x128xf32, #tpu.memory_space<vmem>>
      %dma_wait3A_158 = tpu.memref_squeeze %dma_wait3A_157 : memref<1x80x128xf32, #tpu.memory_space<vmem>> -> memref<80x128xf32, #tpu.memory_space<vmem>>
      %dma_wait3A_159 = arith.constant 0 : i32
      %dma_wait3A_160 = tpu.memref_slice %arg9[%dma_wait3A_153, %dma_wait3A_159] : memref<4x80xi32, #tpu.memory_space<vmem>> -> memref<1x80xi32, #tpu.memory_space<vmem>>
      %dma_wait3A_161 = tpu.memref_squeeze %dma_wait3A_160 : memref<1x80xi32, #tpu.memory_space<vmem>> -> memref<80xi32, #tpu.memory_space<vmem>>
      %dma_wait3A_162 = arith.constant 0 : i32
      %dma_wait3A_163 = arith.constant 0 : i32
      %dma_wait3A_164 = tpu.memref_slice %arg2[%dma_wait3A_162, %dma_wait3A_163] : memref<10240x128xf32, #tpu.memory_space<hbm>> -> memref<10240x128xf32, #tpu.memory_space<hbm>>
      tpu.wait_indirect_dma semaphore(%arg17 : memref<!tpu.dma_semaphore, #tpu.memory_space<semaphore_mem>>) src(%dma_wait3A_164 : memref<10240x128xf32, #tpu.memory_space<hbm>>) dst(%dma_wait3A_158 : memref<80x128xf32, #tpu.memory_space<vmem>>)
      %dma_start3A_165 = arith.constant 1 : i32
      %dma_start3A_166 = arith.constant 3 : i32
      %dma_start3A_167 = arith.constant 0 : i32
      %dma_start3A_168 = arith.constant 0 : i32
      %dma_start3A_169 = tpu.memref_slice %arg11[%dma_start3A_165, %dma_start3A_167, %dma_start3A_168] : memref<2x80x128xf32, #tpu.memory_space<vmem>> -> memref<1x80x128xf32, #tpu.memory_space<vmem>>
      %dma_start3A_170 = tpu.memref_squeeze %dma_start3A_169 : memref<1x80x128xf32, #tpu.memory_space<vmem>> -> memref<80x128xf32, #tpu.memory_space<vmem>>
      %dma_start3A_171 = arith.constant 0 : i32
      %dma_start3A_172 = tpu.memref_slice %arg10[%dma_start3A_166, %dma_start3A_171] : memref<4x80xi32, #tpu.memory_space<vmem>> -> memref<1x80xi32, #tpu.memory_space<vmem>>
      %dma_start3A_173 = tpu.memref_squeeze %dma_start3A_172 : memref<1x80xi32, #tpu.memory_space<vmem>> -> memref<80xi32, #tpu.memory_space<vmem>>
      %dma_start3A_174 = arith.constant 0 : i32
      %dma_start3A_175 = arith.constant 0 : i32
      %dma_start3A_176 = tpu.memref_slice %arg7[%dma_start3A_174, %dma_start3A_175] : memref<10256x128xf32, #tpu.memory_space<vmem_shared>> -> memref<10256x128xf32, #tpu.memory_space<vmem_shared>>
      tpu.enqueue_indirect_dma source(%dma_start3A_170 : memref<80x128xf32, #tpu.memory_space<vmem>>) target(%dma_start3A_176 : memref<10256x128xf32, #tpu.memory_space<vmem_shared>>) offsets(%dma_start3A_173 : memref<80xi32, #tpu.memory_space<vmem>>) semaphore(%arg18 : memref<!tpu.dma_semaphore, #tpu.memory_space<semaphore_mem>>) {add = true}
      %dma_wait3A_177 = arith.constant 0 : i32
      %dma_wait3A_178 = arith.constant 2 : i32
      %dma_wait3A_179 = arith.constant 0 : i32
      %dma_wait3A_180 = arith.constant 0 : i32
      %dma_wait3A_181 = tpu.memref_slice %arg11[%dma_wait3A_177, %dma_wait3A_179, %dma_wait3A_180] : memref<2x80x128xf32, #tpu.memory_space<vmem>> -> memref<1x80x128xf32, #tpu.memory_space<vmem>>
      %dma_wait3A_182 = tpu.memref_squeeze %dma_wait3A_181 : memref<1x80x128xf32, #tpu.memory_space<vmem>> -> memref<80x128xf32, #tpu.memory_space<vmem>>
      %dma_wait3A_183 = arith.constant 0 : i32
      %dma_wait3A_184 = tpu.memref_slice %arg10[%dma_wait3A_178, %dma_wait3A_183] : memref<4x80xi32, #tpu.memory_space<vmem>> -> memref<1x80xi32, #tpu.memory_space<vmem>>
      %dma_wait3A_185 = tpu.memref_squeeze %dma_wait3A_184 : memref<1x80xi32, #tpu.memory_space<vmem>> -> memref<80xi32, #tpu.memory_space<vmem>>
      %dma_wait3A_186 = arith.constant 0 : i32
      %dma_wait3A_187 = arith.constant 0 : i32
      %dma_wait3A_188 = tpu.memref_slice %arg7[%dma_wait3A_186, %dma_wait3A_187] : memref<10256x128xf32, #tpu.memory_space<vmem_shared>> -> memref<10256x128xf32, #tpu.memory_space<vmem_shared>>
      tpu.wait_indirect_dma semaphore(%arg18 : memref<!tpu.dma_semaphore, #tpu.memory_space<semaphore_mem>>) src(%dma_wait3A_182 : memref<80x128xf32, #tpu.memory_space<vmem>>) dst(%dma_wait3A_188 : memref<10256x128xf32, #tpu.memory_space<vmem_shared>>)
      %dma_wait3A_189 = arith.constant 1 : i32
      %dma_wait3A_190 = arith.constant 3 : i32
      %dma_wait3A_191 = arith.constant 0 : i32
      %dma_wait3A_192 = arith.constant 0 : i32
      %dma_wait3A_193 = tpu.memref_slice %arg11[%dma_wait3A_189, %dma_wait3A_191, %dma_wait3A_192] : memref<2x80x128xf32, #tpu.memory_space<vmem>> -> memref<1x80x128xf32, #tpu.memory_space<vmem>>
      %dma_wait3A_194 = tpu.memref_squeeze %dma_wait3A_193 : memref<1x80x128xf32, #tpu.memory_space<vmem>> -> memref<80x128xf32, #tpu.memory_space<vmem>>
      %dma_wait3A_195 = arith.constant 0 : i32
      %dma_wait3A_196 = tpu.memref_slice %arg10[%dma_wait3A_190, %dma_wait3A_195] : memref<4x80xi32, #tpu.memory_space<vmem>> -> memref<1x80xi32, #tpu.memory_space<vmem>>
      %dma_wait3A_197 = tpu.memref_squeeze %dma_wait3A_196 : memref<1x80xi32, #tpu.memory_space<vmem>> -> memref<80xi32, #tpu.memory_space<vmem>>
      %dma_wait3A_198 = arith.constant 0 : i32
      %dma_wait3A_199 = arith.constant 0 : i32
      %dma_wait3A_200 = tpu.memref_slice %arg7[%dma_wait3A_198, %dma_wait3A_199] : memref<10256x128xf32, #tpu.memory_space<vmem_shared>> -> memref<10256x128xf32, #tpu.memory_space<vmem_shared>>
      tpu.wait_indirect_dma semaphore(%arg18 : memref<!tpu.dma_semaphore, #tpu.memory_space<semaphore_mem>>) src(%dma_wait3A_194 : memref<80x128xf32, #tpu.memory_space<vmem>>) dst(%dma_wait3A_200 : memref<10256x128xf32, #tpu.memory_space<vmem_shared>>)
      %barrier3A_201 = arith.constant 0 : index
      tpu.barrier barrier_id(%barrier3A_201)
      %dma_start3A_202 = arith.constant 0 : i32
      %dma_start3A_203 = arith.constant 0 : i32
      %dma_start3A_204 = arith.constant 0 : i32
      %dma_start3A_205 = tpu.memref_slice %arg12[%dma_start3A_202, %dma_start3A_203, %dma_start3A_204] : memref<2x80x128xf32, #tpu.memory_space<vmem>> -> memref<1x80x128xf32, #tpu.memory_space<vmem>>
      %dma_start3A_206 = tpu.memref_squeeze %dma_start3A_205 : memref<1x80x128xf32, #tpu.memory_space<vmem>> -> memref<80x128xf32, #tpu.memory_space<vmem>>
      %dma_start3A_207 = arith.constant 0 : i32
      %dma_start3A_208 = tpu.memref_slice %arg7[%mul3A_0, %dma_start3A_207] : memref<10256x128xf32, #tpu.memory_space<vmem_shared>> -> memref<80x128xf32, #tpu.memory_space<vmem_shared>>
      %dma_start3A_209 = arith.constant 0 : i32
      %dma_start3A_210 = arith.constant 0 : i32
      %dma_start3A_211 = tpu.memref_slice %arg12[%dma_start3A_202, %dma_start3A_209, %dma_start3A_210] : memref<2x80x128xf32, #tpu.memory_space<vmem>> -> memref<1x80x128xf32, #tpu.memory_space<vmem>>
      %dma_start3A_212 = tpu.memref_squeeze %dma_start3A_211 : memref<1x80x128xf32, #tpu.memory_space<vmem>> -> memref<80x128xf32, #tpu.memory_space<vmem>>
      %dma_start3A_213 = arith.constant 0 : i32
      %dma_start3A_214 = tpu.memref_slice %arg7[%mul3A_0, %dma_start3A_213] : memref<10256x128xf32, #tpu.memory_space<vmem_shared>> -> memref<80x128xf32, #tpu.memory_space<vmem_shared>>
      tpu.enqueue_dma source(%dma_start3A_214 : memref<80x128xf32, #tpu.memory_space<vmem_shared>>) target(%dma_start3A_212 : memref<80x128xf32, #tpu.memory_space<vmem>>) target_semaphore(%arg19 : memref<!tpu.dma_semaphore, #tpu.memory_space<semaphore_mem>>)
      %add3A_215 = arith.constant 1 : i32
      %add3A_216 = arith.addi %scan3A_19, %add3A_215 : i32
      %lt3A = arith.constant 8 : i32
      %lt3A_217 = arith.cmpi slt, %add3A_216, %lt3A : i32
      %convert_element_type3A = arith.extui %lt3A_217 : i1 to i32
      %cond3A = arith.constant 0 : i32
      %cond3A_218 = arith.cmpi ne, %convert_element_type3A, %cond3A : i32
      scf.if %cond3A_218 {
        %add3A_629 = arith.constant 1 : i32
        %add3A_630 = arith.addi %add3A, %add3A_629 : i32
        "tpu.region"() ({
          %run_scoped3A = tpu.sem_alloc : memref<!tpu.dma_semaphore, #tpu.memory_space<semaphore_mem>>
          %dma_start3A_643 = arith.constant 0 : i32
          %dma_start3A_644 = arith.constant 0 : i32
          %dma_start3A_645 = tpu.memref_slice %arg3[%add3A_630, %arg1, %dma_start3A_643, %dma_start3A_644] : memref<16x16x4x80xi32, #tpu.memory_space<hbm>> -> memref<1x1x4x80xi32, #tpu.memory_space<hbm>>
          %dma_start3A_646 = tpu.memref_squeeze %dma_start3A_645 : memref<1x1x4x80xi32, #tpu.memory_space<hbm>> -> memref<4x80xi32, #tpu.memory_space<hbm>>
          %dma_start3A_647 = arith.constant 0 : i32
          %dma_start3A_648 = arith.constant 0 : i32
          %dma_start3A_649 = tpu.memref_slice %arg3[%add3A_630, %arg1, %dma_start3A_647, %dma_start3A_648] : memref<16x16x4x80xi32, #tpu.memory_space<hbm>> -> memref<1x1x4x80xi32, #tpu.memory_space<hbm>>
          %dma_start3A_650 = tpu.memref_squeeze %dma_start3A_649 : memref<1x1x4x80xi32, #tpu.memory_space<hbm>> -> memref<4x80xi32, #tpu.memory_space<hbm>>
          tpu.enqueue_dma source(%dma_start3A_650 : memref<4x80xi32, #tpu.memory_space<hbm>>) target(%arg9 : memref<4x80xi32, #tpu.memory_space<vmem>>) target_semaphore(%run_scoped3A : memref<!tpu.dma_semaphore, #tpu.memory_space<semaphore_mem>>)
          %dma_wait3A_651 = arith.constant 0 : i32
          %dma_wait3A_652 = arith.constant 0 : i32
          %dma_wait3A_653 = tpu.memref_slice %arg3[%add3A_630, %arg1, %dma_wait3A_651, %dma_wait3A_652] : memref<16x16x4x80xi32, #tpu.memory_space<hbm>> -> memref<1x1x4x80xi32, #tpu.memory_space<hbm>>
          %dma_wait3A_654 = tpu.memref_squeeze %dma_wait3A_653 : memref<1x1x4x80xi32, #tpu.memory_space<hbm>> -> memref<4x80xi32, #tpu.memory_space<hbm>>
          %dma_wait3A_655 = arith.constant 0 : i32
          %dma_wait3A_656 = arith.constant 0 : i32
          %dma_wait3A_657 = tpu.memref_slice %arg3[%add3A_630, %arg1, %dma_wait3A_655, %dma_wait3A_656] : memref<16x16x4x80xi32, #tpu.memory_space<hbm>> -> memref<1x1x4x80xi32, #tpu.memory_space<hbm>>
          %dma_wait3A_658 = tpu.memref_squeeze %dma_wait3A_657 : memref<1x1x4x80xi32, #tpu.memory_space<hbm>> -> memref<4x80xi32, #tpu.memory_space<hbm>>
          tpu.wait_dma2 semaphore(%run_scoped3A : memref<!tpu.dma_semaphore, #tpu.memory_space<semaphore_mem>>) src(%dma_wait3A_658 : memref<4x80xi32, #tpu.memory_space<hbm>>) dst(%arg9 : memref<4x80xi32, #tpu.memory_space<vmem>>)
          tpu.yield
        }) : () -> ()
        "tpu.region"() ({
          %run_scoped3A = tpu.sem_alloc : memref<!tpu.dma_semaphore, #tpu.memory_space<semaphore_mem>>
          %dma_start3A_643 = arith.constant 0 : i32
          %dma_start3A_644 = arith.constant 0 : i32
          %dma_start3A_645 = tpu.memref_slice %arg4[%add3A_630, %arg1, %dma_start3A_643, %dma_start3A_644] : memref<16x16x4x80xi32, #tpu.memory_space<hbm>> -> memref<1x1x4x80xi32, #tpu.memory_space<hbm>>
          %dma_start3A_646 = tpu.memref_squeeze %dma_start3A_645 : memref<1x1x4x80xi32, #tpu.memory_space<hbm>> -> memref<4x80xi32, #tpu.memory_space<hbm>>
          %dma_start3A_647 = arith.constant 0 : i32
          %dma_start3A_648 = arith.constant 0 : i32
          %dma_start3A_649 = tpu.memref_slice %arg4[%add3A_630, %arg1, %dma_start3A_647, %dma_start3A_648] : memref<16x16x4x80xi32, #tpu.memory_space<hbm>> -> memref<1x1x4x80xi32, #tpu.memory_space<hbm>>
          %dma_start3A_650 = tpu.memref_squeeze %dma_start3A_649 : memref<1x1x4x80xi32, #tpu.memory_space<hbm>> -> memref<4x80xi32, #tpu.memory_space<hbm>>
          tpu.enqueue_dma source(%dma_start3A_650 : memref<4x80xi32, #tpu.memory_space<hbm>>) target(%arg10 : memref<4x80xi32, #tpu.memory_space<vmem>>) target_semaphore(%run_scoped3A : memref<!tpu.dma_semaphore, #tpu.memory_space<semaphore_mem>>)
          %dma_wait3A_651 = arith.constant 0 : i32
          %dma_wait3A_652 = arith.constant 0 : i32
          %dma_wait3A_653 = tpu.memref_slice %arg4[%add3A_630, %arg1, %dma_wait3A_651, %dma_wait3A_652] : memref<16x16x4x80xi32, #tpu.memory_space<hbm>> -> memref<1x1x4x80xi32, #tpu.memory_space<hbm>>
          %dma_wait3A_654 = tpu.memref_squeeze %dma_wait3A_653 : memref<1x1x4x80xi32, #tpu.memory_space<hbm>> -> memref<4x80xi32, #tpu.memory_space<hbm>>
          %dma_wait3A_655 = arith.constant 0 : i32
          %dma_wait3A_656 = arith.constant 0 : i32
          %dma_wait3A_657 = tpu.memref_slice %arg4[%add3A_630, %arg1, %dma_wait3A_655, %dma_wait3A_656] : memref<16x16x4x80xi32, #tpu.memory_space<hbm>> -> memref<1x1x4x80xi32, #tpu.memory_space<hbm>>
          %dma_wait3A_658 = tpu.memref_squeeze %dma_wait3A_657 : memref<1x1x4x80xi32, #tpu.memory_space<hbm>> -> memref<4x80xi32, #tpu.memory_space<hbm>>
          tpu.wait_dma2 semaphore(%run_scoped3A : memref<!tpu.dma_semaphore, #tpu.memory_space<semaphore_mem>>) src(%dma_wait3A_658 : memref<4x80xi32, #tpu.memory_space<hbm>>) dst(%arg10 : memref<4x80xi32, #tpu.memory_space<vmem>>)
          tpu.yield
        }) : () -> ()
        %dma_start3A_631 = arith.constant 0 : i32
        %dma_start3A_632 = arith.constant 0 : i32
        %dma_start3A_633 = arith.constant 0 : i32
        %dma_start3A_634 = arith.constant 0 : i32
        %dma_start3A_635 = tpu.memref_slice %arg11[%dma_start3A_632, %dma_start3A_633, %dma_start3A_634] : memref<2x80x128xf32, #tpu.memory_space<vmem>> -> memref<1x80x128xf32, #tpu.memory_space<vmem>>
        %dma_start3A_636 = tpu.memref_squeeze %dma_start3A_635 : memref<1x80x128xf32, #tpu.memory_space<vmem>> -> memref<80x128xf32, #tpu.memory_space<vmem>>
        %dma_start3A_637 = arith.constant 0 : i32
        %dma_start3A_638 = tpu.memref_slice %arg9[%dma_start3A_631, %dma_start3A_637] : memref<4x80xi32, #tpu.memory_space<vmem>> -> memref<1x80xi32, #tpu.memory_space<vmem>>
        %dma_start3A_639 = tpu.memref_squeeze %dma_start3A_638 : memref<1x80xi32, #tpu.memory_space<vmem>> -> memref<80xi32, #tpu.memory_space<vmem>>
        %dma_start3A_640 = arith.constant 0 : i32
        %dma_start3A_641 = arith.constant 0 : i32
        %dma_start3A_642 = tpu.memref_slice %arg2[%dma_start3A_640, %dma_start3A_641] : memref<10240x128xf32, #tpu.memory_space<hbm>> -> memref<10240x128xf32, #tpu.memory_space<hbm>>
        tpu.enqueue_indirect_dma source(%dma_start3A_642 : memref<10240x128xf32, #tpu.memory_space<hbm>>) target(%dma_start3A_636 : memref<80x128xf32, #tpu.memory_space<vmem>>) offsets(%dma_start3A_639 : memref<80xi32, #tpu.memory_space<vmem>>) semaphore(%arg17 : memref<!tpu.dma_semaphore, #tpu.memory_space<semaphore_mem>>)
      } else {
      }
      %broadcast_in_dim3A = arith.constant -3.000000e+38 : f32
      %broadcast_in_dim3A_219 = vector.broadcast %broadcast_in_dim3A : f32 to vector<16xf32>
      %broadcast_in_dim3A_220 = arith.constant -3.000000e+38 : f32
      %broadcast_in_dim3A_221 = vector.broadcast %broadcast_in_dim3A_220 : f32 to vector<16xf32>
      %broadcast_in_dim3A_222 = arith.constant -3.000000e+38 : f32
      %broadcast_in_dim3A_223 = vector.broadcast %broadcast_in_dim3A_222 : f32 to vector<16xf32>
      %broadcast_in_dim3A_224 = arith.constant -3.000000e+38 : f32
      %broadcast_in_dim3A_225 = vector.broadcast %broadcast_in_dim3A_224 : f32 to vector<16xf32>
      %broadcast_in_dim3A_226 = arith.constant -3.000000e+38 : f32
      %broadcast_in_dim3A_227 = vector.broadcast %broadcast_in_dim3A_226 : f32 to vector<16xf32>
      %broadcast_in_dim3A_228 = arith.constant -3.000000e+38 : f32
      %broadcast_in_dim3A_229 = vector.broadcast %broadcast_in_dim3A_228 : f32 to vector<16xf32>
      %broadcast_in_dim3A_230 = arith.constant -3.000000e+38 : f32
      %broadcast_in_dim3A_231 = vector.broadcast %broadcast_in_dim3A_230 : f32 to vector<16xf32>
      %broadcast_in_dim3A_232 = arith.constant -3.000000e+38 : f32
      %broadcast_in_dim3A_233 = vector.broadcast %broadcast_in_dim3A_232 : f32 to vector<16xf32>
      %add3A_234 = arith.constant 0 : i32
      %add3A_235 = arith.addi %mul3A_0, %add3A_234 : i32
      %dma_wait3A_236 = arith.constant 0 : i32
      %dma_wait3A_237 = arith.constant 0 : i32
      %dma_wait3A_238 = arith.constant 0 : i32
      %dma_wait3A_239 = tpu.memref_slice %arg12[%dma_wait3A_236, %dma_wait3A_237, %dma_wait3A_238] : memref<2x80x128xf32, #tpu.memory_space<vmem>> -> memref<1x80x128xf32, #tpu.memory_space<vmem>>
      %dma_wait3A_240 = tpu.memref_squeeze %dma_wait3A_239 : memref<1x80x128xf32, #tpu.memory_space<vmem>> -> memref<80x128xf32, #tpu.memory_space<vmem>>
      %dma_wait3A_241 = arith.constant 0 : i32
      %dma_wait3A_242 = tpu.memref_slice %arg7[%add3A_235, %dma_wait3A_241] : memref<10256x128xf32, #tpu.memory_space<vmem_shared>> -> memref<80x128xf32, #tpu.memory_space<vmem_shared>>
      %dma_wait3A_243 = arith.constant 0 : i32
      %dma_wait3A_244 = arith.constant 0 : i32
      %dma_wait3A_245 = tpu.memref_slice %arg12[%dma_wait3A_236, %dma_wait3A_243, %dma_wait3A_244] : memref<2x80x128xf32, #tpu.memory_space<vmem>> -> memref<1x80x128xf32, #tpu.memory_space<vmem>>
      %dma_wait3A_246 = tpu.memref_squeeze %dma_wait3A_245 : memref<1x80x128xf32, #tpu.memory_space<vmem>> -> memref<80x128xf32, #tpu.memory_space<vmem>>
      %dma_wait3A_247 = arith.constant 0 : i32
      %dma_wait3A_248 = tpu.memref_slice %arg7[%add3A_235, %dma_wait3A_247] : memref<10256x128xf32, #tpu.memory_space<vmem_shared>> -> memref<80x128xf32, #tpu.memory_space<vmem_shared>>
      tpu.wait_dma2 semaphore(%arg19 : memref<!tpu.dma_semaphore, #tpu.memory_space<semaphore_mem>>) src(%dma_wait3A_248 : memref<80x128xf32, #tpu.memory_space<vmem_shared>>) dst(%dma_wait3A_246 : memref<80x128xf32, #tpu.memory_space<vmem>>)
      %add3A_249 = arith.constant 80 : i32
      %add3A_250 = arith.addi %mul3A_0, %add3A_249 : i32
      %dma_start3A_251 = arith.constant 1 : i32
      %dma_start3A_252 = arith.constant 0 : i32
      %dma_start3A_253 = arith.constant 0 : i32
      %dma_start3A_254 = tpu.memref_slice %arg12[%dma_start3A_251, %dma_start3A_252, %dma_start3A_253] : memref<2x80x128xf32, #tpu.memory_space<vmem>> -> memref<1x80x128xf32, #tpu.memory_space<vmem>>
      %dma_start3A_255 = tpu.memref_squeeze %dma_start3A_254 : memref<1x80x128xf32, #tpu.memory_space<vmem>> -> memref<80x128xf32, #tpu.memory_space<vmem>>
      %dma_start3A_256 = arith.constant 0 : i32
      %dma_start3A_257 = tpu.memref_slice %arg7[%add3A_250, %dma_start3A_256] : memref<10256x128xf32, #tpu.memory_space<vmem_shared>> -> memref<80x128xf32, #tpu.memory_space<vmem_shared>>
      %dma_start3A_258 = arith.constant 0 : i32
      %dma_start3A_259 = arith.constant 0 : i32
      %dma_start3A_260 = tpu.memref_slice %arg12[%dma_start3A_251, %dma_start3A_258, %dma_start3A_259] : memref<2x80x128xf32, #tpu.memory_space<vmem>> -> memref<1x80x128xf32, #tpu.memory_space<vmem>>
      %dma_start3A_261 = tpu.memref_squeeze %dma_start3A_260 : memref<1x80x128xf32, #tpu.memory_space<vmem>> -> memref<80x128xf32, #tpu.memory_space<vmem>>
      %dma_start3A_262 = arith.constant 0 : i32
      %dma_start3A_263 = tpu.memref_slice %arg7[%add3A_250, %dma_start3A_262] : memref<10256x128xf32, #tpu.memory_space<vmem_shared>> -> memref<80x128xf32, #tpu.memory_space<vmem_shared>>
      tpu.enqueue_dma source(%dma_start3A_263 : memref<80x128xf32, #tpu.memory_space<vmem_shared>>) target(%dma_start3A_261 : memref<80x128xf32, #tpu.memory_space<vmem>>) target_semaphore(%arg19 : memref<!tpu.dma_semaphore, #tpu.memory_space<semaphore_mem>>)
      %add3A_264 = arith.constant 1 : i32
      %add3A_265 = arith.addi %scan3A_19, %add3A_264 : i32
      %lt3A_266 = arith.constant 8 : i32
      %lt3A_267 = arith.cmpi slt, %add3A_265, %lt3A_266 : i32
      %convert_element_type3A_268 = arith.extui %lt3A_267 : i1 to i32
      %cond3A_269 = arith.constant 0 : i32
      %cond3A_270 = arith.cmpi ne, %convert_element_type3A_268, %cond3A_269 : i32
      scf.if %cond3A_270 {
        %add3A_629 = arith.constant 0 : i32
        %add3A_630 = arith.addi %mul3A_0, %add3A_629 : i32
        %add3A_631 = arith.constant 0 : i32
        %add3A_632 = arith.addi %mul3A_0, %add3A_631 : i32
        %dma_start3A_633 = arith.constant 0 : i32
        %dma_start3A_634 = tpu.memref_slice %arg7[%add3A_632, %dma_start3A_633] : memref<10256x128xf32, #tpu.memory_space<vmem_shared>> -> memref<80x128xf32, #tpu.memory_space<vmem_shared>>
        %dma_start3A_635 = arith.constant 0 : i32
        %dma_start3A_636 = tpu.memref_slice %arg2[%add3A_630, %dma_start3A_635] : memref<10240x128xf32, #tpu.memory_space<hbm>> -> memref<80x128xf32, #tpu.memory_space<hbm>>
        tpu.enqueue_dma source(%dma_start3A_636 : memref<80x128xf32, #tpu.memory_space<hbm>>) target(%dma_start3A_634 : memref<80x128xf32, #tpu.memory_space<vmem_shared>>) target_semaphore(%arg20 : memref<!tpu.dma_semaphore, #tpu.memory_space<semaphore_mem>>)
      } else {
      }
      %scan3A_271 = arith.constant 0 : i32
      %scan3A_272 = arith.constant 20 : i32
      %scan3A_273 = arith.addi %scan3A_271, %scan3A_272 : i32
      %scan3A_274 = arith.constant 1 : i32
      %scan3A_275:8 = scf.for %scan3A_629 = %scan3A_271 to %scan3A_273 step %scan3A_274 iter_args(%scan3A_630 = %broadcast_in_dim3A_219, %scan3A_631 = %broadcast_in_dim3A_221, %scan3A_632 = %broadcast_in_dim3A_223, %scan3A_633 = %broadcast_in_dim3A_225, %scan3A_634 = %broadcast_in_dim3A_227, %scan3A_635 = %broadcast_in_dim3A_229, %scan3A_636 = %broadcast_in_dim3A_231, %scan3A_637 = %broadcast_in_dim3A_233) -> (vector<16xf32>, vector<16xf32>, vector<16xf32>, vector<16xf32>, vector<16xf32>, vector<16xf32>, vector<16xf32>, vector<16xf32>)  : i32 {
        %mul3A_638 = arith.constant 4 : i32
        %mul3A_639 = arith.muli %scan3A_629, %mul3A_638 : i32
        %add3A_640 = arith.constant 0 : i32
        %add3A_641 = arith.addi %mul3A_639, %add3A_640 : i32
        %get3A = arith.constant 0 : i32
        %get3A_642 = arith.index_cast %get3A : i32 to index
        %get3A_643 = arith.index_cast %add3A_641 : i32 to index
        %get3A_644 = arith.constant 0 : index
        %get3A_645 = tpu.vector_load %arg12[%get3A_642, %get3A_643, %get3A_644] {strides = array<i32>} : memref<2x80x128xf32, #tpu.memory_space<vmem>>, vector<1x1x16xf32>,
        %get3A_646 = vector.shape_cast %get3A_645 : vector<1x1x16xf32> to vector<16xf32>
        %max3A_647 = arith.maximumf %scan3A_630, %get3A_646 : vector<16xf32>
        %add3A_648 = arith.constant 0 : i32
        %add3A_649 = arith.addi %mul3A_639, %add3A_648 : i32
        %get3A_650 = arith.constant 0 : i32
        %get3A_651 = arith.index_cast %get3A_650 : i32 to index
        %get3A_652 = arith.index_cast %add3A_649 : i32 to index
        %get3A_653 = arith.constant 16 : index
        %get3A_654 = tpu.vector_load %arg12[%get3A_651, %get3A_652, %get3A_653] {strides = array<i32>} : memref<2x80x128xf32, #tpu.memory_space<vmem>>, vector<1x1x16xf32>,
        %get3A_655 = vector.shape_cast %get3A_654 : vector<1x1x16xf32> to vector<16xf32>
        %max3A_656 = arith.maximumf %scan3A_631, %get3A_655 : vector<16xf32>
        %add3A_657 = arith.constant 0 : i32
        %add3A_658 = arith.addi %mul3A_639, %add3A_657 : i32
        %get3A_659 = arith.constant 0 : i32
        %get3A_660 = arith.index_cast %get3A_659 : i32 to index
        %get3A_661 = arith.index_cast %add3A_658 : i32 to index
        %get3A_662 = arith.constant 32 : index
        %get3A_663 = tpu.vector_load %arg12[%get3A_660, %get3A_661, %get3A_662] {strides = array<i32>} : memref<2x80x128xf32, #tpu.memory_space<vmem>>, vector<1x1x16xf32>,
        %get3A_664 = vector.shape_cast %get3A_663 : vector<1x1x16xf32> to vector<16xf32>
        %max3A_665 = arith.maximumf %scan3A_632, %get3A_664 : vector<16xf32>
        %add3A_666 = arith.constant 0 : i32
        %add3A_667 = arith.addi %mul3A_639, %add3A_666 : i32
        %get3A_668 = arith.constant 0 : i32
        %get3A_669 = arith.index_cast %get3A_668 : i32 to index
        %get3A_670 = arith.index_cast %add3A_667 : i32 to index
        %get3A_671 = arith.constant 48 : index
        %get3A_672 = tpu.vector_load %arg12[%get3A_669, %get3A_670, %get3A_671] {strides = array<i32>} : memref<2x80x128xf32, #tpu.memory_space<vmem>>, vector<1x1x16xf32>,
        %get3A_673 = vector.shape_cast %get3A_672 : vector<1x1x16xf32> to vector<16xf32>
        %max3A_674 = arith.maximumf %scan3A_633, %get3A_673 : vector<16xf32>
        %add3A_675 = arith.constant 0 : i32
        %add3A_676 = arith.addi %mul3A_639, %add3A_675 : i32
        %get3A_677 = arith.constant 0 : i32
        %get3A_678 = arith.index_cast %get3A_677 : i32 to index
        %get3A_679 = arith.index_cast %add3A_676 : i32 to index
        %get3A_680 = arith.constant 64 : index
        %get3A_681 = tpu.vector_load %arg12[%get3A_678, %get3A_679, %get3A_680] {strides = array<i32>} : memref<2x80x128xf32, #tpu.memory_space<vmem>>, vector<1x1x16xf32>,
        %get3A_682 = vector.shape_cast %get3A_681 : vector<1x1x16xf32> to vector<16xf32>
        %max3A_683 = arith.maximumf %scan3A_634, %get3A_682 : vector<16xf32>
        %add3A_684 = arith.constant 0 : i32
        %add3A_685 = arith.addi %mul3A_639, %add3A_684 : i32
        %get3A_686 = arith.constant 0 : i32
        %get3A_687 = arith.index_cast %get3A_686 : i32 to index
        %get3A_688 = arith.index_cast %add3A_685 : i32 to index
        %get3A_689 = arith.constant 80 : index
        %get3A_690 = tpu.vector_load %arg12[%get3A_687, %get3A_688, %get3A_689] {strides = array<i32>} : memref<2x80x128xf32, #tpu.memory_space<vmem>>, vector<1x1x16xf32>,
        %get3A_691 = vector.shape_cast %get3A_690 : vector<1x1x16xf32> to vector<16xf32>
        %max3A_692 = arith.maximumf %scan3A_635, %get3A_691 : vector<16xf32>
        %add3A_693 = arith.constant 0 : i32
        %add3A_694 = arith.addi %mul3A_639, %add3A_693 : i32
        %get3A_695 = arith.constant 0 : i32
        %get3A_696 = arith.index_cast %get3A_695 : i32 to index
        %get3A_697 = arith.index_cast %add3A_694 : i32 to index
        %get3A_698 = arith.constant 96 : index
        %get3A_699 = tpu.vector_load %arg12[%get3A_696, %get3A_697, %get3A_698] {strides = array<i32>} : memref<2x80x128xf32, #tpu.memory_space<vmem>>, vector<1x1x16xf32>,
        %get3A_700 = vector.shape_cast %get3A_699 : vector<1x1x16xf32> to vector<16xf32>
        %max3A_701 = arith.maximumf %scan3A_636, %get3A_700 : vector<16xf32>
        %add3A_702 = arith.constant 0 : i32
        %add3A_703 = arith.addi %mul3A_639, %add3A_702 : i32
        %get3A_704 = arith.constant 0 : i32
        %get3A_705 = arith.index_cast %get3A_704 : i32 to index
        %get3A_706 = arith.index_cast %add3A_703 : i32 to index
        %get3A_707 = arith.constant 112 : index
        %get3A_708 = tpu.vector_load %arg12[%get3A_705, %get3A_706, %get3A_707] {strides = array<i32>} : memref<2x80x128xf32, #tpu.memory_space<vmem>>, vector<1x1x16xf32>,
        %get3A_709 = vector.shape_cast %get3A_708 : vector<1x1x16xf32> to vector<16xf32>
        %max3A_710 = arith.maximumf %scan3A_637, %get3A_709 : vector<16xf32>
        %add3A_711 = arith.constant 1 : i32
        %add3A_712 = arith.addi %mul3A_639, %add3A_711 : i32
        %get3A_713 = arith.constant 0 : i32
        %get3A_714 = arith.index_cast %get3A_713 : i32 to index
        %get3A_715 = arith.index_cast %add3A_712 : i32 to index
        %get3A_716 = arith.constant 0 : index
        %get3A_717 = tpu.vector_load %arg12[%get3A_714, %get3A_715, %get3A_716] {strides = array<i32>} : memref<2x80x128xf32, #tpu.memory_space<vmem>>, vector<1x1x16xf32>,
        %get3A_718 = vector.shape_cast %get3A_717 : vector<1x1x16xf32> to vector<16xf32>
        %max3A_719 = arith.maximumf %max3A_647, %get3A_718 : vector<16xf32>
        %add3A_720 = arith.constant 1 : i32
        %add3A_721 = arith.addi %mul3A_639, %add3A_720 : i32
        %get3A_722 = arith.constant 0 : i32
        %get3A_723 = arith.index_cast %get3A_722 : i32 to index
        %get3A_724 = arith.index_cast %add3A_721 : i32 to index
        %get3A_725 = arith.constant 16 : index
        %get3A_726 = tpu.vector_load %arg12[%get3A_723, %get3A_724, %get3A_725] {strides = array<i32>} : memref<2x80x128xf32, #tpu.memory_space<vmem>>, vector<1x1x16xf32>,
        %get3A_727 = vector.shape_cast %get3A_726 : vector<1x1x16xf32> to vector<16xf32>
        %max3A_728 = arith.maximumf %max3A_656, %get3A_727 : vector<16xf32>
        %add3A_729 = arith.constant 1 : i32
        %add3A_730 = arith.addi %mul3A_639, %add3A_729 : i32
        %get3A_731 = arith.constant 0 : i32
        %get3A_732 = arith.index_cast %get3A_731 : i32 to index
        %get3A_733 = arith.index_cast %add3A_730 : i32 to index
        %get3A_734 = arith.constant 32 : index
        %get3A_735 = tpu.vector_load %arg12[%get3A_732, %get3A_733, %get3A_734] {strides = array<i32>} : memref<2x80x128xf32, #tpu.memory_space<vmem>>, vector<1x1x16xf32>,
        %get3A_736 = vector.shape_cast %get3A_735 : vector<1x1x16xf32> to vector<16xf32>
        %max3A_737 = arith.maximumf %max3A_665, %get3A_736 : vector<16xf32>
        %add3A_738 = arith.constant 1 : i32
        %add3A_739 = arith.addi %mul3A_639, %add3A_738 : i32
        %get3A_740 = arith.constant 0 : i32
        %get3A_741 = arith.index_cast %get3A_740 : i32 to index
        %get3A_742 = arith.index_cast %add3A_739 : i32 to index
        %get3A_743 = arith.constant 48 : index
        %get3A_744 = tpu.vector_load %arg12[%get3A_741, %get3A_742, %get3A_743] {strides = array<i32>} : memref<2x80x128xf32, #tpu.memory_space<vmem>>, vector<1x1x16xf32>,
        %get3A_745 = vector.shape_cast %get3A_744 : vector<1x1x16xf32> to vector<16xf32>
        %max3A_746 = arith.maximumf %max3A_674, %get3A_745 : vector<16xf32>
        %add3A_747 = arith.constant 1 : i32
        %add3A_748 = arith.addi %mul3A_639, %add3A_747 : i32
        %get3A_749 = arith.constant 0 : i32
        %get3A_750 = arith.index_cast %get3A_749 : i32 to index
        %get3A_751 = arith.index_cast %add3A_748 : i32 to index
        %get3A_752 = arith.constant 64 : index
        %get3A_753 = tpu.vector_load %arg12[%get3A_750, %get3A_751, %get3A_752] {strides = array<i32>} : memref<2x80x128xf32, #tpu.memory_space<vmem>>, vector<1x1x16xf32>,
        %get3A_754 = vector.shape_cast %get3A_753 : vector<1x1x16xf32> to vector<16xf32>
        %max3A_755 = arith.maximumf %max3A_683, %get3A_754 : vector<16xf32>
        %add3A_756 = arith.constant 1 : i32
        %add3A_757 = arith.addi %mul3A_639, %add3A_756 : i32
        %get3A_758 = arith.constant 0 : i32
        %get3A_759 = arith.index_cast %get3A_758 : i32 to index
        %get3A_760 = arith.index_cast %add3A_757 : i32 to index
        %get3A_761 = arith.constant 80 : index
        %get3A_762 = tpu.vector_load %arg12[%get3A_759, %get3A_760, %get3A_761] {strides = array<i32>} : memref<2x80x128xf32, #tpu.memory_space<vmem>>, vector<1x1x16xf32>,
        %get3A_763 = vector.shape_cast %get3A_762 : vector<1x1x16xf32> to vector<16xf32>
        %max3A_764 = arith.maximumf %max3A_692, %get3A_763 : vector<16xf32>
        %add3A_765 = arith.constant 1 : i32
        %add3A_766 = arith.addi %mul3A_639, %add3A_765 : i32
        %get3A_767 = arith.constant 0 : i32
        %get3A_768 = arith.index_cast %get3A_767 : i32 to index
        %get3A_769 = arith.index_cast %add3A_766 : i32 to index
        %get3A_770 = arith.constant 96 : index
        %get3A_771 = tpu.vector_load %arg12[%get3A_768, %get3A_769, %get3A_770] {strides = array<i32>} : memref<2x80x128xf32, #tpu.memory_space<vmem>>, vector<1x1x16xf32>,
        %get3A_772 = vector.shape_cast %get3A_771 : vector<1x1x16xf32> to vector<16xf32>
        %max3A_773 = arith.maximumf %max3A_701, %get3A_772 : vector<16xf32>
        %add3A_774 = arith.constant 1 : i32
        %add3A_775 = arith.addi %mul3A_639, %add3A_774 : i32
        %get3A_776 = arith.constant 0 : i32
        %get3A_777 = arith.index_cast %get3A_776 : i32 to index
        %get3A_778 = arith.index_cast %add3A_775 : i32 to index
        %get3A_779 = arith.constant 112 : index
        %get3A_780 = tpu.vector_load %arg12[%get3A_777, %get3A_778, %get3A_779] {strides = array<i32>} : memref<2x80x128xf32, #tpu.memory_space<vmem>>, vector<1x1x16xf32>,
        %get3A_781 = vector.shape_cast %get3A_780 : vector<1x1x16xf32> to vector<16xf32>
        %max3A_782 = arith.maximumf %max3A_710, %get3A_781 : vector<16xf32>
        %add3A_783 = arith.constant 2 : i32
        %add3A_784 = arith.addi %mul3A_639, %add3A_783 : i32
        %get3A_785 = arith.constant 0 : i32
        %get3A_786 = arith.index_cast %get3A_785 : i32 to index
        %get3A_787 = arith.index_cast %add3A_784 : i32 to index
        %get3A_788 = arith.constant 0 : index
        %get3A_789 = tpu.vector_load %arg12[%get3A_786, %get3A_787, %get3A_788] {strides = array<i32>} : memref<2x80x128xf32, #tpu.memory_space<vmem>>, vector<1x1x16xf32>,
        %get3A_790 = vector.shape_cast %get3A_789 : vector<1x1x16xf32> to vector<16xf32>
        %max3A_791 = arith.maximumf %max3A_719, %get3A_790 : vector<16xf32>
        %add3A_792 = arith.constant 2 : i32
        %add3A_793 = arith.addi %mul3A_639, %add3A_792 : i32
        %get3A_794 = arith.constant 0 : i32
        %get3A_795 = arith.index_cast %get3A_794 : i32 to index
        %get3A_796 = arith.index_cast %add3A_793 : i32 to index
        %get3A_797 = arith.constant 16 : index
        %get3A_798 = tpu.vector_load %arg12[%get3A_795, %get3A_796, %get3A_797] {strides = array<i32>} : memref<2x80x128xf32, #tpu.memory_space<vmem>>, vector<1x1x16xf32>,
        %get3A_799 = vector.shape_cast %get3A_798 : vector<1x1x16xf32> to vector<16xf32>
        %max3A_800 = arith.maximumf %max3A_728, %get3A_799 : vector<16xf32>
        %add3A_801 = arith.constant 2 : i32
        %add3A_802 = arith.addi %mul3A_639, %add3A_801 : i32
        %get3A_803 = arith.constant 0 : i32
        %get3A_804 = arith.index_cast %get3A_803 : i32 to index
        %get3A_805 = arith.index_cast %add3A_802 : i32 to index
        %get3A_806 = arith.constant 32 : index
        %get3A_807 = tpu.vector_load %arg12[%get3A_804, %get3A_805, %get3A_806] {strides = array<i32>} : memref<2x80x128xf32, #tpu.memory_space<vmem>>, vector<1x1x16xf32>,
        %get3A_808 = vector.shape_cast %get3A_807 : vector<1x1x16xf32> to vector<16xf32>
        %max3A_809 = arith.maximumf %max3A_737, %get3A_808 : vector<16xf32>
        %add3A_810 = arith.constant 2 : i32
        %add3A_811 = arith.addi %mul3A_639, %add3A_810 : i32
        %get3A_812 = arith.constant 0 : i32
        %get3A_813 = arith.index_cast %get3A_812 : i32 to index
        %get3A_814 = arith.index_cast %add3A_811 : i32 to index
        %get3A_815 = arith.constant 48 : index
        %get3A_816 = tpu.vector_load %arg12[%get3A_813, %get3A_814, %get3A_815] {strides = array<i32>} : memref<2x80x128xf32, #tpu.memory_space<vmem>>, vector<1x1x16xf32>,
        %get3A_817 = vector.shape_cast %get3A_816 : vector<1x1x16xf32> to vector<16xf32>
        %max3A_818 = arith.maximumf %max3A_746, %get3A_817 : vector<16xf32>
        %add3A_819 = arith.constant 2 : i32
        %add3A_820 = arith.addi %mul3A_639, %add3A_819 : i32
        %get3A_821 = arith.constant 0 : i32
        %get3A_822 = arith.index_cast %get3A_821 : i32 to index
        %get3A_823 = arith.index_cast %add3A_820 : i32 to index
        %get3A_824 = arith.constant 64 : index
        %get3A_825 = tpu.vector_load %arg12[%get3A_822, %get3A_823, %get3A_824] {strides = array<i32>} : memref<2x80x128xf32, #tpu.memory_space<vmem>>, vector<1x1x16xf32>,
        %get3A_826 = vector.shape_cast %get3A_825 : vector<1x1x16xf32> to vector<16xf32>
        %max3A_827 = arith.maximumf %max3A_755, %get3A_826 : vector<16xf32>
        %add3A_828 = arith.constant 2 : i32
        %add3A_829 = arith.addi %mul3A_639, %add3A_828 : i32
        %get3A_830 = arith.constant 0 : i32
        %get3A_831 = arith.index_cast %get3A_830 : i32 to index
        %get3A_832 = arith.index_cast %add3A_829 : i32 to index
        %get3A_833 = arith.constant 80 : index
        %get3A_834 = tpu.vector_load %arg12[%get3A_831, %get3A_832, %get3A_833] {strides = array<i32>} : memref<2x80x128xf32, #tpu.memory_space<vmem>>, vector<1x1x16xf32>,
        %get3A_835 = vector.shape_cast %get3A_834 : vector<1x1x16xf32> to vector<16xf32>
        %max3A_836 = arith.maximumf %max3A_764, %get3A_835 : vector<16xf32>
        %add3A_837 = arith.constant 2 : i32
        %add3A_838 = arith.addi %mul3A_639, %add3A_837 : i32
        %get3A_839 = arith.constant 0 : i32
        %get3A_840 = arith.index_cast %get3A_839 : i32 to index
        %get3A_841 = arith.index_cast %add3A_838 : i32 to index
        %get3A_842 = arith.constant 96 : index
        %get3A_843 = tpu.vector_load %arg12[%get3A_840, %get3A_841, %get3A_842] {strides = array<i32>} : memref<2x80x128xf32, #tpu.memory_space<vmem>>, vector<1x1x16xf32>,
        %get3A_844 = vector.shape_cast %get3A_843 : vector<1x1x16xf32> to vector<16xf32>
        %max3A_845 = arith.maximumf %max3A_773, %get3A_844 : vector<16xf32>
        %add3A_846 = arith.constant 2 : i32
        %add3A_847 = arith.addi %mul3A_639, %add3A_846 : i32
        %get3A_848 = arith.constant 0 : i32
        %get3A_849 = arith.index_cast %get3A_848 : i32 to index
        %get3A_850 = arith.index_cast %add3A_847 : i32 to index
        %get3A_851 = arith.constant 112 : index
        %get3A_852 = tpu.vector_load %arg12[%get3A_849, %get3A_850, %get3A_851] {strides = array<i32>} : memref<2x80x128xf32, #tpu.memory_space<vmem>>, vector<1x1x16xf32>,
        %get3A_853 = vector.shape_cast %get3A_852 : vector<1x1x16xf32> to vector<16xf32>
        %max3A_854 = arith.maximumf %max3A_782, %get3A_853 : vector<16xf32>
        %add3A_855 = arith.constant 3 : i32
        %add3A_856 = arith.addi %mul3A_639, %add3A_855 : i32
        %get3A_857 = arith.constant 0 : i32
        %get3A_858 = arith.index_cast %get3A_857 : i32 to index
        %get3A_859 = arith.index_cast %add3A_856 : i32 to index
        %get3A_860 = arith.constant 0 : index
        %get3A_861 = tpu.vector_load %arg12[%get3A_858, %get3A_859, %get3A_860] {strides = array<i32>} : memref<2x80x128xf32, #tpu.memory_space<vmem>>, vector<1x1x16xf32>,
        %get3A_862 = vector.shape_cast %get3A_861 : vector<1x1x16xf32> to vector<16xf32>
        %max3A_863 = arith.maximumf %max3A_791, %get3A_862 : vector<16xf32>
        %add3A_864 = arith.constant 3 : i32
        %add3A_865 = arith.addi %mul3A_639, %add3A_864 : i32
        %get3A_866 = arith.constant 0 : i32
        %get3A_867 = arith.index_cast %get3A_866 : i32 to index
        %get3A_868 = arith.index_cast %add3A_865 : i32 to index
        %get3A_869 = arith.constant 16 : index
        %get3A_870 = tpu.vector_load %arg12[%get3A_867, %get3A_868, %get3A_869] {strides = array<i32>} : memref<2x80x128xf32, #tpu.memory_space<vmem>>, vector<1x1x16xf32>,
        %get3A_871 = vector.shape_cast %get3A_870 : vector<1x1x16xf32> to vector<16xf32>
        %max3A_872 = arith.maximumf %max3A_800, %get3A_871 : vector<16xf32>
        %add3A_873 = arith.constant 3 : i32
        %add3A_874 = arith.addi %mul3A_639, %add3A_873 : i32
        %get3A_875 = arith.constant 0 : i32
        %get3A_876 = arith.index_cast %get3A_875 : i32 to index
        %get3A_877 = arith.index_cast %add3A_874 : i32 to index
        %get3A_878 = arith.constant 32 : index
        %get3A_879 = tpu.vector_load %arg12[%get3A_876, %get3A_877, %get3A_878] {strides = array<i32>} : memref<2x80x128xf32, #tpu.memory_space<vmem>>, vector<1x1x16xf32>,
        %get3A_880 = vector.shape_cast %get3A_879 : vector<1x1x16xf32> to vector<16xf32>
        %max3A_881 = arith.maximumf %max3A_809, %get3A_880 : vector<16xf32>
        %add3A_882 = arith.constant 3 : i32
        %add3A_883 = arith.addi %mul3A_639, %add3A_882 : i32
        %get3A_884 = arith.constant 0 : i32
        %get3A_885 = arith.index_cast %get3A_884 : i32 to index
        %get3A_886 = arith.index_cast %add3A_883 : i32 to index
        %get3A_887 = arith.constant 48 : index
        %get3A_888 = tpu.vector_load %arg12[%get3A_885, %get3A_886, %get3A_887] {strides = array<i32>} : memref<2x80x128xf32, #tpu.memory_space<vmem>>, vector<1x1x16xf32>,
        %get3A_889 = vector.shape_cast %get3A_888 : vector<1x1x16xf32> to vector<16xf32>
        %max3A_890 = arith.maximumf %max3A_818, %get3A_889 : vector<16xf32>
        %add3A_891 = arith.constant 3 : i32
        %add3A_892 = arith.addi %mul3A_639, %add3A_891 : i32
        %get3A_893 = arith.constant 0 : i32
        %get3A_894 = arith.index_cast %get3A_893 : i32 to index
        %get3A_895 = arith.index_cast %add3A_892 : i32 to index
        %get3A_896 = arith.constant 64 : index
        %get3A_897 = tpu.vector_load %arg12[%get3A_894, %get3A_895, %get3A_896] {strides = array<i32>} : memref<2x80x128xf32, #tpu.memory_space<vmem>>, vector<1x1x16xf32>,
        %get3A_898 = vector.shape_cast %get3A_897 : vector<1x1x16xf32> to vector<16xf32>
        %max3A_899 = arith.maximumf %max3A_827, %get3A_898 : vector<16xf32>
        %add3A_900 = arith.constant 3 : i32
        %add3A_901 = arith.addi %mul3A_639, %add3A_900 : i32
        %get3A_902 = arith.constant 0 : i32
        %get3A_903 = arith.index_cast %get3A_902 : i32 to index
        %get3A_904 = arith.index_cast %add3A_901 : i32 to index
        %get3A_905 = arith.constant 80 : index
        %get3A_906 = tpu.vector_load %arg12[%get3A_903, %get3A_904, %get3A_905] {strides = array<i32>} : memref<2x80x128xf32, #tpu.memory_space<vmem>>, vector<1x1x16xf32>,
        %get3A_907 = vector.shape_cast %get3A_906 : vector<1x1x16xf32> to vector<16xf32>
        %max3A_908 = arith.maximumf %max3A_836, %get3A_907 : vector<16xf32>
        %add3A_909 = arith.constant 3 : i32
        %add3A_910 = arith.addi %mul3A_639, %add3A_909 : i32
        %get3A_911 = arith.constant 0 : i32
        %get3A_912 = arith.index_cast %get3A_911 : i32 to index
        %get3A_913 = arith.index_cast %add3A_910 : i32 to index
        %get3A_914 = arith.constant 96 : index
        %get3A_915 = tpu.vector_load %arg12[%get3A_912, %get3A_913, %get3A_914] {strides = array<i32>} : memref<2x80x128xf32, #tpu.memory_space<vmem>>, vector<1x1x16xf32>,
        %get3A_916 = vector.shape_cast %get3A_915 : vector<1x1x16xf32> to vector<16xf32>
        %max3A_917 = arith.maximumf %max3A_845, %get3A_916 : vector<16xf32>
        %add3A_918 = arith.constant 3 : i32
        %add3A_919 = arith.addi %mul3A_639, %add3A_918 : i32
        %get3A_920 = arith.constant 0 : i32
        %get3A_921 = arith.index_cast %get3A_920 : i32 to index
        %get3A_922 = arith.index_cast %add3A_919 : i32 to index
        %get3A_923 = arith.constant 112 : index
        %get3A_924 = tpu.vector_load %arg12[%get3A_921, %get3A_922, %get3A_923] {strides = array<i32>} : memref<2x80x128xf32, #tpu.memory_space<vmem>>, vector<1x1x16xf32>,
        %get3A_925 = vector.shape_cast %get3A_924 : vector<1x1x16xf32> to vector<16xf32>
        %max3A_926 = arith.maximumf %max3A_854, %get3A_925 : vector<16xf32>
        scf.yield %max3A_863, %max3A_872, %max3A_881, %max3A_890, %max3A_899, %max3A_908, %max3A_917, %max3A_926 : vector<16xf32>, vector<16xf32>, vector<16xf32>, vector<16xf32>, vector<16xf32>, vector<16xf32>, vector<16xf32>, vector<16xf32>
      }
      %scan3A_276 = arith.constant 20 : i32
      %add3A_277 = arith.constant 80 : i32
      %add3A_278 = arith.addi %mul3A_0, %add3A_277 : i32
      %dma_wait3A_279 = arith.constant 1 : i32
      %dma_wait3A_280 = arith.constant 0 : i32
      %dma_wait3A_281 = arith.constant 0 : i32
      %dma_wait3A_282 = tpu.memref_slice %arg12[%dma_wait3A_279, %dma_wait3A_280, %dma_wait3A_281] : memref<2x80x128xf32, #tpu.memory_space<vmem>> -> memref<1x80x128xf32, #tpu.memory_space<vmem>>
      %dma_wait3A_283 = tpu.memref_squeeze %dma_wait3A_282 : memref<1x80x128xf32, #tpu.memory_space<vmem>> -> memref<80x128xf32, #tpu.memory_space<vmem>>
      %dma_wait3A_284 = arith.constant 0 : i32
      %dma_wait3A_285 = tpu.memref_slice %arg7[%add3A_278, %dma_wait3A_284] : memref<10256x128xf32, #tpu.memory_space<vmem_shared>> -> memref<80x128xf32, #tpu.memory_space<vmem_shared>>
      %dma_wait3A_286 = arith.constant 0 : i32
      %dma_wait3A_287 = arith.constant 0 : i32
      %dma_wait3A_288 = tpu.memref_slice %arg12[%dma_wait3A_279, %dma_wait3A_286, %dma_wait3A_287] : memref<2x80x128xf32, #tpu.memory_space<vmem>> -> memref<1x80x128xf32, #tpu.memory_space<vmem>>
      %dma_wait3A_289 = tpu.memref_squeeze %dma_wait3A_288 : memref<1x80x128xf32, #tpu.memory_space<vmem>> -> memref<80x128xf32, #tpu.memory_space<vmem>>
      %dma_wait3A_290 = arith.constant 0 : i32
      %dma_wait3A_291 = tpu.memref_slice %arg7[%add3A_278, %dma_wait3A_290] : memref<10256x128xf32, #tpu.memory_space<vmem_shared>> -> memref<80x128xf32, #tpu.memory_space<vmem_shared>>
      tpu.wait_dma2 semaphore(%arg19 : memref<!tpu.dma_semaphore, #tpu.memory_space<semaphore_mem>>) src(%dma_wait3A_291 : memref<80x128xf32, #tpu.memory_space<vmem_shared>>) dst(%dma_wait3A_289 : memref<80x128xf32, #tpu.memory_space<vmem>>)
      %add3A_292 = arith.constant 160 : i32
      %add3A_293 = arith.addi %mul3A_0, %add3A_292 : i32
      %dma_start3A_294 = arith.constant 0 : i32
      %dma_start3A_295 = arith.constant 0 : i32
      %dma_start3A_296 = arith.constant 0 : i32
      %dma_start3A_297 = tpu.memref_slice %arg12[%dma_start3A_294, %dma_start3A_295, %dma_start3A_296] : memref<2x80x128xf32, #tpu.memory_space<vmem>> -> memref<1x80x128xf32, #tpu.memory_space<vmem>>
      %dma_start3A_298 = tpu.memref_squeeze %dma_start3A_297 : memref<1x80x128xf32, #tpu.memory_space<vmem>> -> memref<80x128xf32, #tpu.memory_space<vmem>>
      %dma_start3A_299 = arith.constant 0 : i32
      %dma_start3A_300 = tpu.memref_slice %arg7[%add3A_293, %dma_start3A_299] : memref<10256x128xf32, #tpu.memory_space<vmem_shared>> -> memref<80x128xf32, #tpu.memory_space<vmem_shared>>
      %dma_start3A_301 = arith.constant 0 : i32
      %dma_start3A_302 = arith.constant 0 : i32
      %dma_start3A_303 = tpu.memref_slice %arg12[%dma_start3A_294, %dma_start3A_301, %dma_start3A_302] : memref<2x80x128xf32, #tpu.memory_space<vmem>> -> memref<1x80x128xf32, #tpu.memory_space<vmem>>
      %dma_start3A_304 = tpu.memref_squeeze %dma_start3A_303 : memref<1x80x128xf32, #tpu.memory_space<vmem>> -> memref<80x128xf32, #tpu.memory_space<vmem>>
      %dma_start3A_305 = arith.constant 0 : i32
      %dma_start3A_306 = tpu.memref_slice %arg7[%add3A_293, %dma_start3A_305] : memref<10256x128xf32, #tpu.memory_space<vmem_shared>> -> memref<80x128xf32, #tpu.memory_space<vmem_shared>>
      tpu.enqueue_dma source(%dma_start3A_306 : memref<80x128xf32, #tpu.memory_space<vmem_shared>>) target(%dma_start3A_304 : memref<80x128xf32, #tpu.memory_space<vmem>>) target_semaphore(%arg19 : memref<!tpu.dma_semaphore, #tpu.memory_space<semaphore_mem>>)
      %add3A_307 = arith.constant 1 : i32
      %add3A_308 = arith.addi %scan3A_19, %add3A_307 : i32
      %lt3A_309 = arith.constant 8 : i32
      %lt3A_310 = arith.cmpi slt, %add3A_308, %lt3A_309 : i32
      %convert_element_type3A_311 = arith.extui %lt3A_310 : i1 to i32
      %cond3A_312 = arith.constant 0 : i32
      %cond3A_313 = arith.cmpi ne, %convert_element_type3A_311, %cond3A_312 : i32
      scf.if %cond3A_313 {
        %add3A_629 = arith.constant 80 : i32
        %add3A_630 = arith.addi %mul3A_0, %add3A_629 : i32
        %add3A_631 = arith.constant 80 : i32
        %add3A_632 = arith.addi %mul3A_0, %add3A_631 : i32
        %dma_start3A_633 = arith.constant 0 : i32
        %dma_start3A_634 = tpu.memref_slice %arg7[%add3A_632, %dma_start3A_633] : memref<10256x128xf32, #tpu.memory_space<vmem_shared>> -> memref<80x128xf32, #tpu.memory_space<vmem_shared>>
        %dma_start3A_635 = arith.constant 0 : i32
        %dma_start3A_636 = tpu.memref_slice %arg2[%add3A_630, %dma_start3A_635] : memref<10240x128xf32, #tpu.memory_space<hbm>> -> memref<80x128xf32, #tpu.memory_space<hbm>>
        tpu.enqueue_dma source(%dma_start3A_636 : memref<80x128xf32, #tpu.memory_space<hbm>>) target(%dma_start3A_634 : memref<80x128xf32, #tpu.memory_space<vmem_shared>>) target_semaphore(%arg20 : memref<!tpu.dma_semaphore, #tpu.memory_space<semaphore_mem>>)
      } else {
      }
      %scan3A_314 = arith.constant 0 : i32
      %scan3A_315 = arith.constant 20 : i32
      %scan3A_316 = arith.addi %scan3A_314, %scan3A_315 : i32
      %scan3A_317 = arith.constant 1 : i32
      %scan3A_318:8 = scf.for %scan3A_629 = %scan3A_314 to %scan3A_316 step %scan3A_317 iter_args(%scan3A_630 = %scan3A_275#0, %scan3A_631 = %scan3A_275#1, %scan3A_632 = %scan3A_275#2, %scan3A_633 = %scan3A_275#3, %scan3A_634 = %scan3A_275#4, %scan3A_635 = %scan3A_275#5, %scan3A_636 = %scan3A_275#6, %scan3A_637 = %scan3A_275#7) -> (vector<16xf32>, vector<16xf32>, vector<16xf32>, vector<16xf32>, vector<16xf32>, vector<16xf32>, vector<16xf32>, vector<16xf32>)  : i32 {
        %mul3A_638 = arith.constant 4 : i32
        %mul3A_639 = arith.muli %scan3A_629, %mul3A_638 : i32
        %add3A_640 = arith.constant 0 : i32
        %add3A_641 = arith.addi %mul3A_639, %add3A_640 : i32
        %get3A = arith.constant 1 : i32
        %get3A_642 = arith.index_cast %get3A : i32 to index
        %get3A_643 = arith.index_cast %add3A_641 : i32 to index
        %get3A_644 = arith.constant 0 : index
        %get3A_645 = tpu.vector_load %arg12[%get3A_642, %get3A_643, %get3A_644] {strides = array<i32>} : memref<2x80x128xf32, #tpu.memory_space<vmem>>, vector<1x1x16xf32>,
        %get3A_646 = vector.shape_cast %get3A_645 : vector<1x1x16xf32> to vector<16xf32>
        %max3A_647 = arith.maximumf %scan3A_630, %get3A_646 : vector<16xf32>
        %add3A_648 = arith.constant 0 : i32
        %add3A_649 = arith.addi %mul3A_639, %add3A_648 : i32
        %get3A_650 = arith.constant 1 : i32
        %get3A_651 = arith.index_cast %get3A_650 : i32 to index
        %get3A_652 = arith.index_cast %add3A_649 : i32 to index
        %get3A_653 = arith.constant 16 : index
        %get3A_654 = tpu.vector_load %arg12[%get3A_651, %get3A_652, %get3A_653] {strides = array<i32>} : memref<2x80x128xf32, #tpu.memory_space<vmem>>, vector<1x1x16xf32>,
        %get3A_655 = vector.shape_cast %get3A_654 : vector<1x1x16xf32> to vector<16xf32>
        %max3A_656 = arith.maximumf %scan3A_631, %get3A_655 : vector<16xf32>
        %add3A_657 = arith.constant 0 : i32
        %add3A_658 = arith.addi %mul3A_639, %add3A_657 : i32
        %get3A_659 = arith.constant 1 : i32
        %get3A_660 = arith.index_cast %get3A_659 : i32 to index
        %get3A_661 = arith.index_cast %add3A_658 : i32 to index
        %get3A_662 = arith.constant 32 : index
        %get3A_663 = tpu.vector_load %arg12[%get3A_660, %get3A_661, %get3A_662] {strides = array<i32>} : memref<2x80x128xf32, #tpu.memory_space<vmem>>, vector<1x1x16xf32>,
        %get3A_664 = vector.shape_cast %get3A_663 : vector<1x1x16xf32> to vector<16xf32>
        %max3A_665 = arith.maximumf %scan3A_632, %get3A_664 : vector<16xf32>
        %add3A_666 = arith.constant 0 : i32
        %add3A_667 = arith.addi %mul3A_639, %add3A_666 : i32
        %get3A_668 = arith.constant 1 : i32
        %get3A_669 = arith.index_cast %get3A_668 : i32 to index
        %get3A_670 = arith.index_cast %add3A_667 : i32 to index
        %get3A_671 = arith.constant 48 : index
        %get3A_672 = tpu.vector_load %arg12[%get3A_669, %get3A_670, %get3A_671] {strides = array<i32>} : memref<2x80x128xf32, #tpu.memory_space<vmem>>, vector<1x1x16xf32>,
        %get3A_673 = vector.shape_cast %get3A_672 : vector<1x1x16xf32> to vector<16xf32>
        %max3A_674 = arith.maximumf %scan3A_633, %get3A_673 : vector<16xf32>
        %add3A_675 = arith.constant 0 : i32
        %add3A_676 = arith.addi %mul3A_639, %add3A_675 : i32
        %get3A_677 = arith.constant 1 : i32
        %get3A_678 = arith.index_cast %get3A_677 : i32 to index
        %get3A_679 = arith.index_cast %add3A_676 : i32 to index
        %get3A_680 = arith.constant 64 : index
        %get3A_681 = tpu.vector_load %arg12[%get3A_678, %get3A_679, %get3A_680] {strides = array<i32>} : memref<2x80x128xf32, #tpu.memory_space<vmem>>, vector<1x1x16xf32>,
        %get3A_682 = vector.shape_cast %get3A_681 : vector<1x1x16xf32> to vector<16xf32>
        %max3A_683 = arith.maximumf %scan3A_634, %get3A_682 : vector<16xf32>
        %add3A_684 = arith.constant 0 : i32
        %add3A_685 = arith.addi %mul3A_639, %add3A_684 : i32
        %get3A_686 = arith.constant 1 : i32
        %get3A_687 = arith.index_cast %get3A_686 : i32 to index
        %get3A_688 = arith.index_cast %add3A_685 : i32 to index
        %get3A_689 = arith.constant 80 : index
        %get3A_690 = tpu.vector_load %arg12[%get3A_687, %get3A_688, %get3A_689] {strides = array<i32>} : memref<2x80x128xf32, #tpu.memory_space<vmem>>, vector<1x1x16xf32>,
        %get3A_691 = vector.shape_cast %get3A_690 : vector<1x1x16xf32> to vector<16xf32>
        %max3A_692 = arith.maximumf %scan3A_635, %get3A_691 : vector<16xf32>
        %add3A_693 = arith.constant 0 : i32
        %add3A_694 = arith.addi %mul3A_639, %add3A_693 : i32
        %get3A_695 = arith.constant 1 : i32
        %get3A_696 = arith.index_cast %get3A_695 : i32 to index
        %get3A_697 = arith.index_cast %add3A_694 : i32 to index
        %get3A_698 = arith.constant 96 : index
        %get3A_699 = tpu.vector_load %arg12[%get3A_696, %get3A_697, %get3A_698] {strides = array<i32>} : memref<2x80x128xf32, #tpu.memory_space<vmem>>, vector<1x1x16xf32>,
        %get3A_700 = vector.shape_cast %get3A_699 : vector<1x1x16xf32> to vector<16xf32>
        %max3A_701 = arith.maximumf %scan3A_636, %get3A_700 : vector<16xf32>
        %add3A_702 = arith.constant 0 : i32
        %add3A_703 = arith.addi %mul3A_639, %add3A_702 : i32
        %get3A_704 = arith.constant 1 : i32
        %get3A_705 = arith.index_cast %get3A_704 : i32 to index
        %get3A_706 = arith.index_cast %add3A_703 : i32 to index
        %get3A_707 = arith.constant 112 : index
        %get3A_708 = tpu.vector_load %arg12[%get3A_705, %get3A_706, %get3A_707] {strides = array<i32>} : memref<2x80x128xf32, #tpu.memory_space<vmem>>, vector<1x1x16xf32>,
        %get3A_709 = vector.shape_cast %get3A_708 : vector<1x1x16xf32> to vector<16xf32>
        %max3A_710 = arith.maximumf %scan3A_637, %get3A_709 : vector<16xf32>
        %add3A_711 = arith.constant 1 : i32
        %add3A_712 = arith.addi %mul3A_639, %add3A_711 : i32
        %get3A_713 = arith.constant 1 : i32
        %get3A_714 = arith.index_cast %get3A_713 : i32 to index
        %get3A_715 = arith.index_cast %add3A_712 : i32 to index
        %get3A_716 = arith.constant 0 : index
        %get3A_717 = tpu.vector_load %arg12[%get3A_714, %get3A_715, %get3A_716] {strides = array<i32>} : memref<2x80x128xf32, #tpu.memory_space<vmem>>, vector<1x1x16xf32>,
        %get3A_718 = vector.shape_cast %get3A_717 : vector<1x1x16xf32> to vector<16xf32>
        %max3A_719 = arith.maximumf %max3A_647, %get3A_718 : vector<16xf32>
        %add3A_720 = arith.constant 1 : i32
        %add3A_721 = arith.addi %mul3A_639, %add3A_720 : i32
        %get3A_722 = arith.constant 1 : i32
        %get3A_723 = arith.index_cast %get3A_722 : i32 to index
        %get3A_724 = arith.index_cast %add3A_721 : i32 to index
        %get3A_725 = arith.constant 16 : index
        %get3A_726 = tpu.vector_load %arg12[%get3A_723, %get3A_724, %get3A_725] {strides = array<i32>} : memref<2x80x128xf32, #tpu.memory_space<vmem>>, vector<1x1x16xf32>,
        %get3A_727 = vector.shape_cast %get3A_726 : vector<1x1x16xf32> to vector<16xf32>
        %max3A_728 = arith.maximumf %max3A_656, %get3A_727 : vector<16xf32>
        %add3A_729 = arith.constant 1 : i32
        %add3A_730 = arith.addi %mul3A_639, %add3A_729 : i32
        %get3A_731 = arith.constant 1 : i32
        %get3A_732 = arith.index_cast %get3A_731 : i32 to index
        %get3A_733 = arith.index_cast %add3A_730 : i32 to index
        %get3A_734 = arith.constant 32 : index
        %get3A_735 = tpu.vector_load %arg12[%get3A_732, %get3A_733, %get3A_734] {strides = array<i32>} : memref<2x80x128xf32, #tpu.memory_space<vmem>>, vector<1x1x16xf32>,
        %get3A_736 = vector.shape_cast %get3A_735 : vector<1x1x16xf32> to vector<16xf32>
        %max3A_737 = arith.maximumf %max3A_665, %get3A_736 : vector<16xf32>
        %add3A_738 = arith.constant 1 : i32
        %add3A_739 = arith.addi %mul3A_639, %add3A_738 : i32
        %get3A_740 = arith.constant 1 : i32
        %get3A_741 = arith.index_cast %get3A_740 : i32 to index
        %get3A_742 = arith.index_cast %add3A_739 : i32 to index
        %get3A_743 = arith.constant 48 : index
        %get3A_744 = tpu.vector_load %arg12[%get3A_741, %get3A_742, %get3A_743] {strides = array<i32>} : memref<2x80x128xf32, #tpu.memory_space<vmem>>, vector<1x1x16xf32>,
        %get3A_745 = vector.shape_cast %get3A_744 : vector<1x1x16xf32> to vector<16xf32>
        %max3A_746 = arith.maximumf %max3A_674, %get3A_745 : vector<16xf32>
        %add3A_747 = arith.constant 1 : i32
        %add3A_748 = arith.addi %mul3A_639, %add3A_747 : i32
        %get3A_749 = arith.constant 1 : i32
        %get3A_750 = arith.index_cast %get3A_749 : i32 to index
        %get3A_751 = arith.index_cast %add3A_748 : i32 to index
        %get3A_752 = arith.constant 64 : index
        %get3A_753 = tpu.vector_load %arg12[%get3A_750, %get3A_751, %get3A_752] {strides = array<i32>} : memref<2x80x128xf32, #tpu.memory_space<vmem>>, vector<1x1x16xf32>,
        %get3A_754 = vector.shape_cast %get3A_753 : vector<1x1x16xf32> to vector<16xf32>
        %max3A_755 = arith.maximumf %max3A_683, %get3A_754 : vector<16xf32>
        %add3A_756 = arith.constant 1 : i32
        %add3A_757 = arith.addi %mul3A_639, %add3A_756 : i32
        %get3A_758 = arith.constant 1 : i32
        %get3A_759 = arith.index_cast %get3A_758 : i32 to index
        %get3A_760 = arith.index_cast %add3A_757 : i32 to index
        %get3A_761 = arith.constant 80 : index
        %get3A_762 = tpu.vector_load %arg12[%get3A_759, %get3A_760, %get3A_761] {strides = array<i32>} : memref<2x80x128xf32, #tpu.memory_space<vmem>>, vector<1x1x16xf32>,
        %get3A_763 = vector.shape_cast %get3A_762 : vector<1x1x16xf32> to vector<16xf32>
        %max3A_764 = arith.maximumf %max3A_692, %get3A_763 : vector<16xf32>
        %add3A_765 = arith.constant 1 : i32
        %add3A_766 = arith.addi %mul3A_639, %add3A_765 : i32
        %get3A_767 = arith.constant 1 : i32
        %get3A_768 = arith.index_cast %get3A_767 : i32 to index
        %get3A_769 = arith.index_cast %add3A_766 : i32 to index
        %get3A_770 = arith.constant 96 : index
        %get3A_771 = tpu.vector_load %arg12[%get3A_768, %get3A_769, %get3A_770] {strides = array<i32>} : memref<2x80x128xf32, #tpu.memory_space<vmem>>, vector<1x1x16xf32>,
        %get3A_772 = vector.shape_cast %get3A_771 : vector<1x1x16xf32> to vector<16xf32>
        %max3A_773 = arith.maximumf %max3A_701, %get3A_772 : vector<16xf32>
        %add3A_774 = arith.constant 1 : i32
        %add3A_775 = arith.addi %mul3A_639, %add3A_774 : i32
        %get3A_776 = arith.constant 1 : i32
        %get3A_777 = arith.index_cast %get3A_776 : i32 to index
        %get3A_778 = arith.index_cast %add3A_775 : i32 to index
        %get3A_779 = arith.constant 112 : index
        %get3A_780 = tpu.vector_load %arg12[%get3A_777, %get3A_778, %get3A_779] {strides = array<i32>} : memref<2x80x128xf32, #tpu.memory_space<vmem>>, vector<1x1x16xf32>,
        %get3A_781 = vector.shape_cast %get3A_780 : vector<1x1x16xf32> to vector<16xf32>
        %max3A_782 = arith.maximumf %max3A_710, %get3A_781 : vector<16xf32>
        %add3A_783 = arith.constant 2 : i32
        %add3A_784 = arith.addi %mul3A_639, %add3A_783 : i32
        %get3A_785 = arith.constant 1 : i32
        %get3A_786 = arith.index_cast %get3A_785 : i32 to index
        %get3A_787 = arith.index_cast %add3A_784 : i32 to index
        %get3A_788 = arith.constant 0 : index
        %get3A_789 = tpu.vector_load %arg12[%get3A_786, %get3A_787, %get3A_788] {strides = array<i32>} : memref<2x80x128xf32, #tpu.memory_space<vmem>>, vector<1x1x16xf32>,
        %get3A_790 = vector.shape_cast %get3A_789 : vector<1x1x16xf32> to vector<16xf32>
        %max3A_791 = arith.maximumf %max3A_719, %get3A_790 : vector<16xf32>
        %add3A_792 = arith.constant 2 : i32
        %add3A_793 = arith.addi %mul3A_639, %add3A_792 : i32
        %get3A_794 = arith.constant 1 : i32
        %get3A_795 = arith.index_cast %get3A_794 : i32 to index
        %get3A_796 = arith.index_cast %add3A_793 : i32 to index
        %get3A_797 = arith.constant 16 : index
        %get3A_798 = tpu.vector_load %arg12[%get3A_795, %get3A_796, %get3A_797] {strides = array<i32>} : memref<2x80x128xf32, #tpu.memory_space<vmem>>, vector<1x1x16xf32>,
        %get3A_799 = vector.shape_cast %get3A_798 : vector<1x1x16xf32> to vector<16xf32>
        %max3A_800 = arith.maximumf %max3A_728, %get3A_799 : vector<16xf32>
        %add3A_801 = arith.constant 2 : i32
        %add3A_802 = arith.addi %mul3A_639, %add3A_801 : i32
        %get3A_803 = arith.constant 1 : i32
        %get3A_804 = arith.index_cast %get3A_803 : i32 to index
        %get3A_805 = arith.index_cast %add3A_802 : i32 to index
        %get3A_806 = arith.constant 32 : index
        %get3A_807 = tpu.vector_load %arg12[%get3A_804, %get3A_805, %get3A_806] {strides = array<i32>} : memref<2x80x128xf32, #tpu.memory_space<vmem>>, vector<1x1x16xf32>,
        %get3A_808 = vector.shape_cast %get3A_807 : vector<1x1x16xf32> to vector<16xf32>
        %max3A_809 = arith.maximumf %max3A_737, %get3A_808 : vector<16xf32>
        %add3A_810 = arith.constant 2 : i32
        %add3A_811 = arith.addi %mul3A_639, %add3A_810 : i32
        %get3A_812 = arith.constant 1 : i32
        %get3A_813 = arith.index_cast %get3A_812 : i32 to index
        %get3A_814 = arith.index_cast %add3A_811 : i32 to index
        %get3A_815 = arith.constant 48 : index
        %get3A_816 = tpu.vector_load %arg12[%get3A_813, %get3A_814, %get3A_815] {strides = array<i32>} : memref<2x80x128xf32, #tpu.memory_space<vmem>>, vector<1x1x16xf32>,
        %get3A_817 = vector.shape_cast %get3A_816 : vector<1x1x16xf32> to vector<16xf32>
        %max3A_818 = arith.maximumf %max3A_746, %get3A_817 : vector<16xf32>
        %add3A_819 = arith.constant 2 : i32
        %add3A_820 = arith.addi %mul3A_639, %add3A_819 : i32
        %get3A_821 = arith.constant 1 : i32
        %get3A_822 = arith.index_cast %get3A_821 : i32 to index
        %get3A_823 = arith.index_cast %add3A_820 : i32 to index
        %get3A_824 = arith.constant 64 : index
        %get3A_825 = tpu.vector_load %arg12[%get3A_822, %get3A_823, %get3A_824] {strides = array<i32>} : memref<2x80x128xf32, #tpu.memory_space<vmem>>, vector<1x1x16xf32>,
        %get3A_826 = vector.shape_cast %get3A_825 : vector<1x1x16xf32> to vector<16xf32>
        %max3A_827 = arith.maximumf %max3A_755, %get3A_826 : vector<16xf32>
        %add3A_828 = arith.constant 2 : i32
        %add3A_829 = arith.addi %mul3A_639, %add3A_828 : i32
        %get3A_830 = arith.constant 1 : i32
        %get3A_831 = arith.index_cast %get3A_830 : i32 to index
        %get3A_832 = arith.index_cast %add3A_829 : i32 to index
        %get3A_833 = arith.constant 80 : index
        %get3A_834 = tpu.vector_load %arg12[%get3A_831, %get3A_832, %get3A_833] {strides = array<i32>} : memref<2x80x128xf32, #tpu.memory_space<vmem>>, vector<1x1x16xf32>,
        %get3A_835 = vector.shape_cast %get3A_834 : vector<1x1x16xf32> to vector<16xf32>
        %max3A_836 = arith.maximumf %max3A_764, %get3A_835 : vector<16xf32>
        %add3A_837 = arith.constant 2 : i32
        %add3A_838 = arith.addi %mul3A_639, %add3A_837 : i32
        %get3A_839 = arith.constant 1 : i32
        %get3A_840 = arith.index_cast %get3A_839 : i32 to index
        %get3A_841 = arith.index_cast %add3A_838 : i32 to index
        %get3A_842 = arith.constant 96 : index
        %get3A_843 = tpu.vector_load %arg12[%get3A_840, %get3A_841, %get3A_842] {strides = array<i32>} : memref<2x80x128xf32, #tpu.memory_space<vmem>>, vector<1x1x16xf32>,
        %get3A_844 = vector.shape_cast %get3A_843 : vector<1x1x16xf32> to vector<16xf32>
        %max3A_845 = arith.maximumf %max3A_773, %get3A_844 : vector<16xf32>
        %add3A_846 = arith.constant 2 : i32
        %add3A_847 = arith.addi %mul3A_639, %add3A_846 : i32
        %get3A_848 = arith.constant 1 : i32
        %get3A_849 = arith.index_cast %get3A_848 : i32 to index
        %get3A_850 = arith.index_cast %add3A_847 : i32 to index
        %get3A_851 = arith.constant 112 : index
        %get3A_852 = tpu.vector_load %arg12[%get3A_849, %get3A_850, %get3A_851] {strides = array<i32>} : memref<2x80x128xf32, #tpu.memory_space<vmem>>, vector<1x1x16xf32>,
        %get3A_853 = vector.shape_cast %get3A_852 : vector<1x1x16xf32> to vector<16xf32>
        %max3A_854 = arith.maximumf %max3A_782, %get3A_853 : vector<16xf32>
        %add3A_855 = arith.constant 3 : i32
        %add3A_856 = arith.addi %mul3A_639, %add3A_855 : i32
        %get3A_857 = arith.constant 1 : i32
        %get3A_858 = arith.index_cast %get3A_857 : i32 to index
        %get3A_859 = arith.index_cast %add3A_856 : i32 to index
        %get3A_860 = arith.constant 0 : index
        %get3A_861 = tpu.vector_load %arg12[%get3A_858, %get3A_859, %get3A_860] {strides = array<i32>} : memref<2x80x128xf32, #tpu.memory_space<vmem>>, vector<1x1x16xf32>,
        %get3A_862 = vector.shape_cast %get3A_861 : vector<1x1x16xf32> to vector<16xf32>
        %max3A_863 = arith.maximumf %max3A_791, %get3A_862 : vector<16xf32>
        %add3A_864 = arith.constant 3 : i32
        %add3A_865 = arith.addi %mul3A_639, %add3A_864 : i32
        %get3A_866 = arith.constant 1 : i32
        %get3A_867 = arith.index_cast %get3A_866 : i32 to index
        %get3A_868 = arith.index_cast %add3A_865 : i32 to index
        %get3A_869 = arith.constant 16 : index
        %get3A_870 = tpu.vector_load %arg12[%get3A_867, %get3A_868, %get3A_869] {strides = array<i32>} : memref<2x80x128xf32, #tpu.memory_space<vmem>>, vector<1x1x16xf32>,
        %get3A_871 = vector.shape_cast %get3A_870 : vector<1x1x16xf32> to vector<16xf32>
        %max3A_872 = arith.maximumf %max3A_800, %get3A_871 : vector<16xf32>
        %add3A_873 = arith.constant 3 : i32
        %add3A_874 = arith.addi %mul3A_639, %add3A_873 : i32
        %get3A_875 = arith.constant 1 : i32
        %get3A_876 = arith.index_cast %get3A_875 : i32 to index
        %get3A_877 = arith.index_cast %add3A_874 : i32 to index
        %get3A_878 = arith.constant 32 : index
        %get3A_879 = tpu.vector_load %arg12[%get3A_876, %get3A_877, %get3A_878] {strides = array<i32>} : memref<2x80x128xf32, #tpu.memory_space<vmem>>, vector<1x1x16xf32>,
        %get3A_880 = vector.shape_cast %get3A_879 : vector<1x1x16xf32> to vector<16xf32>
        %max3A_881 = arith.maximumf %max3A_809, %get3A_880 : vector<16xf32>
        %add3A_882 = arith.constant 3 : i32
        %add3A_883 = arith.addi %mul3A_639, %add3A_882 : i32
        %get3A_884 = arith.constant 1 : i32
        %get3A_885 = arith.index_cast %get3A_884 : i32 to index
        %get3A_886 = arith.index_cast %add3A_883 : i32 to index
        %get3A_887 = arith.constant 48 : index
        %get3A_888 = tpu.vector_load %arg12[%get3A_885, %get3A_886, %get3A_887] {strides = array<i32>} : memref<2x80x128xf32, #tpu.memory_space<vmem>>, vector<1x1x16xf32>,
        %get3A_889 = vector.shape_cast %get3A_888 : vector<1x1x16xf32> to vector<16xf32>
        %max3A_890 = arith.maximumf %max3A_818, %get3A_889 : vector<16xf32>
        %add3A_891 = arith.constant 3 : i32
        %add3A_892 = arith.addi %mul3A_639, %add3A_891 : i32
        %get3A_893 = arith.constant 1 : i32
        %get3A_894 = arith.index_cast %get3A_893 : i32 to index
        %get3A_895 = arith.index_cast %add3A_892 : i32 to index
        %get3A_896 = arith.constant 64 : index
        %get3A_897 = tpu.vector_load %arg12[%get3A_894, %get3A_895, %get3A_896] {strides = array<i32>} : memref<2x80x128xf32, #tpu.memory_space<vmem>>, vector<1x1x16xf32>,
        %get3A_898 = vector.shape_cast %get3A_897 : vector<1x1x16xf32> to vector<16xf32>
        %max3A_899 = arith.maximumf %max3A_827, %get3A_898 : vector<16xf32>
        %add3A_900 = arith.constant 3 : i32
        %add3A_901 = arith.addi %mul3A_639, %add3A_900 : i32
        %get3A_902 = arith.constant 1 : i32
        %get3A_903 = arith.index_cast %get3A_902 : i32 to index
        %get3A_904 = arith.index_cast %add3A_901 : i32 to index
        %get3A_905 = arith.constant 80 : index
        %get3A_906 = tpu.vector_load %arg12[%get3A_903, %get3A_904, %get3A_905] {strides = array<i32>} : memref<2x80x128xf32, #tpu.memory_space<vmem>>, vector<1x1x16xf32>,
        %get3A_907 = vector.shape_cast %get3A_906 : vector<1x1x16xf32> to vector<16xf32>
        %max3A_908 = arith.maximumf %max3A_836, %get3A_907 : vector<16xf32>
        %add3A_909 = arith.constant 3 : i32
        %add3A_910 = arith.addi %mul3A_639, %add3A_909 : i32
        %get3A_911 = arith.constant 1 : i32
        %get3A_912 = arith.index_cast %get3A_911 : i32 to index
        %get3A_913 = arith.index_cast %add3A_910 : i32 to index
        %get3A_914 = arith.constant 96 : index
        %get3A_915 = tpu.vector_load %arg12[%get3A_912, %get3A_913, %get3A_914] {strides = array<i32>} : memref<2x80x128xf32, #tpu.memory_space<vmem>>, vector<1x1x16xf32>,
        %get3A_916 = vector.shape_cast %get3A_915 : vector<1x1x16xf32> to vector<16xf32>
        %max3A_917 = arith.maximumf %max3A_845, %get3A_916 : vector<16xf32>
        %add3A_918 = arith.constant 3 : i32
        %add3A_919 = arith.addi %mul3A_639, %add3A_918 : i32
        %get3A_920 = arith.constant 1 : i32
        %get3A_921 = arith.index_cast %get3A_920 : i32 to index
        %get3A_922 = arith.index_cast %add3A_919 : i32 to index
        %get3A_923 = arith.constant 112 : index
        %get3A_924 = tpu.vector_load %arg12[%get3A_921, %get3A_922, %get3A_923] {strides = array<i32>} : memref<2x80x128xf32, #tpu.memory_space<vmem>>, vector<1x1x16xf32>,
        %get3A_925 = vector.shape_cast %get3A_924 : vector<1x1x16xf32> to vector<16xf32>
        %max3A_926 = arith.maximumf %max3A_854, %get3A_925 : vector<16xf32>
        scf.yield %max3A_863, %max3A_872, %max3A_881, %max3A_890, %max3A_899, %max3A_908, %max3A_917, %max3A_926 : vector<16xf32>, vector<16xf32>, vector<16xf32>, vector<16xf32>, vector<16xf32>, vector<16xf32>, vector<16xf32>, vector<16xf32>
      }
      %scan3A_319 = arith.constant 20 : i32
      %add3A_320 = arith.constant 160 : i32
      %add3A_321 = arith.addi %mul3A_0, %add3A_320 : i32
      %dma_wait3A_322 = arith.constant 0 : i32
      %dma_wait3A_323 = arith.constant 0 : i32
      %dma_wait3A_324 = arith.constant 0 : i32
      %dma_wait3A_325 = tpu.memref_slice %arg12[%dma_wait3A_322, %dma_wait3A_323, %dma_wait3A_324] : memref<2x80x128xf32, #tpu.memory_space<vmem>> -> memref<1x80x128xf32, #tpu.memory_space<vmem>>
      %dma_wait3A_326 = tpu.memref_squeeze %dma_wait3A_325 : memref<1x80x128xf32, #tpu.memory_space<vmem>> -> memref<80x128xf32, #tpu.memory_space<vmem>>
      %dma_wait3A_327 = arith.constant 0 : i32
      %dma_wait3A_328 = tpu.memref_slice %arg7[%add3A_321, %dma_wait3A_327] : memref<10256x128xf32, #tpu.memory_space<vmem_shared>> -> memref<80x128xf32, #tpu.memory_space<vmem_shared>>
      %dma_wait3A_329 = arith.constant 0 : i32
      %dma_wait3A_330 = arith.constant 0 : i32
      %dma_wait3A_331 = tpu.memref_slice %arg12[%dma_wait3A_322, %dma_wait3A_329, %dma_wait3A_330] : memref<2x80x128xf32, #tpu.memory_space<vmem>> -> memref<1x80x128xf32, #tpu.memory_space<vmem>>
      %dma_wait3A_332 = tpu.memref_squeeze %dma_wait3A_331 : memref<1x80x128xf32, #tpu.memory_space<vmem>> -> memref<80x128xf32, #tpu.memory_space<vmem>>
      %dma_wait3A_333 = arith.constant 0 : i32
      %dma_wait3A_334 = tpu.memref_slice %arg7[%add3A_321, %dma_wait3A_333] : memref<10256x128xf32, #tpu.memory_space<vmem_shared>> -> memref<80x128xf32, #tpu.memory_space<vmem_shared>>
      tpu.wait_dma2 semaphore(%arg19 : memref<!tpu.dma_semaphore, #tpu.memory_space<semaphore_mem>>) src(%dma_wait3A_334 : memref<80x128xf32, #tpu.memory_space<vmem_shared>>) dst(%dma_wait3A_332 : memref<80x128xf32, #tpu.memory_space<vmem>>)
      %add3A_335 = arith.constant 240 : i32
      %add3A_336 = arith.addi %mul3A_0, %add3A_335 : i32
      %dma_start3A_337 = arith.constant 1 : i32
      %dma_start3A_338 = arith.constant 0 : i32
      %dma_start3A_339 = arith.constant 0 : i32
      %dma_start3A_340 = tpu.memref_slice %arg12[%dma_start3A_337, %dma_start3A_338, %dma_start3A_339] : memref<2x80x128xf32, #tpu.memory_space<vmem>> -> memref<1x80x128xf32, #tpu.memory_space<vmem>>
      %dma_start3A_341 = tpu.memref_squeeze %dma_start3A_340 : memref<1x80x128xf32, #tpu.memory_space<vmem>> -> memref<80x128xf32, #tpu.memory_space<vmem>>
      %dma_start3A_342 = arith.constant 0 : i32
      %dma_start3A_343 = tpu.memref_slice %arg7[%add3A_336, %dma_start3A_342] : memref<10256x128xf32, #tpu.memory_space<vmem_shared>> -> memref<80x128xf32, #tpu.memory_space<vmem_shared>>
      %dma_start3A_344 = arith.constant 0 : i32
      %dma_start3A_345 = arith.constant 0 : i32
      %dma_start3A_346 = tpu.memref_slice %arg12[%dma_start3A_337, %dma_start3A_344, %dma_start3A_345] : memref<2x80x128xf32, #tpu.memory_space<vmem>> -> memref<1x80x128xf32, #tpu.memory_space<vmem>>
      %dma_start3A_347 = tpu.memref_squeeze %dma_start3A_346 : memref<1x80x128xf32, #tpu.memory_space<vmem>> -> memref<80x128xf32, #tpu.memory_space<vmem>>
      %dma_start3A_348 = arith.constant 0 : i32
      %dma_start3A_349 = tpu.memref_slice %arg7[%add3A_336, %dma_start3A_348] : memref<10256x128xf32, #tpu.memory_space<vmem_shared>> -> memref<80x128xf32, #tpu.memory_space<vmem_shared>>
      tpu.enqueue_dma source(%dma_start3A_349 : memref<80x128xf32, #tpu.memory_space<vmem_shared>>) target(%dma_start3A_347 : memref<80x128xf32, #tpu.memory_space<vmem>>) target_semaphore(%arg19 : memref<!tpu.dma_semaphore, #tpu.memory_space<semaphore_mem>>)
      %add3A_350 = arith.constant 1 : i32
      %add3A_351 = arith.addi %scan3A_19, %add3A_350 : i32
      %lt3A_352 = arith.constant 8 : i32
      %lt3A_353 = arith.cmpi slt, %add3A_351, %lt3A_352 : i32
      %convert_element_type3A_354 = arith.extui %lt3A_353 : i1 to i32
      %cond3A_355 = arith.constant 0 : i32
      %cond3A_356 = arith.cmpi ne, %convert_element_type3A_354, %cond3A_355 : i32
      scf.if %cond3A_356 {
        %add3A_629 = arith.constant 160 : i32
        %add3A_630 = arith.addi %mul3A_0, %add3A_629 : i32
        %add3A_631 = arith.constant 160 : i32
        %add3A_632 = arith.addi %mul3A_0, %add3A_631 : i32
        %dma_start3A_633 = arith.constant 0 : i32
        %dma_start3A_634 = tpu.memref_slice %arg7[%add3A_632, %dma_start3A_633] : memref<10256x128xf32, #tpu.memory_space<vmem_shared>> -> memref<80x128xf32, #tpu.memory_space<vmem_shared>>
        %dma_start3A_635 = arith.constant 0 : i32
        %dma_start3A_636 = tpu.memref_slice %arg2[%add3A_630, %dma_start3A_635] : memref<10240x128xf32, #tpu.memory_space<hbm>> -> memref<80x128xf32, #tpu.memory_space<hbm>>
        tpu.enqueue_dma source(%dma_start3A_636 : memref<80x128xf32, #tpu.memory_space<hbm>>) target(%dma_start3A_634 : memref<80x128xf32, #tpu.memory_space<vmem_shared>>) target_semaphore(%arg20 : memref<!tpu.dma_semaphore, #tpu.memory_space<semaphore_mem>>)
      } else {
      }
      %scan3A_357 = arith.constant 0 : i32
      %scan3A_358 = arith.constant 20 : i32
      %scan3A_359 = arith.addi %scan3A_357, %scan3A_358 : i32
      %scan3A_360 = arith.constant 1 : i32
      %scan3A_361:8 = scf.for %scan3A_629 = %scan3A_357 to %scan3A_359 step %scan3A_360 iter_args(%scan3A_630 = %scan3A_318#0, %scan3A_631 = %scan3A_318#1, %scan3A_632 = %scan3A_318#2, %scan3A_633 = %scan3A_318#3, %scan3A_634 = %scan3A_318#4, %scan3A_635 = %scan3A_318#5, %scan3A_636 = %scan3A_318#6, %scan3A_637 = %scan3A_318#7) -> (vector<16xf32>, vector<16xf32>, vector<16xf32>, vector<16xf32>, vector<16xf32>, vector<16xf32>, vector<16xf32>, vector<16xf32>)  : i32 {
        %mul3A_638 = arith.constant 4 : i32
        %mul3A_639 = arith.muli %scan3A_629, %mul3A_638 : i32
        %add3A_640 = arith.constant 0 : i32
        %add3A_641 = arith.addi %mul3A_639, %add3A_640 : i32
        %get3A = arith.constant 0 : i32
        %get3A_642 = arith.index_cast %get3A : i32 to index
        %get3A_643 = arith.index_cast %add3A_641 : i32 to index
        %get3A_644 = arith.constant 0 : index
        %get3A_645 = tpu.vector_load %arg12[%get3A_642, %get3A_643, %get3A_644] {strides = array<i32>} : memref<2x80x128xf32, #tpu.memory_space<vmem>>, vector<1x1x16xf32>,
        %get3A_646 = vector.shape_cast %get3A_645 : vector<1x1x16xf32> to vector<16xf32>
        %max3A_647 = arith.maximumf %scan3A_630, %get3A_646 : vector<16xf32>
        %add3A_648 = arith.constant 0 : i32
        %add3A_649 = arith.addi %mul3A_639, %add3A_648 : i32
        %get3A_650 = arith.constant 0 : i32
        %get3A_651 = arith.index_cast %get3A_650 : i32 to index
        %get3A_652 = arith.index_cast %add3A_649 : i32 to index
        %get3A_653 = arith.constant 16 : index
        %get3A_654 = tpu.vector_load %arg12[%get3A_651, %get3A_652, %get3A_653] {strides = array<i32>} : memref<2x80x128xf32, #tpu.memory_space<vmem>>, vector<1x1x16xf32>,
        %get3A_655 = vector.shape_cast %get3A_654 : vector<1x1x16xf32> to vector<16xf32>
        %max3A_656 = arith.maximumf %scan3A_631, %get3A_655 : vector<16xf32>
        %add3A_657 = arith.constant 0 : i32
        %add3A_658 = arith.addi %mul3A_639, %add3A_657 : i32
        %get3A_659 = arith.constant 0 : i32
        %get3A_660 = arith.index_cast %get3A_659 : i32 to index
        %get3A_661 = arith.index_cast %add3A_658 : i32 to index
        %get3A_662 = arith.constant 32 : index
        %get3A_663 = tpu.vector_load %arg12[%get3A_660, %get3A_661, %get3A_662] {strides = array<i32>} : memref<2x80x128xf32, #tpu.memory_space<vmem>>, vector<1x1x16xf32>,
        %get3A_664 = vector.shape_cast %get3A_663 : vector<1x1x16xf32> to vector<16xf32>
        %max3A_665 = arith.maximumf %scan3A_632, %get3A_664 : vector<16xf32>
        %add3A_666 = arith.constant 0 : i32
        %add3A_667 = arith.addi %mul3A_639, %add3A_666 : i32
        %get3A_668 = arith.constant 0 : i32
        %get3A_669 = arith.index_cast %get3A_668 : i32 to index
        %get3A_670 = arith.index_cast %add3A_667 : i32 to index
        %get3A_671 = arith.constant 48 : index
        %get3A_672 = tpu.vector_load %arg12[%get3A_669, %get3A_670, %get3A_671] {strides = array<i32>} : memref<2x80x128xf32, #tpu.memory_space<vmem>>, vector<1x1x16xf32>,
        %get3A_673 = vector.shape_cast %get3A_672 : vector<1x1x16xf32> to vector<16xf32>
        %max3A_674 = arith.maximumf %scan3A_633, %get3A_673 : vector<16xf32>
        %add3A_675 = arith.constant 0 : i32
        %add3A_676 = arith.addi %mul3A_639, %add3A_675 : i32
        %get3A_677 = arith.constant 0 : i32
        %get3A_678 = arith.index_cast %get3A_677 : i32 to index
        %get3A_679 = arith.index_cast %add3A_676 : i32 to index
        %get3A_680 = arith.constant 64 : index
        %get3A_681 = tpu.vector_load %arg12[%get3A_678, %get3A_679, %get3A_680] {strides = array<i32>} : memref<2x80x128xf32, #tpu.memory_space<vmem>>, vector<1x1x16xf32>,
        %get3A_682 = vector.shape_cast %get3A_681 : vector<1x1x16xf32> to vector<16xf32>
        %max3A_683 = arith.maximumf %scan3A_634, %get3A_682 : vector<16xf32>
        %add3A_684 = arith.constant 0 : i32
        %add3A_685 = arith.addi %mul3A_639, %add3A_684 : i32
        %get3A_686 = arith.constant 0 : i32
        %get3A_687 = arith.index_cast %get3A_686 : i32 to index
        %get3A_688 = arith.index_cast %add3A_685 : i32 to index
        %get3A_689 = arith.constant 80 : index
        %get3A_690 = tpu.vector_load %arg12[%get3A_687, %get3A_688, %get3A_689] {strides = array<i32>} : memref<2x80x128xf32, #tpu.memory_space<vmem>>, vector<1x1x16xf32>,
        %get3A_691 = vector.shape_cast %get3A_690 : vector<1x1x16xf32> to vector<16xf32>
        %max3A_692 = arith.maximumf %scan3A_635, %get3A_691 : vector<16xf32>
        %add3A_693 = arith.constant 0 : i32
        %add3A_694 = arith.addi %mul3A_639, %add3A_693 : i32
        %get3A_695 = arith.constant 0 : i32
        %get3A_696 = arith.index_cast %get3A_695 : i32 to index
        %get3A_697 = arith.index_cast %add3A_694 : i32 to index
        %get3A_698 = arith.constant 96 : index
        %get3A_699 = tpu.vector_load %arg12[%get3A_696, %get3A_697, %get3A_698] {strides = array<i32>} : memref<2x80x128xf32, #tpu.memory_space<vmem>>, vector<1x1x16xf32>,
        %get3A_700 = vector.shape_cast %get3A_699 : vector<1x1x16xf32> to vector<16xf32>
        %max3A_701 = arith.maximumf %scan3A_636, %get3A_700 : vector<16xf32>
        %add3A_702 = arith.constant 0 : i32
        %add3A_703 = arith.addi %mul3A_639, %add3A_702 : i32
        %get3A_704 = arith.constant 0 : i32
        %get3A_705 = arith.index_cast %get3A_704 : i32 to index
        %get3A_706 = arith.index_cast %add3A_703 : i32 to index
        %get3A_707 = arith.constant 112 : index
        %get3A_708 = tpu.vector_load %arg12[%get3A_705, %get3A_706, %get3A_707] {strides = array<i32>} : memref<2x80x128xf32, #tpu.memory_space<vmem>>, vector<1x1x16xf32>,
        %get3A_709 = vector.shape_cast %get3A_708 : vector<1x1x16xf32> to vector<16xf32>
        %max3A_710 = arith.maximumf %scan3A_637, %get3A_709 : vector<16xf32>
        %add3A_711 = arith.constant 1 : i32
        %add3A_712 = arith.addi %mul3A_639, %add3A_711 : i32
        %get3A_713 = arith.constant 0 : i32
        %get3A_714 = arith.index_cast %get3A_713 : i32 to index
        %get3A_715 = arith.index_cast %add3A_712 : i32 to index
        %get3A_716 = arith.constant 0 : index
        %get3A_717 = tpu.vector_load %arg12[%get3A_714, %get3A_715, %get3A_716] {strides = array<i32>} : memref<2x80x128xf32, #tpu.memory_space<vmem>>, vector<1x1x16xf32>,
        %get3A_718 = vector.shape_cast %get3A_717 : vector<1x1x16xf32> to vector<16xf32>
        %max3A_719 = arith.maximumf %max3A_647, %get3A_718 : vector<16xf32>
        %add3A_720 = arith.constant 1 : i32
        %add3A_721 = arith.addi %mul3A_639, %add3A_720 : i32
        %get3A_722 = arith.constant 0 : i32
        %get3A_723 = arith.index_cast %get3A_722 : i32 to index
        %get3A_724 = arith.index_cast %add3A_721 : i32 to index
        %get3A_725 = arith.constant 16 : index
        %get3A_726 = tpu.vector_load %arg12[%get3A_723, %get3A_724, %get3A_725] {strides = array<i32>} : memref<2x80x128xf32, #tpu.memory_space<vmem>>, vector<1x1x16xf32>,
        %get3A_727 = vector.shape_cast %get3A_726 : vector<1x1x16xf32> to vector<16xf32>
        %max3A_728 = arith.maximumf %max3A_656, %get3A_727 : vector<16xf32>
        %add3A_729 = arith.constant 1 : i32
        %add3A_730 = arith.addi %mul3A_639, %add3A_729 : i32
        %get3A_731 = arith.constant 0 : i32
        %get3A_732 = arith.index_cast %get3A_731 : i32 to index
        %get3A_733 = arith.index_cast %add3A_730 : i32 to index
        %get3A_734 = arith.constant 32 : index
        %get3A_735 = tpu.vector_load %arg12[%get3A_732, %get3A_733, %get3A_734] {strides = array<i32>} : memref<2x80x128xf32, #tpu.memory_space<vmem>>, vector<1x1x16xf32>,
        %get3A_736 = vector.shape_cast %get3A_735 : vector<1x1x16xf32> to vector<16xf32>
        %max3A_737 = arith.maximumf %max3A_665, %get3A_736 : vector<16xf32>
        %add3A_738 = arith.constant 1 : i32
        %add3A_739 = arith.addi %mul3A_639, %add3A_738 : i32
        %get3A_740 = arith.constant 0 : i32
        %get3A_741 = arith.index_cast %get3A_740 : i32 to index
        %get3A_742 = arith.index_cast %add3A_739 : i32 to index
        %get3A_743 = arith.constant 48 : index
        %get3A_744 = tpu.vector_load %arg12[%get3A_741, %get3A_742, %get3A_743] {strides = array<i32>} : memref<2x80x128xf32, #tpu.memory_space<vmem>>, vector<1x1x16xf32>,
        %get3A_745 = vector.shape_cast %get3A_744 : vector<1x1x16xf32> to vector<16xf32>
        %max3A_746 = arith.maximumf %max3A_674, %get3A_745 : vector<16xf32>
        %add3A_747 = arith.constant 1 : i32
        %add3A_748 = arith.addi %mul3A_639, %add3A_747 : i32
        %get3A_749 = arith.constant 0 : i32
        %get3A_750 = arith.index_cast %get3A_749 : i32 to index
        %get3A_751 = arith.index_cast %add3A_748 : i32 to index
        %get3A_752 = arith.constant 64 : index
        %get3A_753 = tpu.vector_load %arg12[%get3A_750, %get3A_751, %get3A_752] {strides = array<i32>} : memref<2x80x128xf32, #tpu.memory_space<vmem>>, vector<1x1x16xf32>,
        %get3A_754 = vector.shape_cast %get3A_753 : vector<1x1x16xf32> to vector<16xf32>
        %max3A_755 = arith.maximumf %max3A_683, %get3A_754 : vector<16xf32>
        %add3A_756 = arith.constant 1 : i32
        %add3A_757 = arith.addi %mul3A_639, %add3A_756 : i32
        %get3A_758 = arith.constant 0 : i32
        %get3A_759 = arith.index_cast %get3A_758 : i32 to index
        %get3A_760 = arith.index_cast %add3A_757 : i32 to index
        %get3A_761 = arith.constant 80 : index
        %get3A_762 = tpu.vector_load %arg12[%get3A_759, %get3A_760, %get3A_761] {strides = array<i32>} : memref<2x80x128xf32, #tpu.memory_space<vmem>>, vector<1x1x16xf32>,
        %get3A_763 = vector.shape_cast %get3A_762 : vector<1x1x16xf32> to vector<16xf32>
        %max3A_764 = arith.maximumf %max3A_692, %get3A_763 : vector<16xf32>
        %add3A_765 = arith.constant 1 : i32
        %add3A_766 = arith.addi %mul3A_639, %add3A_765 : i32
        %get3A_767 = arith.constant 0 : i32
        %get3A_768 = arith.index_cast %get3A_767 : i32 to index
        %get3A_769 = arith.index_cast %add3A_766 : i32 to index
        %get3A_770 = arith.constant 96 : index
        %get3A_771 = tpu.vector_load %arg12[%get3A_768, %get3A_769, %get3A_770] {strides = array<i32>} : memref<2x80x128xf32, #tpu.memory_space<vmem>>, vector<1x1x16xf32>,
        %get3A_772 = vector.shape_cast %get3A_771 : vector<1x1x16xf32> to vector<16xf32>
        %max3A_773 = arith.maximumf %max3A_701, %get3A_772 : vector<16xf32>
        %add3A_774 = arith.constant 1 : i32
        %add3A_775 = arith.addi %mul3A_639, %add3A_774 : i32
        %get3A_776 = arith.constant 0 : i32
        %get3A_777 = arith.index_cast %get3A_776 : i32 to index
        %get3A_778 = arith.index_cast %add3A_775 : i32 to index
        %get3A_779 = arith.constant 112 : index
        %get3A_780 = tpu.vector_load %arg12[%get3A_777, %get3A_778, %get3A_779] {strides = array<i32>} : memref<2x80x128xf32, #tpu.memory_space<vmem>>, vector<1x1x16xf32>,
        %get3A_781 = vector.shape_cast %get3A_780 : vector<1x1x16xf32> to vector<16xf32>
        %max3A_782 = arith.maximumf %max3A_710, %get3A_781 : vector<16xf32>
        %add3A_783 = arith.constant 2 : i32
        %add3A_784 = arith.addi %mul3A_639, %add3A_783 : i32
        %get3A_785 = arith.constant 0 : i32
        %get3A_786 = arith.index_cast %get3A_785 : i32 to index
        %get3A_787 = arith.index_cast %add3A_784 : i32 to index
        %get3A_788 = arith.constant 0 : index
        %get3A_789 = tpu.vector_load %arg12[%get3A_786, %get3A_787, %get3A_788] {strides = array<i32>} : memref<2x80x128xf32, #tpu.memory_space<vmem>>, vector<1x1x16xf32>,
        %get3A_790 = vector.shape_cast %get3A_789 : vector<1x1x16xf32> to vector<16xf32>
        %max3A_791 = arith.maximumf %max3A_719, %get3A_790 : vector<16xf32>
        %add3A_792 = arith.constant 2 : i32
        %add3A_793 = arith.addi %mul3A_639, %add3A_792 : i32
        %get3A_794 = arith.constant 0 : i32
        %get3A_795 = arith.index_cast %get3A_794 : i32 to index
        %get3A_796 = arith.index_cast %add3A_793 : i32 to index
        %get3A_797 = arith.constant 16 : index
        %get3A_798 = tpu.vector_load %arg12[%get3A_795, %get3A_796, %get3A_797] {strides = array<i32>} : memref<2x80x128xf32, #tpu.memory_space<vmem>>, vector<1x1x16xf32>,
        %get3A_799 = vector.shape_cast %get3A_798 : vector<1x1x16xf32> to vector<16xf32>
        %max3A_800 = arith.maximumf %max3A_728, %get3A_799 : vector<16xf32>
        %add3A_801 = arith.constant 2 : i32
        %add3A_802 = arith.addi %mul3A_639, %add3A_801 : i32
        %get3A_803 = arith.constant 0 : i32
        %get3A_804 = arith.index_cast %get3A_803 : i32 to index
        %get3A_805 = arith.index_cast %add3A_802 : i32 to index
        %get3A_806 = arith.constant 32 : index
        %get3A_807 = tpu.vector_load %arg12[%get3A_804, %get3A_805, %get3A_806] {strides = array<i32>} : memref<2x80x128xf32, #tpu.memory_space<vmem>>, vector<1x1x16xf32>,
        %get3A_808 = vector.shape_cast %get3A_807 : vector<1x1x16xf32> to vector<16xf32>
        %max3A_809 = arith.maximumf %max3A_737, %get3A_808 : vector<16xf32>
        %add3A_810 = arith.constant 2 : i32
        %add3A_811 = arith.addi %mul3A_639, %add3A_810 : i32
        %get3A_812 = arith.constant 0 : i32
        %get3A_813 = arith.index_cast %get3A_812 : i32 to index
        %get3A_814 = arith.index_cast %add3A_811 : i32 to index
        %get3A_815 = arith.constant 48 : index
        %get3A_816 = tpu.vector_load %arg12[%get3A_813, %get3A_814, %get3A_815] {strides = array<i32>} : memref<2x80x128xf32, #tpu.memory_space<vmem>>, vector<1x1x16xf32>,
        %get3A_817 = vector.shape_cast %get3A_816 : vector<1x1x16xf32> to vector<16xf32>
        %max3A_818 = arith.maximumf %max3A_746, %get3A_817 : vector<16xf32>
        %add3A_819 = arith.constant 2 : i32
        %add3A_820 = arith.addi %mul3A_639, %add3A_819 : i32
        %get3A_821 = arith.constant 0 : i32
        %get3A_822 = arith.index_cast %get3A_821 : i32 to index
        %get3A_823 = arith.index_cast %add3A_820 : i32 to index
        %get3A_824 = arith.constant 64 : index
        %get3A_825 = tpu.vector_load %arg12[%get3A_822, %get3A_823, %get3A_824] {strides = array<i32>} : memref<2x80x128xf32, #tpu.memory_space<vmem>>, vector<1x1x16xf32>,
        %get3A_826 = vector.shape_cast %get3A_825 : vector<1x1x16xf32> to vector<16xf32>
        %max3A_827 = arith.maximumf %max3A_755, %get3A_826 : vector<16xf32>
        %add3A_828 = arith.constant 2 : i32
        %add3A_829 = arith.addi %mul3A_639, %add3A_828 : i32
        %get3A_830 = arith.constant 0 : i32
        %get3A_831 = arith.index_cast %get3A_830 : i32 to index
        %get3A_832 = arith.index_cast %add3A_829 : i32 to index
        %get3A_833 = arith.constant 80 : index
        %get3A_834 = tpu.vector_load %arg12[%get3A_831, %get3A_832, %get3A_833] {strides = array<i32>} : memref<2x80x128xf32, #tpu.memory_space<vmem>>, vector<1x1x16xf32>,
        %get3A_835 = vector.shape_cast %get3A_834 : vector<1x1x16xf32> to vector<16xf32>
        %max3A_836 = arith.maximumf %max3A_764, %get3A_835 : vector<16xf32>
        %add3A_837 = arith.constant 2 : i32
        %add3A_838 = arith.addi %mul3A_639, %add3A_837 : i32
        %get3A_839 = arith.constant 0 : i32
        %get3A_840 = arith.index_cast %get3A_839 : i32 to index
        %get3A_841 = arith.index_cast %add3A_838 : i32 to index
        %get3A_842 = arith.constant 96 : index
        %get3A_843 = tpu.vector_load %arg12[%get3A_840, %get3A_841, %get3A_842] {strides = array<i32>} : memref<2x80x128xf32, #tpu.memory_space<vmem>>, vector<1x1x16xf32>,
        %get3A_844 = vector.shape_cast %get3A_843 : vector<1x1x16xf32> to vector<16xf32>
        %max3A_845 = arith.maximumf %max3A_773, %get3A_844 : vector<16xf32>
        %add3A_846 = arith.constant 2 : i32
        %add3A_847 = arith.addi %mul3A_639, %add3A_846 : i32
        %get3A_848 = arith.constant 0 : i32
        %get3A_849 = arith.index_cast %get3A_848 : i32 to index
        %get3A_850 = arith.index_cast %add3A_847 : i32 to index
        %get3A_851 = arith.constant 112 : index
        %get3A_852 = tpu.vector_load %arg12[%get3A_849, %get3A_850, %get3A_851] {strides = array<i32>} : memref<2x80x128xf32, #tpu.memory_space<vmem>>, vector<1x1x16xf32>,
        %get3A_853 = vector.shape_cast %get3A_852 : vector<1x1x16xf32> to vector<16xf32>
        %max3A_854 = arith.maximumf %max3A_782, %get3A_853 : vector<16xf32>
        %add3A_855 = arith.constant 3 : i32
        %add3A_856 = arith.addi %mul3A_639, %add3A_855 : i32
        %get3A_857 = arith.constant 0 : i32
        %get3A_858 = arith.index_cast %get3A_857 : i32 to index
        %get3A_859 = arith.index_cast %add3A_856 : i32 to index
        %get3A_860 = arith.constant 0 : index
        %get3A_861 = tpu.vector_load %arg12[%get3A_858, %get3A_859, %get3A_860] {strides = array<i32>} : memref<2x80x128xf32, #tpu.memory_space<vmem>>, vector<1x1x16xf32>,
        %get3A_862 = vector.shape_cast %get3A_861 : vector<1x1x16xf32> to vector<16xf32>
        %max3A_863 = arith.maximumf %max3A_791, %get3A_862 : vector<16xf32>
        %add3A_864 = arith.constant 3 : i32
        %add3A_865 = arith.addi %mul3A_639, %add3A_864 : i32
        %get3A_866 = arith.constant 0 : i32
        %get3A_867 = arith.index_cast %get3A_866 : i32 to index
        %get3A_868 = arith.index_cast %add3A_865 : i32 to index
        %get3A_869 = arith.constant 16 : index
        %get3A_870 = tpu.vector_load %arg12[%get3A_867, %get3A_868, %get3A_869] {strides = array<i32>} : memref<2x80x128xf32, #tpu.memory_space<vmem>>, vector<1x1x16xf32>,
        %get3A_871 = vector.shape_cast %get3A_870 : vector<1x1x16xf32> to vector<16xf32>
        %max3A_872 = arith.maximumf %max3A_800, %get3A_871 : vector<16xf32>
        %add3A_873 = arith.constant 3 : i32
        %add3A_874 = arith.addi %mul3A_639, %add3A_873 : i32
        %get3A_875 = arith.constant 0 : i32
        %get3A_876 = arith.index_cast %get3A_875 : i32 to index
        %get3A_877 = arith.index_cast %add3A_874 : i32 to index
        %get3A_878 = arith.constant 32 : index
        %get3A_879 = tpu.vector_load %arg12[%get3A_876, %get3A_877, %get3A_878] {strides = array<i32>} : memref<2x80x128xf32, #tpu.memory_space<vmem>>, vector<1x1x16xf32>,
        %get3A_880 = vector.shape_cast %get3A_879 : vector<1x1x16xf32> to vector<16xf32>
        %max3A_881 = arith.maximumf %max3A_809, %get3A_880 : vector<16xf32>
        %add3A_882 = arith.constant 3 : i32
        %add3A_883 = arith.addi %mul3A_639, %add3A_882 : i32
        %get3A_884 = arith.constant 0 : i32
        %get3A_885 = arith.index_cast %get3A_884 : i32 to index
        %get3A_886 = arith.index_cast %add3A_883 : i32 to index
        %get3A_887 = arith.constant 48 : index
        %get3A_888 = tpu.vector_load %arg12[%get3A_885, %get3A_886, %get3A_887] {strides = array<i32>} : memref<2x80x128xf32, #tpu.memory_space<vmem>>, vector<1x1x16xf32>,
        %get3A_889 = vector.shape_cast %get3A_888 : vector<1x1x16xf32> to vector<16xf32>
        %max3A_890 = arith.maximumf %max3A_818, %get3A_889 : vector<16xf32>
        %add3A_891 = arith.constant 3 : i32
        %add3A_892 = arith.addi %mul3A_639, %add3A_891 : i32
        %get3A_893 = arith.constant 0 : i32
        %get3A_894 = arith.index_cast %get3A_893 : i32 to index
        %get3A_895 = arith.index_cast %add3A_892 : i32 to index
        %get3A_896 = arith.constant 64 : index
        %get3A_897 = tpu.vector_load %arg12[%get3A_894, %get3A_895, %get3A_896] {strides = array<i32>} : memref<2x80x128xf32, #tpu.memory_space<vmem>>, vector<1x1x16xf32>,
        %get3A_898 = vector.shape_cast %get3A_897 : vector<1x1x16xf32> to vector<16xf32>
        %max3A_899 = arith.maximumf %max3A_827, %get3A_898 : vector<16xf32>
        %add3A_900 = arith.constant 3 : i32
        %add3A_901 = arith.addi %mul3A_639, %add3A_900 : i32
        %get3A_902 = arith.constant 0 : i32
        %get3A_903 = arith.index_cast %get3A_902 : i32 to index
        %get3A_904 = arith.index_cast %add3A_901 : i32 to index
        %get3A_905 = arith.constant 80 : index
        %get3A_906 = tpu.vector_load %arg12[%get3A_903, %get3A_904, %get3A_905] {strides = array<i32>} : memref<2x80x128xf32, #tpu.memory_space<vmem>>, vector<1x1x16xf32>,
        %get3A_907 = vector.shape_cast %get3A_906 : vector<1x1x16xf32> to vector<16xf32>
        %max3A_908 = arith.maximumf %max3A_836, %get3A_907 : vector<16xf32>
        %add3A_909 = arith.constant 3 : i32
        %add3A_910 = arith.addi %mul3A_639, %add3A_909 : i32
        %get3A_911 = arith.constant 0 : i32
        %get3A_912 = arith.index_cast %get3A_911 : i32 to index
        %get3A_913 = arith.index_cast %add3A_910 : i32 to index
        %get3A_914 = arith.constant 96 : index
        %get3A_915 = tpu.vector_load %arg12[%get3A_912, %get3A_913, %get3A_914] {strides = array<i32>} : memref<2x80x128xf32, #tpu.memory_space<vmem>>, vector<1x1x16xf32>,
        %get3A_916 = vector.shape_cast %get3A_915 : vector<1x1x16xf32> to vector<16xf32>
        %max3A_917 = arith.maximumf %max3A_845, %get3A_916 : vector<16xf32>
        %add3A_918 = arith.constant 3 : i32
        %add3A_919 = arith.addi %mul3A_639, %add3A_918 : i32
        %get3A_920 = arith.constant 0 : i32
        %get3A_921 = arith.index_cast %get3A_920 : i32 to index
        %get3A_922 = arith.index_cast %add3A_919 : i32 to index
        %get3A_923 = arith.constant 112 : index
        %get3A_924 = tpu.vector_load %arg12[%get3A_921, %get3A_922, %get3A_923] {strides = array<i32>} : memref<2x80x128xf32, #tpu.memory_space<vmem>>, vector<1x1x16xf32>,
        %get3A_925 = vector.shape_cast %get3A_924 : vector<1x1x16xf32> to vector<16xf32>
        %max3A_926 = arith.maximumf %max3A_854, %get3A_925 : vector<16xf32>
        scf.yield %max3A_863, %max3A_872, %max3A_881, %max3A_890, %max3A_899, %max3A_908, %max3A_917, %max3A_926 : vector<16xf32>, vector<16xf32>, vector<16xf32>, vector<16xf32>, vector<16xf32>, vector<16xf32>, vector<16xf32>, vector<16xf32>
      }
      %scan3A_362 = arith.constant 20 : i32
      %add3A_363 = arith.constant 240 : i32
      %add3A_364 = arith.addi %mul3A_0, %add3A_363 : i32
      %dma_wait3A_365 = arith.constant 1 : i32
      %dma_wait3A_366 = arith.constant 0 : i32
      %dma_wait3A_367 = arith.constant 0 : i32
      %dma_wait3A_368 = tpu.memref_slice %arg12[%dma_wait3A_365, %dma_wait3A_366, %dma_wait3A_367] : memref<2x80x128xf32, #tpu.memory_space<vmem>> -> memref<1x80x128xf32, #tpu.memory_space<vmem>>
      %dma_wait3A_369 = tpu.memref_squeeze %dma_wait3A_368 : memref<1x80x128xf32, #tpu.memory_space<vmem>> -> memref<80x128xf32, #tpu.memory_space<vmem>>
      %dma_wait3A_370 = arith.constant 0 : i32
      %dma_wait3A_371 = tpu.memref_slice %arg7[%add3A_364, %dma_wait3A_370] : memref<10256x128xf32, #tpu.memory_space<vmem_shared>> -> memref<80x128xf32, #tpu.memory_space<vmem_shared>>
      %dma_wait3A_372 = arith.constant 0 : i32
      %dma_wait3A_373 = arith.constant 0 : i32
      %dma_wait3A_374 = tpu.memref_slice %arg12[%dma_wait3A_365, %dma_wait3A_372, %dma_wait3A_373] : memref<2x80x128xf32, #tpu.memory_space<vmem>> -> memref<1x80x128xf32, #tpu.memory_space<vmem>>
      %dma_wait3A_375 = tpu.memref_squeeze %dma_wait3A_374 : memref<1x80x128xf32, #tpu.memory_space<vmem>> -> memref<80x128xf32, #tpu.memory_space<vmem>>
      %dma_wait3A_376 = arith.constant 0 : i32
      %dma_wait3A_377 = tpu.memref_slice %arg7[%add3A_364, %dma_wait3A_376] : memref<10256x128xf32, #tpu.memory_space<vmem_shared>> -> memref<80x128xf32, #tpu.memory_space<vmem_shared>>
      tpu.wait_dma2 semaphore(%arg19 : memref<!tpu.dma_semaphore, #tpu.memory_space<semaphore_mem>>) src(%dma_wait3A_377 : memref<80x128xf32, #tpu.memory_space<vmem_shared>>) dst(%dma_wait3A_375 : memref<80x128xf32, #tpu.memory_space<vmem>>)
      %add3A_378 = arith.constant 320 : i32
      %add3A_379 = arith.addi %mul3A_0, %add3A_378 : i32
      %dma_start3A_380 = arith.constant 0 : i32
      %dma_start3A_381 = arith.constant 0 : i32
      %dma_start3A_382 = arith.constant 0 : i32
      %dma_start3A_383 = tpu.memref_slice %arg12[%dma_start3A_380, %dma_start3A_381, %dma_start3A_382] : memref<2x80x128xf32, #tpu.memory_space<vmem>> -> memref<1x80x128xf32, #tpu.memory_space<vmem>>
      %dma_start3A_384 = tpu.memref_squeeze %dma_start3A_383 : memref<1x80x128xf32, #tpu.memory_space<vmem>> -> memref<80x128xf32, #tpu.memory_space<vmem>>
      %dma_start3A_385 = arith.constant 0 : i32
      %dma_start3A_386 = tpu.memref_slice %arg7[%add3A_379, %dma_start3A_385] : memref<10256x128xf32, #tpu.memory_space<vmem_shared>> -> memref<80x128xf32, #tpu.memory_space<vmem_shared>>
      %dma_start3A_387 = arith.constant 0 : i32
      %dma_start3A_388 = arith.constant 0 : i32
      %dma_start3A_389 = tpu.memref_slice %arg12[%dma_start3A_380, %dma_start3A_387, %dma_start3A_388] : memref<2x80x128xf32, #tpu.memory_space<vmem>> -> memref<1x80x128xf32, #tpu.memory_space<vmem>>
      %dma_start3A_390 = tpu.memref_squeeze %dma_start3A_389 : memref<1x80x128xf32, #tpu.memory_space<vmem>> -> memref<80x128xf32, #tpu.memory_space<vmem>>
      %dma_start3A_391 = arith.constant 0 : i32
      %dma_start3A_392 = tpu.memref_slice %arg7[%add3A_379, %dma_start3A_391] : memref<10256x128xf32, #tpu.memory_space<vmem_shared>> -> memref<80x128xf32, #tpu.memory_space<vmem_shared>>
      tpu.enqueue_dma source(%dma_start3A_392 : memref<80x128xf32, #tpu.memory_space<vmem_shared>>) target(%dma_start3A_390 : memref<80x128xf32, #tpu.memory_space<vmem>>) target_semaphore(%arg19 : memref<!tpu.dma_semaphore, #tpu.memory_space<semaphore_mem>>)
      %add3A_393 = arith.constant 1 : i32
      %add3A_394 = arith.addi %scan3A_19, %add3A_393 : i32
      %lt3A_395 = arith.constant 8 : i32
      %lt3A_396 = arith.cmpi slt, %add3A_394, %lt3A_395 : i32
      %convert_element_type3A_397 = arith.extui %lt3A_396 : i1 to i32
      %cond3A_398 = arith.constant 0 : i32
      %cond3A_399 = arith.cmpi ne, %convert_element_type3A_397, %cond3A_398 : i32
      scf.if %cond3A_399 {
        %add3A_629 = arith.constant 240 : i32
        %add3A_630 = arith.addi %mul3A_0, %add3A_629 : i32
        %add3A_631 = arith.constant 240 : i32
        %add3A_632 = arith.addi %mul3A_0, %add3A_631 : i32
        %dma_start3A_633 = arith.constant 0 : i32
        %dma_start3A_634 = tpu.memref_slice %arg7[%add3A_632, %dma_start3A_633] : memref<10256x128xf32, #tpu.memory_space<vmem_shared>> -> memref<80x128xf32, #tpu.memory_space<vmem_shared>>
        %dma_start3A_635 = arith.constant 0 : i32
        %dma_start3A_636 = tpu.memref_slice %arg2[%add3A_630, %dma_start3A_635] : memref<10240x128xf32, #tpu.memory_space<hbm>> -> memref<80x128xf32, #tpu.memory_space<hbm>>
        tpu.enqueue_dma source(%dma_start3A_636 : memref<80x128xf32, #tpu.memory_space<hbm>>) target(%dma_start3A_634 : memref<80x128xf32, #tpu.memory_space<vmem_shared>>) target_semaphore(%arg20 : memref<!tpu.dma_semaphore, #tpu.memory_space<semaphore_mem>>)
      } else {
      }
      %scan3A_400 = arith.constant 0 : i32
      %scan3A_401 = arith.constant 20 : i32
      %scan3A_402 = arith.addi %scan3A_400, %scan3A_401 : i32
      %scan3A_403 = arith.constant 1 : i32
      %scan3A_404:8 = scf.for %scan3A_629 = %scan3A_400 to %scan3A_402 step %scan3A_403 iter_args(%scan3A_630 = %scan3A_361#0, %scan3A_631 = %scan3A_361#1, %scan3A_632 = %scan3A_361#2, %scan3A_633 = %scan3A_361#3, %scan3A_634 = %scan3A_361#4, %scan3A_635 = %scan3A_361#5, %scan3A_636 = %scan3A_361#6, %scan3A_637 = %scan3A_361#7) -> (vector<16xf32>, vector<16xf32>, vector<16xf32>, vector<16xf32>, vector<16xf32>, vector<16xf32>, vector<16xf32>, vector<16xf32>)  : i32 {
        %mul3A_638 = arith.constant 4 : i32
        %mul3A_639 = arith.muli %scan3A_629, %mul3A_638 : i32
        %add3A_640 = arith.constant 0 : i32
        %add3A_641 = arith.addi %mul3A_639, %add3A_640 : i32
        %get3A = arith.constant 1 : i32
        %get3A_642 = arith.index_cast %get3A : i32 to index
        %get3A_643 = arith.index_cast %add3A_641 : i32 to index
        %get3A_644 = arith.constant 0 : index
        %get3A_645 = tpu.vector_load %arg12[%get3A_642, %get3A_643, %get3A_644] {strides = array<i32>} : memref<2x80x128xf32, #tpu.memory_space<vmem>>, vector<1x1x16xf32>,
        %get3A_646 = vector.shape_cast %get3A_645 : vector<1x1x16xf32> to vector<16xf32>
        %max3A_647 = arith.maximumf %scan3A_630, %get3A_646 : vector<16xf32>
        %add3A_648 = arith.constant 0 : i32
        %add3A_649 = arith.addi %mul3A_639, %add3A_648 : i32
        %get3A_650 = arith.constant 1 : i32
        %get3A_651 = arith.index_cast %get3A_650 : i32 to index
        %get3A_652 = arith.index_cast %add3A_649 : i32 to index
        %get3A_653 = arith.constant 16 : index
        %get3A_654 = tpu.vector_load %arg12[%get3A_651, %get3A_652, %get3A_653] {strides = array<i32>} : memref<2x80x128xf32, #tpu.memory_space<vmem>>, vector<1x1x16xf32>,
        %get3A_655 = vector.shape_cast %get3A_654 : vector<1x1x16xf32> to vector<16xf32>
        %max3A_656 = arith.maximumf %scan3A_631, %get3A_655 : vector<16xf32>
        %add3A_657 = arith.constant 0 : i32
        %add3A_658 = arith.addi %mul3A_639, %add3A_657 : i32
        %get3A_659 = arith.constant 1 : i32
        %get3A_660 = arith.index_cast %get3A_659 : i32 to index
        %get3A_661 = arith.index_cast %add3A_658 : i32 to index
        %get3A_662 = arith.constant 32 : index
        %get3A_663 = tpu.vector_load %arg12[%get3A_660, %get3A_661, %get3A_662] {strides = array<i32>} : memref<2x80x128xf32, #tpu.memory_space<vmem>>, vector<1x1x16xf32>,
        %get3A_664 = vector.shape_cast %get3A_663 : vector<1x1x16xf32> to vector<16xf32>
        %max3A_665 = arith.maximumf %scan3A_632, %get3A_664 : vector<16xf32>
        %add3A_666 = arith.constant 0 : i32
        %add3A_667 = arith.addi %mul3A_639, %add3A_666 : i32
        %get3A_668 = arith.constant 1 : i32
        %get3A_669 = arith.index_cast %get3A_668 : i32 to index
        %get3A_670 = arith.index_cast %add3A_667 : i32 to index
        %get3A_671 = arith.constant 48 : index
        %get3A_672 = tpu.vector_load %arg12[%get3A_669, %get3A_670, %get3A_671] {strides = array<i32>} : memref<2x80x128xf32, #tpu.memory_space<vmem>>, vector<1x1x16xf32>,
        %get3A_673 = vector.shape_cast %get3A_672 : vector<1x1x16xf32> to vector<16xf32>
        %max3A_674 = arith.maximumf %scan3A_633, %get3A_673 : vector<16xf32>
        %add3A_675 = arith.constant 0 : i32
        %add3A_676 = arith.addi %mul3A_639, %add3A_675 : i32
        %get3A_677 = arith.constant 1 : i32
        %get3A_678 = arith.index_cast %get3A_677 : i32 to index
        %get3A_679 = arith.index_cast %add3A_676 : i32 to index
        %get3A_680 = arith.constant 64 : index
        %get3A_681 = tpu.vector_load %arg12[%get3A_678, %get3A_679, %get3A_680] {strides = array<i32>} : memref<2x80x128xf32, #tpu.memory_space<vmem>>, vector<1x1x16xf32>,
        %get3A_682 = vector.shape_cast %get3A_681 : vector<1x1x16xf32> to vector<16xf32>
        %max3A_683 = arith.maximumf %scan3A_634, %get3A_682 : vector<16xf32>
        %add3A_684 = arith.constant 0 : i32
        %add3A_685 = arith.addi %mul3A_639, %add3A_684 : i32
        %get3A_686 = arith.constant 1 : i32
        %get3A_687 = arith.index_cast %get3A_686 : i32 to index
        %get3A_688 = arith.index_cast %add3A_685 : i32 to index
        %get3A_689 = arith.constant 80 : index
        %get3A_690 = tpu.vector_load %arg12[%get3A_687, %get3A_688, %get3A_689] {strides = array<i32>} : memref<2x80x128xf32, #tpu.memory_space<vmem>>, vector<1x1x16xf32>,
        %get3A_691 = vector.shape_cast %get3A_690 : vector<1x1x16xf32> to vector<16xf32>
        %max3A_692 = arith.maximumf %scan3A_635, %get3A_691 : vector<16xf32>
        %add3A_693 = arith.constant 0 : i32
        %add3A_694 = arith.addi %mul3A_639, %add3A_693 : i32
        %get3A_695 = arith.constant 1 : i32
        %get3A_696 = arith.index_cast %get3A_695 : i32 to index
        %get3A_697 = arith.index_cast %add3A_694 : i32 to index
        %get3A_698 = arith.constant 96 : index
        %get3A_699 = tpu.vector_load %arg12[%get3A_696, %get3A_697, %get3A_698] {strides = array<i32>} : memref<2x80x128xf32, #tpu.memory_space<vmem>>, vector<1x1x16xf32>,
        %get3A_700 = vector.shape_cast %get3A_699 : vector<1x1x16xf32> to vector<16xf32>
        %max3A_701 = arith.maximumf %scan3A_636, %get3A_700 : vector<16xf32>
        %add3A_702 = arith.constant 0 : i32
        %add3A_703 = arith.addi %mul3A_639, %add3A_702 : i32
        %get3A_704 = arith.constant 1 : i32
        %get3A_705 = arith.index_cast %get3A_704 : i32 to index
        %get3A_706 = arith.index_cast %add3A_703 : i32 to index
        %get3A_707 = arith.constant 112 : index
        %get3A_708 = tpu.vector_load %arg12[%get3A_705, %get3A_706, %get3A_707] {strides = array<i32>} : memref<2x80x128xf32, #tpu.memory_space<vmem>>, vector<1x1x16xf32>,
        %get3A_709 = vector.shape_cast %get3A_708 : vector<1x1x16xf32> to vector<16xf32>
        %max3A_710 = arith.maximumf %scan3A_637, %get3A_709 : vector<16xf32>
        %add3A_711 = arith.constant 1 : i32
        %add3A_712 = arith.addi %mul3A_639, %add3A_711 : i32
        %get3A_713 = arith.constant 1 : i32
        %get3A_714 = arith.index_cast %get3A_713 : i32 to index
        %get3A_715 = arith.index_cast %add3A_712 : i32 to index
        %get3A_716 = arith.constant 0 : index
        %get3A_717 = tpu.vector_load %arg12[%get3A_714, %get3A_715, %get3A_716] {strides = array<i32>} : memref<2x80x128xf32, #tpu.memory_space<vmem>>, vector<1x1x16xf32>,
        %get3A_718 = vector.shape_cast %get3A_717 : vector<1x1x16xf32> to vector<16xf32>
        %max3A_719 = arith.maximumf %max3A_647, %get3A_718 : vector<16xf32>
        %add3A_720 = arith.constant 1 : i32
        %add3A_721 = arith.addi %mul3A_639, %add3A_720 : i32
        %get3A_722 = arith.constant 1 : i32
        %get3A_723 = arith.index_cast %get3A_722 : i32 to index
        %get3A_724 = arith.index_cast %add3A_721 : i32 to index
        %get3A_725 = arith.constant 16 : index
        %get3A_726 = tpu.vector_load %arg12[%get3A_723, %get3A_724, %get3A_725] {strides = array<i32>} : memref<2x80x128xf32, #tpu.memory_space<vmem>>, vector<1x1x16xf32>,
        %get3A_727 = vector.shape_cast %get3A_726 : vector<1x1x16xf32> to vector<16xf32>
        %max3A_728 = arith.maximumf %max3A_656, %get3A_727 : vector<16xf32>
        %add3A_729 = arith.constant 1 : i32
        %add3A_730 = arith.addi %mul3A_639, %add3A_729 : i32
        %get3A_731 = arith.constant 1 : i32
        %get3A_732 = arith.index_cast %get3A_731 : i32 to index
        %get3A_733 = arith.index_cast %add3A_730 : i32 to index
        %get3A_734 = arith.constant 32 : index
        %get3A_735 = tpu.vector_load %arg12[%get3A_732, %get3A_733, %get3A_734] {strides = array<i32>} : memref<2x80x128xf32, #tpu.memory_space<vmem>>, vector<1x1x16xf32>,
        %get3A_736 = vector.shape_cast %get3A_735 : vector<1x1x16xf32> to vector<16xf32>
        %max3A_737 = arith.maximumf %max3A_665, %get3A_736 : vector<16xf32>
        %add3A_738 = arith.constant 1 : i32
        %add3A_739 = arith.addi %mul3A_639, %add3A_738 : i32
        %get3A_740 = arith.constant 1 : i32
        %get3A_741 = arith.index_cast %get3A_740 : i32 to index
        %get3A_742 = arith.index_cast %add3A_739 : i32 to index
        %get3A_743 = arith.constant 48 : index
        %get3A_744 = tpu.vector_load %arg12[%get3A_741, %get3A_742, %get3A_743] {strides = array<i32>} : memref<2x80x128xf32, #tpu.memory_space<vmem>>, vector<1x1x16xf32>,
        %get3A_745 = vector.shape_cast %get3A_744 : vector<1x1x16xf32> to vector<16xf32>
        %max3A_746 = arith.maximumf %max3A_674, %get3A_745 : vector<16xf32>
        %add3A_747 = arith.constant 1 : i32
        %add3A_748 = arith.addi %mul3A_639, %add3A_747 : i32
        %get3A_749 = arith.constant 1 : i32
        %get3A_750 = arith.index_cast %get3A_749 : i32 to index
        %get3A_751 = arith.index_cast %add3A_748 : i32 to index
        %get3A_752 = arith.constant 64 : index
        %get3A_753 = tpu.vector_load %arg12[%get3A_750, %get3A_751, %get3A_752] {strides = array<i32>} : memref<2x80x128xf32, #tpu.memory_space<vmem>>, vector<1x1x16xf32>,
        %get3A_754 = vector.shape_cast %get3A_753 : vector<1x1x16xf32> to vector<16xf32>
        %max3A_755 = arith.maximumf %max3A_683, %get3A_754 : vector<16xf32>
        %add3A_756 = arith.constant 1 : i32
        %add3A_757 = arith.addi %mul3A_639, %add3A_756 : i32
        %get3A_758 = arith.constant 1 : i32
        %get3A_759 = arith.index_cast %get3A_758 : i32 to index
        %get3A_760 = arith.index_cast %add3A_757 : i32 to index
        %get3A_761 = arith.constant 80 : index
        %get3A_762 = tpu.vector_load %arg12[%get3A_759, %get3A_760, %get3A_761] {strides = array<i32>} : memref<2x80x128xf32, #tpu.memory_space<vmem>>, vector<1x1x16xf32>,
        %get3A_763 = vector.shape_cast %get3A_762 : vector<1x1x16xf32> to vector<16xf32>
        %max3A_764 = arith.maximumf %max3A_692, %get3A_763 : vector<16xf32>
        %add3A_765 = arith.constant 1 : i32
        %add3A_766 = arith.addi %mul3A_639, %add3A_765 : i32
        %get3A_767 = arith.constant 1 : i32
        %get3A_768 = arith.index_cast %get3A_767 : i32 to index
        %get3A_769 = arith.index_cast %add3A_766 : i32 to index
        %get3A_770 = arith.constant 96 : index
        %get3A_771 = tpu.vector_load %arg12[%get3A_768, %get3A_769, %get3A_770] {strides = array<i32>} : memref<2x80x128xf32, #tpu.memory_space<vmem>>, vector<1x1x16xf32>,
        %get3A_772 = vector.shape_cast %get3A_771 : vector<1x1x16xf32> to vector<16xf32>
        %max3A_773 = arith.maximumf %max3A_701, %get3A_772 : vector<16xf32>
        %add3A_774 = arith.constant 1 : i32
        %add3A_775 = arith.addi %mul3A_639, %add3A_774 : i32
        %get3A_776 = arith.constant 1 : i32
        %get3A_777 = arith.index_cast %get3A_776 : i32 to index
        %get3A_778 = arith.index_cast %add3A_775 : i32 to index
        %get3A_779 = arith.constant 112 : index
        %get3A_780 = tpu.vector_load %arg12[%get3A_777, %get3A_778, %get3A_779] {strides = array<i32>} : memref<2x80x128xf32, #tpu.memory_space<vmem>>, vector<1x1x16xf32>,
        %get3A_781 = vector.shape_cast %get3A_780 : vector<1x1x16xf32> to vector<16xf32>
        %max3A_782 = arith.maximumf %max3A_710, %get3A_781 : vector<16xf32>
        %add3A_783 = arith.constant 2 : i32
        %add3A_784 = arith.addi %mul3A_639, %add3A_783 : i32
        %get3A_785 = arith.constant 1 : i32
        %get3A_786 = arith.index_cast %get3A_785 : i32 to index
        %get3A_787 = arith.index_cast %add3A_784 : i32 to index
        %get3A_788 = arith.constant 0 : index
        %get3A_789 = tpu.vector_load %arg12[%get3A_786, %get3A_787, %get3A_788] {strides = array<i32>} : memref<2x80x128xf32, #tpu.memory_space<vmem>>, vector<1x1x16xf32>,
        %get3A_790 = vector.shape_cast %get3A_789 : vector<1x1x16xf32> to vector<16xf32>
        %max3A_791 = arith.maximumf %max3A_719, %get3A_790 : vector<16xf32>
        %add3A_792 = arith.constant 2 : i32
        %add3A_793 = arith.addi %mul3A_639, %add3A_792 : i32
        %get3A_794 = arith.constant 1 : i32
        %get3A_795 = arith.index_cast %get3A_794 : i32 to index
        %get3A_796 = arith.index_cast %add3A_793 : i32 to index
        %get3A_797 = arith.constant 16 : index
        %get3A_798 = tpu.vector_load %arg12[%get3A_795, %get3A_796, %get3A_797] {strides = array<i32>} : memref<2x80x128xf32, #tpu.memory_space<vmem>>, vector<1x1x16xf32>,
        %get3A_799 = vector.shape_cast %get3A_798 : vector<1x1x16xf32> to vector<16xf32>
        %max3A_800 = arith.maximumf %max3A_728, %get3A_799 : vector<16xf32>
        %add3A_801 = arith.constant 2 : i32
        %add3A_802 = arith.addi %mul3A_639, %add3A_801 : i32
        %get3A_803 = arith.constant 1 : i32
        %get3A_804 = arith.index_cast %get3A_803 : i32 to index
        %get3A_805 = arith.index_cast %add3A_802 : i32 to index
        %get3A_806 = arith.constant 32 : index
        %get3A_807 = tpu.vector_load %arg12[%get3A_804, %get3A_805, %get3A_806] {strides = array<i32>} : memref<2x80x128xf32, #tpu.memory_space<vmem>>, vector<1x1x16xf32>,
        %get3A_808 = vector.shape_cast %get3A_807 : vector<1x1x16xf32> to vector<16xf32>
        %max3A_809 = arith.maximumf %max3A_737, %get3A_808 : vector<16xf32>
        %add3A_810 = arith.constant 2 : i32
        %add3A_811 = arith.addi %mul3A_639, %add3A_810 : i32
        %get3A_812 = arith.constant 1 : i32
        %get3A_813 = arith.index_cast %get3A_812 : i32 to index
        %get3A_814 = arith.index_cast %add3A_811 : i32 to index
        %get3A_815 = arith.constant 48 : index
        %get3A_816 = tpu.vector_load %arg12[%get3A_813, %get3A_814, %get3A_815] {strides = array<i32>} : memref<2x80x128xf32, #tpu.memory_space<vmem>>, vector<1x1x16xf32>,
        %get3A_817 = vector.shape_cast %get3A_816 : vector<1x1x16xf32> to vector<16xf32>
        %max3A_818 = arith.maximumf %max3A_746, %get3A_817 : vector<16xf32>
        %add3A_819 = arith.constant 2 : i32
        %add3A_820 = arith.addi %mul3A_639, %add3A_819 : i32
        %get3A_821 = arith.constant 1 : i32
        %get3A_822 = arith.index_cast %get3A_821 : i32 to index
        %get3A_823 = arith.index_cast %add3A_820 : i32 to index
        %get3A_824 = arith.constant 64 : index
        %get3A_825 = tpu.vector_load %arg12[%get3A_822, %get3A_823, %get3A_824] {strides = array<i32>} : memref<2x80x128xf32, #tpu.memory_space<vmem>>, vector<1x1x16xf32>,
        %get3A_826 = vector.shape_cast %get3A_825 : vector<1x1x16xf32> to vector<16xf32>
        %max3A_827 = arith.maximumf %max3A_755, %get3A_826 : vector<16xf32>
        %add3A_828 = arith.constant 2 : i32
        %add3A_829 = arith.addi %mul3A_639, %add3A_828 : i32
        %get3A_830 = arith.constant 1 : i32
        %get3A_831 = arith.index_cast %get3A_830 : i32 to index
        %get3A_832 = arith.index_cast %add3A_829 : i32 to index
        %get3A_833 = arith.constant 80 : index
        %get3A_834 = tpu.vector_load %arg12[%get3A_831, %get3A_832, %get3A_833] {strides = array<i32>} : memref<2x80x128xf32, #tpu.memory_space<vmem>>, vector<1x1x16xf32>,
        %get3A_835 = vector.shape_cast %get3A_834 : vector<1x1x16xf32> to vector<16xf32>
        %max3A_836 = arith.maximumf %max3A_764, %get3A_835 : vector<16xf32>
        %add3A_837 = arith.constant 2 : i32
        %add3A_838 = arith.addi %mul3A_639, %add3A_837 : i32
        %get3A_839 = arith.constant 1 : i32
        %get3A_840 = arith.index_cast %get3A_839 : i32 to index
        %get3A_841 = arith.index_cast %add3A_838 : i32 to index
        %get3A_842 = arith.constant 96 : index
        %get3A_843 = tpu.vector_load %arg12[%get3A_840, %get3A_841, %get3A_842] {strides = array<i32>} : memref<2x80x128xf32, #tpu.memory_space<vmem>>, vector<1x1x16xf32>,
        %get3A_844 = vector.shape_cast %get3A_843 : vector<1x1x16xf32> to vector<16xf32>
        %max3A_845 = arith.maximumf %max3A_773, %get3A_844 : vector<16xf32>
        %add3A_846 = arith.constant 2 : i32
        %add3A_847 = arith.addi %mul3A_639, %add3A_846 : i32
        %get3A_848 = arith.constant 1 : i32
        %get3A_849 = arith.index_cast %get3A_848 : i32 to index
        %get3A_850 = arith.index_cast %add3A_847 : i32 to index
        %get3A_851 = arith.constant 112 : index
        %get3A_852 = tpu.vector_load %arg12[%get3A_849, %get3A_850, %get3A_851] {strides = array<i32>} : memref<2x80x128xf32, #tpu.memory_space<vmem>>, vector<1x1x16xf32>,
        %get3A_853 = vector.shape_cast %get3A_852 : vector<1x1x16xf32> to vector<16xf32>
        %max3A_854 = arith.maximumf %max3A_782, %get3A_853 : vector<16xf32>
        %add3A_855 = arith.constant 3 : i32
        %add3A_856 = arith.addi %mul3A_639, %add3A_855 : i32
        %get3A_857 = arith.constant 1 : i32
        %get3A_858 = arith.index_cast %get3A_857 : i32 to index
        %get3A_859 = arith.index_cast %add3A_856 : i32 to index
        %get3A_860 = arith.constant 0 : index
        %get3A_861 = tpu.vector_load %arg12[%get3A_858, %get3A_859, %get3A_860] {strides = array<i32>} : memref<2x80x128xf32, #tpu.memory_space<vmem>>, vector<1x1x16xf32>,
        %get3A_862 = vector.shape_cast %get3A_861 : vector<1x1x16xf32> to vector<16xf32>
        %max3A_863 = arith.maximumf %max3A_791, %get3A_862 : vector<16xf32>
        %add3A_864 = arith.constant 3 : i32
        %add3A_865 = arith.addi %mul3A_639, %add3A_864 : i32
        %get3A_866 = arith.constant 1 : i32
        %get3A_867 = arith.index_cast %get3A_866 : i32 to index
        %get3A_868 = arith.index_cast %add3A_865 : i32 to index
        %get3A_869 = arith.constant 16 : index
        %get3A_870 = tpu.vector_load %arg12[%get3A_867, %get3A_868, %get3A_869] {strides = array<i32>} : memref<2x80x128xf32, #tpu.memory_space<vmem>>, vector<1x1x16xf32>,
        %get3A_871 = vector.shape_cast %get3A_870 : vector<1x1x16xf32> to vector<16xf32>
        %max3A_872 = arith.maximumf %max3A_800, %get3A_871 : vector<16xf32>
        %add3A_873 = arith.constant 3 : i32
        %add3A_874 = arith.addi %mul3A_639, %add3A_873 : i32
        %get3A_875 = arith.constant 1 : i32
        %get3A_876 = arith.index_cast %get3A_875 : i32 to index
        %get3A_877 = arith.index_cast %add3A_874 : i32 to index
        %get3A_878 = arith.constant 32 : index
        %get3A_879 = tpu.vector_load %arg12[%get3A_876, %get3A_877, %get3A_878] {strides = array<i32>} : memref<2x80x128xf32, #tpu.memory_space<vmem>>, vector<1x1x16xf32>,
        %get3A_880 = vector.shape_cast %get3A_879 : vector<1x1x16xf32> to vector<16xf32>
        %max3A_881 = arith.maximumf %max3A_809, %get3A_880 : vector<16xf32>
        %add3A_882 = arith.constant 3 : i32
        %add3A_883 = arith.addi %mul3A_639, %add3A_882 : i32
        %get3A_884 = arith.constant 1 : i32
        %get3A_885 = arith.index_cast %get3A_884 : i32 to index
        %get3A_886 = arith.index_cast %add3A_883 : i32 to index
        %get3A_887 = arith.constant 48 : index
        %get3A_888 = tpu.vector_load %arg12[%get3A_885, %get3A_886, %get3A_887] {strides = array<i32>} : memref<2x80x128xf32, #tpu.memory_space<vmem>>, vector<1x1x16xf32>,
        %get3A_889 = vector.shape_cast %get3A_888 : vector<1x1x16xf32> to vector<16xf32>
        %max3A_890 = arith.maximumf %max3A_818, %get3A_889 : vector<16xf32>
        %add3A_891 = arith.constant 3 : i32
        %add3A_892 = arith.addi %mul3A_639, %add3A_891 : i32
        %get3A_893 = arith.constant 1 : i32
        %get3A_894 = arith.index_cast %get3A_893 : i32 to index
        %get3A_895 = arith.index_cast %add3A_892 : i32 to index
        %get3A_896 = arith.constant 64 : index
        %get3A_897 = tpu.vector_load %arg12[%get3A_894, %get3A_895, %get3A_896] {strides = array<i32>} : memref<2x80x128xf32, #tpu.memory_space<vmem>>, vector<1x1x16xf32>,
        %get3A_898 = vector.shape_cast %get3A_897 : vector<1x1x16xf32> to vector<16xf32>
        %max3A_899 = arith.maximumf %max3A_827, %get3A_898 : vector<16xf32>
        %add3A_900 = arith.constant 3 : i32
        %add3A_901 = arith.addi %mul3A_639, %add3A_900 : i32
        %get3A_902 = arith.constant 1 : i32
        %get3A_903 = arith.index_cast %get3A_902 : i32 to index
        %get3A_904 = arith.index_cast %add3A_901 : i32 to index
        %get3A_905 = arith.constant 80 : index
        %get3A_906 = tpu.vector_load %arg12[%get3A_903, %get3A_904, %get3A_905] {strides = array<i32>} : memref<2x80x128xf32, #tpu.memory_space<vmem>>, vector<1x1x16xf32>,
        %get3A_907 = vector.shape_cast %get3A_906 : vector<1x1x16xf32> to vector<16xf32>
        %max3A_908 = arith.maximumf %max3A_836, %get3A_907 : vector<16xf32>
        %add3A_909 = arith.constant 3 : i32
        %add3A_910 = arith.addi %mul3A_639, %add3A_909 : i32
        %get3A_911 = arith.constant 1 : i32
        %get3A_912 = arith.index_cast %get3A_911 : i32 to index
        %get3A_913 = arith.index_cast %add3A_910 : i32 to index
        %get3A_914 = arith.constant 96 : index
        %get3A_915 = tpu.vector_load %arg12[%get3A_912, %get3A_913, %get3A_914] {strides = array<i32>} : memref<2x80x128xf32, #tpu.memory_space<vmem>>, vector<1x1x16xf32>,
        %get3A_916 = vector.shape_cast %get3A_915 : vector<1x1x16xf32> to vector<16xf32>
        %max3A_917 = arith.maximumf %max3A_845, %get3A_916 : vector<16xf32>
        %add3A_918 = arith.constant 3 : i32
        %add3A_919 = arith.addi %mul3A_639, %add3A_918 : i32
        %get3A_920 = arith.constant 1 : i32
        %get3A_921 = arith.index_cast %get3A_920 : i32 to index
        %get3A_922 = arith.index_cast %add3A_919 : i32 to index
        %get3A_923 = arith.constant 112 : index
        %get3A_924 = tpu.vector_load %arg12[%get3A_921, %get3A_922, %get3A_923] {strides = array<i32>} : memref<2x80x128xf32, #tpu.memory_space<vmem>>, vector<1x1x16xf32>,
        %get3A_925 = vector.shape_cast %get3A_924 : vector<1x1x16xf32> to vector<16xf32>
        %max3A_926 = arith.maximumf %max3A_854, %get3A_925 : vector<16xf32>
        scf.yield %max3A_863, %max3A_872, %max3A_881, %max3A_890, %max3A_899, %max3A_908, %max3A_917, %max3A_926 : vector<16xf32>, vector<16xf32>, vector<16xf32>, vector<16xf32>, vector<16xf32>, vector<16xf32>, vector<16xf32>, vector<16xf32>
      }
      %scan3A_405 = arith.constant 20 : i32
      %add3A_406 = arith.constant 320 : i32
      %add3A_407 = arith.addi %mul3A_0, %add3A_406 : i32
      %dma_wait3A_408 = arith.constant 0 : i32
      %dma_wait3A_409 = arith.constant 0 : i32
      %dma_wait3A_410 = arith.constant 0 : i32
      %dma_wait3A_411 = tpu.memref_slice %arg12[%dma_wait3A_408, %dma_wait3A_409, %dma_wait3A_410] : memref<2x80x128xf32, #tpu.memory_space<vmem>> -> memref<1x80x128xf32, #tpu.memory_space<vmem>>
      %dma_wait3A_412 = tpu.memref_squeeze %dma_wait3A_411 : memref<1x80x128xf32, #tpu.memory_space<vmem>> -> memref<80x128xf32, #tpu.memory_space<vmem>>
      %dma_wait3A_413 = arith.constant 0 : i32
      %dma_wait3A_414 = tpu.memref_slice %arg7[%add3A_407, %dma_wait3A_413] : memref<10256x128xf32, #tpu.memory_space<vmem_shared>> -> memref<80x128xf32, #tpu.memory_space<vmem_shared>>
      %dma_wait3A_415 = arith.constant 0 : i32
      %dma_wait3A_416 = arith.constant 0 : i32
      %dma_wait3A_417 = tpu.memref_slice %arg12[%dma_wait3A_408, %dma_wait3A_415, %dma_wait3A_416] : memref<2x80x128xf32, #tpu.memory_space<vmem>> -> memref<1x80x128xf32, #tpu.memory_space<vmem>>
      %dma_wait3A_418 = tpu.memref_squeeze %dma_wait3A_417 : memref<1x80x128xf32, #tpu.memory_space<vmem>> -> memref<80x128xf32, #tpu.memory_space<vmem>>
      %dma_wait3A_419 = arith.constant 0 : i32
      %dma_wait3A_420 = tpu.memref_slice %arg7[%add3A_407, %dma_wait3A_419] : memref<10256x128xf32, #tpu.memory_space<vmem_shared>> -> memref<80x128xf32, #tpu.memory_space<vmem_shared>>
      tpu.wait_dma2 semaphore(%arg19 : memref<!tpu.dma_semaphore, #tpu.memory_space<semaphore_mem>>) src(%dma_wait3A_420 : memref<80x128xf32, #tpu.memory_space<vmem_shared>>) dst(%dma_wait3A_418 : memref<80x128xf32, #tpu.memory_space<vmem>>)
      %add3A_421 = arith.constant 400 : i32
      %add3A_422 = arith.addi %mul3A_0, %add3A_421 : i32
      %dma_start3A_423 = arith.constant 1 : i32
      %dma_start3A_424 = arith.constant 0 : i32
      %dma_start3A_425 = arith.constant 0 : i32
      %dma_start3A_426 = tpu.memref_slice %arg12[%dma_start3A_423, %dma_start3A_424, %dma_start3A_425] : memref<2x80x128xf32, #tpu.memory_space<vmem>> -> memref<1x80x128xf32, #tpu.memory_space<vmem>>
      %dma_start3A_427 = tpu.memref_squeeze %dma_start3A_426 : memref<1x80x128xf32, #tpu.memory_space<vmem>> -> memref<80x128xf32, #tpu.memory_space<vmem>>
      %dma_start3A_428 = arith.constant 0 : i32
      %dma_start3A_429 = tpu.memref_slice %arg7[%add3A_422, %dma_start3A_428] : memref<10256x128xf32, #tpu.memory_space<vmem_shared>> -> memref<80x128xf32, #tpu.memory_space<vmem_shared>>
      %dma_start3A_430 = arith.constant 0 : i32
      %dma_start3A_431 = arith.constant 0 : i32
      %dma_start3A_432 = tpu.memref_slice %arg12[%dma_start3A_423, %dma_start3A_430, %dma_start3A_431] : memref<2x80x128xf32, #tpu.memory_space<vmem>> -> memref<1x80x128xf32, #tpu.memory_space<vmem>>
      %dma_start3A_433 = tpu.memref_squeeze %dma_start3A_432 : memref<1x80x128xf32, #tpu.memory_space<vmem>> -> memref<80x128xf32, #tpu.memory_space<vmem>>
      %dma_start3A_434 = arith.constant 0 : i32
      %dma_start3A_435 = tpu.memref_slice %arg7[%add3A_422, %dma_start3A_434] : memref<10256x128xf32, #tpu.memory_space<vmem_shared>> -> memref<80x128xf32, #tpu.memory_space<vmem_shared>>
      tpu.enqueue_dma source(%dma_start3A_435 : memref<80x128xf32, #tpu.memory_space<vmem_shared>>) target(%dma_start3A_433 : memref<80x128xf32, #tpu.memory_space<vmem>>) target_semaphore(%arg19 : memref<!tpu.dma_semaphore, #tpu.memory_space<semaphore_mem>>)
      %add3A_436 = arith.constant 1 : i32
      %add3A_437 = arith.addi %scan3A_19, %add3A_436 : i32
      %lt3A_438 = arith.constant 8 : i32
      %lt3A_439 = arith.cmpi slt, %add3A_437, %lt3A_438 : i32
      %convert_element_type3A_440 = arith.extui %lt3A_439 : i1 to i32
      %cond3A_441 = arith.constant 0 : i32
      %cond3A_442 = arith.cmpi ne, %convert_element_type3A_440, %cond3A_441 : i32
      scf.if %cond3A_442 {
        %add3A_629 = arith.constant 320 : i32
        %add3A_630 = arith.addi %mul3A_0, %add3A_629 : i32
        %add3A_631 = arith.constant 320 : i32
        %add3A_632 = arith.addi %mul3A_0, %add3A_631 : i32
        %dma_start3A_633 = arith.constant 0 : i32
        %dma_start3A_634 = tpu.memref_slice %arg7[%add3A_632, %dma_start3A_633] : memref<10256x128xf32, #tpu.memory_space<vmem_shared>> -> memref<80x128xf32, #tpu.memory_space<vmem_shared>>
        %dma_start3A_635 = arith.constant 0 : i32
        %dma_start3A_636 = tpu.memref_slice %arg2[%add3A_630, %dma_start3A_635] : memref<10240x128xf32, #tpu.memory_space<hbm>> -> memref<80x128xf32, #tpu.memory_space<hbm>>
        tpu.enqueue_dma source(%dma_start3A_636 : memref<80x128xf32, #tpu.memory_space<hbm>>) target(%dma_start3A_634 : memref<80x128xf32, #tpu.memory_space<vmem_shared>>) target_semaphore(%arg20 : memref<!tpu.dma_semaphore, #tpu.memory_space<semaphore_mem>>)
      } else {
      }
      %scan3A_443 = arith.constant 0 : i32
      %scan3A_444 = arith.constant 20 : i32
      %scan3A_445 = arith.addi %scan3A_443, %scan3A_444 : i32
      %scan3A_446 = arith.constant 1 : i32
      %scan3A_447:8 = scf.for %scan3A_629 = %scan3A_443 to %scan3A_445 step %scan3A_446 iter_args(%scan3A_630 = %scan3A_404#0, %scan3A_631 = %scan3A_404#1, %scan3A_632 = %scan3A_404#2, %scan3A_633 = %scan3A_404#3, %scan3A_634 = %scan3A_404#4, %scan3A_635 = %scan3A_404#5, %scan3A_636 = %scan3A_404#6, %scan3A_637 = %scan3A_404#7) -> (vector<16xf32>, vector<16xf32>, vector<16xf32>, vector<16xf32>, vector<16xf32>, vector<16xf32>, vector<16xf32>, vector<16xf32>)  : i32 {
        %mul3A_638 = arith.constant 4 : i32
        %mul3A_639 = arith.muli %scan3A_629, %mul3A_638 : i32
        %add3A_640 = arith.constant 0 : i32
        %add3A_641 = arith.addi %mul3A_639, %add3A_640 : i32
        %get3A = arith.constant 0 : i32
        %get3A_642 = arith.index_cast %get3A : i32 to index
        %get3A_643 = arith.index_cast %add3A_641 : i32 to index
        %get3A_644 = arith.constant 0 : index
        %get3A_645 = tpu.vector_load %arg12[%get3A_642, %get3A_643, %get3A_644] {strides = array<i32>} : memref<2x80x128xf32, #tpu.memory_space<vmem>>, vector<1x1x16xf32>,
        %get3A_646 = vector.shape_cast %get3A_645 : vector<1x1x16xf32> to vector<16xf32>
        %max3A_647 = arith.maximumf %scan3A_630, %get3A_646 : vector<16xf32>
        %add3A_648 = arith.constant 0 : i32
        %add3A_649 = arith.addi %mul3A_639, %add3A_648 : i32
        %get3A_650 = arith.constant 0 : i32
        %get3A_651 = arith.index_cast %get3A_650 : i32 to index
        %get3A_652 = arith.index_cast %add3A_649 : i32 to index
        %get3A_653 = arith.constant 16 : index
        %get3A_654 = tpu.vector_load %arg12[%get3A_651, %get3A_652, %get3A_653] {strides = array<i32>} : memref<2x80x128xf32, #tpu.memory_space<vmem>>, vector<1x1x16xf32>,
        %get3A_655 = vector.shape_cast %get3A_654 : vector<1x1x16xf32> to vector<16xf32>
        %max3A_656 = arith.maximumf %scan3A_631, %get3A_655 : vector<16xf32>
        %add3A_657 = arith.constant 0 : i32
        %add3A_658 = arith.addi %mul3A_639, %add3A_657 : i32
        %get3A_659 = arith.constant 0 : i32
        %get3A_660 = arith.index_cast %get3A_659 : i32 to index
        %get3A_661 = arith.index_cast %add3A_658 : i32 to index
        %get3A_662 = arith.constant 32 : index
        %get3A_663 = tpu.vector_load %arg12[%get3A_660, %get3A_661, %get3A_662] {strides = array<i32>} : memref<2x80x128xf32, #tpu.memory_space<vmem>>, vector<1x1x16xf32>,
        %get3A_664 = vector.shape_cast %get3A_663 : vector<1x1x16xf32> to vector<16xf32>
        %max3A_665 = arith.maximumf %scan3A_632, %get3A_664 : vector<16xf32>
        %add3A_666 = arith.constant 0 : i32
        %add3A_667 = arith.addi %mul3A_639, %add3A_666 : i32
        %get3A_668 = arith.constant 0 : i32
        %get3A_669 = arith.index_cast %get3A_668 : i32 to index
        %get3A_670 = arith.index_cast %add3A_667 : i32 to index
        %get3A_671 = arith.constant 48 : index
        %get3A_672 = tpu.vector_load %arg12[%get3A_669, %get3A_670, %get3A_671] {strides = array<i32>} : memref<2x80x128xf32, #tpu.memory_space<vmem>>, vector<1x1x16xf32>,
        %get3A_673 = vector.shape_cast %get3A_672 : vector<1x1x16xf32> to vector<16xf32>
        %max3A_674 = arith.maximumf %scan3A_633, %get3A_673 : vector<16xf32>
        %add3A_675 = arith.constant 0 : i32
        %add3A_676 = arith.addi %mul3A_639, %add3A_675 : i32
        %get3A_677 = arith.constant 0 : i32
        %get3A_678 = arith.index_cast %get3A_677 : i32 to index
        %get3A_679 = arith.index_cast %add3A_676 : i32 to index
        %get3A_680 = arith.constant 64 : index
        %get3A_681 = tpu.vector_load %arg12[%get3A_678, %get3A_679, %get3A_680] {strides = array<i32>} : memref<2x80x128xf32, #tpu.memory_space<vmem>>, vector<1x1x16xf32>,
        %get3A_682 = vector.shape_cast %get3A_681 : vector<1x1x16xf32> to vector<16xf32>
        %max3A_683 = arith.maximumf %scan3A_634, %get3A_682 : vector<16xf32>
        %add3A_684 = arith.constant 0 : i32
        %add3A_685 = arith.addi %mul3A_639, %add3A_684 : i32
        %get3A_686 = arith.constant 0 : i32
        %get3A_687 = arith.index_cast %get3A_686 : i32 to index
        %get3A_688 = arith.index_cast %add3A_685 : i32 to index
        %get3A_689 = arith.constant 80 : index
        %get3A_690 = tpu.vector_load %arg12[%get3A_687, %get3A_688, %get3A_689] {strides = array<i32>} : memref<2x80x128xf32, #tpu.memory_space<vmem>>, vector<1x1x16xf32>,
        %get3A_691 = vector.shape_cast %get3A_690 : vector<1x1x16xf32> to vector<16xf32>
        %max3A_692 = arith.maximumf %scan3A_635, %get3A_691 : vector<16xf32>
        %add3A_693 = arith.constant 0 : i32
        %add3A_694 = arith.addi %mul3A_639, %add3A_693 : i32
        %get3A_695 = arith.constant 0 : i32
        %get3A_696 = arith.index_cast %get3A_695 : i32 to index
        %get3A_697 = arith.index_cast %add3A_694 : i32 to index
        %get3A_698 = arith.constant 96 : index
        %get3A_699 = tpu.vector_load %arg12[%get3A_696, %get3A_697, %get3A_698] {strides = array<i32>} : memref<2x80x128xf32, #tpu.memory_space<vmem>>, vector<1x1x16xf32>,
        %get3A_700 = vector.shape_cast %get3A_699 : vector<1x1x16xf32> to vector<16xf32>
        %max3A_701 = arith.maximumf %scan3A_636, %get3A_700 : vector<16xf32>
        %add3A_702 = arith.constant 0 : i32
        %add3A_703 = arith.addi %mul3A_639, %add3A_702 : i32
        %get3A_704 = arith.constant 0 : i32
        %get3A_705 = arith.index_cast %get3A_704 : i32 to index
        %get3A_706 = arith.index_cast %add3A_703 : i32 to index
        %get3A_707 = arith.constant 112 : index
        %get3A_708 = tpu.vector_load %arg12[%get3A_705, %get3A_706, %get3A_707] {strides = array<i32>} : memref<2x80x128xf32, #tpu.memory_space<vmem>>, vector<1x1x16xf32>,
        %get3A_709 = vector.shape_cast %get3A_708 : vector<1x1x16xf32> to vector<16xf32>
        %max3A_710 = arith.maximumf %scan3A_637, %get3A_709 : vector<16xf32>
        %add3A_711 = arith.constant 1 : i32
        %add3A_712 = arith.addi %mul3A_639, %add3A_711 : i32
        %get3A_713 = arith.constant 0 : i32
        %get3A_714 = arith.index_cast %get3A_713 : i32 to index
        %get3A_715 = arith.index_cast %add3A_712 : i32 to index
        %get3A_716 = arith.constant 0 : index
        %get3A_717 = tpu.vector_load %arg12[%get3A_714, %get3A_715, %get3A_716] {strides = array<i32>} : memref<2x80x128xf32, #tpu.memory_space<vmem>>, vector<1x1x16xf32>,
        %get3A_718 = vector.shape_cast %get3A_717 : vector<1x1x16xf32> to vector<16xf32>
        %max3A_719 = arith.maximumf %max3A_647, %get3A_718 : vector<16xf32>
        %add3A_720 = arith.constant 1 : i32
        %add3A_721 = arith.addi %mul3A_639, %add3A_720 : i32
        %get3A_722 = arith.constant 0 : i32
        %get3A_723 = arith.index_cast %get3A_722 : i32 to index
        %get3A_724 = arith.index_cast %add3A_721 : i32 to index
        %get3A_725 = arith.constant 16 : index
        %get3A_726 = tpu.vector_load %arg12[%get3A_723, %get3A_724, %get3A_725] {strides = array<i32>} : memref<2x80x128xf32, #tpu.memory_space<vmem>>, vector<1x1x16xf32>,
        %get3A_727 = vector.shape_cast %get3A_726 : vector<1x1x16xf32> to vector<16xf32>
        %max3A_728 = arith.maximumf %max3A_656, %get3A_727 : vector<16xf32>
        %add3A_729 = arith.constant 1 : i32
        %add3A_730 = arith.addi %mul3A_639, %add3A_729 : i32
        %get3A_731 = arith.constant 0 : i32
        %get3A_732 = arith.index_cast %get3A_731 : i32 to index
        %get3A_733 = arith.index_cast %add3A_730 : i32 to index
        %get3A_734 = arith.constant 32 : index
        %get3A_735 = tpu.vector_load %arg12[%get3A_732, %get3A_733, %get3A_734] {strides = array<i32>} : memref<2x80x128xf32, #tpu.memory_space<vmem>>, vector<1x1x16xf32>,
        %get3A_736 = vector.shape_cast %get3A_735 : vector<1x1x16xf32> to vector<16xf32>
        %max3A_737 = arith.maximumf %max3A_665, %get3A_736 : vector<16xf32>
        %add3A_738 = arith.constant 1 : i32
        %add3A_739 = arith.addi %mul3A_639, %add3A_738 : i32
        %get3A_740 = arith.constant 0 : i32
        %get3A_741 = arith.index_cast %get3A_740 : i32 to index
        %get3A_742 = arith.index_cast %add3A_739 : i32 to index
        %get3A_743 = arith.constant 48 : index
        %get3A_744 = tpu.vector_load %arg12[%get3A_741, %get3A_742, %get3A_743] {strides = array<i32>} : memref<2x80x128xf32, #tpu.memory_space<vmem>>, vector<1x1x16xf32>,
        %get3A_745 = vector.shape_cast %get3A_744 : vector<1x1x16xf32> to vector<16xf32>
        %max3A_746 = arith.maximumf %max3A_674, %get3A_745 : vector<16xf32>
        %add3A_747 = arith.constant 1 : i32
        %add3A_748 = arith.addi %mul3A_639, %add3A_747 : i32
        %get3A_749 = arith.constant 0 : i32
        %get3A_750 = arith.index_cast %get3A_749 : i32 to index
        %get3A_751 = arith.index_cast %add3A_748 : i32 to index
        %get3A_752 = arith.constant 64 : index
        %get3A_753 = tpu.vector_load %arg12[%get3A_750, %get3A_751, %get3A_752] {strides = array<i32>} : memref<2x80x128xf32, #tpu.memory_space<vmem>>, vector<1x1x16xf32>,
        %get3A_754 = vector.shape_cast %get3A_753 : vector<1x1x16xf32> to vector<16xf32>
        %max3A_755 = arith.maximumf %max3A_683, %get3A_754 : vector<16xf32>
        %add3A_756 = arith.constant 1 : i32
        %add3A_757 = arith.addi %mul3A_639, %add3A_756 : i32
        %get3A_758 = arith.constant 0 : i32
        %get3A_759 = arith.index_cast %get3A_758 : i32 to index
        %get3A_760 = arith.index_cast %add3A_757 : i32 to index
        %get3A_761 = arith.constant 80 : index
        %get3A_762 = tpu.vector_load %arg12[%get3A_759, %get3A_760, %get3A_761] {strides = array<i32>} : memref<2x80x128xf32, #tpu.memory_space<vmem>>, vector<1x1x16xf32>,
        %get3A_763 = vector.shape_cast %get3A_762 : vector<1x1x16xf32> to vector<16xf32>
        %max3A_764 = arith.maximumf %max3A_692, %get3A_763 : vector<16xf32>
        %add3A_765 = arith.constant 1 : i32
        %add3A_766 = arith.addi %mul3A_639, %add3A_765 : i32
        %get3A_767 = arith.constant 0 : i32
        %get3A_768 = arith.index_cast %get3A_767 : i32 to index
        %get3A_769 = arith.index_cast %add3A_766 : i32 to index
        %get3A_770 = arith.constant 96 : index
        %get3A_771 = tpu.vector_load %arg12[%get3A_768, %get3A_769, %get3A_770] {strides = array<i32>} : memref<2x80x128xf32, #tpu.memory_space<vmem>>, vector<1x1x16xf32>,
        %get3A_772 = vector.shape_cast %get3A_771 : vector<1x1x16xf32> to vector<16xf32>
        %max3A_773 = arith.maximumf %max3A_701, %get3A_772 : vector<16xf32>
        %add3A_774 = arith.constant 1 : i32
        %add3A_775 = arith.addi %mul3A_639, %add3A_774 : i32
        %get3A_776 = arith.constant 0 : i32
        %get3A_777 = arith.index_cast %get3A_776 : i32 to index
        %get3A_778 = arith.index_cast %add3A_775 : i32 to index
        %get3A_779 = arith.constant 112 : index
        %get3A_780 = tpu.vector_load %arg12[%get3A_777, %get3A_778, %get3A_779] {strides = array<i32>} : memref<2x80x128xf32, #tpu.memory_space<vmem>>, vector<1x1x16xf32>,
        %get3A_781 = vector.shape_cast %get3A_780 : vector<1x1x16xf32> to vector<16xf32>
        %max3A_782 = arith.maximumf %max3A_710, %get3A_781 : vector<16xf32>
        %add3A_783 = arith.constant 2 : i32
        %add3A_784 = arith.addi %mul3A_639, %add3A_783 : i32
        %get3A_785 = arith.constant 0 : i32
        %get3A_786 = arith.index_cast %get3A_785 : i32 to index
        %get3A_787 = arith.index_cast %add3A_784 : i32 to index
        %get3A_788 = arith.constant 0 : index
        %get3A_789 = tpu.vector_load %arg12[%get3A_786, %get3A_787, %get3A_788] {strides = array<i32>} : memref<2x80x128xf32, #tpu.memory_space<vmem>>, vector<1x1x16xf32>,
        %get3A_790 = vector.shape_cast %get3A_789 : vector<1x1x16xf32> to vector<16xf32>
        %max3A_791 = arith.maximumf %max3A_719, %get3A_790 : vector<16xf32>
        %add3A_792 = arith.constant 2 : i32
        %add3A_793 = arith.addi %mul3A_639, %add3A_792 : i32
        %get3A_794 = arith.constant 0 : i32
        %get3A_795 = arith.index_cast %get3A_794 : i32 to index
        %get3A_796 = arith.index_cast %add3A_793 : i32 to index
        %get3A_797 = arith.constant 16 : index
        %get3A_798 = tpu.vector_load %arg12[%get3A_795, %get3A_796, %get3A_797] {strides = array<i32>} : memref<2x80x128xf32, #tpu.memory_space<vmem>>, vector<1x1x16xf32>,
        %get3A_799 = vector.shape_cast %get3A_798 : vector<1x1x16xf32> to vector<16xf32>
        %max3A_800 = arith.maximumf %max3A_728, %get3A_799 : vector<16xf32>
        %add3A_801 = arith.constant 2 : i32
        %add3A_802 = arith.addi %mul3A_639, %add3A_801 : i32
        %get3A_803 = arith.constant 0 : i32
        %get3A_804 = arith.index_cast %get3A_803 : i32 to index
        %get3A_805 = arith.index_cast %add3A_802 : i32 to index
        %get3A_806 = arith.constant 32 : index
        %get3A_807 = tpu.vector_load %arg12[%get3A_804, %get3A_805, %get3A_806] {strides = array<i32>} : memref<2x80x128xf32, #tpu.memory_space<vmem>>, vector<1x1x16xf32>,
        %get3A_808 = vector.shape_cast %get3A_807 : vector<1x1x16xf32> to vector<16xf32>
        %max3A_809 = arith.maximumf %max3A_737, %get3A_808 : vector<16xf32>
        %add3A_810 = arith.constant 2 : i32
        %add3A_811 = arith.addi %mul3A_639, %add3A_810 : i32
        %get3A_812 = arith.constant 0 : i32
        %get3A_813 = arith.index_cast %get3A_812 : i32 to index
        %get3A_814 = arith.index_cast %add3A_811 : i32 to index
        %get3A_815 = arith.constant 48 : index
        %get3A_816 = tpu.vector_load %arg12[%get3A_813, %get3A_814, %get3A_815] {strides = array<i32>} : memref<2x80x128xf32, #tpu.memory_space<vmem>>, vector<1x1x16xf32>,
        %get3A_817 = vector.shape_cast %get3A_816 : vector<1x1x16xf32> to vector<16xf32>
        %max3A_818 = arith.maximumf %max3A_746, %get3A_817 : vector<16xf32>
        %add3A_819 = arith.constant 2 : i32
        %add3A_820 = arith.addi %mul3A_639, %add3A_819 : i32
        %get3A_821 = arith.constant 0 : i32
        %get3A_822 = arith.index_cast %get3A_821 : i32 to index
        %get3A_823 = arith.index_cast %add3A_820 : i32 to index
        %get3A_824 = arith.constant 64 : index
        %get3A_825 = tpu.vector_load %arg12[%get3A_822, %get3A_823, %get3A_824] {strides = array<i32>} : memref<2x80x128xf32, #tpu.memory_space<vmem>>, vector<1x1x16xf32>,
        %get3A_826 = vector.shape_cast %get3A_825 : vector<1x1x16xf32> to vector<16xf32>
        %max3A_827 = arith.maximumf %max3A_755, %get3A_826 : vector<16xf32>
        %add3A_828 = arith.constant 2 : i32
        %add3A_829 = arith.addi %mul3A_639, %add3A_828 : i32
        %get3A_830 = arith.constant 0 : i32
        %get3A_831 = arith.index_cast %get3A_830 : i32 to index
        %get3A_832 = arith.index_cast %add3A_829 : i32 to index
        %get3A_833 = arith.constant 80 : index
        %get3A_834 = tpu.vector_load %arg12[%get3A_831, %get3A_832, %get3A_833] {strides = array<i32>} : memref<2x80x128xf32, #tpu.memory_space<vmem>>, vector<1x1x16xf32>,
        %get3A_835 = vector.shape_cast %get3A_834 : vector<1x1x16xf32> to vector<16xf32>
        %max3A_836 = arith.maximumf %max3A_764, %get3A_835 : vector<16xf32>
        %add3A_837 = arith.constant 2 : i32
        %add3A_838 = arith.addi %mul3A_639, %add3A_837 : i32
        %get3A_839 = arith.constant 0 : i32
        %get3A_840 = arith.index_cast %get3A_839 : i32 to index
        %get3A_841 = arith.index_cast %add3A_838 : i32 to index
        %get3A_842 = arith.constant 96 : index
        %get3A_843 = tpu.vector_load %arg12[%get3A_840, %get3A_841, %get3A_842] {strides = array<i32>} : memref<2x80x128xf32, #tpu.memory_space<vmem>>, vector<1x1x16xf32>,
        %get3A_844 = vector.shape_cast %get3A_843 : vector<1x1x16xf32> to vector<16xf32>
        %max3A_845 = arith.maximumf %max3A_773, %get3A_844 : vector<16xf32>
        %add3A_846 = arith.constant 2 : i32
        %add3A_847 = arith.addi %mul3A_639, %add3A_846 : i32
        %get3A_848 = arith.constant 0 : i32
        %get3A_849 = arith.index_cast %get3A_848 : i32 to index
        %get3A_850 = arith.index_cast %add3A_847 : i32 to index
        %get3A_851 = arith.constant 112 : index
        %get3A_852 = tpu.vector_load %arg12[%get3A_849, %get3A_850, %get3A_851] {strides = array<i32>} : memref<2x80x128xf32, #tpu.memory_space<vmem>>, vector<1x1x16xf32>,
        %get3A_853 = vector.shape_cast %get3A_852 : vector<1x1x16xf32> to vector<16xf32>
        %max3A_854 = arith.maximumf %max3A_782, %get3A_853 : vector<16xf32>
        %add3A_855 = arith.constant 3 : i32
        %add3A_856 = arith.addi %mul3A_639, %add3A_855 : i32
        %get3A_857 = arith.constant 0 : i32
        %get3A_858 = arith.index_cast %get3A_857 : i32 to index
        %get3A_859 = arith.index_cast %add3A_856 : i32 to index
        %get3A_860 = arith.constant 0 : index
        %get3A_861 = tpu.vector_load %arg12[%get3A_858, %get3A_859, %get3A_860] {strides = array<i32>} : memref<2x80x128xf32, #tpu.memory_space<vmem>>, vector<1x1x16xf32>,
        %get3A_862 = vector.shape_cast %get3A_861 : vector<1x1x16xf32> to vector<16xf32>
        %max3A_863 = arith.maximumf %max3A_791, %get3A_862 : vector<16xf32>
        %add3A_864 = arith.constant 3 : i32
        %add3A_865 = arith.addi %mul3A_639, %add3A_864 : i32
        %get3A_866 = arith.constant 0 : i32
        %get3A_867 = arith.index_cast %get3A_866 : i32 to index
        %get3A_868 = arith.index_cast %add3A_865 : i32 to index
        %get3A_869 = arith.constant 16 : index
        %get3A_870 = tpu.vector_load %arg12[%get3A_867, %get3A_868, %get3A_869] {strides = array<i32>} : memref<2x80x128xf32, #tpu.memory_space<vmem>>, vector<1x1x16xf32>,
        %get3A_871 = vector.shape_cast %get3A_870 : vector<1x1x16xf32> to vector<16xf32>
        %max3A_872 = arith.maximumf %max3A_800, %get3A_871 : vector<16xf32>
        %add3A_873 = arith.constant 3 : i32
        %add3A_874 = arith.addi %mul3A_639, %add3A_873 : i32
        %get3A_875 = arith.constant 0 : i32
        %get3A_876 = arith.index_cast %get3A_875 : i32 to index
        %get3A_877 = arith.index_cast %add3A_874 : i32 to index
        %get3A_878 = arith.constant 32 : index
        %get3A_879 = tpu.vector_load %arg12[%get3A_876, %get3A_877, %get3A_878] {strides = array<i32>} : memref<2x80x128xf32, #tpu.memory_space<vmem>>, vector<1x1x16xf32>,
        %get3A_880 = vector.shape_cast %get3A_879 : vector<1x1x16xf32> to vector<16xf32>
        %max3A_881 = arith.maximumf %max3A_809, %get3A_880 : vector<16xf32>
        %add3A_882 = arith.constant 3 : i32
        %add3A_883 = arith.addi %mul3A_639, %add3A_882 : i32
        %get3A_884 = arith.constant 0 : i32
        %get3A_885 = arith.index_cast %get3A_884 : i32 to index
        %get3A_886 = arith.index_cast %add3A_883 : i32 to index
        %get3A_887 = arith.constant 48 : index
        %get3A_888 = tpu.vector_load %arg12[%get3A_885, %get3A_886, %get3A_887] {strides = array<i32>} : memref<2x80x128xf32, #tpu.memory_space<vmem>>, vector<1x1x16xf32>,
        %get3A_889 = vector.shape_cast %get3A_888 : vector<1x1x16xf32> to vector<16xf32>
        %max3A_890 = arith.maximumf %max3A_818, %get3A_889 : vector<16xf32>
        %add3A_891 = arith.constant 3 : i32
        %add3A_892 = arith.addi %mul3A_639, %add3A_891 : i32
        %get3A_893 = arith.constant 0 : i32
        %get3A_894 = arith.index_cast %get3A_893 : i32 to index
        %get3A_895 = arith.index_cast %add3A_892 : i32 to index
        %get3A_896 = arith.constant 64 : index
        %get3A_897 = tpu.vector_load %arg12[%get3A_894, %get3A_895, %get3A_896] {strides = array<i32>} : memref<2x80x128xf32, #tpu.memory_space<vmem>>, vector<1x1x16xf32>,
        %get3A_898 = vector.shape_cast %get3A_897 : vector<1x1x16xf32> to vector<16xf32>
        %max3A_899 = arith.maximumf %max3A_827, %get3A_898 : vector<16xf32>
        %add3A_900 = arith.constant 3 : i32
        %add3A_901 = arith.addi %mul3A_639, %add3A_900 : i32
        %get3A_902 = arith.constant 0 : i32
        %get3A_903 = arith.index_cast %get3A_902 : i32 to index
        %get3A_904 = arith.index_cast %add3A_901 : i32 to index
        %get3A_905 = arith.constant 80 : index
        %get3A_906 = tpu.vector_load %arg12[%get3A_903, %get3A_904, %get3A_905] {strides = array<i32>} : memref<2x80x128xf32, #tpu.memory_space<vmem>>, vector<1x1x16xf32>,
        %get3A_907 = vector.shape_cast %get3A_906 : vector<1x1x16xf32> to vector<16xf32>
        %max3A_908 = arith.maximumf %max3A_836, %get3A_907 : vector<16xf32>
        %add3A_909 = arith.constant 3 : i32
        %add3A_910 = arith.addi %mul3A_639, %add3A_909 : i32
        %get3A_911 = arith.constant 0 : i32
        %get3A_912 = arith.index_cast %get3A_911 : i32 to index
        %get3A_913 = arith.index_cast %add3A_910 : i32 to index
        %get3A_914 = arith.constant 96 : index
        %get3A_915 = tpu.vector_load %arg12[%get3A_912, %get3A_913, %get3A_914] {strides = array<i32>} : memref<2x80x128xf32, #tpu.memory_space<vmem>>, vector<1x1x16xf32>,
        %get3A_916 = vector.shape_cast %get3A_915 : vector<1x1x16xf32> to vector<16xf32>
        %max3A_917 = arith.maximumf %max3A_845, %get3A_916 : vector<16xf32>
        %add3A_918 = arith.constant 3 : i32
        %add3A_919 = arith.addi %mul3A_639, %add3A_918 : i32
        %get3A_920 = arith.constant 0 : i32
        %get3A_921 = arith.index_cast %get3A_920 : i32 to index
        %get3A_922 = arith.index_cast %add3A_919 : i32 to index
        %get3A_923 = arith.constant 112 : index
        %get3A_924 = tpu.vector_load %arg12[%get3A_921, %get3A_922, %get3A_923] {strides = array<i32>} : memref<2x80x128xf32, #tpu.memory_space<vmem>>, vector<1x1x16xf32>,
        %get3A_925 = vector.shape_cast %get3A_924 : vector<1x1x16xf32> to vector<16xf32>
        %max3A_926 = arith.maximumf %max3A_854, %get3A_925 : vector<16xf32>
        scf.yield %max3A_863, %max3A_872, %max3A_881, %max3A_890, %max3A_899, %max3A_908, %max3A_917, %max3A_926 : vector<16xf32>, vector<16xf32>, vector<16xf32>, vector<16xf32>, vector<16xf32>, vector<16xf32>, vector<16xf32>, vector<16xf32>
      }
      %scan3A_448 = arith.constant 20 : i32
      %add3A_449 = arith.constant 400 : i32
      %add3A_450 = arith.addi %mul3A_0, %add3A_449 : i32
      %dma_wait3A_451 = arith.constant 1 : i32
      %dma_wait3A_452 = arith.constant 0 : i32
      %dma_wait3A_453 = arith.constant 0 : i32
      %dma_wait3A_454 = tpu.memref_slice %arg12[%dma_wait3A_451, %dma_wait3A_452, %dma_wait3A_453] : memref<2x80x128xf32, #tpu.memory_space<vmem>> -> memref<1x80x128xf32, #tpu.memory_space<vmem>>
      %dma_wait3A_455 = tpu.memref_squeeze %dma_wait3A_454 : memref<1x80x128xf32, #tpu.memory_space<vmem>> -> memref<80x128xf32, #tpu.memory_space<vmem>>
      %dma_wait3A_456 = arith.constant 0 : i32
      %dma_wait3A_457 = tpu.memref_slice %arg7[%add3A_450, %dma_wait3A_456] : memref<10256x128xf32, #tpu.memory_space<vmem_shared>> -> memref<80x128xf32, #tpu.memory_space<vmem_shared>>
      %dma_wait3A_458 = arith.constant 0 : i32
      %dma_wait3A_459 = arith.constant 0 : i32
      %dma_wait3A_460 = tpu.memref_slice %arg12[%dma_wait3A_451, %dma_wait3A_458, %dma_wait3A_459] : memref<2x80x128xf32, #tpu.memory_space<vmem>> -> memref<1x80x128xf32, #tpu.memory_space<vmem>>
      %dma_wait3A_461 = tpu.memref_squeeze %dma_wait3A_460 : memref<1x80x128xf32, #tpu.memory_space<vmem>> -> memref<80x128xf32, #tpu.memory_space<vmem>>
      %dma_wait3A_462 = arith.constant 0 : i32
      %dma_wait3A_463 = tpu.memref_slice %arg7[%add3A_450, %dma_wait3A_462] : memref<10256x128xf32, #tpu.memory_space<vmem_shared>> -> memref<80x128xf32, #tpu.memory_space<vmem_shared>>
      tpu.wait_dma2 semaphore(%arg19 : memref<!tpu.dma_semaphore, #tpu.memory_space<semaphore_mem>>) src(%dma_wait3A_463 : memref<80x128xf32, #tpu.memory_space<vmem_shared>>) dst(%dma_wait3A_461 : memref<80x128xf32, #tpu.memory_space<vmem>>)
      %add3A_464 = arith.constant 480 : i32
      %add3A_465 = arith.addi %mul3A_0, %add3A_464 : i32
      %dma_start3A_466 = arith.constant 0 : i32
      %dma_start3A_467 = arith.constant 0 : i32
      %dma_start3A_468 = arith.constant 0 : i32
      %dma_start3A_469 = tpu.memref_slice %arg12[%dma_start3A_466, %dma_start3A_467, %dma_start3A_468] : memref<2x80x128xf32, #tpu.memory_space<vmem>> -> memref<1x80x128xf32, #tpu.memory_space<vmem>>
      %dma_start3A_470 = tpu.memref_squeeze %dma_start3A_469 : memref<1x80x128xf32, #tpu.memory_space<vmem>> -> memref<80x128xf32, #tpu.memory_space<vmem>>
      %dma_start3A_471 = arith.constant 0 : i32
      %dma_start3A_472 = tpu.memref_slice %arg7[%add3A_465, %dma_start3A_471] : memref<10256x128xf32, #tpu.memory_space<vmem_shared>> -> memref<80x128xf32, #tpu.memory_space<vmem_shared>>
      %dma_start3A_473 = arith.constant 0 : i32
      %dma_start3A_474 = arith.constant 0 : i32
      %dma_start3A_475 = tpu.memref_slice %arg12[%dma_start3A_466, %dma_start3A_473, %dma_start3A_474] : memref<2x80x128xf32, #tpu.memory_space<vmem>> -> memref<1x80x128xf32, #tpu.memory_space<vmem>>
      %dma_start3A_476 = tpu.memref_squeeze %dma_start3A_475 : memref<1x80x128xf32, #tpu.memory_space<vmem>> -> memref<80x128xf32, #tpu.memory_space<vmem>>
      %dma_start3A_477 = arith.constant 0 : i32
      %dma_start3A_478 = tpu.memref_slice %arg7[%add3A_465, %dma_start3A_477] : memref<10256x128xf32, #tpu.memory_space<vmem_shared>> -> memref<80x128xf32, #tpu.memory_space<vmem_shared>>
      tpu.enqueue_dma source(%dma_start3A_478 : memref<80x128xf32, #tpu.memory_space<vmem_shared>>) target(%dma_start3A_476 : memref<80x128xf32, #tpu.memory_space<vmem>>) target_semaphore(%arg19 : memref<!tpu.dma_semaphore, #tpu.memory_space<semaphore_mem>>)
      %add3A_479 = arith.constant 1 : i32
      %add3A_480 = arith.addi %scan3A_19, %add3A_479 : i32
      %lt3A_481 = arith.constant 8 : i32
      %lt3A_482 = arith.cmpi slt, %add3A_480, %lt3A_481 : i32
      %convert_element_type3A_483 = arith.extui %lt3A_482 : i1 to i32
      %cond3A_484 = arith.constant 0 : i32
      %cond3A_485 = arith.cmpi ne, %convert_element_type3A_483, %cond3A_484 : i32
      scf.if %cond3A_485 {
        %add3A_629 = arith.constant 400 : i32
        %add3A_630 = arith.addi %mul3A_0, %add3A_629 : i32
        %add3A_631 = arith.constant 400 : i32
        %add3A_632 = arith.addi %mul3A_0, %add3A_631 : i32
        %dma_start3A_633 = arith.constant 0 : i32
        %dma_start3A_634 = tpu.memref_slice %arg7[%add3A_632, %dma_start3A_633] : memref<10256x128xf32, #tpu.memory_space<vmem_shared>> -> memref<80x128xf32, #tpu.memory_space<vmem_shared>>
        %dma_start3A_635 = arith.constant 0 : i32
        %dma_start3A_636 = tpu.memref_slice %arg2[%add3A_630, %dma_start3A_635] : memref<10240x128xf32, #tpu.memory_space<hbm>> -> memref<80x128xf32, #tpu.memory_space<hbm>>
        tpu.enqueue_dma source(%dma_start3A_636 : memref<80x128xf32, #tpu.memory_space<hbm>>) target(%dma_start3A_634 : memref<80x128xf32, #tpu.memory_space<vmem_shared>>) target_semaphore(%arg20 : memref<!tpu.dma_semaphore, #tpu.memory_space<semaphore_mem>>)
      } else {
      }
      %scan3A_486 = arith.constant 0 : i32
      %scan3A_487 = arith.constant 20 : i32
      %scan3A_488 = arith.addi %scan3A_486, %scan3A_487 : i32
      %scan3A_489 = arith.constant 1 : i32
      %scan3A_490:8 = scf.for %scan3A_629 = %scan3A_486 to %scan3A_488 step %scan3A_489 iter_args(%scan3A_630 = %scan3A_447#0, %scan3A_631 = %scan3A_447#1, %scan3A_632 = %scan3A_447#2, %scan3A_633 = %scan3A_447#3, %scan3A_634 = %scan3A_447#4, %scan3A_635 = %scan3A_447#5, %scan3A_636 = %scan3A_447#6, %scan3A_637 = %scan3A_447#7) -> (vector<16xf32>, vector<16xf32>, vector<16xf32>, vector<16xf32>, vector<16xf32>, vector<16xf32>, vector<16xf32>, vector<16xf32>)  : i32 {
        %mul3A_638 = arith.constant 4 : i32
        %mul3A_639 = arith.muli %scan3A_629, %mul3A_638 : i32
        %add3A_640 = arith.constant 0 : i32
        %add3A_641 = arith.addi %mul3A_639, %add3A_640 : i32
        %get3A = arith.constant 1 : i32
        %get3A_642 = arith.index_cast %get3A : i32 to index
        %get3A_643 = arith.index_cast %add3A_641 : i32 to index
        %get3A_644 = arith.constant 0 : index
        %get3A_645 = tpu.vector_load %arg12[%get3A_642, %get3A_643, %get3A_644] {strides = array<i32>} : memref<2x80x128xf32, #tpu.memory_space<vmem>>, vector<1x1x16xf32>,
        %get3A_646 = vector.shape_cast %get3A_645 : vector<1x1x16xf32> to vector<16xf32>
        %max3A_647 = arith.maximumf %scan3A_630, %get3A_646 : vector<16xf32>
        %add3A_648 = arith.constant 0 : i32
        %add3A_649 = arith.addi %mul3A_639, %add3A_648 : i32
        %get3A_650 = arith.constant 1 : i32
        %get3A_651 = arith.index_cast %get3A_650 : i32 to index
        %get3A_652 = arith.index_cast %add3A_649 : i32 to index
        %get3A_653 = arith.constant 16 : index
        %get3A_654 = tpu.vector_load %arg12[%get3A_651, %get3A_652, %get3A_653] {strides = array<i32>} : memref<2x80x128xf32, #tpu.memory_space<vmem>>, vector<1x1x16xf32>,
        %get3A_655 = vector.shape_cast %get3A_654 : vector<1x1x16xf32> to vector<16xf32>
        %max3A_656 = arith.maximumf %scan3A_631, %get3A_655 : vector<16xf32>
        %add3A_657 = arith.constant 0 : i32
        %add3A_658 = arith.addi %mul3A_639, %add3A_657 : i32
        %get3A_659 = arith.constant 1 : i32
        %get3A_660 = arith.index_cast %get3A_659 : i32 to index
        %get3A_661 = arith.index_cast %add3A_658 : i32 to index
        %get3A_662 = arith.constant 32 : index
        %get3A_663 = tpu.vector_load %arg12[%get3A_660, %get3A_661, %get3A_662] {strides = array<i32>} : memref<2x80x128xf32, #tpu.memory_space<vmem>>, vector<1x1x16xf32>,
        %get3A_664 = vector.shape_cast %get3A_663 : vector<1x1x16xf32> to vector<16xf32>
        %max3A_665 = arith.maximumf %scan3A_632, %get3A_664 : vector<16xf32>
        %add3A_666 = arith.constant 0 : i32
        %add3A_667 = arith.addi %mul3A_639, %add3A_666 : i32
        %get3A_668 = arith.constant 1 : i32
        %get3A_669 = arith.index_cast %get3A_668 : i32 to index
        %get3A_670 = arith.index_cast %add3A_667 : i32 to index
        %get3A_671 = arith.constant 48 : index
        %get3A_672 = tpu.vector_load %arg12[%get3A_669, %get3A_670, %get3A_671] {strides = array<i32>} : memref<2x80x128xf32, #tpu.memory_space<vmem>>, vector<1x1x16xf32>,
        %get3A_673 = vector.shape_cast %get3A_672 : vector<1x1x16xf32> to vector<16xf32>
        %max3A_674 = arith.maximumf %scan3A_633, %get3A_673 : vector<16xf32>
        %add3A_675 = arith.constant 0 : i32
        %add3A_676 = arith.addi %mul3A_639, %add3A_675 : i32
        %get3A_677 = arith.constant 1 : i32
        %get3A_678 = arith.index_cast %get3A_677 : i32 to index
        %get3A_679 = arith.index_cast %add3A_676 : i32 to index
        %get3A_680 = arith.constant 64 : index
        %get3A_681 = tpu.vector_load %arg12[%get3A_678, %get3A_679, %get3A_680] {strides = array<i32>} : memref<2x80x128xf32, #tpu.memory_space<vmem>>, vector<1x1x16xf32>,
        %get3A_682 = vector.shape_cast %get3A_681 : vector<1x1x16xf32> to vector<16xf32>
        %max3A_683 = arith.maximumf %scan3A_634, %get3A_682 : vector<16xf32>
        %add3A_684 = arith.constant 0 : i32
        %add3A_685 = arith.addi %mul3A_639, %add3A_684 : i32
        %get3A_686 = arith.constant 1 : i32
        %get3A_687 = arith.index_cast %get3A_686 : i32 to index
        %get3A_688 = arith.index_cast %add3A_685 : i32 to index
        %get3A_689 = arith.constant 80 : index
        %get3A_690 = tpu.vector_load %arg12[%get3A_687, %get3A_688, %get3A_689] {strides = array<i32>} : memref<2x80x128xf32, #tpu.memory_space<vmem>>, vector<1x1x16xf32>,
        %get3A_691 = vector.shape_cast %get3A_690 : vector<1x1x16xf32> to vector<16xf32>
        %max3A_692 = arith.maximumf %scan3A_635, %get3A_691 : vector<16xf32>
        %add3A_693 = arith.constant 0 : i32
        %add3A_694 = arith.addi %mul3A_639, %add3A_693 : i32
        %get3A_695 = arith.constant 1 : i32
        %get3A_696 = arith.index_cast %get3A_695 : i32 to index
        %get3A_697 = arith.index_cast %add3A_694 : i32 to index
        %get3A_698 = arith.constant 96 : index
        %get3A_699 = tpu.vector_load %arg12[%get3A_696, %get3A_697, %get3A_698] {strides = array<i32>} : memref<2x80x128xf32, #tpu.memory_space<vmem>>, vector<1x1x16xf32>,
        %get3A_700 = vector.shape_cast %get3A_699 : vector<1x1x16xf32> to vector<16xf32>
        %max3A_701 = arith.maximumf %scan3A_636, %get3A_700 : vector<16xf32>
        %add3A_702 = arith.constant 0 : i32
        %add3A_703 = arith.addi %mul3A_639, %add3A_702 : i32
        %get3A_704 = arith.constant 1 : i32
        %get3A_705 = arith.index_cast %get3A_704 : i32 to index
        %get3A_706 = arith.index_cast %add3A_703 : i32 to index
        %get3A_707 = arith.constant 112 : index
        %get3A_708 = tpu.vector_load %arg12[%get3A_705, %get3A_706, %get3A_707] {strides = array<i32>} : memref<2x80x128xf32, #tpu.memory_space<vmem>>, vector<1x1x16xf32>,
        %get3A_709 = vector.shape_cast %get3A_708 : vector<1x1x16xf32> to vector<16xf32>
        %max3A_710 = arith.maximumf %scan3A_637, %get3A_709 : vector<16xf32>
        %add3A_711 = arith.constant 1 : i32
        %add3A_712 = arith.addi %mul3A_639, %add3A_711 : i32
        %get3A_713 = arith.constant 1 : i32
        %get3A_714 = arith.index_cast %get3A_713 : i32 to index
        %get3A_715 = arith.index_cast %add3A_712 : i32 to index
        %get3A_716 = arith.constant 0 : index
        %get3A_717 = tpu.vector_load %arg12[%get3A_714, %get3A_715, %get3A_716] {strides = array<i32>} : memref<2x80x128xf32, #tpu.memory_space<vmem>>, vector<1x1x16xf32>,
        %get3A_718 = vector.shape_cast %get3A_717 : vector<1x1x16xf32> to vector<16xf32>
        %max3A_719 = arith.maximumf %max3A_647, %get3A_718 : vector<16xf32>
        %add3A_720 = arith.constant 1 : i32
        %add3A_721 = arith.addi %mul3A_639, %add3A_720 : i32
        %get3A_722 = arith.constant 1 : i32
        %get3A_723 = arith.index_cast %get3A_722 : i32 to index
        %get3A_724 = arith.index_cast %add3A_721 : i32 to index
        %get3A_725 = arith.constant 16 : index
        %get3A_726 = tpu.vector_load %arg12[%get3A_723, %get3A_724, %get3A_725] {strides = array<i32>} : memref<2x80x128xf32, #tpu.memory_space<vmem>>, vector<1x1x16xf32>,
        %get3A_727 = vector.shape_cast %get3A_726 : vector<1x1x16xf32> to vector<16xf32>
        %max3A_728 = arith.maximumf %max3A_656, %get3A_727 : vector<16xf32>
        %add3A_729 = arith.constant 1 : i32
        %add3A_730 = arith.addi %mul3A_639, %add3A_729 : i32
        %get3A_731 = arith.constant 1 : i32
        %get3A_732 = arith.index_cast %get3A_731 : i32 to index
        %get3A_733 = arith.index_cast %add3A_730 : i32 to index
        %get3A_734 = arith.constant 32 : index
        %get3A_735 = tpu.vector_load %arg12[%get3A_732, %get3A_733, %get3A_734] {strides = array<i32>} : memref<2x80x128xf32, #tpu.memory_space<vmem>>, vector<1x1x16xf32>,
        %get3A_736 = vector.shape_cast %get3A_735 : vector<1x1x16xf32> to vector<16xf32>
        %max3A_737 = arith.maximumf %max3A_665, %get3A_736 : vector<16xf32>
        %add3A_738 = arith.constant 1 : i32
        %add3A_739 = arith.addi %mul3A_639, %add3A_738 : i32
        %get3A_740 = arith.constant 1 : i32
        %get3A_741 = arith.index_cast %get3A_740 : i32 to index
        %get3A_742 = arith.index_cast %add3A_739 : i32 to index
        %get3A_743 = arith.constant 48 : index
        %get3A_744 = tpu.vector_load %arg12[%get3A_741, %get3A_742, %get3A_743] {strides = array<i32>} : memref<2x80x128xf32, #tpu.memory_space<vmem>>, vector<1x1x16xf32>,
        %get3A_745 = vector.shape_cast %get3A_744 : vector<1x1x16xf32> to vector<16xf32>
        %max3A_746 = arith.maximumf %max3A_674, %get3A_745 : vector<16xf32>
        %add3A_747 = arith.constant 1 : i32
        %add3A_748 = arith.addi %mul3A_639, %add3A_747 : i32
        %get3A_749 = arith.constant 1 : i32
        %get3A_750 = arith.index_cast %get3A_749 : i32 to index
        %get3A_751 = arith.index_cast %add3A_748 : i32 to index
        %get3A_752 = arith.constant 64 : index
        %get3A_753 = tpu.vector_load %arg12[%get3A_750, %get3A_751, %get3A_752] {strides = array<i32>} : memref<2x80x128xf32, #tpu.memory_space<vmem>>, vector<1x1x16xf32>,
        %get3A_754 = vector.shape_cast %get3A_753 : vector<1x1x16xf32> to vector<16xf32>
        %max3A_755 = arith.maximumf %max3A_683, %get3A_754 : vector<16xf32>
        %add3A_756 = arith.constant 1 : i32
        %add3A_757 = arith.addi %mul3A_639, %add3A_756 : i32
        %get3A_758 = arith.constant 1 : i32
        %get3A_759 = arith.index_cast %get3A_758 : i32 to index
        %get3A_760 = arith.index_cast %add3A_757 : i32 to index
        %get3A_761 = arith.constant 80 : index
        %get3A_762 = tpu.vector_load %arg12[%get3A_759, %get3A_760, %get3A_761] {strides = array<i32>} : memref<2x80x128xf32, #tpu.memory_space<vmem>>, vector<1x1x16xf32>,
        %get3A_763 = vector.shape_cast %get3A_762 : vector<1x1x16xf32> to vector<16xf32>
        %max3A_764 = arith.maximumf %max3A_692, %get3A_763 : vector<16xf32>
        %add3A_765 = arith.constant 1 : i32
        %add3A_766 = arith.addi %mul3A_639, %add3A_765 : i32
        %get3A_767 = arith.constant 1 : i32
        %get3A_768 = arith.index_cast %get3A_767 : i32 to index
        %get3A_769 = arith.index_cast %add3A_766 : i32 to index
        %get3A_770 = arith.constant 96 : index
        %get3A_771 = tpu.vector_load %arg12[%get3A_768, %get3A_769, %get3A_770] {strides = array<i32>} : memref<2x80x128xf32, #tpu.memory_space<vmem>>, vector<1x1x16xf32>,
        %get3A_772 = vector.shape_cast %get3A_771 : vector<1x1x16xf32> to vector<16xf32>
        %max3A_773 = arith.maximumf %max3A_701, %get3A_772 : vector<16xf32>
        %add3A_774 = arith.constant 1 : i32
        %add3A_775 = arith.addi %mul3A_639, %add3A_774 : i32
        %get3A_776 = arith.constant 1 : i32
        %get3A_777 = arith.index_cast %get3A_776 : i32 to index
        %get3A_778 = arith.index_cast %add3A_775 : i32 to index
        %get3A_779 = arith.constant 112 : index
        %get3A_780 = tpu.vector_load %arg12[%get3A_777, %get3A_778, %get3A_779] {strides = array<i32>} : memref<2x80x128xf32, #tpu.memory_space<vmem>>, vector<1x1x16xf32>,
        %get3A_781 = vector.shape_cast %get3A_780 : vector<1x1x16xf32> to vector<16xf32>
        %max3A_782 = arith.maximumf %max3A_710, %get3A_781 : vector<16xf32>
        %add3A_783 = arith.constant 2 : i32
        %add3A_784 = arith.addi %mul3A_639, %add3A_783 : i32
        %get3A_785 = arith.constant 1 : i32
        %get3A_786 = arith.index_cast %get3A_785 : i32 to index
        %get3A_787 = arith.index_cast %add3A_784 : i32 to index
        %get3A_788 = arith.constant 0 : index
        %get3A_789 = tpu.vector_load %arg12[%get3A_786, %get3A_787, %get3A_788] {strides = array<i32>} : memref<2x80x128xf32, #tpu.memory_space<vmem>>, vector<1x1x16xf32>,
        %get3A_790 = vector.shape_cast %get3A_789 : vector<1x1x16xf32> to vector<16xf32>
        %max3A_791 = arith.maximumf %max3A_719, %get3A_790 : vector<16xf32>
        %add3A_792 = arith.constant 2 : i32
        %add3A_793 = arith.addi %mul3A_639, %add3A_792 : i32
        %get3A_794 = arith.constant 1 : i32
        %get3A_795 = arith.index_cast %get3A_794 : i32 to index
        %get3A_796 = arith.index_cast %add3A_793 : i32 to index
        %get3A_797 = arith.constant 16 : index
        %get3A_798 = tpu.vector_load %arg12[%get3A_795, %get3A_796, %get3A_797] {strides = array<i32>} : memref<2x80x128xf32, #tpu.memory_space<vmem>>, vector<1x1x16xf32>,
        %get3A_799 = vector.shape_cast %get3A_798 : vector<1x1x16xf32> to vector<16xf32>
        %max3A_800 = arith.maximumf %max3A_728, %get3A_799 : vector<16xf32>
        %add3A_801 = arith.constant 2 : i32
        %add3A_802 = arith.addi %mul3A_639, %add3A_801 : i32
        %get3A_803 = arith.constant 1 : i32
        %get3A_804 = arith.index_cast %get3A_803 : i32 to index
        %get3A_805 = arith.index_cast %add3A_802 : i32 to index
        %get3A_806 = arith.constant 32 : index
        %get3A_807 = tpu.vector_load %arg12[%get3A_804, %get3A_805, %get3A_806] {strides = array<i32>} : memref<2x80x128xf32, #tpu.memory_space<vmem>>, vector<1x1x16xf32>,
        %get3A_808 = vector.shape_cast %get3A_807 : vector<1x1x16xf32> to vector<16xf32>
        %max3A_809 = arith.maximumf %max3A_737, %get3A_808 : vector<16xf32>
        %add3A_810 = arith.constant 2 : i32
        %add3A_811 = arith.addi %mul3A_639, %add3A_810 : i32
        %get3A_812 = arith.constant 1 : i32
        %get3A_813 = arith.index_cast %get3A_812 : i32 to index
        %get3A_814 = arith.index_cast %add3A_811 : i32 to index
        %get3A_815 = arith.constant 48 : index
        %get3A_816 = tpu.vector_load %arg12[%get3A_813, %get3A_814, %get3A_815] {strides = array<i32>} : memref<2x80x128xf32, #tpu.memory_space<vmem>>, vector<1x1x16xf32>,
        %get3A_817 = vector.shape_cast %get3A_816 : vector<1x1x16xf32> to vector<16xf32>
        %max3A_818 = arith.maximumf %max3A_746, %get3A_817 : vector<16xf32>
        %add3A_819 = arith.constant 2 : i32
        %add3A_820 = arith.addi %mul3A_639, %add3A_819 : i32
        %get3A_821 = arith.constant 1 : i32
        %get3A_822 = arith.index_cast %get3A_821 : i32 to index
        %get3A_823 = arith.index_cast %add3A_820 : i32 to index
        %get3A_824 = arith.constant 64 : index
        %get3A_825 = tpu.vector_load %arg12[%get3A_822, %get3A_823, %get3A_824] {strides = array<i32>} : memref<2x80x128xf32, #tpu.memory_space<vmem>>, vector<1x1x16xf32>,
        %get3A_826 = vector.shape_cast %get3A_825 : vector<1x1x16xf32> to vector<16xf32>
        %max3A_827 = arith.maximumf %max3A_755, %get3A_826 : vector<16xf32>
        %add3A_828 = arith.constant 2 : i32
        %add3A_829 = arith.addi %mul3A_639, %add3A_828 : i32
        %get3A_830 = arith.constant 1 : i32
        %get3A_831 = arith.index_cast %get3A_830 : i32 to index
        %get3A_832 = arith.index_cast %add3A_829 : i32 to index
        %get3A_833 = arith.constant 80 : index
        %get3A_834 = tpu.vector_load %arg12[%get3A_831, %get3A_832, %get3A_833] {strides = array<i32>} : memref<2x80x128xf32, #tpu.memory_space<vmem>>, vector<1x1x16xf32>,
        %get3A_835 = vector.shape_cast %get3A_834 : vector<1x1x16xf32> to vector<16xf32>
        %max3A_836 = arith.maximumf %max3A_764, %get3A_835 : vector<16xf32>
        %add3A_837 = arith.constant 2 : i32
        %add3A_838 = arith.addi %mul3A_639, %add3A_837 : i32
        %get3A_839 = arith.constant 1 : i32
        %get3A_840 = arith.index_cast %get3A_839 : i32 to index
        %get3A_841 = arith.index_cast %add3A_838 : i32 to index
        %get3A_842 = arith.constant 96 : index
        %get3A_843 = tpu.vector_load %arg12[%get3A_840, %get3A_841, %get3A_842] {strides = array<i32>} : memref<2x80x128xf32, #tpu.memory_space<vmem>>, vector<1x1x16xf32>,
        %get3A_844 = vector.shape_cast %get3A_843 : vector<1x1x16xf32> to vector<16xf32>
        %max3A_845 = arith.maximumf %max3A_773, %get3A_844 : vector<16xf32>
        %add3A_846 = arith.constant 2 : i32
        %add3A_847 = arith.addi %mul3A_639, %add3A_846 : i32
        %get3A_848 = arith.constant 1 : i32
        %get3A_849 = arith.index_cast %get3A_848 : i32 to index
        %get3A_850 = arith.index_cast %add3A_847 : i32 to index
        %get3A_851 = arith.constant 112 : index
        %get3A_852 = tpu.vector_load %arg12[%get3A_849, %get3A_850, %get3A_851] {strides = array<i32>} : memref<2x80x128xf32, #tpu.memory_space<vmem>>, vector<1x1x16xf32>,
        %get3A_853 = vector.shape_cast %get3A_852 : vector<1x1x16xf32> to vector<16xf32>
        %max3A_854 = arith.maximumf %max3A_782, %get3A_853 : vector<16xf32>
        %add3A_855 = arith.constant 3 : i32
        %add3A_856 = arith.addi %mul3A_639, %add3A_855 : i32
        %get3A_857 = arith.constant 1 : i32
        %get3A_858 = arith.index_cast %get3A_857 : i32 to index
        %get3A_859 = arith.index_cast %add3A_856 : i32 to index
        %get3A_860 = arith.constant 0 : index
        %get3A_861 = tpu.vector_load %arg12[%get3A_858, %get3A_859, %get3A_860] {strides = array<i32>} : memref<2x80x128xf32, #tpu.memory_space<vmem>>, vector<1x1x16xf32>,
        %get3A_862 = vector.shape_cast %get3A_861 : vector<1x1x16xf32> to vector<16xf32>
        %max3A_863 = arith.maximumf %max3A_791, %get3A_862 : vector<16xf32>
        %add3A_864 = arith.constant 3 : i32
        %add3A_865 = arith.addi %mul3A_639, %add3A_864 : i32
        %get3A_866 = arith.constant 1 : i32
        %get3A_867 = arith.index_cast %get3A_866 : i32 to index
        %get3A_868 = arith.index_cast %add3A_865 : i32 to index
        %get3A_869 = arith.constant 16 : index
        %get3A_870 = tpu.vector_load %arg12[%get3A_867, %get3A_868, %get3A_869] {strides = array<i32>} : memref<2x80x128xf32, #tpu.memory_space<vmem>>, vector<1x1x16xf32>,
        %get3A_871 = vector.shape_cast %get3A_870 : vector<1x1x16xf32> to vector<16xf32>
        %max3A_872 = arith.maximumf %max3A_800, %get3A_871 : vector<16xf32>
        %add3A_873 = arith.constant 3 : i32
        %add3A_874 = arith.addi %mul3A_639, %add3A_873 : i32
        %get3A_875 = arith.constant 1 : i32
        %get3A_876 = arith.index_cast %get3A_875 : i32 to index
        %get3A_877 = arith.index_cast %add3A_874 : i32 to index
        %get3A_878 = arith.constant 32 : index
        %get3A_879 = tpu.vector_load %arg12[%get3A_876, %get3A_877, %get3A_878] {strides = array<i32>} : memref<2x80x128xf32, #tpu.memory_space<vmem>>, vector<1x1x16xf32>,
        %get3A_880 = vector.shape_cast %get3A_879 : vector<1x1x16xf32> to vector<16xf32>
        %max3A_881 = arith.maximumf %max3A_809, %get3A_880 : vector<16xf32>
        %add3A_882 = arith.constant 3 : i32
        %add3A_883 = arith.addi %mul3A_639, %add3A_882 : i32
        %get3A_884 = arith.constant 1 : i32
        %get3A_885 = arith.index_cast %get3A_884 : i32 to index
        %get3A_886 = arith.index_cast %add3A_883 : i32 to index
        %get3A_887 = arith.constant 48 : index
        %get3A_888 = tpu.vector_load %arg12[%get3A_885, %get3A_886, %get3A_887] {strides = array<i32>} : memref<2x80x128xf32, #tpu.memory_space<vmem>>, vector<1x1x16xf32>,
        %get3A_889 = vector.shape_cast %get3A_888 : vector<1x1x16xf32> to vector<16xf32>
        %max3A_890 = arith.maximumf %max3A_818, %get3A_889 : vector<16xf32>
        %add3A_891 = arith.constant 3 : i32
        %add3A_892 = arith.addi %mul3A_639, %add3A_891 : i32
        %get3A_893 = arith.constant 1 : i32
        %get3A_894 = arith.index_cast %get3A_893 : i32 to index
        %get3A_895 = arith.index_cast %add3A_892 : i32 to index
        %get3A_896 = arith.constant 64 : index
        %get3A_897 = tpu.vector_load %arg12[%get3A_894, %get3A_895, %get3A_896] {strides = array<i32>} : memref<2x80x128xf32, #tpu.memory_space<vmem>>, vector<1x1x16xf32>,
        %get3A_898 = vector.shape_cast %get3A_897 : vector<1x1x16xf32> to vector<16xf32>
        %max3A_899 = arith.maximumf %max3A_827, %get3A_898 : vector<16xf32>
        %add3A_900 = arith.constant 3 : i32
        %add3A_901 = arith.addi %mul3A_639, %add3A_900 : i32
        %get3A_902 = arith.constant 1 : i32
        %get3A_903 = arith.index_cast %get3A_902 : i32 to index
        %get3A_904 = arith.index_cast %add3A_901 : i32 to index
        %get3A_905 = arith.constant 80 : index
        %get3A_906 = tpu.vector_load %arg12[%get3A_903, %get3A_904, %get3A_905] {strides = array<i32>} : memref<2x80x128xf32, #tpu.memory_space<vmem>>, vector<1x1x16xf32>,
        %get3A_907 = vector.shape_cast %get3A_906 : vector<1x1x16xf32> to vector<16xf32>
        %max3A_908 = arith.maximumf %max3A_836, %get3A_907 : vector<16xf32>
        %add3A_909 = arith.constant 3 : i32
        %add3A_910 = arith.addi %mul3A_639, %add3A_909 : i32
        %get3A_911 = arith.constant 1 : i32
        %get3A_912 = arith.index_cast %get3A_911 : i32 to index
        %get3A_913 = arith.index_cast %add3A_910 : i32 to index
        %get3A_914 = arith.constant 96 : index
        %get3A_915 = tpu.vector_load %arg12[%get3A_912, %get3A_913, %get3A_914] {strides = array<i32>} : memref<2x80x128xf32, #tpu.memory_space<vmem>>, vector<1x1x16xf32>,
        %get3A_916 = vector.shape_cast %get3A_915 : vector<1x1x16xf32> to vector<16xf32>
        %max3A_917 = arith.maximumf %max3A_845, %get3A_916 : vector<16xf32>
        %add3A_918 = arith.constant 3 : i32
        %add3A_919 = arith.addi %mul3A_639, %add3A_918 : i32
        %get3A_920 = arith.constant 1 : i32
        %get3A_921 = arith.index_cast %get3A_920 : i32 to index
        %get3A_922 = arith.index_cast %add3A_919 : i32 to index
        %get3A_923 = arith.constant 112 : index
        %get3A_924 = tpu.vector_load %arg12[%get3A_921, %get3A_922, %get3A_923] {strides = array<i32>} : memref<2x80x128xf32, #tpu.memory_space<vmem>>, vector<1x1x16xf32>,
        %get3A_925 = vector.shape_cast %get3A_924 : vector<1x1x16xf32> to vector<16xf32>
        %max3A_926 = arith.maximumf %max3A_854, %get3A_925 : vector<16xf32>
        scf.yield %max3A_863, %max3A_872, %max3A_881, %max3A_890, %max3A_899, %max3A_908, %max3A_917, %max3A_926 : vector<16xf32>, vector<16xf32>, vector<16xf32>, vector<16xf32>, vector<16xf32>, vector<16xf32>, vector<16xf32>, vector<16xf32>
      }
      %scan3A_491 = arith.constant 20 : i32
      %add3A_492 = arith.constant 480 : i32
      %add3A_493 = arith.addi %mul3A_0, %add3A_492 : i32
      %dma_wait3A_494 = arith.constant 0 : i32
      %dma_wait3A_495 = arith.constant 0 : i32
      %dma_wait3A_496 = arith.constant 0 : i32
      %dma_wait3A_497 = tpu.memref_slice %arg12[%dma_wait3A_494, %dma_wait3A_495, %dma_wait3A_496] : memref<2x80x128xf32, #tpu.memory_space<vmem>> -> memref<1x80x128xf32, #tpu.memory_space<vmem>>
      %dma_wait3A_498 = tpu.memref_squeeze %dma_wait3A_497 : memref<1x80x128xf32, #tpu.memory_space<vmem>> -> memref<80x128xf32, #tpu.memory_space<vmem>>
      %dma_wait3A_499 = arith.constant 0 : i32
      %dma_wait3A_500 = tpu.memref_slice %arg7[%add3A_493, %dma_wait3A_499] : memref<10256x128xf32, #tpu.memory_space<vmem_shared>> -> memref<80x128xf32, #tpu.memory_space<vmem_shared>>
      %dma_wait3A_501 = arith.constant 0 : i32
      %dma_wait3A_502 = arith.constant 0 : i32
      %dma_wait3A_503 = tpu.memref_slice %arg12[%dma_wait3A_494, %dma_wait3A_501, %dma_wait3A_502] : memref<2x80x128xf32, #tpu.memory_space<vmem>> -> memref<1x80x128xf32, #tpu.memory_space<vmem>>
      %dma_wait3A_504 = tpu.memref_squeeze %dma_wait3A_503 : memref<1x80x128xf32, #tpu.memory_space<vmem>> -> memref<80x128xf32, #tpu.memory_space<vmem>>
      %dma_wait3A_505 = arith.constant 0 : i32
      %dma_wait3A_506 = tpu.memref_slice %arg7[%add3A_493, %dma_wait3A_505] : memref<10256x128xf32, #tpu.memory_space<vmem_shared>> -> memref<80x128xf32, #tpu.memory_space<vmem_shared>>
      tpu.wait_dma2 semaphore(%arg19 : memref<!tpu.dma_semaphore, #tpu.memory_space<semaphore_mem>>) src(%dma_wait3A_506 : memref<80x128xf32, #tpu.memory_space<vmem_shared>>) dst(%dma_wait3A_504 : memref<80x128xf32, #tpu.memory_space<vmem>>)
      %add3A_507 = arith.constant 560 : i32
      %add3A_508 = arith.addi %mul3A_0, %add3A_507 : i32
      %dma_start3A_509 = arith.constant 1 : i32
      %dma_start3A_510 = arith.constant 0 : i32
      %dma_start3A_511 = arith.constant 0 : i32
      %dma_start3A_512 = tpu.memref_slice %arg12[%dma_start3A_509, %dma_start3A_510, %dma_start3A_511] : memref<2x80x128xf32, #tpu.memory_space<vmem>> -> memref<1x80x128xf32, #tpu.memory_space<vmem>>
      %dma_start3A_513 = tpu.memref_squeeze %dma_start3A_512 : memref<1x80x128xf32, #tpu.memory_space<vmem>> -> memref<80x128xf32, #tpu.memory_space<vmem>>
      %dma_start3A_514 = arith.constant 0 : i32
      %dma_start3A_515 = tpu.memref_slice %arg7[%add3A_508, %dma_start3A_514] : memref<10256x128xf32, #tpu.memory_space<vmem_shared>> -> memref<80x128xf32, #tpu.memory_space<vmem_shared>>
      %dma_start3A_516 = arith.constant 0 : i32
      %dma_start3A_517 = arith.constant 0 : i32
      %dma_start3A_518 = tpu.memref_slice %arg12[%dma_start3A_509, %dma_start3A_516, %dma_start3A_517] : memref<2x80x128xf32, #tpu.memory_space<vmem>> -> memref<1x80x128xf32, #tpu.memory_space<vmem>>
      %dma_start3A_519 = tpu.memref_squeeze %dma_start3A_518 : memref<1x80x128xf32, #tpu.memory_space<vmem>> -> memref<80x128xf32, #tpu.memory_space<vmem>>
      %dma_start3A_520 = arith.constant 0 : i32
      %dma_start3A_521 = tpu.memref_slice %arg7[%add3A_508, %dma_start3A_520] : memref<10256x128xf32, #tpu.memory_space<vmem_shared>> -> memref<80x128xf32, #tpu.memory_space<vmem_shared>>
      tpu.enqueue_dma source(%dma_start3A_521 : memref<80x128xf32, #tpu.memory_space<vmem_shared>>) target(%dma_start3A_519 : memref<80x128xf32, #tpu.memory_space<vmem>>) target_semaphore(%arg19 : memref<!tpu.dma_semaphore, #tpu.memory_space<semaphore_mem>>)
      %add3A_522 = arith.constant 1 : i32
      %add3A_523 = arith.addi %scan3A_19, %add3A_522 : i32
      %lt3A_524 = arith.constant 8 : i32
      %lt3A_525 = arith.cmpi slt, %add3A_523, %lt3A_524 : i32
      %convert_element_type3A_526 = arith.extui %lt3A_525 : i1 to i32
      %cond3A_527 = arith.constant 0 : i32
      %cond3A_528 = arith.cmpi ne, %convert_element_type3A_526, %cond3A_527 : i32
      scf.if %cond3A_528 {
        %add3A_629 = arith.constant 480 : i32
        %add3A_630 = arith.addi %mul3A_0, %add3A_629 : i32
        %add3A_631 = arith.constant 480 : i32
        %add3A_632 = arith.addi %mul3A_0, %add3A_631 : i32
        %dma_start3A_633 = arith.constant 0 : i32
        %dma_start3A_634 = tpu.memref_slice %arg7[%add3A_632, %dma_start3A_633] : memref<10256x128xf32, #tpu.memory_space<vmem_shared>> -> memref<80x128xf32, #tpu.memory_space<vmem_shared>>
        %dma_start3A_635 = arith.constant 0 : i32
        %dma_start3A_636 = tpu.memref_slice %arg2[%add3A_630, %dma_start3A_635] : memref<10240x128xf32, #tpu.memory_space<hbm>> -> memref<80x128xf32, #tpu.memory_space<hbm>>
        tpu.enqueue_dma source(%dma_start3A_636 : memref<80x128xf32, #tpu.memory_space<hbm>>) target(%dma_start3A_634 : memref<80x128xf32, #tpu.memory_space<vmem_shared>>) target_semaphore(%arg20 : memref<!tpu.dma_semaphore, #tpu.memory_space<semaphore_mem>>)
      } else {
      }
      %scan3A_529 = arith.constant 0 : i32
      %scan3A_530 = arith.constant 20 : i32
      %scan3A_531 = arith.addi %scan3A_529, %scan3A_530 : i32
      %scan3A_532 = arith.constant 1 : i32
      %scan3A_533:8 = scf.for %scan3A_629 = %scan3A_529 to %scan3A_531 step %scan3A_532 iter_args(%scan3A_630 = %scan3A_490#0, %scan3A_631 = %scan3A_490#1, %scan3A_632 = %scan3A_490#2, %scan3A_633 = %scan3A_490#3, %scan3A_634 = %scan3A_490#4, %scan3A_635 = %scan3A_490#5, %scan3A_636 = %scan3A_490#6, %scan3A_637 = %scan3A_490#7) -> (vector<16xf32>, vector<16xf32>, vector<16xf32>, vector<16xf32>, vector<16xf32>, vector<16xf32>, vector<16xf32>, vector<16xf32>)  : i32 {
        %mul3A_638 = arith.constant 4 : i32
        %mul3A_639 = arith.muli %scan3A_629, %mul3A_638 : i32
        %add3A_640 = arith.constant 0 : i32
        %add3A_641 = arith.addi %mul3A_639, %add3A_640 : i32
        %get3A = arith.constant 0 : i32
        %get3A_642 = arith.index_cast %get3A : i32 to index
        %get3A_643 = arith.index_cast %add3A_641 : i32 to index
        %get3A_644 = arith.constant 0 : index
        %get3A_645 = tpu.vector_load %arg12[%get3A_642, %get3A_643, %get3A_644] {strides = array<i32>} : memref<2x80x128xf32, #tpu.memory_space<vmem>>, vector<1x1x16xf32>,
        %get3A_646 = vector.shape_cast %get3A_645 : vector<1x1x16xf32> to vector<16xf32>
        %max3A_647 = arith.maximumf %scan3A_630, %get3A_646 : vector<16xf32>
        %add3A_648 = arith.constant 0 : i32
        %add3A_649 = arith.addi %mul3A_639, %add3A_648 : i32
        %get3A_650 = arith.constant 0 : i32
        %get3A_651 = arith.index_cast %get3A_650 : i32 to index
        %get3A_652 = arith.index_cast %add3A_649 : i32 to index
        %get3A_653 = arith.constant 16 : index
        %get3A_654 = tpu.vector_load %arg12[%get3A_651, %get3A_652, %get3A_653] {strides = array<i32>} : memref<2x80x128xf32, #tpu.memory_space<vmem>>, vector<1x1x16xf32>,
        %get3A_655 = vector.shape_cast %get3A_654 : vector<1x1x16xf32> to vector<16xf32>
        %max3A_656 = arith.maximumf %scan3A_631, %get3A_655 : vector<16xf32>
        %add3A_657 = arith.constant 0 : i32
        %add3A_658 = arith.addi %mul3A_639, %add3A_657 : i32
        %get3A_659 = arith.constant 0 : i32
        %get3A_660 = arith.index_cast %get3A_659 : i32 to index
        %get3A_661 = arith.index_cast %add3A_658 : i32 to index
        %get3A_662 = arith.constant 32 : index
        %get3A_663 = tpu.vector_load %arg12[%get3A_660, %get3A_661, %get3A_662] {strides = array<i32>} : memref<2x80x128xf32, #tpu.memory_space<vmem>>, vector<1x1x16xf32>,
        %get3A_664 = vector.shape_cast %get3A_663 : vector<1x1x16xf32> to vector<16xf32>
        %max3A_665 = arith.maximumf %scan3A_632, %get3A_664 : vector<16xf32>
        %add3A_666 = arith.constant 0 : i32
        %add3A_667 = arith.addi %mul3A_639, %add3A_666 : i32
        %get3A_668 = arith.constant 0 : i32
        %get3A_669 = arith.index_cast %get3A_668 : i32 to index
        %get3A_670 = arith.index_cast %add3A_667 : i32 to index
        %get3A_671 = arith.constant 48 : index
        %get3A_672 = tpu.vector_load %arg12[%get3A_669, %get3A_670, %get3A_671] {strides = array<i32>} : memref<2x80x128xf32, #tpu.memory_space<vmem>>, vector<1x1x16xf32>,
        %get3A_673 = vector.shape_cast %get3A_672 : vector<1x1x16xf32> to vector<16xf32>
        %max3A_674 = arith.maximumf %scan3A_633, %get3A_673 : vector<16xf32>
        %add3A_675 = arith.constant 0 : i32
        %add3A_676 = arith.addi %mul3A_639, %add3A_675 : i32
        %get3A_677 = arith.constant 0 : i32
        %get3A_678 = arith.index_cast %get3A_677 : i32 to index
        %get3A_679 = arith.index_cast %add3A_676 : i32 to index
        %get3A_680 = arith.constant 64 : index
        %get3A_681 = tpu.vector_load %arg12[%get3A_678, %get3A_679, %get3A_680] {strides = array<i32>} : memref<2x80x128xf32, #tpu.memory_space<vmem>>, vector<1x1x16xf32>,
        %get3A_682 = vector.shape_cast %get3A_681 : vector<1x1x16xf32> to vector<16xf32>
        %max3A_683 = arith.maximumf %scan3A_634, %get3A_682 : vector<16xf32>
        %add3A_684 = arith.constant 0 : i32
        %add3A_685 = arith.addi %mul3A_639, %add3A_684 : i32
        %get3A_686 = arith.constant 0 : i32
        %get3A_687 = arith.index_cast %get3A_686 : i32 to index
        %get3A_688 = arith.index_cast %add3A_685 : i32 to index
        %get3A_689 = arith.constant 80 : index
        %get3A_690 = tpu.vector_load %arg12[%get3A_687, %get3A_688, %get3A_689] {strides = array<i32>} : memref<2x80x128xf32, #tpu.memory_space<vmem>>, vector<1x1x16xf32>,
        %get3A_691 = vector.shape_cast %get3A_690 : vector<1x1x16xf32> to vector<16xf32>
        %max3A_692 = arith.maximumf %scan3A_635, %get3A_691 : vector<16xf32>
        %add3A_693 = arith.constant 0 : i32
        %add3A_694 = arith.addi %mul3A_639, %add3A_693 : i32
        %get3A_695 = arith.constant 0 : i32
        %get3A_696 = arith.index_cast %get3A_695 : i32 to index
        %get3A_697 = arith.index_cast %add3A_694 : i32 to index
        %get3A_698 = arith.constant 96 : index
        %get3A_699 = tpu.vector_load %arg12[%get3A_696, %get3A_697, %get3A_698] {strides = array<i32>} : memref<2x80x128xf32, #tpu.memory_space<vmem>>, vector<1x1x16xf32>,
        %get3A_700 = vector.shape_cast %get3A_699 : vector<1x1x16xf32> to vector<16xf32>
        %max3A_701 = arith.maximumf %scan3A_636, %get3A_700 : vector<16xf32>
        %add3A_702 = arith.constant 0 : i32
        %add3A_703 = arith.addi %mul3A_639, %add3A_702 : i32
        %get3A_704 = arith.constant 0 : i32
        %get3A_705 = arith.index_cast %get3A_704 : i32 to index
        %get3A_706 = arith.index_cast %add3A_703 : i32 to index
        %get3A_707 = arith.constant 112 : index
        %get3A_708 = tpu.vector_load %arg12[%get3A_705, %get3A_706, %get3A_707] {strides = array<i32>} : memref<2x80x128xf32, #tpu.memory_space<vmem>>, vector<1x1x16xf32>,
        %get3A_709 = vector.shape_cast %get3A_708 : vector<1x1x16xf32> to vector<16xf32>
        %max3A_710 = arith.maximumf %scan3A_637, %get3A_709 : vector<16xf32>
        %add3A_711 = arith.constant 1 : i32
        %add3A_712 = arith.addi %mul3A_639, %add3A_711 : i32
        %get3A_713 = arith.constant 0 : i32
        %get3A_714 = arith.index_cast %get3A_713 : i32 to index
        %get3A_715 = arith.index_cast %add3A_712 : i32 to index
        %get3A_716 = arith.constant 0 : index
        %get3A_717 = tpu.vector_load %arg12[%get3A_714, %get3A_715, %get3A_716] {strides = array<i32>} : memref<2x80x128xf32, #tpu.memory_space<vmem>>, vector<1x1x16xf32>,
        %get3A_718 = vector.shape_cast %get3A_717 : vector<1x1x16xf32> to vector<16xf32>
        %max3A_719 = arith.maximumf %max3A_647, %get3A_718 : vector<16xf32>
        %add3A_720 = arith.constant 1 : i32
        %add3A_721 = arith.addi %mul3A_639, %add3A_720 : i32
        %get3A_722 = arith.constant 0 : i32
        %get3A_723 = arith.index_cast %get3A_722 : i32 to index
        %get3A_724 = arith.index_cast %add3A_721 : i32 to index
        %get3A_725 = arith.constant 16 : index
        %get3A_726 = tpu.vector_load %arg12[%get3A_723, %get3A_724, %get3A_725] {strides = array<i32>} : memref<2x80x128xf32, #tpu.memory_space<vmem>>, vector<1x1x16xf32>,
        %get3A_727 = vector.shape_cast %get3A_726 : vector<1x1x16xf32> to vector<16xf32>
        %max3A_728 = arith.maximumf %max3A_656, %get3A_727 : vector<16xf32>
        %add3A_729 = arith.constant 1 : i32
        %add3A_730 = arith.addi %mul3A_639, %add3A_729 : i32
        %get3A_731 = arith.constant 0 : i32
        %get3A_732 = arith.index_cast %get3A_731 : i32 to index
        %get3A_733 = arith.index_cast %add3A_730 : i32 to index
        %get3A_734 = arith.constant 32 : index
        %get3A_735 = tpu.vector_load %arg12[%get3A_732, %get3A_733, %get3A_734] {strides = array<i32>} : memref<2x80x128xf32, #tpu.memory_space<vmem>>, vector<1x1x16xf32>,
        %get3A_736 = vector.shape_cast %get3A_735 : vector<1x1x16xf32> to vector<16xf32>
        %max3A_737 = arith.maximumf %max3A_665, %get3A_736 : vector<16xf32>
        %add3A_738 = arith.constant 1 : i32
        %add3A_739 = arith.addi %mul3A_639, %add3A_738 : i32
        %get3A_740 = arith.constant 0 : i32
        %get3A_741 = arith.index_cast %get3A_740 : i32 to index
        %get3A_742 = arith.index_cast %add3A_739 : i32 to index
        %get3A_743 = arith.constant 48 : index
        %get3A_744 = tpu.vector_load %arg12[%get3A_741, %get3A_742, %get3A_743] {strides = array<i32>} : memref<2x80x128xf32, #tpu.memory_space<vmem>>, vector<1x1x16xf32>,
        %get3A_745 = vector.shape_cast %get3A_744 : vector<1x1x16xf32> to vector<16xf32>
        %max3A_746 = arith.maximumf %max3A_674, %get3A_745 : vector<16xf32>
        %add3A_747 = arith.constant 1 : i32
        %add3A_748 = arith.addi %mul3A_639, %add3A_747 : i32
        %get3A_749 = arith.constant 0 : i32
        %get3A_750 = arith.index_cast %get3A_749 : i32 to index
        %get3A_751 = arith.index_cast %add3A_748 : i32 to index
        %get3A_752 = arith.constant 64 : index
        %get3A_753 = tpu.vector_load %arg12[%get3A_750, %get3A_751, %get3A_752] {strides = array<i32>} : memref<2x80x128xf32, #tpu.memory_space<vmem>>, vector<1x1x16xf32>,
        %get3A_754 = vector.shape_cast %get3A_753 : vector<1x1x16xf32> to vector<16xf32>
        %max3A_755 = arith.maximumf %max3A_683, %get3A_754 : vector<16xf32>
        %add3A_756 = arith.constant 1 : i32
        %add3A_757 = arith.addi %mul3A_639, %add3A_756 : i32
        %get3A_758 = arith.constant 0 : i32
        %get3A_759 = arith.index_cast %get3A_758 : i32 to index
        %get3A_760 = arith.index_cast %add3A_757 : i32 to index
        %get3A_761 = arith.constant 80 : index
        %get3A_762 = tpu.vector_load %arg12[%get3A_759, %get3A_760, %get3A_761] {strides = array<i32>} : memref<2x80x128xf32, #tpu.memory_space<vmem>>, vector<1x1x16xf32>,
        %get3A_763 = vector.shape_cast %get3A_762 : vector<1x1x16xf32> to vector<16xf32>
        %max3A_764 = arith.maximumf %max3A_692, %get3A_763 : vector<16xf32>
        %add3A_765 = arith.constant 1 : i32
        %add3A_766 = arith.addi %mul3A_639, %add3A_765 : i32
        %get3A_767 = arith.constant 0 : i32
        %get3A_768 = arith.index_cast %get3A_767 : i32 to index
        %get3A_769 = arith.index_cast %add3A_766 : i32 to index
        %get3A_770 = arith.constant 96 : index
        %get3A_771 = tpu.vector_load %arg12[%get3A_768, %get3A_769, %get3A_770] {strides = array<i32>} : memref<2x80x128xf32, #tpu.memory_space<vmem>>, vector<1x1x16xf32>,
        %get3A_772 = vector.shape_cast %get3A_771 : vector<1x1x16xf32> to vector<16xf32>
        %max3A_773 = arith.maximumf %max3A_701, %get3A_772 : vector<16xf32>
        %add3A_774 = arith.constant 1 : i32
        %add3A_775 = arith.addi %mul3A_639, %add3A_774 : i32
        %get3A_776 = arith.constant 0 : i32
        %get3A_777 = arith.index_cast %get3A_776 : i32 to index
        %get3A_778 = arith.index_cast %add3A_775 : i32 to index
        %get3A_779 = arith.constant 112 : index
        %get3A_780 = tpu.vector_load %arg12[%get3A_777, %get3A_778, %get3A_779] {strides = array<i32>} : memref<2x80x128xf32, #tpu.memory_space<vmem>>, vector<1x1x16xf32>,
        %get3A_781 = vector.shape_cast %get3A_780 : vector<1x1x16xf32> to vector<16xf32>
        %max3A_782 = arith.maximumf %max3A_710, %get3A_781 : vector<16xf32>
        %add3A_783 = arith.constant 2 : i32
        %add3A_784 = arith.addi %mul3A_639, %add3A_783 : i32
        %get3A_785 = arith.constant 0 : i32
        %get3A_786 = arith.index_cast %get3A_785 : i32 to index
        %get3A_787 = arith.index_cast %add3A_784 : i32 to index
        %get3A_788 = arith.constant 0 : index
        %get3A_789 = tpu.vector_load %arg12[%get3A_786, %get3A_787, %get3A_788] {strides = array<i32>} : memref<2x80x128xf32, #tpu.memory_space<vmem>>, vector<1x1x16xf32>,
        %get3A_790 = vector.shape_cast %get3A_789 : vector<1x1x16xf32> to vector<16xf32>
        %max3A_791 = arith.maximumf %max3A_719, %get3A_790 : vector<16xf32>
        %add3A_792 = arith.constant 2 : i32
        %add3A_793 = arith.addi %mul3A_639, %add3A_792 : i32
        %get3A_794 = arith.constant 0 : i32
        %get3A_795 = arith.index_cast %get3A_794 : i32 to index
        %get3A_796 = arith.index_cast %add3A_793 : i32 to index
        %get3A_797 = arith.constant 16 : index
        %get3A_798 = tpu.vector_load %arg12[%get3A_795, %get3A_796, %get3A_797] {strides = array<i32>} : memref<2x80x128xf32, #tpu.memory_space<vmem>>, vector<1x1x16xf32>,
        %get3A_799 = vector.shape_cast %get3A_798 : vector<1x1x16xf32> to vector<16xf32>
        %max3A_800 = arith.maximumf %max3A_728, %get3A_799 : vector<16xf32>
        %add3A_801 = arith.constant 2 : i32
        %add3A_802 = arith.addi %mul3A_639, %add3A_801 : i32
        %get3A_803 = arith.constant 0 : i32
        %get3A_804 = arith.index_cast %get3A_803 : i32 to index
        %get3A_805 = arith.index_cast %add3A_802 : i32 to index
        %get3A_806 = arith.constant 32 : index
        %get3A_807 = tpu.vector_load %arg12[%get3A_804, %get3A_805, %get3A_806] {strides = array<i32>} : memref<2x80x128xf32, #tpu.memory_space<vmem>>, vector<1x1x16xf32>,
        %get3A_808 = vector.shape_cast %get3A_807 : vector<1x1x16xf32> to vector<16xf32>
        %max3A_809 = arith.maximumf %max3A_737, %get3A_808 : vector<16xf32>
        %add3A_810 = arith.constant 2 : i32
        %add3A_811 = arith.addi %mul3A_639, %add3A_810 : i32
        %get3A_812 = arith.constant 0 : i32
        %get3A_813 = arith.index_cast %get3A_812 : i32 to index
        %get3A_814 = arith.index_cast %add3A_811 : i32 to index
        %get3A_815 = arith.constant 48 : index
        %get3A_816 = tpu.vector_load %arg12[%get3A_813, %get3A_814, %get3A_815] {strides = array<i32>} : memref<2x80x128xf32, #tpu.memory_space<vmem>>, vector<1x1x16xf32>,
        %get3A_817 = vector.shape_cast %get3A_816 : vector<1x1x16xf32> to vector<16xf32>
        %max3A_818 = arith.maximumf %max3A_746, %get3A_817 : vector<16xf32>
        %add3A_819 = arith.constant 2 : i32
        %add3A_820 = arith.addi %mul3A_639, %add3A_819 : i32
        %get3A_821 = arith.constant 0 : i32
        %get3A_822 = arith.index_cast %get3A_821 : i32 to index
        %get3A_823 = arith.index_cast %add3A_820 : i32 to index
        %get3A_824 = arith.constant 64 : index
        %get3A_825 = tpu.vector_load %arg12[%get3A_822, %get3A_823, %get3A_824] {strides = array<i32>} : memref<2x80x128xf32, #tpu.memory_space<vmem>>, vector<1x1x16xf32>,
        %get3A_826 = vector.shape_cast %get3A_825 : vector<1x1x16xf32> to vector<16xf32>
        %max3A_827 = arith.maximumf %max3A_755, %get3A_826 : vector<16xf32>
        %add3A_828 = arith.constant 2 : i32
        %add3A_829 = arith.addi %mul3A_639, %add3A_828 : i32
        %get3A_830 = arith.constant 0 : i32
        %get3A_831 = arith.index_cast %get3A_830 : i32 to index
        %get3A_832 = arith.index_cast %add3A_829 : i32 to index
        %get3A_833 = arith.constant 80 : index
        %get3A_834 = tpu.vector_load %arg12[%get3A_831, %get3A_832, %get3A_833] {strides = array<i32>} : memref<2x80x128xf32, #tpu.memory_space<vmem>>, vector<1x1x16xf32>,
        %get3A_835 = vector.shape_cast %get3A_834 : vector<1x1x16xf32> to vector<16xf32>
        %max3A_836 = arith.maximumf %max3A_764, %get3A_835 : vector<16xf32>
        %add3A_837 = arith.constant 2 : i32
        %add3A_838 = arith.addi %mul3A_639, %add3A_837 : i32
        %get3A_839 = arith.constant 0 : i32
        %get3A_840 = arith.index_cast %get3A_839 : i32 to index
        %get3A_841 = arith.index_cast %add3A_838 : i32 to index
        %get3A_842 = arith.constant 96 : index
        %get3A_843 = tpu.vector_load %arg12[%get3A_840, %get3A_841, %get3A_842] {strides = array<i32>} : memref<2x80x128xf32, #tpu.memory_space<vmem>>, vector<1x1x16xf32>,
        %get3A_844 = vector.shape_cast %get3A_843 : vector<1x1x16xf32> to vector<16xf32>
        %max3A_845 = arith.maximumf %max3A_773, %get3A_844 : vector<16xf32>
        %add3A_846 = arith.constant 2 : i32
        %add3A_847 = arith.addi %mul3A_639, %add3A_846 : i32
        %get3A_848 = arith.constant 0 : i32
        %get3A_849 = arith.index_cast %get3A_848 : i32 to index
        %get3A_850 = arith.index_cast %add3A_847 : i32 to index
        %get3A_851 = arith.constant 112 : index
        %get3A_852 = tpu.vector_load %arg12[%get3A_849, %get3A_850, %get3A_851] {strides = array<i32>} : memref<2x80x128xf32, #tpu.memory_space<vmem>>, vector<1x1x16xf32>,
        %get3A_853 = vector.shape_cast %get3A_852 : vector<1x1x16xf32> to vector<16xf32>
        %max3A_854 = arith.maximumf %max3A_782, %get3A_853 : vector<16xf32>
        %add3A_855 = arith.constant 3 : i32
        %add3A_856 = arith.addi %mul3A_639, %add3A_855 : i32
        %get3A_857 = arith.constant 0 : i32
        %get3A_858 = arith.index_cast %get3A_857 : i32 to index
        %get3A_859 = arith.index_cast %add3A_856 : i32 to index
        %get3A_860 = arith.constant 0 : index
        %get3A_861 = tpu.vector_load %arg12[%get3A_858, %get3A_859, %get3A_860] {strides = array<i32>} : memref<2x80x128xf32, #tpu.memory_space<vmem>>, vector<1x1x16xf32>,
        %get3A_862 = vector.shape_cast %get3A_861 : vector<1x1x16xf32> to vector<16xf32>
        %max3A_863 = arith.maximumf %max3A_791, %get3A_862 : vector<16xf32>
        %add3A_864 = arith.constant 3 : i32
        %add3A_865 = arith.addi %mul3A_639, %add3A_864 : i32
        %get3A_866 = arith.constant 0 : i32
        %get3A_867 = arith.index_cast %get3A_866 : i32 to index
        %get3A_868 = arith.index_cast %add3A_865 : i32 to index
        %get3A_869 = arith.constant 16 : index
        %get3A_870 = tpu.vector_load %arg12[%get3A_867, %get3A_868, %get3A_869] {strides = array<i32>} : memref<2x80x128xf32, #tpu.memory_space<vmem>>, vector<1x1x16xf32>,
        %get3A_871 = vector.shape_cast %get3A_870 : vector<1x1x16xf32> to vector<16xf32>
        %max3A_872 = arith.maximumf %max3A_800, %get3A_871 : vector<16xf32>
        %add3A_873 = arith.constant 3 : i32
        %add3A_874 = arith.addi %mul3A_639, %add3A_873 : i32
        %get3A_875 = arith.constant 0 : i32
        %get3A_876 = arith.index_cast %get3A_875 : i32 to index
        %get3A_877 = arith.index_cast %add3A_874 : i32 to index
        %get3A_878 = arith.constant 32 : index
        %get3A_879 = tpu.vector_load %arg12[%get3A_876, %get3A_877, %get3A_878] {strides = array<i32>} : memref<2x80x128xf32, #tpu.memory_space<vmem>>, vector<1x1x16xf32>,
        %get3A_880 = vector.shape_cast %get3A_879 : vector<1x1x16xf32> to vector<16xf32>
        %max3A_881 = arith.maximumf %max3A_809, %get3A_880 : vector<16xf32>
        %add3A_882 = arith.constant 3 : i32
        %add3A_883 = arith.addi %mul3A_639, %add3A_882 : i32
        %get3A_884 = arith.constant 0 : i32
        %get3A_885 = arith.index_cast %get3A_884 : i32 to index
        %get3A_886 = arith.index_cast %add3A_883 : i32 to index
        %get3A_887 = arith.constant 48 : index
        %get3A_888 = tpu.vector_load %arg12[%get3A_885, %get3A_886, %get3A_887] {strides = array<i32>} : memref<2x80x128xf32, #tpu.memory_space<vmem>>, vector<1x1x16xf32>,
        %get3A_889 = vector.shape_cast %get3A_888 : vector<1x1x16xf32> to vector<16xf32>
        %max3A_890 = arith.maximumf %max3A_818, %get3A_889 : vector<16xf32>
        %add3A_891 = arith.constant 3 : i32
        %add3A_892 = arith.addi %mul3A_639, %add3A_891 : i32
        %get3A_893 = arith.constant 0 : i32
        %get3A_894 = arith.index_cast %get3A_893 : i32 to index
        %get3A_895 = arith.index_cast %add3A_892 : i32 to index
        %get3A_896 = arith.constant 64 : index
        %get3A_897 = tpu.vector_load %arg12[%get3A_894, %get3A_895, %get3A_896] {strides = array<i32>} : memref<2x80x128xf32, #tpu.memory_space<vmem>>, vector<1x1x16xf32>,
        %get3A_898 = vector.shape_cast %get3A_897 : vector<1x1x16xf32> to vector<16xf32>
        %max3A_899 = arith.maximumf %max3A_827, %get3A_898 : vector<16xf32>
        %add3A_900 = arith.constant 3 : i32
        %add3A_901 = arith.addi %mul3A_639, %add3A_900 : i32
        %get3A_902 = arith.constant 0 : i32
        %get3A_903 = arith.index_cast %get3A_902 : i32 to index
        %get3A_904 = arith.index_cast %add3A_901 : i32 to index
        %get3A_905 = arith.constant 80 : index
        %get3A_906 = tpu.vector_load %arg12[%get3A_903, %get3A_904, %get3A_905] {strides = array<i32>} : memref<2x80x128xf32, #tpu.memory_space<vmem>>, vector<1x1x16xf32>,
        %get3A_907 = vector.shape_cast %get3A_906 : vector<1x1x16xf32> to vector<16xf32>
        %max3A_908 = arith.maximumf %max3A_836, %get3A_907 : vector<16xf32>
        %add3A_909 = arith.constant 3 : i32
        %add3A_910 = arith.addi %mul3A_639, %add3A_909 : i32
        %get3A_911 = arith.constant 0 : i32
        %get3A_912 = arith.index_cast %get3A_911 : i32 to index
        %get3A_913 = arith.index_cast %add3A_910 : i32 to index
        %get3A_914 = arith.constant 96 : index
        %get3A_915 = tpu.vector_load %arg12[%get3A_912, %get3A_913, %get3A_914] {strides = array<i32>} : memref<2x80x128xf32, #tpu.memory_space<vmem>>, vector<1x1x16xf32>,
        %get3A_916 = vector.shape_cast %get3A_915 : vector<1x1x16xf32> to vector<16xf32>
        %max3A_917 = arith.maximumf %max3A_845, %get3A_916 : vector<16xf32>
        %add3A_918 = arith.constant 3 : i32
        %add3A_919 = arith.addi %mul3A_639, %add3A_918 : i32
        %get3A_920 = arith.constant 0 : i32
        %get3A_921 = arith.index_cast %get3A_920 : i32 to index
        %get3A_922 = arith.index_cast %add3A_919 : i32 to index
        %get3A_923 = arith.constant 112 : index
        %get3A_924 = tpu.vector_load %arg12[%get3A_921, %get3A_922, %get3A_923] {strides = array<i32>} : memref<2x80x128xf32, #tpu.memory_space<vmem>>, vector<1x1x16xf32>,
        %get3A_925 = vector.shape_cast %get3A_924 : vector<1x1x16xf32> to vector<16xf32>
        %max3A_926 = arith.maximumf %max3A_854, %get3A_925 : vector<16xf32>
        scf.yield %max3A_863, %max3A_872, %max3A_881, %max3A_890, %max3A_899, %max3A_908, %max3A_917, %max3A_926 : vector<16xf32>, vector<16xf32>, vector<16xf32>, vector<16xf32>, vector<16xf32>, vector<16xf32>, vector<16xf32>, vector<16xf32>
      }
      %scan3A_534 = arith.constant 20 : i32
      %add3A_535 = arith.constant 560 : i32
      %add3A_536 = arith.addi %mul3A_0, %add3A_535 : i32
      %dma_wait3A_537 = arith.constant 1 : i32
      %dma_wait3A_538 = arith.constant 0 : i32
      %dma_wait3A_539 = arith.constant 0 : i32
      %dma_wait3A_540 = tpu.memref_slice %arg12[%dma_wait3A_537, %dma_wait3A_538, %dma_wait3A_539] : memref<2x80x128xf32, #tpu.memory_space<vmem>> -> memref<1x80x128xf32, #tpu.memory_space<vmem>>
      %dma_wait3A_541 = tpu.memref_squeeze %dma_wait3A_540 : memref<1x80x128xf32, #tpu.memory_space<vmem>> -> memref<80x128xf32, #tpu.memory_space<vmem>>
      %dma_wait3A_542 = arith.constant 0 : i32
      %dma_wait3A_543 = tpu.memref_slice %arg7[%add3A_536, %dma_wait3A_542] : memref<10256x128xf32, #tpu.memory_space<vmem_shared>> -> memref<80x128xf32, #tpu.memory_space<vmem_shared>>
      %dma_wait3A_544 = arith.constant 0 : i32
      %dma_wait3A_545 = arith.constant 0 : i32
      %dma_wait3A_546 = tpu.memref_slice %arg12[%dma_wait3A_537, %dma_wait3A_544, %dma_wait3A_545] : memref<2x80x128xf32, #tpu.memory_space<vmem>> -> memref<1x80x128xf32, #tpu.memory_space<vmem>>
      %dma_wait3A_547 = tpu.memref_squeeze %dma_wait3A_546 : memref<1x80x128xf32, #tpu.memory_space<vmem>> -> memref<80x128xf32, #tpu.memory_space<vmem>>
      %dma_wait3A_548 = arith.constant 0 : i32
      %dma_wait3A_549 = tpu.memref_slice %arg7[%add3A_536, %dma_wait3A_548] : memref<10256x128xf32, #tpu.memory_space<vmem_shared>> -> memref<80x128xf32, #tpu.memory_space<vmem_shared>>
      tpu.wait_dma2 semaphore(%arg19 : memref<!tpu.dma_semaphore, #tpu.memory_space<semaphore_mem>>) src(%dma_wait3A_549 : memref<80x128xf32, #tpu.memory_space<vmem_shared>>) dst(%dma_wait3A_547 : memref<80x128xf32, #tpu.memory_space<vmem>>)
      %add3A_550 = arith.constant 1 : i32
      %add3A_551 = arith.addi %scan3A_19, %add3A_550 : i32
      %lt3A_552 = arith.constant 8 : i32
      %lt3A_553 = arith.cmpi slt, %add3A_551, %lt3A_552 : i32
      %convert_element_type3A_554 = arith.extui %lt3A_553 : i1 to i32
      %cond3A_555 = arith.constant 0 : i32
      %cond3A_556 = arith.cmpi ne, %convert_element_type3A_554, %cond3A_555 : i32
      scf.if %cond3A_556 {
        %add3A_629 = arith.constant 560 : i32
        %add3A_630 = arith.addi %mul3A_0, %add3A_629 : i32
        %add3A_631 = arith.constant 560 : i32
        %add3A_632 = arith.addi %mul3A_0, %add3A_631 : i32
        %dma_start3A_633 = arith.constant 0 : i32
        %dma_start3A_634 = tpu.memref_slice %arg7[%add3A_632, %dma_start3A_633] : memref<10256x128xf32, #tpu.memory_space<vmem_shared>> -> memref<80x128xf32, #tpu.memory_space<vmem_shared>>
        %dma_start3A_635 = arith.constant 0 : i32
        %dma_start3A_636 = tpu.memref_slice %arg2[%add3A_630, %dma_start3A_635] : memref<10240x128xf32, #tpu.memory_space<hbm>> -> memref<80x128xf32, #tpu.memory_space<hbm>>
        tpu.enqueue_dma source(%dma_start3A_636 : memref<80x128xf32, #tpu.memory_space<hbm>>) target(%dma_start3A_634 : memref<80x128xf32, #tpu.memory_space<vmem_shared>>) target_semaphore(%arg20 : memref<!tpu.dma_semaphore, #tpu.memory_space<semaphore_mem>>)
      } else {
      }
      %scan3A_557 = arith.constant 0 : i32
      %scan3A_558 = arith.constant 20 : i32
      %scan3A_559 = arith.addi %scan3A_557, %scan3A_558 : i32
      %scan3A_560 = arith.constant 1 : i32
      %scan3A_561:8 = scf.for %scan3A_629 = %scan3A_557 to %scan3A_559 step %scan3A_560 iter_args(%scan3A_630 = %scan3A_533#0, %scan3A_631 = %scan3A_533#1, %scan3A_632 = %scan3A_533#2, %scan3A_633 = %scan3A_533#3, %scan3A_634 = %scan3A_533#4, %scan3A_635 = %scan3A_533#5, %scan3A_636 = %scan3A_533#6, %scan3A_637 = %scan3A_533#7) -> (vector<16xf32>, vector<16xf32>, vector<16xf32>, vector<16xf32>, vector<16xf32>, vector<16xf32>, vector<16xf32>, vector<16xf32>)  : i32 {
        %mul3A_638 = arith.constant 4 : i32
        %mul3A_639 = arith.muli %scan3A_629, %mul3A_638 : i32
        %add3A_640 = arith.constant 0 : i32
        %add3A_641 = arith.addi %mul3A_639, %add3A_640 : i32
        %get3A = arith.constant 1 : i32
        %get3A_642 = arith.index_cast %get3A : i32 to index
        %get3A_643 = arith.index_cast %add3A_641 : i32 to index
        %get3A_644 = arith.constant 0 : index
        %get3A_645 = tpu.vector_load %arg12[%get3A_642, %get3A_643, %get3A_644] {strides = array<i32>} : memref<2x80x128xf32, #tpu.memory_space<vmem>>, vector<1x1x16xf32>,
        %get3A_646 = vector.shape_cast %get3A_645 : vector<1x1x16xf32> to vector<16xf32>
        %max3A_647 = arith.maximumf %scan3A_630, %get3A_646 : vector<16xf32>
        %add3A_648 = arith.constant 0 : i32
        %add3A_649 = arith.addi %mul3A_639, %add3A_648 : i32
        %get3A_650 = arith.constant 1 : i32
        %get3A_651 = arith.index_cast %get3A_650 : i32 to index
        %get3A_652 = arith.index_cast %add3A_649 : i32 to index
        %get3A_653 = arith.constant 16 : index
        %get3A_654 = tpu.vector_load %arg12[%get3A_651, %get3A_652, %get3A_653] {strides = array<i32>} : memref<2x80x128xf32, #tpu.memory_space<vmem>>, vector<1x1x16xf32>,
        %get3A_655 = vector.shape_cast %get3A_654 : vector<1x1x16xf32> to vector<16xf32>
        %max3A_656 = arith.maximumf %scan3A_631, %get3A_655 : vector<16xf32>
        %add3A_657 = arith.constant 0 : i32
        %add3A_658 = arith.addi %mul3A_639, %add3A_657 : i32
        %get3A_659 = arith.constant 1 : i32
        %get3A_660 = arith.index_cast %get3A_659 : i32 to index
        %get3A_661 = arith.index_cast %add3A_658 : i32 to index
        %get3A_662 = arith.constant 32 : index
        %get3A_663 = tpu.vector_load %arg12[%get3A_660, %get3A_661, %get3A_662] {strides = array<i32>} : memref<2x80x128xf32, #tpu.memory_space<vmem>>, vector<1x1x16xf32>,
        %get3A_664 = vector.shape_cast %get3A_663 : vector<1x1x16xf32> to vector<16xf32>
        %max3A_665 = arith.maximumf %scan3A_632, %get3A_664 : vector<16xf32>
        %add3A_666 = arith.constant 0 : i32
        %add3A_667 = arith.addi %mul3A_639, %add3A_666 : i32
        %get3A_668 = arith.constant 1 : i32
        %get3A_669 = arith.index_cast %get3A_668 : i32 to index
        %get3A_670 = arith.index_cast %add3A_667 : i32 to index
        %get3A_671 = arith.constant 48 : index
        %get3A_672 = tpu.vector_load %arg12[%get3A_669, %get3A_670, %get3A_671] {strides = array<i32>} : memref<2x80x128xf32, #tpu.memory_space<vmem>>, vector<1x1x16xf32>,
        %get3A_673 = vector.shape_cast %get3A_672 : vector<1x1x16xf32> to vector<16xf32>
        %max3A_674 = arith.maximumf %scan3A_633, %get3A_673 : vector<16xf32>
        %add3A_675 = arith.constant 0 : i32
        %add3A_676 = arith.addi %mul3A_639, %add3A_675 : i32
        %get3A_677 = arith.constant 1 : i32
        %get3A_678 = arith.index_cast %get3A_677 : i32 to index
        %get3A_679 = arith.index_cast %add3A_676 : i32 to index
        %get3A_680 = arith.constant 64 : index
        %get3A_681 = tpu.vector_load %arg12[%get3A_678, %get3A_679, %get3A_680] {strides = array<i32>} : memref<2x80x128xf32, #tpu.memory_space<vmem>>, vector<1x1x16xf32>,
        %get3A_682 = vector.shape_cast %get3A_681 : vector<1x1x16xf32> to vector<16xf32>
        %max3A_683 = arith.maximumf %scan3A_634, %get3A_682 : vector<16xf32>
        %add3A_684 = arith.constant 0 : i32
        %add3A_685 = arith.addi %mul3A_639, %add3A_684 : i32
        %get3A_686 = arith.constant 1 : i32
        %get3A_687 = arith.index_cast %get3A_686 : i32 to index
        %get3A_688 = arith.index_cast %add3A_685 : i32 to index
        %get3A_689 = arith.constant 80 : index
        %get3A_690 = tpu.vector_load %arg12[%get3A_687, %get3A_688, %get3A_689] {strides = array<i32>} : memref<2x80x128xf32, #tpu.memory_space<vmem>>, vector<1x1x16xf32>,
        %get3A_691 = vector.shape_cast %get3A_690 : vector<1x1x16xf32> to vector<16xf32>
        %max3A_692 = arith.maximumf %scan3A_635, %get3A_691 : vector<16xf32>
        %add3A_693 = arith.constant 0 : i32
        %add3A_694 = arith.addi %mul3A_639, %add3A_693 : i32
        %get3A_695 = arith.constant 1 : i32
        %get3A_696 = arith.index_cast %get3A_695 : i32 to index
        %get3A_697 = arith.index_cast %add3A_694 : i32 to index
        %get3A_698 = arith.constant 96 : index
        %get3A_699 = tpu.vector_load %arg12[%get3A_696, %get3A_697, %get3A_698] {strides = array<i32>} : memref<2x80x128xf32, #tpu.memory_space<vmem>>, vector<1x1x16xf32>,
        %get3A_700 = vector.shape_cast %get3A_699 : vector<1x1x16xf32> to vector<16xf32>
        %max3A_701 = arith.maximumf %scan3A_636, %get3A_700 : vector<16xf32>
        %add3A_702 = arith.constant 0 : i32
        %add3A_703 = arith.addi %mul3A_639, %add3A_702 : i32
        %get3A_704 = arith.constant 1 : i32
        %get3A_705 = arith.index_cast %get3A_704 : i32 to index
        %get3A_706 = arith.index_cast %add3A_703 : i32 to index
        %get3A_707 = arith.constant 112 : index
        %get3A_708 = tpu.vector_load %arg12[%get3A_705, %get3A_706, %get3A_707] {strides = array<i32>} : memref<2x80x128xf32, #tpu.memory_space<vmem>>, vector<1x1x16xf32>,
        %get3A_709 = vector.shape_cast %get3A_708 : vector<1x1x16xf32> to vector<16xf32>
        %max3A_710 = arith.maximumf %scan3A_637, %get3A_709 : vector<16xf32>
        %add3A_711 = arith.constant 1 : i32
        %add3A_712 = arith.addi %mul3A_639, %add3A_711 : i32
        %get3A_713 = arith.constant 1 : i32
        %get3A_714 = arith.index_cast %get3A_713 : i32 to index
        %get3A_715 = arith.index_cast %add3A_712 : i32 to index
        %get3A_716 = arith.constant 0 : index
        %get3A_717 = tpu.vector_load %arg12[%get3A_714, %get3A_715, %get3A_716] {strides = array<i32>} : memref<2x80x128xf32, #tpu.memory_space<vmem>>, vector<1x1x16xf32>,
        %get3A_718 = vector.shape_cast %get3A_717 : vector<1x1x16xf32> to vector<16xf32>
        %max3A_719 = arith.maximumf %max3A_647, %get3A_718 : vector<16xf32>
        %add3A_720 = arith.constant 1 : i32
        %add3A_721 = arith.addi %mul3A_639, %add3A_720 : i32
        %get3A_722 = arith.constant 1 : i32
        %get3A_723 = arith.index_cast %get3A_722 : i32 to index
        %get3A_724 = arith.index_cast %add3A_721 : i32 to index
        %get3A_725 = arith.constant 16 : index
        %get3A_726 = tpu.vector_load %arg12[%get3A_723, %get3A_724, %get3A_725] {strides = array<i32>} : memref<2x80x128xf32, #tpu.memory_space<vmem>>, vector<1x1x16xf32>,
        %get3A_727 = vector.shape_cast %get3A_726 : vector<1x1x16xf32> to vector<16xf32>
        %max3A_728 = arith.maximumf %max3A_656, %get3A_727 : vector<16xf32>
        %add3A_729 = arith.constant 1 : i32
        %add3A_730 = arith.addi %mul3A_639, %add3A_729 : i32
        %get3A_731 = arith.constant 1 : i32
        %get3A_732 = arith.index_cast %get3A_731 : i32 to index
        %get3A_733 = arith.index_cast %add3A_730 : i32 to index
        %get3A_734 = arith.constant 32 : index
        %get3A_735 = tpu.vector_load %arg12[%get3A_732, %get3A_733, %get3A_734] {strides = array<i32>} : memref<2x80x128xf32, #tpu.memory_space<vmem>>, vector<1x1x16xf32>,
        %get3A_736 = vector.shape_cast %get3A_735 : vector<1x1x16xf32> to vector<16xf32>
        %max3A_737 = arith.maximumf %max3A_665, %get3A_736 : vector<16xf32>
        %add3A_738 = arith.constant 1 : i32
        %add3A_739 = arith.addi %mul3A_639, %add3A_738 : i32
        %get3A_740 = arith.constant 1 : i32
        %get3A_741 = arith.index_cast %get3A_740 : i32 to index
        %get3A_742 = arith.index_cast %add3A_739 : i32 to index
        %get3A_743 = arith.constant 48 : index
        %get3A_744 = tpu.vector_load %arg12[%get3A_741, %get3A_742, %get3A_743] {strides = array<i32>} : memref<2x80x128xf32, #tpu.memory_space<vmem>>, vector<1x1x16xf32>,
        %get3A_745 = vector.shape_cast %get3A_744 : vector<1x1x16xf32> to vector<16xf32>
        %max3A_746 = arith.maximumf %max3A_674, %get3A_745 : vector<16xf32>
        %add3A_747 = arith.constant 1 : i32
        %add3A_748 = arith.addi %mul3A_639, %add3A_747 : i32
        %get3A_749 = arith.constant 1 : i32
        %get3A_750 = arith.index_cast %get3A_749 : i32 to index
        %get3A_751 = arith.index_cast %add3A_748 : i32 to index
        %get3A_752 = arith.constant 64 : index
        %get3A_753 = tpu.vector_load %arg12[%get3A_750, %get3A_751, %get3A_752] {strides = array<i32>} : memref<2x80x128xf32, #tpu.memory_space<vmem>>, vector<1x1x16xf32>,
        %get3A_754 = vector.shape_cast %get3A_753 : vector<1x1x16xf32> to vector<16xf32>
        %max3A_755 = arith.maximumf %max3A_683, %get3A_754 : vector<16xf32>
        %add3A_756 = arith.constant 1 : i32
        %add3A_757 = arith.addi %mul3A_639, %add3A_756 : i32
        %get3A_758 = arith.constant 1 : i32
        %get3A_759 = arith.index_cast %get3A_758 : i32 to index
        %get3A_760 = arith.index_cast %add3A_757 : i32 to index
        %get3A_761 = arith.constant 80 : index
        %get3A_762 = tpu.vector_load %arg12[%get3A_759, %get3A_760, %get3A_761] {strides = array<i32>} : memref<2x80x128xf32, #tpu.memory_space<vmem>>, vector<1x1x16xf32>,
        %get3A_763 = vector.shape_cast %get3A_762 : vector<1x1x16xf32> to vector<16xf32>
        %max3A_764 = arith.maximumf %max3A_692, %get3A_763 : vector<16xf32>
        %add3A_765 = arith.constant 1 : i32
        %add3A_766 = arith.addi %mul3A_639, %add3A_765 : i32
        %get3A_767 = arith.constant 1 : i32
        %get3A_768 = arith.index_cast %get3A_767 : i32 to index
        %get3A_769 = arith.index_cast %add3A_766 : i32 to index
        %get3A_770 = arith.constant 96 : index
        %get3A_771 = tpu.vector_load %arg12[%get3A_768, %get3A_769, %get3A_770] {strides = array<i32>} : memref<2x80x128xf32, #tpu.memory_space<vmem>>, vector<1x1x16xf32>,
        %get3A_772 = vector.shape_cast %get3A_771 : vector<1x1x16xf32> to vector<16xf32>
        %max3A_773 = arith.maximumf %max3A_701, %get3A_772 : vector<16xf32>
        %add3A_774 = arith.constant 1 : i32
        %add3A_775 = arith.addi %mul3A_639, %add3A_774 : i32
        %get3A_776 = arith.constant 1 : i32
        %get3A_777 = arith.index_cast %get3A_776 : i32 to index
        %get3A_778 = arith.index_cast %add3A_775 : i32 to index
        %get3A_779 = arith.constant 112 : index
        %get3A_780 = tpu.vector_load %arg12[%get3A_777, %get3A_778, %get3A_779] {strides = array<i32>} : memref<2x80x128xf32, #tpu.memory_space<vmem>>, vector<1x1x16xf32>,
        %get3A_781 = vector.shape_cast %get3A_780 : vector<1x1x16xf32> to vector<16xf32>
        %max3A_782 = arith.maximumf %max3A_710, %get3A_781 : vector<16xf32>
        %add3A_783 = arith.constant 2 : i32
        %add3A_784 = arith.addi %mul3A_639, %add3A_783 : i32
        %get3A_785 = arith.constant 1 : i32
        %get3A_786 = arith.index_cast %get3A_785 : i32 to index
        %get3A_787 = arith.index_cast %add3A_784 : i32 to index
        %get3A_788 = arith.constant 0 : index
        %get3A_789 = tpu.vector_load %arg12[%get3A_786, %get3A_787, %get3A_788] {strides = array<i32>} : memref<2x80x128xf32, #tpu.memory_space<vmem>>, vector<1x1x16xf32>,
        %get3A_790 = vector.shape_cast %get3A_789 : vector<1x1x16xf32> to vector<16xf32>
        %max3A_791 = arith.maximumf %max3A_719, %get3A_790 : vector<16xf32>
        %add3A_792 = arith.constant 2 : i32
        %add3A_793 = arith.addi %mul3A_639, %add3A_792 : i32
        %get3A_794 = arith.constant 1 : i32
        %get3A_795 = arith.index_cast %get3A_794 : i32 to index
        %get3A_796 = arith.index_cast %add3A_793 : i32 to index
        %get3A_797 = arith.constant 16 : index
        %get3A_798 = tpu.vector_load %arg12[%get3A_795, %get3A_796, %get3A_797] {strides = array<i32>} : memref<2x80x128xf32, #tpu.memory_space<vmem>>, vector<1x1x16xf32>,
        %get3A_799 = vector.shape_cast %get3A_798 : vector<1x1x16xf32> to vector<16xf32>
        %max3A_800 = arith.maximumf %max3A_728, %get3A_799 : vector<16xf32>
        %add3A_801 = arith.constant 2 : i32
        %add3A_802 = arith.addi %mul3A_639, %add3A_801 : i32
        %get3A_803 = arith.constant 1 : i32
        %get3A_804 = arith.index_cast %get3A_803 : i32 to index
        %get3A_805 = arith.index_cast %add3A_802 : i32 to index
        %get3A_806 = arith.constant 32 : index
        %get3A_807 = tpu.vector_load %arg12[%get3A_804, %get3A_805, %get3A_806] {strides = array<i32>} : memref<2x80x128xf32, #tpu.memory_space<vmem>>, vector<1x1x16xf32>,
        %get3A_808 = vector.shape_cast %get3A_807 : vector<1x1x16xf32> to vector<16xf32>
        %max3A_809 = arith.maximumf %max3A_737, %get3A_808 : vector<16xf32>
        %add3A_810 = arith.constant 2 : i32
        %add3A_811 = arith.addi %mul3A_639, %add3A_810 : i32
        %get3A_812 = arith.constant 1 : i32
        %get3A_813 = arith.index_cast %get3A_812 : i32 to index
        %get3A_814 = arith.index_cast %add3A_811 : i32 to index
        %get3A_815 = arith.constant 48 : index
        %get3A_816 = tpu.vector_load %arg12[%get3A_813, %get3A_814, %get3A_815] {strides = array<i32>} : memref<2x80x128xf32, #tpu.memory_space<vmem>>, vector<1x1x16xf32>,
        %get3A_817 = vector.shape_cast %get3A_816 : vector<1x1x16xf32> to vector<16xf32>
        %max3A_818 = arith.maximumf %max3A_746, %get3A_817 : vector<16xf32>
        %add3A_819 = arith.constant 2 : i32
        %add3A_820 = arith.addi %mul3A_639, %add3A_819 : i32
        %get3A_821 = arith.constant 1 : i32
        %get3A_822 = arith.index_cast %get3A_821 : i32 to index
        %get3A_823 = arith.index_cast %add3A_820 : i32 to index
        %get3A_824 = arith.constant 64 : index
        %get3A_825 = tpu.vector_load %arg12[%get3A_822, %get3A_823, %get3A_824] {strides = array<i32>} : memref<2x80x128xf32, #tpu.memory_space<vmem>>, vector<1x1x16xf32>,
        %get3A_826 = vector.shape_cast %get3A_825 : vector<1x1x16xf32> to vector<16xf32>
        %max3A_827 = arith.maximumf %max3A_755, %get3A_826 : vector<16xf32>
        %add3A_828 = arith.constant 2 : i32
        %add3A_829 = arith.addi %mul3A_639, %add3A_828 : i32
        %get3A_830 = arith.constant 1 : i32
        %get3A_831 = arith.index_cast %get3A_830 : i32 to index
        %get3A_832 = arith.index_cast %add3A_829 : i32 to index
        %get3A_833 = arith.constant 80 : index
        %get3A_834 = tpu.vector_load %arg12[%get3A_831, %get3A_832, %get3A_833] {strides = array<i32>} : memref<2x80x128xf32, #tpu.memory_space<vmem>>, vector<1x1x16xf32>,
        %get3A_835 = vector.shape_cast %get3A_834 : vector<1x1x16xf32> to vector<16xf32>
        %max3A_836 = arith.maximumf %max3A_764, %get3A_835 : vector<16xf32>
        %add3A_837 = arith.constant 2 : i32
        %add3A_838 = arith.addi %mul3A_639, %add3A_837 : i32
        %get3A_839 = arith.constant 1 : i32
        %get3A_840 = arith.index_cast %get3A_839 : i32 to index
        %get3A_841 = arith.index_cast %add3A_838 : i32 to index
        %get3A_842 = arith.constant 96 : index
        %get3A_843 = tpu.vector_load %arg12[%get3A_840, %get3A_841, %get3A_842] {strides = array<i32>} : memref<2x80x128xf32, #tpu.memory_space<vmem>>, vector<1x1x16xf32>,
        %get3A_844 = vector.shape_cast %get3A_843 : vector<1x1x16xf32> to vector<16xf32>
        %max3A_845 = arith.maximumf %max3A_773, %get3A_844 : vector<16xf32>
        %add3A_846 = arith.constant 2 : i32
        %add3A_847 = arith.addi %mul3A_639, %add3A_846 : i32
        %get3A_848 = arith.constant 1 : i32
        %get3A_849 = arith.index_cast %get3A_848 : i32 to index
        %get3A_850 = arith.index_cast %add3A_847 : i32 to index
        %get3A_851 = arith.constant 112 : index
        %get3A_852 = tpu.vector_load %arg12[%get3A_849, %get3A_850, %get3A_851] {strides = array<i32>} : memref<2x80x128xf32, #tpu.memory_space<vmem>>, vector<1x1x16xf32>,
        %get3A_853 = vector.shape_cast %get3A_852 : vector<1x1x16xf32> to vector<16xf32>
        %max3A_854 = arith.maximumf %max3A_782, %get3A_853 : vector<16xf32>
        %add3A_855 = arith.constant 3 : i32
        %add3A_856 = arith.addi %mul3A_639, %add3A_855 : i32
        %get3A_857 = arith.constant 1 : i32
        %get3A_858 = arith.index_cast %get3A_857 : i32 to index
        %get3A_859 = arith.index_cast %add3A_856 : i32 to index
        %get3A_860 = arith.constant 0 : index
        %get3A_861 = tpu.vector_load %arg12[%get3A_858, %get3A_859, %get3A_860] {strides = array<i32>} : memref<2x80x128xf32, #tpu.memory_space<vmem>>, vector<1x1x16xf32>,
        %get3A_862 = vector.shape_cast %get3A_861 : vector<1x1x16xf32> to vector<16xf32>
        %max3A_863 = arith.maximumf %max3A_791, %get3A_862 : vector<16xf32>
        %add3A_864 = arith.constant 3 : i32
        %add3A_865 = arith.addi %mul3A_639, %add3A_864 : i32
        %get3A_866 = arith.constant 1 : i32
        %get3A_867 = arith.index_cast %get3A_866 : i32 to index
        %get3A_868 = arith.index_cast %add3A_865 : i32 to index
        %get3A_869 = arith.constant 16 : index
        %get3A_870 = tpu.vector_load %arg12[%get3A_867, %get3A_868, %get3A_869] {strides = array<i32>} : memref<2x80x128xf32, #tpu.memory_space<vmem>>, vector<1x1x16xf32>,
        %get3A_871 = vector.shape_cast %get3A_870 : vector<1x1x16xf32> to vector<16xf32>
        %max3A_872 = arith.maximumf %max3A_800, %get3A_871 : vector<16xf32>
        %add3A_873 = arith.constant 3 : i32
        %add3A_874 = arith.addi %mul3A_639, %add3A_873 : i32
        %get3A_875 = arith.constant 1 : i32
        %get3A_876 = arith.index_cast %get3A_875 : i32 to index
        %get3A_877 = arith.index_cast %add3A_874 : i32 to index
        %get3A_878 = arith.constant 32 : index
        %get3A_879 = tpu.vector_load %arg12[%get3A_876, %get3A_877, %get3A_878] {strides = array<i32>} : memref<2x80x128xf32, #tpu.memory_space<vmem>>, vector<1x1x16xf32>,
        %get3A_880 = vector.shape_cast %get3A_879 : vector<1x1x16xf32> to vector<16xf32>
        %max3A_881 = arith.maximumf %max3A_809, %get3A_880 : vector<16xf32>
        %add3A_882 = arith.constant 3 : i32
        %add3A_883 = arith.addi %mul3A_639, %add3A_882 : i32
        %get3A_884 = arith.constant 1 : i32
        %get3A_885 = arith.index_cast %get3A_884 : i32 to index
        %get3A_886 = arith.index_cast %add3A_883 : i32 to index
        %get3A_887 = arith.constant 48 : index
        %get3A_888 = tpu.vector_load %arg12[%get3A_885, %get3A_886, %get3A_887] {strides = array<i32>} : memref<2x80x128xf32, #tpu.memory_space<vmem>>, vector<1x1x16xf32>,
        %get3A_889 = vector.shape_cast %get3A_888 : vector<1x1x16xf32> to vector<16xf32>
        %max3A_890 = arith.maximumf %max3A_818, %get3A_889 : vector<16xf32>
        %add3A_891 = arith.constant 3 : i32
        %add3A_892 = arith.addi %mul3A_639, %add3A_891 : i32
        %get3A_893 = arith.constant 1 : i32
        %get3A_894 = arith.index_cast %get3A_893 : i32 to index
        %get3A_895 = arith.index_cast %add3A_892 : i32 to index
        %get3A_896 = arith.constant 64 : index
        %get3A_897 = tpu.vector_load %arg12[%get3A_894, %get3A_895, %get3A_896] {strides = array<i32>} : memref<2x80x128xf32, #tpu.memory_space<vmem>>, vector<1x1x16xf32>,
        %get3A_898 = vector.shape_cast %get3A_897 : vector<1x1x16xf32> to vector<16xf32>
        %max3A_899 = arith.maximumf %max3A_827, %get3A_898 : vector<16xf32>
        %add3A_900 = arith.constant 3 : i32
        %add3A_901 = arith.addi %mul3A_639, %add3A_900 : i32
        %get3A_902 = arith.constant 1 : i32
        %get3A_903 = arith.index_cast %get3A_902 : i32 to index
        %get3A_904 = arith.index_cast %add3A_901 : i32 to index
        %get3A_905 = arith.constant 80 : index
        %get3A_906 = tpu.vector_load %arg12[%get3A_903, %get3A_904, %get3A_905] {strides = array<i32>} : memref<2x80x128xf32, #tpu.memory_space<vmem>>, vector<1x1x16xf32>,
        %get3A_907 = vector.shape_cast %get3A_906 : vector<1x1x16xf32> to vector<16xf32>
        %max3A_908 = arith.maximumf %max3A_836, %get3A_907 : vector<16xf32>
        %add3A_909 = arith.constant 3 : i32
        %add3A_910 = arith.addi %mul3A_639, %add3A_909 : i32
        %get3A_911 = arith.constant 1 : i32
        %get3A_912 = arith.index_cast %get3A_911 : i32 to index
        %get3A_913 = arith.index_cast %add3A_910 : i32 to index
        %get3A_914 = arith.constant 96 : index
        %get3A_915 = tpu.vector_load %arg12[%get3A_912, %get3A_913, %get3A_914] {strides = array<i32>} : memref<2x80x128xf32, #tpu.memory_space<vmem>>, vector<1x1x16xf32>,
        %get3A_916 = vector.shape_cast %get3A_915 : vector<1x1x16xf32> to vector<16xf32>
        %max3A_917 = arith.maximumf %max3A_845, %get3A_916 : vector<16xf32>
        %add3A_918 = arith.constant 3 : i32
        %add3A_919 = arith.addi %mul3A_639, %add3A_918 : i32
        %get3A_920 = arith.constant 1 : i32
        %get3A_921 = arith.index_cast %get3A_920 : i32 to index
        %get3A_922 = arith.index_cast %add3A_919 : i32 to index
        %get3A_923 = arith.constant 112 : index
        %get3A_924 = tpu.vector_load %arg12[%get3A_921, %get3A_922, %get3A_923] {strides = array<i32>} : memref<2x80x128xf32, #tpu.memory_space<vmem>>, vector<1x1x16xf32>,
        %get3A_925 = vector.shape_cast %get3A_924 : vector<1x1x16xf32> to vector<16xf32>
        %max3A_926 = arith.maximumf %max3A_854, %get3A_925 : vector<16xf32>
        scf.yield %max3A_863, %max3A_872, %max3A_881, %max3A_890, %max3A_899, %max3A_908, %max3A_917, %max3A_926 : vector<16xf32>, vector<16xf32>, vector<16xf32>, vector<16xf32>, vector<16xf32>, vector<16xf32>, vector<16xf32>, vector<16xf32>
      }
      %scan3A_562 = arith.constant 20 : i32
      %add3A_563 = arith.constant 1 : i32
      %add3A_564 = arith.addi %scan3A_19, %add3A_563 : i32
      %lt3A_565 = arith.constant 8 : i32
      %lt3A_566 = arith.cmpi slt, %add3A_564, %lt3A_565 : i32
      %convert_element_type3A_567 = arith.extui %lt3A_566 : i1 to i32
      %cond3A_568 = arith.constant 0 : i32
      %cond3A_569 = arith.cmpi ne, %convert_element_type3A_567, %cond3A_568 : i32
      scf.if %cond3A_569 {
        %add3A_629 = arith.constant 0 : i32
        %add3A_630 = arith.addi %mul3A_0, %add3A_629 : i32
        %add3A_631 = arith.constant 0 : i32
        %add3A_632 = arith.addi %mul3A_0, %add3A_631 : i32
        %dma_wait3A_633 = arith.constant 0 : i32
        %dma_wait3A_634 = tpu.memref_slice %arg7[%add3A_632, %dma_wait3A_633] : memref<10256x128xf32, #tpu.memory_space<vmem_shared>> -> memref<80x128xf32, #tpu.memory_space<vmem_shared>>
        %dma_wait3A_635 = arith.constant 0 : i32
        %dma_wait3A_636 = tpu.memref_slice %arg2[%add3A_630, %dma_wait3A_635] : memref<10240x128xf32, #tpu.memory_space<hbm>> -> memref<80x128xf32, #tpu.memory_space<hbm>>
        tpu.wait_dma2 semaphore(%arg20 : memref<!tpu.dma_semaphore, #tpu.memory_space<semaphore_mem>>) src(%dma_wait3A_636 : memref<80x128xf32, #tpu.memory_space<hbm>>) dst(%dma_wait3A_634 : memref<80x128xf32, #tpu.memory_space<vmem_shared>>)
        %add3A_637 = arith.constant 80 : i32
        %add3A_638 = arith.addi %mul3A_0, %add3A_637 : i32
        %add3A_639 = arith.constant 80 : i32
        %add3A_640 = arith.addi %mul3A_0, %add3A_639 : i32
        %dma_wait3A_641 = arith.constant 0 : i32
        %dma_wait3A_642 = tpu.memref_slice %arg7[%add3A_640, %dma_wait3A_641] : memref<10256x128xf32, #tpu.memory_space<vmem_shared>> -> memref<80x128xf32, #tpu.memory_space<vmem_shared>>
        %dma_wait3A_643 = arith.constant 0 : i32
        %dma_wait3A_644 = tpu.memref_slice %arg2[%add3A_638, %dma_wait3A_643] : memref<10240x128xf32, #tpu.memory_space<hbm>> -> memref<80x128xf32, #tpu.memory_space<hbm>>
        tpu.wait_dma2 semaphore(%arg20 : memref<!tpu.dma_semaphore, #tpu.memory_space<semaphore_mem>>) src(%dma_wait3A_644 : memref<80x128xf32, #tpu.memory_space<hbm>>) dst(%dma_wait3A_642 : memref<80x128xf32, #tpu.memory_space<vmem_shared>>)
        %add3A_645 = arith.constant 160 : i32
        %add3A_646 = arith.addi %mul3A_0, %add3A_645 : i32
        %add3A_647 = arith.constant 160 : i32
        %add3A_648 = arith.addi %mul3A_0, %add3A_647 : i32
        %dma_wait3A_649 = arith.constant 0 : i32
        %dma_wait3A_650 = tpu.memref_slice %arg7[%add3A_648, %dma_wait3A_649] : memref<10256x128xf32, #tpu.memory_space<vmem_shared>> -> memref<80x128xf32, #tpu.memory_space<vmem_shared>>
        %dma_wait3A_651 = arith.constant 0 : i32
        %dma_wait3A_652 = tpu.memref_slice %arg2[%add3A_646, %dma_wait3A_651] : memref<10240x128xf32, #tpu.memory_space<hbm>> -> memref<80x128xf32, #tpu.memory_space<hbm>>
        tpu.wait_dma2 semaphore(%arg20 : memref<!tpu.dma_semaphore, #tpu.memory_space<semaphore_mem>>) src(%dma_wait3A_652 : memref<80x128xf32, #tpu.memory_space<hbm>>) dst(%dma_wait3A_650 : memref<80x128xf32, #tpu.memory_space<vmem_shared>>)
        %add3A_653 = arith.constant 240 : i32
        %add3A_654 = arith.addi %mul3A_0, %add3A_653 : i32
        %add3A_655 = arith.constant 240 : i32
        %add3A_656 = arith.addi %mul3A_0, %add3A_655 : i32
        %dma_wait3A_657 = arith.constant 0 : i32
        %dma_wait3A_658 = tpu.memref_slice %arg7[%add3A_656, %dma_wait3A_657] : memref<10256x128xf32, #tpu.memory_space<vmem_shared>> -> memref<80x128xf32, #tpu.memory_space<vmem_shared>>
        %dma_wait3A_659 = arith.constant 0 : i32
        %dma_wait3A_660 = tpu.memref_slice %arg2[%add3A_654, %dma_wait3A_659] : memref<10240x128xf32, #tpu.memory_space<hbm>> -> memref<80x128xf32, #tpu.memory_space<hbm>>
        tpu.wait_dma2 semaphore(%arg20 : memref<!tpu.dma_semaphore, #tpu.memory_space<semaphore_mem>>) src(%dma_wait3A_660 : memref<80x128xf32, #tpu.memory_space<hbm>>) dst(%dma_wait3A_658 : memref<80x128xf32, #tpu.memory_space<vmem_shared>>)
        %add3A_661 = arith.constant 320 : i32
        %add3A_662 = arith.addi %mul3A_0, %add3A_661 : i32
        %add3A_663 = arith.constant 320 : i32
        %add3A_664 = arith.addi %mul3A_0, %add3A_663 : i32
        %dma_wait3A_665 = arith.constant 0 : i32
        %dma_wait3A_666 = tpu.memref_slice %arg7[%add3A_664, %dma_wait3A_665] : memref<10256x128xf32, #tpu.memory_space<vmem_shared>> -> memref<80x128xf32, #tpu.memory_space<vmem_shared>>
        %dma_wait3A_667 = arith.constant 0 : i32
        %dma_wait3A_668 = tpu.memref_slice %arg2[%add3A_662, %dma_wait3A_667] : memref<10240x128xf32, #tpu.memory_space<hbm>> -> memref<80x128xf32, #tpu.memory_space<hbm>>
        tpu.wait_dma2 semaphore(%arg20 : memref<!tpu.dma_semaphore, #tpu.memory_space<semaphore_mem>>) src(%dma_wait3A_668 : memref<80x128xf32, #tpu.memory_space<hbm>>) dst(%dma_wait3A_666 : memref<80x128xf32, #tpu.memory_space<vmem_shared>>)
        %add3A_669 = arith.constant 400 : i32
        %add3A_670 = arith.addi %mul3A_0, %add3A_669 : i32
        %add3A_671 = arith.constant 400 : i32
        %add3A_672 = arith.addi %mul3A_0, %add3A_671 : i32
        %dma_wait3A_673 = arith.constant 0 : i32
        %dma_wait3A_674 = tpu.memref_slice %arg7[%add3A_672, %dma_wait3A_673] : memref<10256x128xf32, #tpu.memory_space<vmem_shared>> -> memref<80x128xf32, #tpu.memory_space<vmem_shared>>
        %dma_wait3A_675 = arith.constant 0 : i32
        %dma_wait3A_676 = tpu.memref_slice %arg2[%add3A_670, %dma_wait3A_675] : memref<10240x128xf32, #tpu.memory_space<hbm>> -> memref<80x128xf32, #tpu.memory_space<hbm>>
        tpu.wait_dma2 semaphore(%arg20 : memref<!tpu.dma_semaphore, #tpu.memory_space<semaphore_mem>>) src(%dma_wait3A_676 : memref<80x128xf32, #tpu.memory_space<hbm>>) dst(%dma_wait3A_674 : memref<80x128xf32, #tpu.memory_space<vmem_shared>>)
        %add3A_677 = arith.constant 480 : i32
        %add3A_678 = arith.addi %mul3A_0, %add3A_677 : i32
        %add3A_679 = arith.constant 480 : i32
        %add3A_680 = arith.addi %mul3A_0, %add3A_679 : i32
        %dma_wait3A_681 = arith.constant 0 : i32
        %dma_wait3A_682 = tpu.memref_slice %arg7[%add3A_680, %dma_wait3A_681] : memref<10256x128xf32, #tpu.memory_space<vmem_shared>> -> memref<80x128xf32, #tpu.memory_space<vmem_shared>>
        %dma_wait3A_683 = arith.constant 0 : i32
        %dma_wait3A_684 = tpu.memref_slice %arg2[%add3A_678, %dma_wait3A_683] : memref<10240x128xf32, #tpu.memory_space<hbm>> -> memref<80x128xf32, #tpu.memory_space<hbm>>
        tpu.wait_dma2 semaphore(%arg20 : memref<!tpu.dma_semaphore, #tpu.memory_space<semaphore_mem>>) src(%dma_wait3A_684 : memref<80x128xf32, #tpu.memory_space<hbm>>) dst(%dma_wait3A_682 : memref<80x128xf32, #tpu.memory_space<vmem_shared>>)
        %add3A_685 = arith.constant 560 : i32
        %add3A_686 = arith.addi %mul3A_0, %add3A_685 : i32
        %add3A_687 = arith.constant 560 : i32
        %add3A_688 = arith.addi %mul3A_0, %add3A_687 : i32
        %dma_wait3A_689 = arith.constant 0 : i32
        %dma_wait3A_690 = tpu.memref_slice %arg7[%add3A_688, %dma_wait3A_689] : memref<10256x128xf32, #tpu.memory_space<vmem_shared>> -> memref<80x128xf32, #tpu.memory_space<vmem_shared>>
        %dma_wait3A_691 = arith.constant 0 : i32
        %dma_wait3A_692 = tpu.memref_slice %arg2[%add3A_686, %dma_wait3A_691] : memref<10240x128xf32, #tpu.memory_space<hbm>> -> memref<80x128xf32, #tpu.memory_space<hbm>>
        tpu.wait_dma2 semaphore(%arg20 : memref<!tpu.dma_semaphore, #tpu.memory_space<semaphore_mem>>) src(%dma_wait3A_692 : memref<80x128xf32, #tpu.memory_space<hbm>>) dst(%dma_wait3A_690 : memref<80x128xf32, #tpu.memory_space<vmem_shared>>)
      } else {
      }
      %max3A = arith.constant 0.000000e+00 : f32
      %max3A_570 = vector.broadcast %max3A : f32 to vector<16xf32>
      %max3A_571 = arith.maximumf %scan3A_561#0, %max3A_570 : vector<16xf32>
      %swap3A = arith.constant 0 : index
      %swap3A_572 = tpu.vector_load %arg13[%swap3A] {strides = array<i32>} : memref<128xf32, #tpu.memory_space<vmem>>, vector<16xf32>,
      %swap3A_573 = vector.shape_cast %swap3A_572 : vector<16xf32> to vector<16xf32>
      %swap3A_574 = vector.shape_cast %max3A_571 : vector<16xf32> to vector<16xf32>
      tpu.vector_store %arg13[%swap3A], %swap3A_574 {strides = array<i32>} : memref<128xf32, #tpu.memory_space<vmem>>, vector<16xf32>,
      %max3A_575 = arith.constant 0.000000e+00 : f32
      %max3A_576 = vector.broadcast %max3A_575 : f32 to vector<16xf32>
      %max3A_577 = arith.maximumf %scan3A_561#1, %max3A_576 : vector<16xf32>
      %swap3A_578 = arith.constant 16 : index
      %swap3A_579 = tpu.vector_load %arg13[%swap3A_578] {strides = array<i32>} : memref<128xf32, #tpu.memory_space<vmem>>, vector<16xf32>,
      %swap3A_580 = vector.shape_cast %swap3A_579 : vector<16xf32> to vector<16xf32>
      %swap3A_581 = vector.shape_cast %max3A_577 : vector<16xf32> to vector<16xf32>
      tpu.vector_store %arg13[%swap3A_578], %swap3A_581 {strides = array<i32>} : memref<128xf32, #tpu.memory_space<vmem>>, vector<16xf32>,
      %max3A_582 = arith.constant 0.000000e+00 : f32
      %max3A_583 = vector.broadcast %max3A_582 : f32 to vector<16xf32>
      %max3A_584 = arith.maximumf %scan3A_561#2, %max3A_583 : vector<16xf32>
      %swap3A_585 = arith.constant 32 : index
      %swap3A_586 = tpu.vector_load %arg13[%swap3A_585] {strides = array<i32>} : memref<128xf32, #tpu.memory_space<vmem>>, vector<16xf32>,
      %swap3A_587 = vector.shape_cast %swap3A_586 : vector<16xf32> to vector<16xf32>
      %swap3A_588 = vector.shape_cast %max3A_584 : vector<16xf32> to vector<16xf32>
      tpu.vector_store %arg13[%swap3A_585], %swap3A_588 {strides = array<i32>} : memref<128xf32, #tpu.memory_space<vmem>>, vector<16xf32>,
      %max3A_589 = arith.constant 0.000000e+00 : f32
      %max3A_590 = vector.broadcast %max3A_589 : f32 to vector<16xf32>
      %max3A_591 = arith.maximumf %scan3A_561#3, %max3A_590 : vector<16xf32>
      %swap3A_592 = arith.constant 48 : index
      %swap3A_593 = tpu.vector_load %arg13[%swap3A_592] {strides = array<i32>} : memref<128xf32, #tpu.memory_space<vmem>>, vector<16xf32>,
      %swap3A_594 = vector.shape_cast %swap3A_593 : vector<16xf32> to vector<16xf32>
      %swap3A_595 = vector.shape_cast %max3A_591 : vector<16xf32> to vector<16xf32>
      tpu.vector_store %arg13[%swap3A_592], %swap3A_595 {strides = array<i32>} : memref<128xf32, #tpu.memory_space<vmem>>, vector<16xf32>,
      %max3A_596 = arith.constant 0.000000e+00 : f32
      %max3A_597 = vector.broadcast %max3A_596 : f32 to vector<16xf32>
      %max3A_598 = arith.maximumf %scan3A_561#4, %max3A_597 : vector<16xf32>
      %swap3A_599 = arith.constant 64 : index
      %swap3A_600 = tpu.vector_load %arg13[%swap3A_599] {strides = array<i32>} : memref<128xf32, #tpu.memory_space<vmem>>, vector<16xf32>,
      %swap3A_601 = vector.shape_cast %swap3A_600 : vector<16xf32> to vector<16xf32>
      %swap3A_602 = vector.shape_cast %max3A_598 : vector<16xf32> to vector<16xf32>
      tpu.vector_store %arg13[%swap3A_599], %swap3A_602 {strides = array<i32>} : memref<128xf32, #tpu.memory_space<vmem>>, vector<16xf32>,
      %max3A_603 = arith.constant 0.000000e+00 : f32
      %max3A_604 = vector.broadcast %max3A_603 : f32 to vector<16xf32>
      %max3A_605 = arith.maximumf %scan3A_561#5, %max3A_604 : vector<16xf32>
      %swap3A_606 = arith.constant 80 : index
      %swap3A_607 = tpu.vector_load %arg13[%swap3A_606] {strides = array<i32>} : memref<128xf32, #tpu.memory_space<vmem>>, vector<16xf32>,
      %swap3A_608 = vector.shape_cast %swap3A_607 : vector<16xf32> to vector<16xf32>
      %swap3A_609 = vector.shape_cast %max3A_605 : vector<16xf32> to vector<16xf32>
      tpu.vector_store %arg13[%swap3A_606], %swap3A_609 {strides = array<i32>} : memref<128xf32, #tpu.memory_space<vmem>>, vector<16xf32>,
      %max3A_610 = arith.constant 0.000000e+00 : f32
      %max3A_611 = vector.broadcast %max3A_610 : f32 to vector<16xf32>
      %max3A_612 = arith.maximumf %scan3A_561#6, %max3A_611 : vector<16xf32>
      %swap3A_613 = arith.constant 96 : index
      %swap3A_614 = tpu.vector_load %arg13[%swap3A_613] {strides = array<i32>} : memref<128xf32, #tpu.memory_space<vmem>>, vector<16xf32>,
      %swap3A_615 = vector.shape_cast %swap3A_614 : vector<16xf32> to vector<16xf32>
      %swap3A_616 = vector.shape_cast %max3A_612 : vector<16xf32> to vector<16xf32>
      tpu.vector_store %arg13[%swap3A_613], %swap3A_616 {strides = array<i32>} : memref<128xf32, #tpu.memory_space<vmem>>, vector<16xf32>,
      %max3A_617 = arith.constant 0.000000e+00 : f32
      %max3A_618 = vector.broadcast %max3A_617 : f32 to vector<16xf32>
      %max3A_619 = arith.maximumf %scan3A_561#7, %max3A_618 : vector<16xf32>
      %swap3A_620 = arith.constant 112 : index
      %swap3A_621 = tpu.vector_load %arg13[%swap3A_620] {strides = array<i32>} : memref<128xf32, #tpu.memory_space<vmem>>, vector<16xf32>,
      %swap3A_622 = vector.shape_cast %swap3A_621 : vector<16xf32> to vector<16xf32>
      %swap3A_623 = vector.shape_cast %max3A_619 : vector<16xf32> to vector<16xf32>
      tpu.vector_store %arg13[%swap3A_620], %swap3A_623 {strides = array<i32>} : memref<128xf32, #tpu.memory_space<vmem>>, vector<16xf32>,
      "tpu.region"() ({
        %run_scoped3A = tpu.sem_alloc : memref<!tpu.dma_semaphore, #tpu.memory_space<semaphore_mem>>
        %dma_start3A_629 = arith.constant 0 : i32
        %dma_start3A_630 = tpu.memref_slice %arg8[%arg1, %dma_start3A_629] : memref<16x128xf32, #tpu.memory_space<vmem_shared>> -> memref<1x128xf32, #tpu.memory_space<vmem_shared>>
        %dma_start3A_631 = tpu.memref_squeeze %dma_start3A_630 : memref<1x128xf32, #tpu.memory_space<vmem_shared>> -> memref<128xf32, #tpu.memory_space<vmem_shared>>
        %dma_start3A_632 = arith.constant 0 : i32
        %dma_start3A_633 = tpu.memref_slice %arg8[%arg1, %dma_start3A_632] : memref<16x128xf32, #tpu.memory_space<vmem_shared>> -> memref<1x128xf32, #tpu.memory_space<vmem_shared>>
        %dma_start3A_634 = tpu.memref_squeeze %dma_start3A_633 : memref<1x128xf32, #tpu.memory_space<vmem_shared>> -> memref<128xf32, #tpu.memory_space<vmem_shared>>
        tpu.enqueue_dma source(%arg13 : memref<128xf32, #tpu.memory_space<vmem>>) target(%dma_start3A_634 : memref<128xf32, #tpu.memory_space<vmem_shared>>) target_semaphore(%run_scoped3A : memref<!tpu.dma_semaphore, #tpu.memory_space<semaphore_mem>>)
        %dma_wait3A_635 = arith.constant 0 : i32
        %dma_wait3A_636 = tpu.memref_slice %arg8[%arg1, %dma_wait3A_635] : memref<16x128xf32, #tpu.memory_space<vmem_shared>> -> memref<1x128xf32, #tpu.memory_space<vmem_shared>>
        %dma_wait3A_637 = tpu.memref_squeeze %dma_wait3A_636 : memref<1x128xf32, #tpu.memory_space<vmem_shared>> -> memref<128xf32, #tpu.memory_space<vmem_shared>>
        %dma_wait3A_638 = arith.constant 0 : i32
        %dma_wait3A_639 = tpu.memref_slice %arg8[%arg1, %dma_wait3A_638] : memref<16x128xf32, #tpu.memory_space<vmem_shared>> -> memref<1x128xf32, #tpu.memory_space<vmem_shared>>
        %dma_wait3A_640 = tpu.memref_squeeze %dma_wait3A_639 : memref<1x128xf32, #tpu.memory_space<vmem_shared>> -> memref<128xf32, #tpu.memory_space<vmem_shared>>
        tpu.wait_dma2 semaphore(%run_scoped3A : memref<!tpu.dma_semaphore, #tpu.memory_space<semaphore_mem>>) src(%arg13 : memref<128xf32, #tpu.memory_space<vmem>>) dst(%dma_wait3A_640 : memref<128xf32, #tpu.memory_space<vmem_shared>>)
        tpu.yield
      }) : () -> ()
      %barrier3A_624 = arith.constant 0 : index
      tpu.barrier barrier_id(%barrier3A_624)
      %eq3A = arith.constant 0 : i32
      %eq3A_625 = arith.cmpi eq, %arg1, %eq3A : i32
      %convert_element_type3A_626 = arith.extui %eq3A_625 : i1 to i32
      %cond3A_627 = arith.constant 0 : i32
      %cond3A_628 = arith.cmpi ne, %convert_element_type3A_626, %cond3A_627 : i32
      scf.if %cond3A_628 {
        "tpu.region"() ({
          %run_scoped3A = tpu.sem_alloc : memref<!tpu.dma_semaphore, #tpu.memory_space<semaphore_mem>>
          tpu.enqueue_dma source(%arg8 : memref<16x128xf32, #tpu.memory_space<vmem_shared>>) target(%arg14 : memref<16x128xf32, #tpu.memory_space<vmem>>) target_semaphore(%run_scoped3A : memref<!tpu.dma_semaphore, #tpu.memory_space<semaphore_mem>>)
          tpu.wait_dma2 semaphore(%run_scoped3A : memref<!tpu.dma_semaphore, #tpu.memory_space<semaphore_mem>>) src(%arg8 : memref<16x128xf32, #tpu.memory_space<vmem_shared>>) dst(%arg14 : memref<16x128xf32, #tpu.memory_space<vmem>>)
          tpu.yield
        }) : () -> ()
        %mul3A_629 = arith.constant 128 : i32
        %mul3A_630 = arith.muli %add3A, %mul3A_629 : i32
        "tpu.region"() ({
          %run_scoped3A = tpu.sem_alloc : memref<!tpu.dma_semaphore, #tpu.memory_space<semaphore_mem>>
          %dma_start3A_1456 = tpu.memref_slice %arg5[%mul3A_630] : memref<2048xf32, #tpu.memory_space<hbm>> -> memref<128xf32, #tpu.memory_space<hbm>>
          %dma_start3A_1457 = tpu.memref_slice %arg5[%mul3A_630] : memref<2048xf32, #tpu.memory_space<hbm>> -> memref<128xf32, #tpu.memory_space<hbm>>
          tpu.enqueue_dma source(%dma_start3A_1457 : memref<128xf32, #tpu.memory_space<hbm>>) target(%arg15 : memref<128xf32, #tpu.memory_space<vmem>>) target_semaphore(%run_scoped3A : memref<!tpu.dma_semaphore, #tpu.memory_space<semaphore_mem>>)
          %dma_wait3A_1458 = tpu.memref_slice %arg5[%mul3A_630] : memref<2048xf32, #tpu.memory_space<hbm>> -> memref<128xf32, #tpu.memory_space<hbm>>
          %dma_wait3A_1459 = tpu.memref_slice %arg5[%mul3A_630] : memref<2048xf32, #tpu.memory_space<hbm>> -> memref<128xf32, #tpu.memory_space<hbm>>
          tpu.wait_dma2 semaphore(%run_scoped3A : memref<!tpu.dma_semaphore, #tpu.memory_space<semaphore_mem>>) src(%dma_wait3A_1459 : memref<128xf32, #tpu.memory_space<hbm>>) dst(%arg15 : memref<128xf32, #tpu.memory_space<vmem>>)
          tpu.yield
        }) : () -> ()
        %get3A = arith.constant 0 : i32
        %get3A_631 = arith.index_cast %get3A : i32 to index
        %get3A_632 = arith.constant 0 : index
        %get3A_633 = tpu.vector_load %arg14[%get3A_631, %get3A_632] {strides = array<i32>} : memref<16x128xf32, #tpu.memory_space<vmem>>, vector<1x16xf32>,
        %get3A_634 = vector.shape_cast %get3A_633 : vector<1x16xf32> to vector<16xf32>
        %get3A_635 = arith.constant 1 : i32
        %get3A_636 = arith.index_cast %get3A_635 : i32 to index
        %get3A_637 = arith.constant 0 : index
        %get3A_638 = tpu.vector_load %arg14[%get3A_636, %get3A_637] {strides = array<i32>} : memref<16x128xf32, #tpu.memory_space<vmem>>, vector<1x16xf32>,
        %get3A_639 = vector.shape_cast %get3A_638 : vector<1x16xf32> to vector<16xf32>
        %max3A_640 = arith.maximumf %get3A_634, %get3A_639 : vector<16xf32>
        %get3A_641 = arith.constant 2 : i32
        %get3A_642 = arith.index_cast %get3A_641 : i32 to index
        %get3A_643 = arith.constant 0 : index
        %get3A_644 = tpu.vector_load %arg14[%get3A_642, %get3A_643] {strides = array<i32>} : memref<16x128xf32, #tpu.memory_space<vmem>>, vector<1x16xf32>,
        %get3A_645 = vector.shape_cast %get3A_644 : vector<1x16xf32> to vector<16xf32>
        %max3A_646 = arith.maximumf %max3A_640, %get3A_645 : vector<16xf32>
        %get3A_647 = arith.constant 3 : i32
        %get3A_648 = arith.index_cast %get3A_647 : i32 to index
        %get3A_649 = arith.constant 0 : index
        %get3A_650 = tpu.vector_load %arg14[%get3A_648, %get3A_649] {strides = array<i32>} : memref<16x128xf32, #tpu.memory_space<vmem>>, vector<1x16xf32>,
        %get3A_651 = vector.shape_cast %get3A_650 : vector<1x16xf32> to vector<16xf32>
        %max3A_652 = arith.maximumf %max3A_646, %get3A_651 : vector<16xf32>
        %get3A_653 = arith.constant 4 : i32
        %get3A_654 = arith.index_cast %get3A_653 : i32 to index
        %get3A_655 = arith.constant 0 : index
        %get3A_656 = tpu.vector_load %arg14[%get3A_654, %get3A_655] {strides = array<i32>} : memref<16x128xf32, #tpu.memory_space<vmem>>, vector<1x16xf32>,
        %get3A_657 = vector.shape_cast %get3A_656 : vector<1x16xf32> to vector<16xf32>
        %max3A_658 = arith.maximumf %max3A_652, %get3A_657 : vector<16xf32>
        %get3A_659 = arith.constant 5 : i32
        %get3A_660 = arith.index_cast %get3A_659 : i32 to index
        %get3A_661 = arith.constant 0 : index
        %get3A_662 = tpu.vector_load %arg14[%get3A_660, %get3A_661] {strides = array<i32>} : memref<16x128xf32, #tpu.memory_space<vmem>>, vector<1x16xf32>,
        %get3A_663 = vector.shape_cast %get3A_662 : vector<1x16xf32> to vector<16xf32>
        %max3A_664 = arith.maximumf %max3A_658, %get3A_663 : vector<16xf32>
        %get3A_665 = arith.constant 6 : i32
        %get3A_666 = arith.index_cast %get3A_665 : i32 to index
        %get3A_667 = arith.constant 0 : index
        %get3A_668 = tpu.vector_load %arg14[%get3A_666, %get3A_667] {strides = array<i32>} : memref<16x128xf32, #tpu.memory_space<vmem>>, vector<1x16xf32>,
        %get3A_669 = vector.shape_cast %get3A_668 : vector<1x16xf32> to vector<16xf32>
        %max3A_670 = arith.maximumf %max3A_664, %get3A_669 : vector<16xf32>
        %get3A_671 = arith.constant 7 : i32
        %get3A_672 = arith.index_cast %get3A_671 : i32 to index
        %get3A_673 = arith.constant 0 : index
        %get3A_674 = tpu.vector_load %arg14[%get3A_672, %get3A_673] {strides = array<i32>} : memref<16x128xf32, #tpu.memory_space<vmem>>, vector<1x16xf32>,
        %get3A_675 = vector.shape_cast %get3A_674 : vector<1x16xf32> to vector<16xf32>
        %max3A_676 = arith.maximumf %max3A_670, %get3A_675 : vector<16xf32>
        %get3A_677 = arith.constant 8 : i32
        %get3A_678 = arith.index_cast %get3A_677 : i32 to index
        %get3A_679 = arith.constant 0 : index
        %get3A_680 = tpu.vector_load %arg14[%get3A_678, %get3A_679] {strides = array<i32>} : memref<16x128xf32, #tpu.memory_space<vmem>>, vector<1x16xf32>,
        %get3A_681 = vector.shape_cast %get3A_680 : vector<1x16xf32> to vector<16xf32>
        %max3A_682 = arith.maximumf %max3A_676, %get3A_681 : vector<16xf32>
        %get3A_683 = arith.constant 9 : i32
        %get3A_684 = arith.index_cast %get3A_683 : i32 to index
        %get3A_685 = arith.constant 0 : index
        %get3A_686 = tpu.vector_load %arg14[%get3A_684, %get3A_685] {strides = array<i32>} : memref<16x128xf32, #tpu.memory_space<vmem>>, vector<1x16xf32>,
        %get3A_687 = vector.shape_cast %get3A_686 : vector<1x16xf32> to vector<16xf32>
        %max3A_688 = arith.maximumf %max3A_682, %get3A_687 : vector<16xf32>
        %get3A_689 = arith.constant 10 : i32
        %get3A_690 = arith.index_cast %get3A_689 : i32 to index
        %get3A_691 = arith.constant 0 : index
        %get3A_692 = tpu.vector_load %arg14[%get3A_690, %get3A_691] {strides = array<i32>} : memref<16x128xf32, #tpu.memory_space<vmem>>, vector<1x16xf32>,
        %get3A_693 = vector.shape_cast %get3A_692 : vector<1x16xf32> to vector<16xf32>
        %max3A_694 = arith.maximumf %max3A_688, %get3A_693 : vector<16xf32>
        %get3A_695 = arith.constant 11 : i32
        %get3A_696 = arith.index_cast %get3A_695 : i32 to index
        %get3A_697 = arith.constant 0 : index
        %get3A_698 = tpu.vector_load %arg14[%get3A_696, %get3A_697] {strides = array<i32>} : memref<16x128xf32, #tpu.memory_space<vmem>>, vector<1x16xf32>,
        %get3A_699 = vector.shape_cast %get3A_698 : vector<1x16xf32> to vector<16xf32>
        %max3A_700 = arith.maximumf %max3A_694, %get3A_699 : vector<16xf32>
        %get3A_701 = arith.constant 12 : i32
        %get3A_702 = arith.index_cast %get3A_701 : i32 to index
        %get3A_703 = arith.constant 0 : index
        %get3A_704 = tpu.vector_load %arg14[%get3A_702, %get3A_703] {strides = array<i32>} : memref<16x128xf32, #tpu.memory_space<vmem>>, vector<1x16xf32>,
        %get3A_705 = vector.shape_cast %get3A_704 : vector<1x16xf32> to vector<16xf32>
        %max3A_706 = arith.maximumf %max3A_700, %get3A_705 : vector<16xf32>
        %get3A_707 = arith.constant 13 : i32
        %get3A_708 = arith.index_cast %get3A_707 : i32 to index
        %get3A_709 = arith.constant 0 : index
        %get3A_710 = tpu.vector_load %arg14[%get3A_708, %get3A_709] {strides = array<i32>} : memref<16x128xf32, #tpu.memory_space<vmem>>, vector<1x16xf32>,
        %get3A_711 = vector.shape_cast %get3A_710 : vector<1x16xf32> to vector<16xf32>
        %max3A_712 = arith.maximumf %max3A_706, %get3A_711 : vector<16xf32>
        %get3A_713 = arith.constant 14 : i32
        %get3A_714 = arith.index_cast %get3A_713 : i32 to index
        %get3A_715 = arith.constant 0 : index
        %get3A_716 = tpu.vector_load %arg14[%get3A_714, %get3A_715] {strides = array<i32>} : memref<16x128xf32, #tpu.memory_space<vmem>>, vector<1x16xf32>,
        %get3A_717 = vector.shape_cast %get3A_716 : vector<1x16xf32> to vector<16xf32>
        %max3A_718 = arith.maximumf %max3A_712, %get3A_717 : vector<16xf32>
        %get3A_719 = arith.constant 15 : i32
        %get3A_720 = arith.index_cast %get3A_719 : i32 to index
        %get3A_721 = arith.constant 0 : index
        %get3A_722 = tpu.vector_load %arg14[%get3A_720, %get3A_721] {strides = array<i32>} : memref<16x128xf32, #tpu.memory_space<vmem>>, vector<1x16xf32>,
        %get3A_723 = vector.shape_cast %get3A_722 : vector<1x16xf32> to vector<16xf32>
        %max3A_724 = arith.maximumf %max3A_718, %get3A_723 : vector<16xf32>
        %get3A_725 = arith.constant 0 : index
        %get3A_726 = tpu.vector_load %arg15[%get3A_725] {strides = array<i32>} : memref<128xf32, #tpu.memory_space<vmem>>, vector<16xf32>,
        %get3A_727 = vector.shape_cast %get3A_726 : vector<16xf32> to vector<16xf32>
        %add3A_728 = arith.addf %max3A_724, %get3A_727 : vector<16xf32>
        %swap3A_729 = arith.constant 0 : index
        %swap3A_730 = tpu.vector_load %arg16[%swap3A_729] {strides = array<i32>} : memref<128xf32, #tpu.memory_space<vmem>>, vector<16xf32>,
        %swap3A_731 = vector.shape_cast %swap3A_730 : vector<16xf32> to vector<16xf32>
        %swap3A_732 = vector.shape_cast %add3A_728 : vector<16xf32> to vector<16xf32>
        tpu.vector_store %arg16[%swap3A_729], %swap3A_732 {strides = array<i32>} : memref<128xf32, #tpu.memory_space<vmem>>, vector<16xf32>,
        %get3A_733 = arith.constant 0 : i32
        %get3A_734 = arith.index_cast %get3A_733 : i32 to index
        %get3A_735 = arith.constant 16 : index
        %get3A_736 = tpu.vector_load %arg14[%get3A_734, %get3A_735] {strides = array<i32>} : memref<16x128xf32, #tpu.memory_space<vmem>>, vector<1x16xf32>,
        %get3A_737 = vector.shape_cast %get3A_736 : vector<1x16xf32> to vector<16xf32>
        %get3A_738 = arith.constant 1 : i32
        %get3A_739 = arith.index_cast %get3A_738 : i32 to index
        %get3A_740 = arith.constant 16 : index
        %get3A_741 = tpu.vector_load %arg14[%get3A_739, %get3A_740] {strides = array<i32>} : memref<16x128xf32, #tpu.memory_space<vmem>>, vector<1x16xf32>,
        %get3A_742 = vector.shape_cast %get3A_741 : vector<1x16xf32> to vector<16xf32>
        %max3A_743 = arith.maximumf %get3A_737, %get3A_742 : vector<16xf32>
        %get3A_744 = arith.constant 2 : i32
        %get3A_745 = arith.index_cast %get3A_744 : i32 to index
        %get3A_746 = arith.constant 16 : index
        %get3A_747 = tpu.vector_load %arg14[%get3A_745, %get3A_746] {strides = array<i32>} : memref<16x128xf32, #tpu.memory_space<vmem>>, vector<1x16xf32>,
        %get3A_748 = vector.shape_cast %get3A_747 : vector<1x16xf32> to vector<16xf32>
        %max3A_749 = arith.maximumf %max3A_743, %get3A_748 : vector<16xf32>
        %get3A_750 = arith.constant 3 : i32
        %get3A_751 = arith.index_cast %get3A_750 : i32 to index
        %get3A_752 = arith.constant 16 : index
        %get3A_753 = tpu.vector_load %arg14[%get3A_751, %get3A_752] {strides = array<i32>} : memref<16x128xf32, #tpu.memory_space<vmem>>, vector<1x16xf32>,
        %get3A_754 = vector.shape_cast %get3A_753 : vector<1x16xf32> to vector<16xf32>
        %max3A_755 = arith.maximumf %max3A_749, %get3A_754 : vector<16xf32>
        %get3A_756 = arith.constant 4 : i32
        %get3A_757 = arith.index_cast %get3A_756 : i32 to index
        %get3A_758 = arith.constant 16 : index
        %get3A_759 = tpu.vector_load %arg14[%get3A_757, %get3A_758] {strides = array<i32>} : memref<16x128xf32, #tpu.memory_space<vmem>>, vector<1x16xf32>,
        %get3A_760 = vector.shape_cast %get3A_759 : vector<1x16xf32> to vector<16xf32>
        %max3A_761 = arith.maximumf %max3A_755, %get3A_760 : vector<16xf32>
        %get3A_762 = arith.constant 5 : i32
        %get3A_763 = arith.index_cast %get3A_762 : i32 to index
        %get3A_764 = arith.constant 16 : index
        %get3A_765 = tpu.vector_load %arg14[%get3A_763, %get3A_764] {strides = array<i32>} : memref<16x128xf32, #tpu.memory_space<vmem>>, vector<1x16xf32>,
        %get3A_766 = vector.shape_cast %get3A_765 : vector<1x16xf32> to vector<16xf32>
        %max3A_767 = arith.maximumf %max3A_761, %get3A_766 : vector<16xf32>
        %get3A_768 = arith.constant 6 : i32
        %get3A_769 = arith.index_cast %get3A_768 : i32 to index
        %get3A_770 = arith.constant 16 : index
        %get3A_771 = tpu.vector_load %arg14[%get3A_769, %get3A_770] {strides = array<i32>} : memref<16x128xf32, #tpu.memory_space<vmem>>, vector<1x16xf32>,
        %get3A_772 = vector.shape_cast %get3A_771 : vector<1x16xf32> to vector<16xf32>
        %max3A_773 = arith.maximumf %max3A_767, %get3A_772 : vector<16xf32>
        %get3A_774 = arith.constant 7 : i32
        %get3A_775 = arith.index_cast %get3A_774 : i32 to index
        %get3A_776 = arith.constant 16 : index
        %get3A_777 = tpu.vector_load %arg14[%get3A_775, %get3A_776] {strides = array<i32>} : memref<16x128xf32, #tpu.memory_space<vmem>>, vector<1x16xf32>,
        %get3A_778 = vector.shape_cast %get3A_777 : vector<1x16xf32> to vector<16xf32>
        %max3A_779 = arith.maximumf %max3A_773, %get3A_778 : vector<16xf32>
        %get3A_780 = arith.constant 8 : i32
        %get3A_781 = arith.index_cast %get3A_780 : i32 to index
        %get3A_782 = arith.constant 16 : index
        %get3A_783 = tpu.vector_load %arg14[%get3A_781, %get3A_782] {strides = array<i32>} : memref<16x128xf32, #tpu.memory_space<vmem>>, vector<1x16xf32>,
        %get3A_784 = vector.shape_cast %get3A_783 : vector<1x16xf32> to vector<16xf32>
        %max3A_785 = arith.maximumf %max3A_779, %get3A_784 : vector<16xf32>
        %get3A_786 = arith.constant 9 : i32
        %get3A_787 = arith.index_cast %get3A_786 : i32 to index
        %get3A_788 = arith.constant 16 : index
        %get3A_789 = tpu.vector_load %arg14[%get3A_787, %get3A_788] {strides = array<i32>} : memref<16x128xf32, #tpu.memory_space<vmem>>, vector<1x16xf32>,
        %get3A_790 = vector.shape_cast %get3A_789 : vector<1x16xf32> to vector<16xf32>
        %max3A_791 = arith.maximumf %max3A_785, %get3A_790 : vector<16xf32>
        %get3A_792 = arith.constant 10 : i32
        %get3A_793 = arith.index_cast %get3A_792 : i32 to index
        %get3A_794 = arith.constant 16 : index
        %get3A_795 = tpu.vector_load %arg14[%get3A_793, %get3A_794] {strides = array<i32>} : memref<16x128xf32, #tpu.memory_space<vmem>>, vector<1x16xf32>,
        %get3A_796 = vector.shape_cast %get3A_795 : vector<1x16xf32> to vector<16xf32>
        %max3A_797 = arith.maximumf %max3A_791, %get3A_796 : vector<16xf32>
        %get3A_798 = arith.constant 11 : i32
        %get3A_799 = arith.index_cast %get3A_798 : i32 to index
        %get3A_800 = arith.constant 16 : index
        %get3A_801 = tpu.vector_load %arg14[%get3A_799, %get3A_800] {strides = array<i32>} : memref<16x128xf32, #tpu.memory_space<vmem>>, vector<1x16xf32>,
        %get3A_802 = vector.shape_cast %get3A_801 : vector<1x16xf32> to vector<16xf32>
        %max3A_803 = arith.maximumf %max3A_797, %get3A_802 : vector<16xf32>
        %get3A_804 = arith.constant 12 : i32
        %get3A_805 = arith.index_cast %get3A_804 : i32 to index
        %get3A_806 = arith.constant 16 : index
        %get3A_807 = tpu.vector_load %arg14[%get3A_805, %get3A_806] {strides = array<i32>} : memref<16x128xf32, #tpu.memory_space<vmem>>, vector<1x16xf32>,
        %get3A_808 = vector.shape_cast %get3A_807 : vector<1x16xf32> to vector<16xf32>
        %max3A_809 = arith.maximumf %max3A_803, %get3A_808 : vector<16xf32>
        %get3A_810 = arith.constant 13 : i32
        %get3A_811 = arith.index_cast %get3A_810 : i32 to index
        %get3A_812 = arith.constant 16 : index
        %get3A_813 = tpu.vector_load %arg14[%get3A_811, %get3A_812] {strides = array<i32>} : memref<16x128xf32, #tpu.memory_space<vmem>>, vector<1x16xf32>,
        %get3A_814 = vector.shape_cast %get3A_813 : vector<1x16xf32> to vector<16xf32>
        %max3A_815 = arith.maximumf %max3A_809, %get3A_814 : vector<16xf32>
        %get3A_816 = arith.constant 14 : i32
        %get3A_817 = arith.index_cast %get3A_816 : i32 to index
        %get3A_818 = arith.constant 16 : index
        %get3A_819 = tpu.vector_load %arg14[%get3A_817, %get3A_818] {strides = array<i32>} : memref<16x128xf32, #tpu.memory_space<vmem>>, vector<1x16xf32>,
        %get3A_820 = vector.shape_cast %get3A_819 : vector<1x16xf32> to vector<16xf32>
        %max3A_821 = arith.maximumf %max3A_815, %get3A_820 : vector<16xf32>
        %get3A_822 = arith.constant 15 : i32
        %get3A_823 = arith.index_cast %get3A_822 : i32 to index
        %get3A_824 = arith.constant 16 : index
        %get3A_825 = tpu.vector_load %arg14[%get3A_823, %get3A_824] {strides = array<i32>} : memref<16x128xf32, #tpu.memory_space<vmem>>, vector<1x16xf32>,
        %get3A_826 = vector.shape_cast %get3A_825 : vector<1x16xf32> to vector<16xf32>
        %max3A_827 = arith.maximumf %max3A_821, %get3A_826 : vector<16xf32>
        %get3A_828 = arith.constant 16 : index
        %get3A_829 = tpu.vector_load %arg15[%get3A_828] {strides = array<i32>} : memref<128xf32, #tpu.memory_space<vmem>>, vector<16xf32>,
        %get3A_830 = vector.shape_cast %get3A_829 : vector<16xf32> to vector<16xf32>
        %add3A_831 = arith.addf %max3A_827, %get3A_830 : vector<16xf32>
        %swap3A_832 = arith.constant 16 : index
        %swap3A_833 = tpu.vector_load %arg16[%swap3A_832] {strides = array<i32>} : memref<128xf32, #tpu.memory_space<vmem>>, vector<16xf32>,
        %swap3A_834 = vector.shape_cast %swap3A_833 : vector<16xf32> to vector<16xf32>
        %swap3A_835 = vector.shape_cast %add3A_831 : vector<16xf32> to vector<16xf32>
        tpu.vector_store %arg16[%swap3A_832], %swap3A_835 {strides = array<i32>} : memref<128xf32, #tpu.memory_space<vmem>>, vector<16xf32>,
        %get3A_836 = arith.constant 0 : i32
        %get3A_837 = arith.index_cast %get3A_836 : i32 to index
        %get3A_838 = arith.constant 32 : index
        %get3A_839 = tpu.vector_load %arg14[%get3A_837, %get3A_838] {strides = array<i32>} : memref<16x128xf32, #tpu.memory_space<vmem>>, vector<1x16xf32>,
        %get3A_840 = vector.shape_cast %get3A_839 : vector<1x16xf32> to vector<16xf32>
        %get3A_841 = arith.constant 1 : i32
        %get3A_842 = arith.index_cast %get3A_841 : i32 to index
        %get3A_843 = arith.constant 32 : index
        %get3A_844 = tpu.vector_load %arg14[%get3A_842, %get3A_843] {strides = array<i32>} : memref<16x128xf32, #tpu.memory_space<vmem>>, vector<1x16xf32>,
        %get3A_845 = vector.shape_cast %get3A_844 : vector<1x16xf32> to vector<16xf32>
        %max3A_846 = arith.maximumf %get3A_840, %get3A_845 : vector<16xf32>
        %get3A_847 = arith.constant 2 : i32
        %get3A_848 = arith.index_cast %get3A_847 : i32 to index
        %get3A_849 = arith.constant 32 : index
        %get3A_850 = tpu.vector_load %arg14[%get3A_848, %get3A_849] {strides = array<i32>} : memref<16x128xf32, #tpu.memory_space<vmem>>, vector<1x16xf32>,
        %get3A_851 = vector.shape_cast %get3A_850 : vector<1x16xf32> to vector<16xf32>
        %max3A_852 = arith.maximumf %max3A_846, %get3A_851 : vector<16xf32>
        %get3A_853 = arith.constant 3 : i32
        %get3A_854 = arith.index_cast %get3A_853 : i32 to index
        %get3A_855 = arith.constant 32 : index
        %get3A_856 = tpu.vector_load %arg14[%get3A_854, %get3A_855] {strides = array<i32>} : memref<16x128xf32, #tpu.memory_space<vmem>>, vector<1x16xf32>,
        %get3A_857 = vector.shape_cast %get3A_856 : vector<1x16xf32> to vector<16xf32>
        %max3A_858 = arith.maximumf %max3A_852, %get3A_857 : vector<16xf32>
        %get3A_859 = arith.constant 4 : i32
        %get3A_860 = arith.index_cast %get3A_859 : i32 to index
        %get3A_861 = arith.constant 32 : index
        %get3A_862 = tpu.vector_load %arg14[%get3A_860, %get3A_861] {strides = array<i32>} : memref<16x128xf32, #tpu.memory_space<vmem>>, vector<1x16xf32>,
        %get3A_863 = vector.shape_cast %get3A_862 : vector<1x16xf32> to vector<16xf32>
        %max3A_864 = arith.maximumf %max3A_858, %get3A_863 : vector<16xf32>
        %get3A_865 = arith.constant 5 : i32
        %get3A_866 = arith.index_cast %get3A_865 : i32 to index
        %get3A_867 = arith.constant 32 : index
        %get3A_868 = tpu.vector_load %arg14[%get3A_866, %get3A_867] {strides = array<i32>} : memref<16x128xf32, #tpu.memory_space<vmem>>, vector<1x16xf32>,
        %get3A_869 = vector.shape_cast %get3A_868 : vector<1x16xf32> to vector<16xf32>
        %max3A_870 = arith.maximumf %max3A_864, %get3A_869 : vector<16xf32>
        %get3A_871 = arith.constant 6 : i32
        %get3A_872 = arith.index_cast %get3A_871 : i32 to index
        %get3A_873 = arith.constant 32 : index
        %get3A_874 = tpu.vector_load %arg14[%get3A_872, %get3A_873] {strides = array<i32>} : memref<16x128xf32, #tpu.memory_space<vmem>>, vector<1x16xf32>,
        %get3A_875 = vector.shape_cast %get3A_874 : vector<1x16xf32> to vector<16xf32>
        %max3A_876 = arith.maximumf %max3A_870, %get3A_875 : vector<16xf32>
        %get3A_877 = arith.constant 7 : i32
        %get3A_878 = arith.index_cast %get3A_877 : i32 to index
        %get3A_879 = arith.constant 32 : index
        %get3A_880 = tpu.vector_load %arg14[%get3A_878, %get3A_879] {strides = array<i32>} : memref<16x128xf32, #tpu.memory_space<vmem>>, vector<1x16xf32>,
        %get3A_881 = vector.shape_cast %get3A_880 : vector<1x16xf32> to vector<16xf32>
        %max3A_882 = arith.maximumf %max3A_876, %get3A_881 : vector<16xf32>
        %get3A_883 = arith.constant 8 : i32
        %get3A_884 = arith.index_cast %get3A_883 : i32 to index
        %get3A_885 = arith.constant 32 : index
        %get3A_886 = tpu.vector_load %arg14[%get3A_884, %get3A_885] {strides = array<i32>} : memref<16x128xf32, #tpu.memory_space<vmem>>, vector<1x16xf32>,
        %get3A_887 = vector.shape_cast %get3A_886 : vector<1x16xf32> to vector<16xf32>
        %max3A_888 = arith.maximumf %max3A_882, %get3A_887 : vector<16xf32>
        %get3A_889 = arith.constant 9 : i32
        %get3A_890 = arith.index_cast %get3A_889 : i32 to index
        %get3A_891 = arith.constant 32 : index
        %get3A_892 = tpu.vector_load %arg14[%get3A_890, %get3A_891] {strides = array<i32>} : memref<16x128xf32, #tpu.memory_space<vmem>>, vector<1x16xf32>,
        %get3A_893 = vector.shape_cast %get3A_892 : vector<1x16xf32> to vector<16xf32>
        %max3A_894 = arith.maximumf %max3A_888, %get3A_893 : vector<16xf32>
        %get3A_895 = arith.constant 10 : i32
        %get3A_896 = arith.index_cast %get3A_895 : i32 to index
        %get3A_897 = arith.constant 32 : index
        %get3A_898 = tpu.vector_load %arg14[%get3A_896, %get3A_897] {strides = array<i32>} : memref<16x128xf32, #tpu.memory_space<vmem>>, vector<1x16xf32>,
        %get3A_899 = vector.shape_cast %get3A_898 : vector<1x16xf32> to vector<16xf32>
        %max3A_900 = arith.maximumf %max3A_894, %get3A_899 : vector<16xf32>
        %get3A_901 = arith.constant 11 : i32
        %get3A_902 = arith.index_cast %get3A_901 : i32 to index
        %get3A_903 = arith.constant 32 : index
        %get3A_904 = tpu.vector_load %arg14[%get3A_902, %get3A_903] {strides = array<i32>} : memref<16x128xf32, #tpu.memory_space<vmem>>, vector<1x16xf32>,
        %get3A_905 = vector.shape_cast %get3A_904 : vector<1x16xf32> to vector<16xf32>
        %max3A_906 = arith.maximumf %max3A_900, %get3A_905 : vector<16xf32>
        %get3A_907 = arith.constant 12 : i32
        %get3A_908 = arith.index_cast %get3A_907 : i32 to index
        %get3A_909 = arith.constant 32 : index
        %get3A_910 = tpu.vector_load %arg14[%get3A_908, %get3A_909] {strides = array<i32>} : memref<16x128xf32, #tpu.memory_space<vmem>>, vector<1x16xf32>,
        %get3A_911 = vector.shape_cast %get3A_910 : vector<1x16xf32> to vector<16xf32>
        %max3A_912 = arith.maximumf %max3A_906, %get3A_911 : vector<16xf32>
        %get3A_913 = arith.constant 13 : i32
        %get3A_914 = arith.index_cast %get3A_913 : i32 to index
        %get3A_915 = arith.constant 32 : index
        %get3A_916 = tpu.vector_load %arg14[%get3A_914, %get3A_915] {strides = array<i32>} : memref<16x128xf32, #tpu.memory_space<vmem>>, vector<1x16xf32>,
        %get3A_917 = vector.shape_cast %get3A_916 : vector<1x16xf32> to vector<16xf32>
        %max3A_918 = arith.maximumf %max3A_912, %get3A_917 : vector<16xf32>
        %get3A_919 = arith.constant 14 : i32
        %get3A_920 = arith.index_cast %get3A_919 : i32 to index
        %get3A_921 = arith.constant 32 : index
        %get3A_922 = tpu.vector_load %arg14[%get3A_920, %get3A_921] {strides = array<i32>} : memref<16x128xf32, #tpu.memory_space<vmem>>, vector<1x16xf32>,
        %get3A_923 = vector.shape_cast %get3A_922 : vector<1x16xf32> to vector<16xf32>
        %max3A_924 = arith.maximumf %max3A_918, %get3A_923 : vector<16xf32>
        %get3A_925 = arith.constant 15 : i32
        %get3A_926 = arith.index_cast %get3A_925 : i32 to index
        %get3A_927 = arith.constant 32 : index
        %get3A_928 = tpu.vector_load %arg14[%get3A_926, %get3A_927] {strides = array<i32>} : memref<16x128xf32, #tpu.memory_space<vmem>>, vector<1x16xf32>,
        %get3A_929 = vector.shape_cast %get3A_928 : vector<1x16xf32> to vector<16xf32>
        %max3A_930 = arith.maximumf %max3A_924, %get3A_929 : vector<16xf32>
        %get3A_931 = arith.constant 32 : index
        %get3A_932 = tpu.vector_load %arg15[%get3A_931] {strides = array<i32>} : memref<128xf32, #tpu.memory_space<vmem>>, vector<16xf32>,
        %get3A_933 = vector.shape_cast %get3A_932 : vector<16xf32> to vector<16xf32>
        %add3A_934 = arith.addf %max3A_930, %get3A_933 : vector<16xf32>
        %swap3A_935 = arith.constant 32 : index
        %swap3A_936 = tpu.vector_load %arg16[%swap3A_935] {strides = array<i32>} : memref<128xf32, #tpu.memory_space<vmem>>, vector<16xf32>,
        %swap3A_937 = vector.shape_cast %swap3A_936 : vector<16xf32> to vector<16xf32>
        %swap3A_938 = vector.shape_cast %add3A_934 : vector<16xf32> to vector<16xf32>
        tpu.vector_store %arg16[%swap3A_935], %swap3A_938 {strides = array<i32>} : memref<128xf32, #tpu.memory_space<vmem>>, vector<16xf32>,
        %get3A_939 = arith.constant 0 : i32
        %get3A_940 = arith.index_cast %get3A_939 : i32 to index
        %get3A_941 = arith.constant 48 : index
        %get3A_942 = tpu.vector_load %arg14[%get3A_940, %get3A_941] {strides = array<i32>} : memref<16x128xf32, #tpu.memory_space<vmem>>, vector<1x16xf32>,
        %get3A_943 = vector.shape_cast %get3A_942 : vector<1x16xf32> to vector<16xf32>
        %get3A_944 = arith.constant 1 : i32
        %get3A_945 = arith.index_cast %get3A_944 : i32 to index
        %get3A_946 = arith.constant 48 : index
        %get3A_947 = tpu.vector_load %arg14[%get3A_945, %get3A_946] {strides = array<i32>} : memref<16x128xf32, #tpu.memory_space<vmem>>, vector<1x16xf32>,
        %get3A_948 = vector.shape_cast %get3A_947 : vector<1x16xf32> to vector<16xf32>
        %max3A_949 = arith.maximumf %get3A_943, %get3A_948 : vector<16xf32>
        %get3A_950 = arith.constant 2 : i32
        %get3A_951 = arith.index_cast %get3A_950 : i32 to index
        %get3A_952 = arith.constant 48 : index
        %get3A_953 = tpu.vector_load %arg14[%get3A_951, %get3A_952] {strides = array<i32>} : memref<16x128xf32, #tpu.memory_space<vmem>>, vector<1x16xf32>,
        %get3A_954 = vector.shape_cast %get3A_953 : vector<1x16xf32> to vector<16xf32>
        %max3A_955 = arith.maximumf %max3A_949, %get3A_954 : vector<16xf32>
        %get3A_956 = arith.constant 3 : i32
        %get3A_957 = arith.index_cast %get3A_956 : i32 to index
        %get3A_958 = arith.constant 48 : index
        %get3A_959 = tpu.vector_load %arg14[%get3A_957, %get3A_958] {strides = array<i32>} : memref<16x128xf32, #tpu.memory_space<vmem>>, vector<1x16xf32>,
        %get3A_960 = vector.shape_cast %get3A_959 : vector<1x16xf32> to vector<16xf32>
        %max3A_961 = arith.maximumf %max3A_955, %get3A_960 : vector<16xf32>
        %get3A_962 = arith.constant 4 : i32
        %get3A_963 = arith.index_cast %get3A_962 : i32 to index
        %get3A_964 = arith.constant 48 : index
        %get3A_965 = tpu.vector_load %arg14[%get3A_963, %get3A_964] {strides = array<i32>} : memref<16x128xf32, #tpu.memory_space<vmem>>, vector<1x16xf32>,
        %get3A_966 = vector.shape_cast %get3A_965 : vector<1x16xf32> to vector<16xf32>
        %max3A_967 = arith.maximumf %max3A_961, %get3A_966 : vector<16xf32>
        %get3A_968 = arith.constant 5 : i32
        %get3A_969 = arith.index_cast %get3A_968 : i32 to index
        %get3A_970 = arith.constant 48 : index
        %get3A_971 = tpu.vector_load %arg14[%get3A_969, %get3A_970] {strides = array<i32>} : memref<16x128xf32, #tpu.memory_space<vmem>>, vector<1x16xf32>,
        %get3A_972 = vector.shape_cast %get3A_971 : vector<1x16xf32> to vector<16xf32>
        %max3A_973 = arith.maximumf %max3A_967, %get3A_972 : vector<16xf32>
        %get3A_974 = arith.constant 6 : i32
        %get3A_975 = arith.index_cast %get3A_974 : i32 to index
        %get3A_976 = arith.constant 48 : index
        %get3A_977 = tpu.vector_load %arg14[%get3A_975, %get3A_976] {strides = array<i32>} : memref<16x128xf32, #tpu.memory_space<vmem>>, vector<1x16xf32>,
        %get3A_978 = vector.shape_cast %get3A_977 : vector<1x16xf32> to vector<16xf32>
        %max3A_979 = arith.maximumf %max3A_973, %get3A_978 : vector<16xf32>
        %get3A_980 = arith.constant 7 : i32
        %get3A_981 = arith.index_cast %get3A_980 : i32 to index
        %get3A_982 = arith.constant 48 : index
        %get3A_983 = tpu.vector_load %arg14[%get3A_981, %get3A_982] {strides = array<i32>} : memref<16x128xf32, #tpu.memory_space<vmem>>, vector<1x16xf32>,
        %get3A_984 = vector.shape_cast %get3A_983 : vector<1x16xf32> to vector<16xf32>
        %max3A_985 = arith.maximumf %max3A_979, %get3A_984 : vector<16xf32>
        %get3A_986 = arith.constant 8 : i32
        %get3A_987 = arith.index_cast %get3A_986 : i32 to index
        %get3A_988 = arith.constant 48 : index
        %get3A_989 = tpu.vector_load %arg14[%get3A_987, %get3A_988] {strides = array<i32>} : memref<16x128xf32, #tpu.memory_space<vmem>>, vector<1x16xf32>,
        %get3A_990 = vector.shape_cast %get3A_989 : vector<1x16xf32> to vector<16xf32>
        %max3A_991 = arith.maximumf %max3A_985, %get3A_990 : vector<16xf32>
        %get3A_992 = arith.constant 9 : i32
        %get3A_993 = arith.index_cast %get3A_992 : i32 to index
        %get3A_994 = arith.constant 48 : index
        %get3A_995 = tpu.vector_load %arg14[%get3A_993, %get3A_994] {strides = array<i32>} : memref<16x128xf32, #tpu.memory_space<vmem>>, vector<1x16xf32>,
        %get3A_996 = vector.shape_cast %get3A_995 : vector<1x16xf32> to vector<16xf32>
        %max3A_997 = arith.maximumf %max3A_991, %get3A_996 : vector<16xf32>
        %get3A_998 = arith.constant 10 : i32
        %get3A_999 = arith.index_cast %get3A_998 : i32 to index
        %get3A_1000 = arith.constant 48 : index
        %get3A_1001 = tpu.vector_load %arg14[%get3A_999, %get3A_1000] {strides = array<i32>} : memref<16x128xf32, #tpu.memory_space<vmem>>, vector<1x16xf32>,
        %get3A_1002 = vector.shape_cast %get3A_1001 : vector<1x16xf32> to vector<16xf32>
        %max3A_1003 = arith.maximumf %max3A_997, %get3A_1002 : vector<16xf32>
        %get3A_1004 = arith.constant 11 : i32
        %get3A_1005 = arith.index_cast %get3A_1004 : i32 to index
        %get3A_1006 = arith.constant 48 : index
        %get3A_1007 = tpu.vector_load %arg14[%get3A_1005, %get3A_1006] {strides = array<i32>} : memref<16x128xf32, #tpu.memory_space<vmem>>, vector<1x16xf32>,
        %get3A_1008 = vector.shape_cast %get3A_1007 : vector<1x16xf32> to vector<16xf32>
        %max3A_1009 = arith.maximumf %max3A_1003, %get3A_1008 : vector<16xf32>
        %get3A_1010 = arith.constant 12 : i32
        %get3A_1011 = arith.index_cast %get3A_1010 : i32 to index
        %get3A_1012 = arith.constant 48 : index
        %get3A_1013 = tpu.vector_load %arg14[%get3A_1011, %get3A_1012] {strides = array<i32>} : memref<16x128xf32, #tpu.memory_space<vmem>>, vector<1x16xf32>,
        %get3A_1014 = vector.shape_cast %get3A_1013 : vector<1x16xf32> to vector<16xf32>
        %max3A_1015 = arith.maximumf %max3A_1009, %get3A_1014 : vector<16xf32>
        %get3A_1016 = arith.constant 13 : i32
        %get3A_1017 = arith.index_cast %get3A_1016 : i32 to index
        %get3A_1018 = arith.constant 48 : index
        %get3A_1019 = tpu.vector_load %arg14[%get3A_1017, %get3A_1018] {strides = array<i32>} : memref<16x128xf32, #tpu.memory_space<vmem>>, vector<1x16xf32>,
        %get3A_1020 = vector.shape_cast %get3A_1019 : vector<1x16xf32> to vector<16xf32>
        %max3A_1021 = arith.maximumf %max3A_1015, %get3A_1020 : vector<16xf32>
        %get3A_1022 = arith.constant 14 : i32
        %get3A_1023 = arith.index_cast %get3A_1022 : i32 to index
        %get3A_1024 = arith.constant 48 : index
        %get3A_1025 = tpu.vector_load %arg14[%get3A_1023, %get3A_1024] {strides = array<i32>} : memref<16x128xf32, #tpu.memory_space<vmem>>, vector<1x16xf32>,
        %get3A_1026 = vector.shape_cast %get3A_1025 : vector<1x16xf32> to vector<16xf32>
        %max3A_1027 = arith.maximumf %max3A_1021, %get3A_1026 : vector<16xf32>
        %get3A_1028 = arith.constant 15 : i32
        %get3A_1029 = arith.index_cast %get3A_1028 : i32 to index
        %get3A_1030 = arith.constant 48 : index
        %get3A_1031 = tpu.vector_load %arg14[%get3A_1029, %get3A_1030] {strides = array<i32>} : memref<16x128xf32, #tpu.memory_space<vmem>>, vector<1x16xf32>,
        %get3A_1032 = vector.shape_cast %get3A_1031 : vector<1x16xf32> to vector<16xf32>
        %max3A_1033 = arith.maximumf %max3A_1027, %get3A_1032 : vector<16xf32>
        %get3A_1034 = arith.constant 48 : index
        %get3A_1035 = tpu.vector_load %arg15[%get3A_1034] {strides = array<i32>} : memref<128xf32, #tpu.memory_space<vmem>>, vector<16xf32>,
        %get3A_1036 = vector.shape_cast %get3A_1035 : vector<16xf32> to vector<16xf32>
        %add3A_1037 = arith.addf %max3A_1033, %get3A_1036 : vector<16xf32>
        %swap3A_1038 = arith.constant 48 : index
        %swap3A_1039 = tpu.vector_load %arg16[%swap3A_1038] {strides = array<i32>} : memref<128xf32, #tpu.memory_space<vmem>>, vector<16xf32>,
        %swap3A_1040 = vector.shape_cast %swap3A_1039 : vector<16xf32> to vector<16xf32>
        %swap3A_1041 = vector.shape_cast %add3A_1037 : vector<16xf32> to vector<16xf32>
        tpu.vector_store %arg16[%swap3A_1038], %swap3A_1041 {strides = array<i32>} : memref<128xf32, #tpu.memory_space<vmem>>, vector<16xf32>,
        %get3A_1042 = arith.constant 0 : i32
        %get3A_1043 = arith.index_cast %get3A_1042 : i32 to index
        %get3A_1044 = arith.constant 64 : index
        %get3A_1045 = tpu.vector_load %arg14[%get3A_1043, %get3A_1044] {strides = array<i32>} : memref<16x128xf32, #tpu.memory_space<vmem>>, vector<1x16xf32>,
        %get3A_1046 = vector.shape_cast %get3A_1045 : vector<1x16xf32> to vector<16xf32>
        %get3A_1047 = arith.constant 1 : i32
        %get3A_1048 = arith.index_cast %get3A_1047 : i32 to index
        %get3A_1049 = arith.constant 64 : index
        %get3A_1050 = tpu.vector_load %arg14[%get3A_1048, %get3A_1049] {strides = array<i32>} : memref<16x128xf32, #tpu.memory_space<vmem>>, vector<1x16xf32>,
        %get3A_1051 = vector.shape_cast %get3A_1050 : vector<1x16xf32> to vector<16xf32>
        %max3A_1052 = arith.maximumf %get3A_1046, %get3A_1051 : vector<16xf32>
        %get3A_1053 = arith.constant 2 : i32
        %get3A_1054 = arith.index_cast %get3A_1053 : i32 to index
        %get3A_1055 = arith.constant 64 : index
        %get3A_1056 = tpu.vector_load %arg14[%get3A_1054, %get3A_1055] {strides = array<i32>} : memref<16x128xf32, #tpu.memory_space<vmem>>, vector<1x16xf32>,
        %get3A_1057 = vector.shape_cast %get3A_1056 : vector<1x16xf32> to vector<16xf32>
        %max3A_1058 = arith.maximumf %max3A_1052, %get3A_1057 : vector<16xf32>
        %get3A_1059 = arith.constant 3 : i32
        %get3A_1060 = arith.index_cast %get3A_1059 : i32 to index
        %get3A_1061 = arith.constant 64 : index
        %get3A_1062 = tpu.vector_load %arg14[%get3A_1060, %get3A_1061] {strides = array<i32>} : memref<16x128xf32, #tpu.memory_space<vmem>>, vector<1x16xf32>,
        %get3A_1063 = vector.shape_cast %get3A_1062 : vector<1x16xf32> to vector<16xf32>
        %max3A_1064 = arith.maximumf %max3A_1058, %get3A_1063 : vector<16xf32>
        %get3A_1065 = arith.constant 4 : i32
        %get3A_1066 = arith.index_cast %get3A_1065 : i32 to index
        %get3A_1067 = arith.constant 64 : index
        %get3A_1068 = tpu.vector_load %arg14[%get3A_1066, %get3A_1067] {strides = array<i32>} : memref<16x128xf32, #tpu.memory_space<vmem>>, vector<1x16xf32>,
        %get3A_1069 = vector.shape_cast %get3A_1068 : vector<1x16xf32> to vector<16xf32>
        %max3A_1070 = arith.maximumf %max3A_1064, %get3A_1069 : vector<16xf32>
        %get3A_1071 = arith.constant 5 : i32
        %get3A_1072 = arith.index_cast %get3A_1071 : i32 to index
        %get3A_1073 = arith.constant 64 : index
        %get3A_1074 = tpu.vector_load %arg14[%get3A_1072, %get3A_1073] {strides = array<i32>} : memref<16x128xf32, #tpu.memory_space<vmem>>, vector<1x16xf32>,
        %get3A_1075 = vector.shape_cast %get3A_1074 : vector<1x16xf32> to vector<16xf32>
        %max3A_1076 = arith.maximumf %max3A_1070, %get3A_1075 : vector<16xf32>
        %get3A_1077 = arith.constant 6 : i32
        %get3A_1078 = arith.index_cast %get3A_1077 : i32 to index
        %get3A_1079 = arith.constant 64 : index
        %get3A_1080 = tpu.vector_load %arg14[%get3A_1078, %get3A_1079] {strides = array<i32>} : memref<16x128xf32, #tpu.memory_space<vmem>>, vector<1x16xf32>,
        %get3A_1081 = vector.shape_cast %get3A_1080 : vector<1x16xf32> to vector<16xf32>
        %max3A_1082 = arith.maximumf %max3A_1076, %get3A_1081 : vector<16xf32>
        %get3A_1083 = arith.constant 7 : i32
        %get3A_1084 = arith.index_cast %get3A_1083 : i32 to index
        %get3A_1085 = arith.constant 64 : index
        %get3A_1086 = tpu.vector_load %arg14[%get3A_1084, %get3A_1085] {strides = array<i32>} : memref<16x128xf32, #tpu.memory_space<vmem>>, vector<1x16xf32>,
        %get3A_1087 = vector.shape_cast %get3A_1086 : vector<1x16xf32> to vector<16xf32>
        %max3A_1088 = arith.maximumf %max3A_1082, %get3A_1087 : vector<16xf32>
        %get3A_1089 = arith.constant 8 : i32
        %get3A_1090 = arith.index_cast %get3A_1089 : i32 to index
        %get3A_1091 = arith.constant 64 : index
        %get3A_1092 = tpu.vector_load %arg14[%get3A_1090, %get3A_1091] {strides = array<i32>} : memref<16x128xf32, #tpu.memory_space<vmem>>, vector<1x16xf32>,
        %get3A_1093 = vector.shape_cast %get3A_1092 : vector<1x16xf32> to vector<16xf32>
        %max3A_1094 = arith.maximumf %max3A_1088, %get3A_1093 : vector<16xf32>
        %get3A_1095 = arith.constant 9 : i32
        %get3A_1096 = arith.index_cast %get3A_1095 : i32 to index
        %get3A_1097 = arith.constant 64 : index
        %get3A_1098 = tpu.vector_load %arg14[%get3A_1096, %get3A_1097] {strides = array<i32>} : memref<16x128xf32, #tpu.memory_space<vmem>>, vector<1x16xf32>,
        %get3A_1099 = vector.shape_cast %get3A_1098 : vector<1x16xf32> to vector<16xf32>
        %max3A_1100 = arith.maximumf %max3A_1094, %get3A_1099 : vector<16xf32>
        %get3A_1101 = arith.constant 10 : i32
        %get3A_1102 = arith.index_cast %get3A_1101 : i32 to index
        %get3A_1103 = arith.constant 64 : index
        %get3A_1104 = tpu.vector_load %arg14[%get3A_1102, %get3A_1103] {strides = array<i32>} : memref<16x128xf32, #tpu.memory_space<vmem>>, vector<1x16xf32>,
        %get3A_1105 = vector.shape_cast %get3A_1104 : vector<1x16xf32> to vector<16xf32>
        %max3A_1106 = arith.maximumf %max3A_1100, %get3A_1105 : vector<16xf32>
        %get3A_1107 = arith.constant 11 : i32
        %get3A_1108 = arith.index_cast %get3A_1107 : i32 to index
        %get3A_1109 = arith.constant 64 : index
        %get3A_1110 = tpu.vector_load %arg14[%get3A_1108, %get3A_1109] {strides = array<i32>} : memref<16x128xf32, #tpu.memory_space<vmem>>, vector<1x16xf32>,
        %get3A_1111 = vector.shape_cast %get3A_1110 : vector<1x16xf32> to vector<16xf32>
        %max3A_1112 = arith.maximumf %max3A_1106, %get3A_1111 : vector<16xf32>
        %get3A_1113 = arith.constant 12 : i32
        %get3A_1114 = arith.index_cast %get3A_1113 : i32 to index
        %get3A_1115 = arith.constant 64 : index
        %get3A_1116 = tpu.vector_load %arg14[%get3A_1114, %get3A_1115] {strides = array<i32>} : memref<16x128xf32, #tpu.memory_space<vmem>>, vector<1x16xf32>,
        %get3A_1117 = vector.shape_cast %get3A_1116 : vector<1x16xf32> to vector<16xf32>
        %max3A_1118 = arith.maximumf %max3A_1112, %get3A_1117 : vector<16xf32>
        %get3A_1119 = arith.constant 13 : i32
        %get3A_1120 = arith.index_cast %get3A_1119 : i32 to index
        %get3A_1121 = arith.constant 64 : index
        %get3A_1122 = tpu.vector_load %arg14[%get3A_1120, %get3A_1121] {strides = array<i32>} : memref<16x128xf32, #tpu.memory_space<vmem>>, vector<1x16xf32>,
        %get3A_1123 = vector.shape_cast %get3A_1122 : vector<1x16xf32> to vector<16xf32>
        %max3A_1124 = arith.maximumf %max3A_1118, %get3A_1123 : vector<16xf32>
        %get3A_1125 = arith.constant 14 : i32
        %get3A_1126 = arith.index_cast %get3A_1125 : i32 to index
        %get3A_1127 = arith.constant 64 : index
        %get3A_1128 = tpu.vector_load %arg14[%get3A_1126, %get3A_1127] {strides = array<i32>} : memref<16x128xf32, #tpu.memory_space<vmem>>, vector<1x16xf32>,
        %get3A_1129 = vector.shape_cast %get3A_1128 : vector<1x16xf32> to vector<16xf32>
        %max3A_1130 = arith.maximumf %max3A_1124, %get3A_1129 : vector<16xf32>
        %get3A_1131 = arith.constant 15 : i32
        %get3A_1132 = arith.index_cast %get3A_1131 : i32 to index
        %get3A_1133 = arith.constant 64 : index
        %get3A_1134 = tpu.vector_load %arg14[%get3A_1132, %get3A_1133] {strides = array<i32>} : memref<16x128xf32, #tpu.memory_space<vmem>>, vector<1x16xf32>,
        %get3A_1135 = vector.shape_cast %get3A_1134 : vector<1x16xf32> to vector<16xf32>
        %max3A_1136 = arith.maximumf %max3A_1130, %get3A_1135 : vector<16xf32>
        %get3A_1137 = arith.constant 64 : index
        %get3A_1138 = tpu.vector_load %arg15[%get3A_1137] {strides = array<i32>} : memref<128xf32, #tpu.memory_space<vmem>>, vector<16xf32>,
        %get3A_1139 = vector.shape_cast %get3A_1138 : vector<16xf32> to vector<16xf32>
        %add3A_1140 = arith.addf %max3A_1136, %get3A_1139 : vector<16xf32>
        %swap3A_1141 = arith.constant 64 : index
        %swap3A_1142 = tpu.vector_load %arg16[%swap3A_1141] {strides = array<i32>} : memref<128xf32, #tpu.memory_space<vmem>>, vector<16xf32>,
        %swap3A_1143 = vector.shape_cast %swap3A_1142 : vector<16xf32> to vector<16xf32>
        %swap3A_1144 = vector.shape_cast %add3A_1140 : vector<16xf32> to vector<16xf32>
        tpu.vector_store %arg16[%swap3A_1141], %swap3A_1144 {strides = array<i32>} : memref<128xf32, #tpu.memory_space<vmem>>, vector<16xf32>,
        %get3A_1145 = arith.constant 0 : i32
        %get3A_1146 = arith.index_cast %get3A_1145 : i32 to index
        %get3A_1147 = arith.constant 80 : index
        %get3A_1148 = tpu.vector_load %arg14[%get3A_1146, %get3A_1147] {strides = array<i32>} : memref<16x128xf32, #tpu.memory_space<vmem>>, vector<1x16xf32>,
        %get3A_1149 = vector.shape_cast %get3A_1148 : vector<1x16xf32> to vector<16xf32>
        %get3A_1150 = arith.constant 1 : i32
        %get3A_1151 = arith.index_cast %get3A_1150 : i32 to index
        %get3A_1152 = arith.constant 80 : index
        %get3A_1153 = tpu.vector_load %arg14[%get3A_1151, %get3A_1152] {strides = array<i32>} : memref<16x128xf32, #tpu.memory_space<vmem>>, vector<1x16xf32>,
        %get3A_1154 = vector.shape_cast %get3A_1153 : vector<1x16xf32> to vector<16xf32>
        %max3A_1155 = arith.maximumf %get3A_1149, %get3A_1154 : vector<16xf32>
        %get3A_1156 = arith.constant 2 : i32
        %get3A_1157 = arith.index_cast %get3A_1156 : i32 to index
        %get3A_1158 = arith.constant 80 : index
        %get3A_1159 = tpu.vector_load %arg14[%get3A_1157, %get3A_1158] {strides = array<i32>} : memref<16x128xf32, #tpu.memory_space<vmem>>, vector<1x16xf32>,
        %get3A_1160 = vector.shape_cast %get3A_1159 : vector<1x16xf32> to vector<16xf32>
        %max3A_1161 = arith.maximumf %max3A_1155, %get3A_1160 : vector<16xf32>
        %get3A_1162 = arith.constant 3 : i32
        %get3A_1163 = arith.index_cast %get3A_1162 : i32 to index
        %get3A_1164 = arith.constant 80 : index
        %get3A_1165 = tpu.vector_load %arg14[%get3A_1163, %get3A_1164] {strides = array<i32>} : memref<16x128xf32, #tpu.memory_space<vmem>>, vector<1x16xf32>,
        %get3A_1166 = vector.shape_cast %get3A_1165 : vector<1x16xf32> to vector<16xf32>
        %max3A_1167 = arith.maximumf %max3A_1161, %get3A_1166 : vector<16xf32>
        %get3A_1168 = arith.constant 4 : i32
        %get3A_1169 = arith.index_cast %get3A_1168 : i32 to index
        %get3A_1170 = arith.constant 80 : index
        %get3A_1171 = tpu.vector_load %arg14[%get3A_1169, %get3A_1170] {strides = array<i32>} : memref<16x128xf32, #tpu.memory_space<vmem>>, vector<1x16xf32>,
        %get3A_1172 = vector.shape_cast %get3A_1171 : vector<1x16xf32> to vector<16xf32>
        %max3A_1173 = arith.maximumf %max3A_1167, %get3A_1172 : vector<16xf32>
        %get3A_1174 = arith.constant 5 : i32
        %get3A_1175 = arith.index_cast %get3A_1174 : i32 to index
        %get3A_1176 = arith.constant 80 : index
        %get3A_1177 = tpu.vector_load %arg14[%get3A_1175, %get3A_1176] {strides = array<i32>} : memref<16x128xf32, #tpu.memory_space<vmem>>, vector<1x16xf32>,
        %get3A_1178 = vector.shape_cast %get3A_1177 : vector<1x16xf32> to vector<16xf32>
        %max3A_1179 = arith.maximumf %max3A_1173, %get3A_1178 : vector<16xf32>
        %get3A_1180 = arith.constant 6 : i32
        %get3A_1181 = arith.index_cast %get3A_1180 : i32 to index
        %get3A_1182 = arith.constant 80 : index
        %get3A_1183 = tpu.vector_load %arg14[%get3A_1181, %get3A_1182] {strides = array<i32>} : memref<16x128xf32, #tpu.memory_space<vmem>>, vector<1x16xf32>,
        %get3A_1184 = vector.shape_cast %get3A_1183 : vector<1x16xf32> to vector<16xf32>
        %max3A_1185 = arith.maximumf %max3A_1179, %get3A_1184 : vector<16xf32>
        %get3A_1186 = arith.constant 7 : i32
        %get3A_1187 = arith.index_cast %get3A_1186 : i32 to index
        %get3A_1188 = arith.constant 80 : index
        %get3A_1189 = tpu.vector_load %arg14[%get3A_1187, %get3A_1188] {strides = array<i32>} : memref<16x128xf32, #tpu.memory_space<vmem>>, vector<1x16xf32>,
        %get3A_1190 = vector.shape_cast %get3A_1189 : vector<1x16xf32> to vector<16xf32>
        %max3A_1191 = arith.maximumf %max3A_1185, %get3A_1190 : vector<16xf32>
        %get3A_1192 = arith.constant 8 : i32
        %get3A_1193 = arith.index_cast %get3A_1192 : i32 to index
        %get3A_1194 = arith.constant 80 : index
        %get3A_1195 = tpu.vector_load %arg14[%get3A_1193, %get3A_1194] {strides = array<i32>} : memref<16x128xf32, #tpu.memory_space<vmem>>, vector<1x16xf32>,
        %get3A_1196 = vector.shape_cast %get3A_1195 : vector<1x16xf32> to vector<16xf32>
        %max3A_1197 = arith.maximumf %max3A_1191, %get3A_1196 : vector<16xf32>
        %get3A_1198 = arith.constant 9 : i32
        %get3A_1199 = arith.index_cast %get3A_1198 : i32 to index
        %get3A_1200 = arith.constant 80 : index
        %get3A_1201 = tpu.vector_load %arg14[%get3A_1199, %get3A_1200] {strides = array<i32>} : memref<16x128xf32, #tpu.memory_space<vmem>>, vector<1x16xf32>,
        %get3A_1202 = vector.shape_cast %get3A_1201 : vector<1x16xf32> to vector<16xf32>
        %max3A_1203 = arith.maximumf %max3A_1197, %get3A_1202 : vector<16xf32>
        %get3A_1204 = arith.constant 10 : i32
        %get3A_1205 = arith.index_cast %get3A_1204 : i32 to index
        %get3A_1206 = arith.constant 80 : index
        %get3A_1207 = tpu.vector_load %arg14[%get3A_1205, %get3A_1206] {strides = array<i32>} : memref<16x128xf32, #tpu.memory_space<vmem>>, vector<1x16xf32>,
        %get3A_1208 = vector.shape_cast %get3A_1207 : vector<1x16xf32> to vector<16xf32>
        %max3A_1209 = arith.maximumf %max3A_1203, %get3A_1208 : vector<16xf32>
        %get3A_1210 = arith.constant 11 : i32
        %get3A_1211 = arith.index_cast %get3A_1210 : i32 to index
        %get3A_1212 = arith.constant 80 : index
        %get3A_1213 = tpu.vector_load %arg14[%get3A_1211, %get3A_1212] {strides = array<i32>} : memref<16x128xf32, #tpu.memory_space<vmem>>, vector<1x16xf32>,
        %get3A_1214 = vector.shape_cast %get3A_1213 : vector<1x16xf32> to vector<16xf32>
        %max3A_1215 = arith.maximumf %max3A_1209, %get3A_1214 : vector<16xf32>
        %get3A_1216 = arith.constant 12 : i32
        %get3A_1217 = arith.index_cast %get3A_1216 : i32 to index
        %get3A_1218 = arith.constant 80 : index
        %get3A_1219 = tpu.vector_load %arg14[%get3A_1217, %get3A_1218] {strides = array<i32>} : memref<16x128xf32, #tpu.memory_space<vmem>>, vector<1x16xf32>,
        %get3A_1220 = vector.shape_cast %get3A_1219 : vector<1x16xf32> to vector<16xf32>
        %max3A_1221 = arith.maximumf %max3A_1215, %get3A_1220 : vector<16xf32>
        %get3A_1222 = arith.constant 13 : i32
        %get3A_1223 = arith.index_cast %get3A_1222 : i32 to index
        %get3A_1224 = arith.constant 80 : index
        %get3A_1225 = tpu.vector_load %arg14[%get3A_1223, %get3A_1224] {strides = array<i32>} : memref<16x128xf32, #tpu.memory_space<vmem>>, vector<1x16xf32>,
        %get3A_1226 = vector.shape_cast %get3A_1225 : vector<1x16xf32> to vector<16xf32>
        %max3A_1227 = arith.maximumf %max3A_1221, %get3A_1226 : vector<16xf32>
        %get3A_1228 = arith.constant 14 : i32
        %get3A_1229 = arith.index_cast %get3A_1228 : i32 to index
        %get3A_1230 = arith.constant 80 : index
        %get3A_1231 = tpu.vector_load %arg14[%get3A_1229, %get3A_1230] {strides = array<i32>} : memref<16x128xf32, #tpu.memory_space<vmem>>, vector<1x16xf32>,
        %get3A_1232 = vector.shape_cast %get3A_1231 : vector<1x16xf32> to vector<16xf32>
        %max3A_1233 = arith.maximumf %max3A_1227, %get3A_1232 : vector<16xf32>
        %get3A_1234 = arith.constant 15 : i32
        %get3A_1235 = arith.index_cast %get3A_1234 : i32 to index
        %get3A_1236 = arith.constant 80 : index
        %get3A_1237 = tpu.vector_load %arg14[%get3A_1235, %get3A_1236] {strides = array<i32>} : memref<16x128xf32, #tpu.memory_space<vmem>>, vector<1x16xf32>,
        %get3A_1238 = vector.shape_cast %get3A_1237 : vector<1x16xf32> to vector<16xf32>
        %max3A_1239 = arith.maximumf %max3A_1233, %get3A_1238 : vector<16xf32>
        %get3A_1240 = arith.constant 80 : index
        %get3A_1241 = tpu.vector_load %arg15[%get3A_1240] {strides = array<i32>} : memref<128xf32, #tpu.memory_space<vmem>>, vector<16xf32>,
        %get3A_1242 = vector.shape_cast %get3A_1241 : vector<16xf32> to vector<16xf32>
        %add3A_1243 = arith.addf %max3A_1239, %get3A_1242 : vector<16xf32>
        %swap3A_1244 = arith.constant 80 : index
        %swap3A_1245 = tpu.vector_load %arg16[%swap3A_1244] {strides = array<i32>} : memref<128xf32, #tpu.memory_space<vmem>>, vector<16xf32>,
        %swap3A_1246 = vector.shape_cast %swap3A_1245 : vector<16xf32> to vector<16xf32>
        %swap3A_1247 = vector.shape_cast %add3A_1243 : vector<16xf32> to vector<16xf32>
        tpu.vector_store %arg16[%swap3A_1244], %swap3A_1247 {strides = array<i32>} : memref<128xf32, #tpu.memory_space<vmem>>, vector<16xf32>,
        %get3A_1248 = arith.constant 0 : i32
        %get3A_1249 = arith.index_cast %get3A_1248 : i32 to index
        %get3A_1250 = arith.constant 96 : index
        %get3A_1251 = tpu.vector_load %arg14[%get3A_1249, %get3A_1250] {strides = array<i32>} : memref<16x128xf32, #tpu.memory_space<vmem>>, vector<1x16xf32>,
        %get3A_1252 = vector.shape_cast %get3A_1251 : vector<1x16xf32> to vector<16xf32>
        %get3A_1253 = arith.constant 1 : i32
        %get3A_1254 = arith.index_cast %get3A_1253 : i32 to index
        %get3A_1255 = arith.constant 96 : index
        %get3A_1256 = tpu.vector_load %arg14[%get3A_1254, %get3A_1255] {strides = array<i32>} : memref<16x128xf32, #tpu.memory_space<vmem>>, vector<1x16xf32>,
        %get3A_1257 = vector.shape_cast %get3A_1256 : vector<1x16xf32> to vector<16xf32>
        %max3A_1258 = arith.maximumf %get3A_1252, %get3A_1257 : vector<16xf32>
        %get3A_1259 = arith.constant 2 : i32
        %get3A_1260 = arith.index_cast %get3A_1259 : i32 to index
        %get3A_1261 = arith.constant 96 : index
        %get3A_1262 = tpu.vector_load %arg14[%get3A_1260, %get3A_1261] {strides = array<i32>} : memref<16x128xf32, #tpu.memory_space<vmem>>, vector<1x16xf32>,
        %get3A_1263 = vector.shape_cast %get3A_1262 : vector<1x16xf32> to vector<16xf32>
        %max3A_1264 = arith.maximumf %max3A_1258, %get3A_1263 : vector<16xf32>
        %get3A_1265 = arith.constant 3 : i32
        %get3A_1266 = arith.index_cast %get3A_1265 : i32 to index
        %get3A_1267 = arith.constant 96 : index
        %get3A_1268 = tpu.vector_load %arg14[%get3A_1266, %get3A_1267] {strides = array<i32>} : memref<16x128xf32, #tpu.memory_space<vmem>>, vector<1x16xf32>,
        %get3A_1269 = vector.shape_cast %get3A_1268 : vector<1x16xf32> to vector<16xf32>
        %max3A_1270 = arith.maximumf %max3A_1264, %get3A_1269 : vector<16xf32>
        %get3A_1271 = arith.constant 4 : i32
        %get3A_1272 = arith.index_cast %get3A_1271 : i32 to index
        %get3A_1273 = arith.constant 96 : index
        %get3A_1274 = tpu.vector_load %arg14[%get3A_1272, %get3A_1273] {strides = array<i32>} : memref<16x128xf32, #tpu.memory_space<vmem>>, vector<1x16xf32>,
        %get3A_1275 = vector.shape_cast %get3A_1274 : vector<1x16xf32> to vector<16xf32>
        %max3A_1276 = arith.maximumf %max3A_1270, %get3A_1275 : vector<16xf32>
        %get3A_1277 = arith.constant 5 : i32
        %get3A_1278 = arith.index_cast %get3A_1277 : i32 to index
        %get3A_1279 = arith.constant 96 : index
        %get3A_1280 = tpu.vector_load %arg14[%get3A_1278, %get3A_1279] {strides = array<i32>} : memref<16x128xf32, #tpu.memory_space<vmem>>, vector<1x16xf32>,
        %get3A_1281 = vector.shape_cast %get3A_1280 : vector<1x16xf32> to vector<16xf32>
        %max3A_1282 = arith.maximumf %max3A_1276, %get3A_1281 : vector<16xf32>
        %get3A_1283 = arith.constant 6 : i32
        %get3A_1284 = arith.index_cast %get3A_1283 : i32 to index
        %get3A_1285 = arith.constant 96 : index
        %get3A_1286 = tpu.vector_load %arg14[%get3A_1284, %get3A_1285] {strides = array<i32>} : memref<16x128xf32, #tpu.memory_space<vmem>>, vector<1x16xf32>,
        %get3A_1287 = vector.shape_cast %get3A_1286 : vector<1x16xf32> to vector<16xf32>
        %max3A_1288 = arith.maximumf %max3A_1282, %get3A_1287 : vector<16xf32>
        %get3A_1289 = arith.constant 7 : i32
        %get3A_1290 = arith.index_cast %get3A_1289 : i32 to index
        %get3A_1291 = arith.constant 96 : index
        %get3A_1292 = tpu.vector_load %arg14[%get3A_1290, %get3A_1291] {strides = array<i32>} : memref<16x128xf32, #tpu.memory_space<vmem>>, vector<1x16xf32>,
        %get3A_1293 = vector.shape_cast %get3A_1292 : vector<1x16xf32> to vector<16xf32>
        %max3A_1294 = arith.maximumf %max3A_1288, %get3A_1293 : vector<16xf32>
        %get3A_1295 = arith.constant 8 : i32
        %get3A_1296 = arith.index_cast %get3A_1295 : i32 to index
        %get3A_1297 = arith.constant 96 : index
        %get3A_1298 = tpu.vector_load %arg14[%get3A_1296, %get3A_1297] {strides = array<i32>} : memref<16x128xf32, #tpu.memory_space<vmem>>, vector<1x16xf32>,
        %get3A_1299 = vector.shape_cast %get3A_1298 : vector<1x16xf32> to vector<16xf32>
        %max3A_1300 = arith.maximumf %max3A_1294, %get3A_1299 : vector<16xf32>
        %get3A_1301 = arith.constant 9 : i32
        %get3A_1302 = arith.index_cast %get3A_1301 : i32 to index
        %get3A_1303 = arith.constant 96 : index
        %get3A_1304 = tpu.vector_load %arg14[%get3A_1302, %get3A_1303] {strides = array<i32>} : memref<16x128xf32, #tpu.memory_space<vmem>>, vector<1x16xf32>,
        %get3A_1305 = vector.shape_cast %get3A_1304 : vector<1x16xf32> to vector<16xf32>
        %max3A_1306 = arith.maximumf %max3A_1300, %get3A_1305 : vector<16xf32>
        %get3A_1307 = arith.constant 10 : i32
        %get3A_1308 = arith.index_cast %get3A_1307 : i32 to index
        %get3A_1309 = arith.constant 96 : index
        %get3A_1310 = tpu.vector_load %arg14[%get3A_1308, %get3A_1309] {strides = array<i32>} : memref<16x128xf32, #tpu.memory_space<vmem>>, vector<1x16xf32>,
        %get3A_1311 = vector.shape_cast %get3A_1310 : vector<1x16xf32> to vector<16xf32>
        %max3A_1312 = arith.maximumf %max3A_1306, %get3A_1311 : vector<16xf32>
        %get3A_1313 = arith.constant 11 : i32
        %get3A_1314 = arith.index_cast %get3A_1313 : i32 to index
        %get3A_1315 = arith.constant 96 : index
        %get3A_1316 = tpu.vector_load %arg14[%get3A_1314, %get3A_1315] {strides = array<i32>} : memref<16x128xf32, #tpu.memory_space<vmem>>, vector<1x16xf32>,
        %get3A_1317 = vector.shape_cast %get3A_1316 : vector<1x16xf32> to vector<16xf32>
        %max3A_1318 = arith.maximumf %max3A_1312, %get3A_1317 : vector<16xf32>
        %get3A_1319 = arith.constant 12 : i32
        %get3A_1320 = arith.index_cast %get3A_1319 : i32 to index
        %get3A_1321 = arith.constant 96 : index
        %get3A_1322 = tpu.vector_load %arg14[%get3A_1320, %get3A_1321] {strides = array<i32>} : memref<16x128xf32, #tpu.memory_space<vmem>>, vector<1x16xf32>,
        %get3A_1323 = vector.shape_cast %get3A_1322 : vector<1x16xf32> to vector<16xf32>
        %max3A_1324 = arith.maximumf %max3A_1318, %get3A_1323 : vector<16xf32>
        %get3A_1325 = arith.constant 13 : i32
        %get3A_1326 = arith.index_cast %get3A_1325 : i32 to index
        %get3A_1327 = arith.constant 96 : index
        %get3A_1328 = tpu.vector_load %arg14[%get3A_1326, %get3A_1327] {strides = array<i32>} : memref<16x128xf32, #tpu.memory_space<vmem>>, vector<1x16xf32>,
        %get3A_1329 = vector.shape_cast %get3A_1328 : vector<1x16xf32> to vector<16xf32>
        %max3A_1330 = arith.maximumf %max3A_1324, %get3A_1329 : vector<16xf32>
        %get3A_1331 = arith.constant 14 : i32
        %get3A_1332 = arith.index_cast %get3A_1331 : i32 to index
        %get3A_1333 = arith.constant 96 : index
        %get3A_1334 = tpu.vector_load %arg14[%get3A_1332, %get3A_1333] {strides = array<i32>} : memref<16x128xf32, #tpu.memory_space<vmem>>, vector<1x16xf32>,
        %get3A_1335 = vector.shape_cast %get3A_1334 : vector<1x16xf32> to vector<16xf32>
        %max3A_1336 = arith.maximumf %max3A_1330, %get3A_1335 : vector<16xf32>
        %get3A_1337 = arith.constant 15 : i32
        %get3A_1338 = arith.index_cast %get3A_1337 : i32 to index
        %get3A_1339 = arith.constant 96 : index
        %get3A_1340 = tpu.vector_load %arg14[%get3A_1338, %get3A_1339] {strides = array<i32>} : memref<16x128xf32, #tpu.memory_space<vmem>>, vector<1x16xf32>,
        %get3A_1341 = vector.shape_cast %get3A_1340 : vector<1x16xf32> to vector<16xf32>
        %max3A_1342 = arith.maximumf %max3A_1336, %get3A_1341 : vector<16xf32>
        %get3A_1343 = arith.constant 96 : index
        %get3A_1344 = tpu.vector_load %arg15[%get3A_1343] {strides = array<i32>} : memref<128xf32, #tpu.memory_space<vmem>>, vector<16xf32>,
        %get3A_1345 = vector.shape_cast %get3A_1344 : vector<16xf32> to vector<16xf32>
        %add3A_1346 = arith.addf %max3A_1342, %get3A_1345 : vector<16xf32>
        %swap3A_1347 = arith.constant 96 : index
        %swap3A_1348 = tpu.vector_load %arg16[%swap3A_1347] {strides = array<i32>} : memref<128xf32, #tpu.memory_space<vmem>>, vector<16xf32>,
        %swap3A_1349 = vector.shape_cast %swap3A_1348 : vector<16xf32> to vector<16xf32>
        %swap3A_1350 = vector.shape_cast %add3A_1346 : vector<16xf32> to vector<16xf32>
        tpu.vector_store %arg16[%swap3A_1347], %swap3A_1350 {strides = array<i32>} : memref<128xf32, #tpu.memory_space<vmem>>, vector<16xf32>,
        %get3A_1351 = arith.constant 0 : i32
        %get3A_1352 = arith.index_cast %get3A_1351 : i32 to index
        %get3A_1353 = arith.constant 112 : index
        %get3A_1354 = tpu.vector_load %arg14[%get3A_1352, %get3A_1353] {strides = array<i32>} : memref<16x128xf32, #tpu.memory_space<vmem>>, vector<1x16xf32>,
        %get3A_1355 = vector.shape_cast %get3A_1354 : vector<1x16xf32> to vector<16xf32>
        %get3A_1356 = arith.constant 1 : i32
        %get3A_1357 = arith.index_cast %get3A_1356 : i32 to index
        %get3A_1358 = arith.constant 112 : index
        %get3A_1359 = tpu.vector_load %arg14[%get3A_1357, %get3A_1358] {strides = array<i32>} : memref<16x128xf32, #tpu.memory_space<vmem>>, vector<1x16xf32>,
        %get3A_1360 = vector.shape_cast %get3A_1359 : vector<1x16xf32> to vector<16xf32>
        %max3A_1361 = arith.maximumf %get3A_1355, %get3A_1360 : vector<16xf32>
        %get3A_1362 = arith.constant 2 : i32
        %get3A_1363 = arith.index_cast %get3A_1362 : i32 to index
        %get3A_1364 = arith.constant 112 : index
        %get3A_1365 = tpu.vector_load %arg14[%get3A_1363, %get3A_1364] {strides = array<i32>} : memref<16x128xf32, #tpu.memory_space<vmem>>, vector<1x16xf32>,
        %get3A_1366 = vector.shape_cast %get3A_1365 : vector<1x16xf32> to vector<16xf32>
        %max3A_1367 = arith.maximumf %max3A_1361, %get3A_1366 : vector<16xf32>
        %get3A_1368 = arith.constant 3 : i32
        %get3A_1369 = arith.index_cast %get3A_1368 : i32 to index
        %get3A_1370 = arith.constant 112 : index
        %get3A_1371 = tpu.vector_load %arg14[%get3A_1369, %get3A_1370] {strides = array<i32>} : memref<16x128xf32, #tpu.memory_space<vmem>>, vector<1x16xf32>,
        %get3A_1372 = vector.shape_cast %get3A_1371 : vector<1x16xf32> to vector<16xf32>
        %max3A_1373 = arith.maximumf %max3A_1367, %get3A_1372 : vector<16xf32>
        %get3A_1374 = arith.constant 4 : i32
        %get3A_1375 = arith.index_cast %get3A_1374 : i32 to index
        %get3A_1376 = arith.constant 112 : index
        %get3A_1377 = tpu.vector_load %arg14[%get3A_1375, %get3A_1376] {strides = array<i32>} : memref<16x128xf32, #tpu.memory_space<vmem>>, vector<1x16xf32>,
        %get3A_1378 = vector.shape_cast %get3A_1377 : vector<1x16xf32> to vector<16xf32>
        %max3A_1379 = arith.maximumf %max3A_1373, %get3A_1378 : vector<16xf32>
        %get3A_1380 = arith.constant 5 : i32
        %get3A_1381 = arith.index_cast %get3A_1380 : i32 to index
        %get3A_1382 = arith.constant 112 : index
        %get3A_1383 = tpu.vector_load %arg14[%get3A_1381, %get3A_1382] {strides = array<i32>} : memref<16x128xf32, #tpu.memory_space<vmem>>, vector<1x16xf32>,
        %get3A_1384 = vector.shape_cast %get3A_1383 : vector<1x16xf32> to vector<16xf32>
        %max3A_1385 = arith.maximumf %max3A_1379, %get3A_1384 : vector<16xf32>
        %get3A_1386 = arith.constant 6 : i32
        %get3A_1387 = arith.index_cast %get3A_1386 : i32 to index
        %get3A_1388 = arith.constant 112 : index
        %get3A_1389 = tpu.vector_load %arg14[%get3A_1387, %get3A_1388] {strides = array<i32>} : memref<16x128xf32, #tpu.memory_space<vmem>>, vector<1x16xf32>,
        %get3A_1390 = vector.shape_cast %get3A_1389 : vector<1x16xf32> to vector<16xf32>
        %max3A_1391 = arith.maximumf %max3A_1385, %get3A_1390 : vector<16xf32>
        %get3A_1392 = arith.constant 7 : i32
        %get3A_1393 = arith.index_cast %get3A_1392 : i32 to index
        %get3A_1394 = arith.constant 112 : index
        %get3A_1395 = tpu.vector_load %arg14[%get3A_1393, %get3A_1394] {strides = array<i32>} : memref<16x128xf32, #tpu.memory_space<vmem>>, vector<1x16xf32>,
        %get3A_1396 = vector.shape_cast %get3A_1395 : vector<1x16xf32> to vector<16xf32>
        %max3A_1397 = arith.maximumf %max3A_1391, %get3A_1396 : vector<16xf32>
        %get3A_1398 = arith.constant 8 : i32
        %get3A_1399 = arith.index_cast %get3A_1398 : i32 to index
        %get3A_1400 = arith.constant 112 : index
        %get3A_1401 = tpu.vector_load %arg14[%get3A_1399, %get3A_1400] {strides = array<i32>} : memref<16x128xf32, #tpu.memory_space<vmem>>, vector<1x16xf32>,
        %get3A_1402 = vector.shape_cast %get3A_1401 : vector<1x16xf32> to vector<16xf32>
        %max3A_1403 = arith.maximumf %max3A_1397, %get3A_1402 : vector<16xf32>
        %get3A_1404 = arith.constant 9 : i32
        %get3A_1405 = arith.index_cast %get3A_1404 : i32 to index
        %get3A_1406 = arith.constant 112 : index
        %get3A_1407 = tpu.vector_load %arg14[%get3A_1405, %get3A_1406] {strides = array<i32>} : memref<16x128xf32, #tpu.memory_space<vmem>>, vector<1x16xf32>,
        %get3A_1408 = vector.shape_cast %get3A_1407 : vector<1x16xf32> to vector<16xf32>
        %max3A_1409 = arith.maximumf %max3A_1403, %get3A_1408 : vector<16xf32>
        %get3A_1410 = arith.constant 10 : i32
        %get3A_1411 = arith.index_cast %get3A_1410 : i32 to index
        %get3A_1412 = arith.constant 112 : index
        %get3A_1413 = tpu.vector_load %arg14[%get3A_1411, %get3A_1412] {strides = array<i32>} : memref<16x128xf32, #tpu.memory_space<vmem>>, vector<1x16xf32>,
        %get3A_1414 = vector.shape_cast %get3A_1413 : vector<1x16xf32> to vector<16xf32>
        %max3A_1415 = arith.maximumf %max3A_1409, %get3A_1414 : vector<16xf32>
        %get3A_1416 = arith.constant 11 : i32
        %get3A_1417 = arith.index_cast %get3A_1416 : i32 to index
        %get3A_1418 = arith.constant 112 : index
        %get3A_1419 = tpu.vector_load %arg14[%get3A_1417, %get3A_1418] {strides = array<i32>} : memref<16x128xf32, #tpu.memory_space<vmem>>, vector<1x16xf32>,
        %get3A_1420 = vector.shape_cast %get3A_1419 : vector<1x16xf32> to vector<16xf32>
        %max3A_1421 = arith.maximumf %max3A_1415, %get3A_1420 : vector<16xf32>
        %get3A_1422 = arith.constant 12 : i32
        %get3A_1423 = arith.index_cast %get3A_1422 : i32 to index
        %get3A_1424 = arith.constant 112 : index
        %get3A_1425 = tpu.vector_load %arg14[%get3A_1423, %get3A_1424] {strides = array<i32>} : memref<16x128xf32, #tpu.memory_space<vmem>>, vector<1x16xf32>,
        %get3A_1426 = vector.shape_cast %get3A_1425 : vector<1x16xf32> to vector<16xf32>
        %max3A_1427 = arith.maximumf %max3A_1421, %get3A_1426 : vector<16xf32>
        %get3A_1428 = arith.constant 13 : i32
        %get3A_1429 = arith.index_cast %get3A_1428 : i32 to index
        %get3A_1430 = arith.constant 112 : index
        %get3A_1431 = tpu.vector_load %arg14[%get3A_1429, %get3A_1430] {strides = array<i32>} : memref<16x128xf32, #tpu.memory_space<vmem>>, vector<1x16xf32>,
        %get3A_1432 = vector.shape_cast %get3A_1431 : vector<1x16xf32> to vector<16xf32>
        %max3A_1433 = arith.maximumf %max3A_1427, %get3A_1432 : vector<16xf32>
        %get3A_1434 = arith.constant 14 : i32
        %get3A_1435 = arith.index_cast %get3A_1434 : i32 to index
        %get3A_1436 = arith.constant 112 : index
        %get3A_1437 = tpu.vector_load %arg14[%get3A_1435, %get3A_1436] {strides = array<i32>} : memref<16x128xf32, #tpu.memory_space<vmem>>, vector<1x16xf32>,
        %get3A_1438 = vector.shape_cast %get3A_1437 : vector<1x16xf32> to vector<16xf32>
        %max3A_1439 = arith.maximumf %max3A_1433, %get3A_1438 : vector<16xf32>
        %get3A_1440 = arith.constant 15 : i32
        %get3A_1441 = arith.index_cast %get3A_1440 : i32 to index
        %get3A_1442 = arith.constant 112 : index
        %get3A_1443 = tpu.vector_load %arg14[%get3A_1441, %get3A_1442] {strides = array<i32>} : memref<16x128xf32, #tpu.memory_space<vmem>>, vector<1x16xf32>,
        %get3A_1444 = vector.shape_cast %get3A_1443 : vector<1x16xf32> to vector<16xf32>
        %max3A_1445 = arith.maximumf %max3A_1439, %get3A_1444 : vector<16xf32>
        %get3A_1446 = arith.constant 112 : index
        %get3A_1447 = tpu.vector_load %arg15[%get3A_1446] {strides = array<i32>} : memref<128xf32, #tpu.memory_space<vmem>>, vector<16xf32>,
        %get3A_1448 = vector.shape_cast %get3A_1447 : vector<16xf32> to vector<16xf32>
        %add3A_1449 = arith.addf %max3A_1445, %get3A_1448 : vector<16xf32>
        %swap3A_1450 = arith.constant 112 : index
        %swap3A_1451 = tpu.vector_load %arg16[%swap3A_1450] {strides = array<i32>} : memref<128xf32, #tpu.memory_space<vmem>>, vector<16xf32>,
        %swap3A_1452 = vector.shape_cast %swap3A_1451 : vector<16xf32> to vector<16xf32>
        %swap3A_1453 = vector.shape_cast %add3A_1449 : vector<16xf32> to vector<16xf32>
        tpu.vector_store %arg16[%swap3A_1450], %swap3A_1453 {strides = array<i32>} : memref<128xf32, #tpu.memory_space<vmem>>, vector<16xf32>,
        %mul3A_1454 = arith.constant 128 : i32
        %mul3A_1455 = arith.muli %add3A, %mul3A_1454 : i32
        "tpu.region"() ({
          %run_scoped3A = tpu.sem_alloc : memref<!tpu.dma_semaphore, #tpu.memory_space<semaphore_mem>>
          %dma_start3A_1456 = tpu.memref_slice %arg6[%mul3A_1455] : memref<2048xf32, #tpu.memory_space<hbm>> -> memref<128xf32, #tpu.memory_space<hbm>>
          %dma_start3A_1457 = tpu.memref_slice %arg6[%mul3A_1455] : memref<2048xf32, #tpu.memory_space<hbm>> -> memref<128xf32, #tpu.memory_space<hbm>>
          tpu.enqueue_dma source(%arg16 : memref<128xf32, #tpu.memory_space<vmem>>) target(%dma_start3A_1457 : memref<128xf32, #tpu.memory_space<hbm>>) target_semaphore(%run_scoped3A : memref<!tpu.dma_semaphore, #tpu.memory_space<semaphore_mem>>)
          %dma_wait3A_1458 = tpu.memref_slice %arg6[%mul3A_1455] : memref<2048xf32, #tpu.memory_space<hbm>> -> memref<128xf32, #tpu.memory_space<hbm>>
          %dma_wait3A_1459 = tpu.memref_slice %arg6[%mul3A_1455] : memref<2048xf32, #tpu.memory_space<hbm>> -> memref<128xf32, #tpu.memory_space<hbm>>
          tpu.wait_dma2 semaphore(%run_scoped3A : memref<!tpu.dma_semaphore, #tpu.memory_space<semaphore_mem>>) src(%arg16 : memref<128xf32, #tpu.memory_space<vmem>>) dst(%dma_wait3A_1459 : memref<128xf32, #tpu.memory_space<hbm>>)
          tpu.yield
        }) : () -> ()
      } else {
      }
    }
    %scan3A_18 = arith.constant 8 : i32
    return
  }
}

module attributes {stable_mosaic.version = 14 : i64} {
  func.func @_matmul_body(%arg0: i32, %arg1: memref<1280x128xf32, #tpu.memory_space<vmem>>, %arg2: memref<128x128xf32, #tpu.memory_space<vmem>>, %arg3: memref<1280x128xf32, #tpu.memory_space<vmem>>) attributes {dimension_semantics = [#tpu.dimension_semantics<arbitrary>], iteration_bounds = array<i64: 8>, scalar_prefetch = 0 : i64, scratch_operands = 0 : i64, tpu.core_type = #tpu.core_type<tc>, window_params = [{transform_indices = @transform_0, window_bounds = array<i64: 1280, 128>}, {pipeline_mode = #tpu.pipeline_mode<synchronous>, transform_indices = @transform_1, window_bounds = array<i64: 128, 128>}, {transform_indices = @transform_2, window_bounds = array<i64: 1280, 128>}]} {
    %get3A = arith.constant 0 : index
    %get3A_0 = arith.constant 0 : index
    %get3A_1 = vector.load %arg1[%get3A, %get3A_0] : memref<1280x128xf32, #tpu.memory_space<vmem>>, vector<1280x128xf32>
    %get3A_2 = arith.constant 0 : index
    %get3A_3 = arith.constant 0 : index
    %get3A_4 = vector.load %arg2[%get3A_2, %get3A_3] : memref<128x128xf32, #tpu.memory_space<vmem>>, vector<128x128xf32>
    %dot_general3A = arith.constant dense<0.000000e+00> : vector<1280x128xf32>
    %dot_general3A_5 = tpu.matmul %get3A_1, %get3A_4, %dot_general3A {dimension_numbers = #tpu.dot_dimension_numbers<[1], [0], [0], [1], [0, 0, 1, 1], [], []>, transpose_lhs_hint = false} : vector<1280x128xf32>, vector<128x128xf32>, vector<1280x128xf32> -> vector<1280x128xf32>
    %swap3A = arith.constant 0 : index
    %swap3A_6 = arith.constant 0 : index
    %swap3A_7 = vector.load %arg3[%swap3A, %swap3A_6] : memref<1280x128xf32, #tpu.memory_space<vmem>>, vector<1280x128xf32>
    tpu.vector_store %arg3[%swap3A, %swap3A_6], %dot_general3A_5 {strides = array<i32>} : memref<1280x128xf32, #tpu.memory_space<vmem>>, vector<1280x128xf32>,
    return
  }
  func.func @transform_0(%arg0: i32) -> (i32, i32) {
    %c0_i32 = arith.constant 0 : i32
    %c0_i32_0 = arith.constant 0 : i32
    return %arg0, %c0_i32 : i32, i32
  }
  func.func @transform_1(%arg0: i32) -> (i32, i32) {
    %c0_i32 = arith.constant 0 : i32
    %c0_i32_0 = arith.constant 0 : i32
    %c0_i32_1 = arith.constant 0 : i32
    return %c0_i32, %c0_i32_0 : i32, i32
  }
  func.func @transform_2(%arg0: i32) -> (i32, i32) {
    %c0_i32 = arith.constant 0 : i32
    %c0_i32_0 = arith.constant 0 : i32
    return %arg0, %c0_i32 : i32, i32
  }
}

</mosaic_0001>

<sc_bundles>
// kernel: kernel.4.cloned.1.call-start
scs
__scs_entry_jumppad:
0x0: {  	(pc) =	sbr.rel $0x88, $3  }
0x1: {  	(tag) =	ssettag $0x0;
	lr =	simm.s32 $0x1  }
0x2: {  	[smem:$0x3F9E] =	sst lr;
	_ =	strace $0xD0000000  }
0x3: {  	_ = 	snop  }
0x4: {  	_ = 	snop  }
0x5: {  	_ = 	snop  }
0x6: {  	_ = 	snop  }
0x7: {  	_ = 	snop  }
__scs_overlays_trampoline_lowered:
0x8: {  	[smem:$0x3FAD] =	sst s0  }
0x9: {  	[smem:$0x3FAE] =	sst s1  }
0xa: {  	[smem:$0x3FAF] =	sst s2  }
0xb: {  	[smem:$0x3FB0] =	sst s3  }
0xc: {  	[smem:$0x3FB1] =	sst s4  }
0xd: {  	[smem:$0x3FB2] =	sst s5  }
0xe: {  	[smem:$0x3FB3] =	sst s6  }
0xf: {  	[smem:$0x3FB4] =	sst s7  }
0x10: {  	[smem:$0x3FB5] =	sst s8  }
0x11: {  	[smem:$0x3FB6] =	sst s9;
	s0 =	simm.s32 @!p0 $0x0  }
0x12: {  	s1 =	sld [smem:$0x3F9C];
	s0 =	simm.s32 @p0 $0x1  }
0x13: {  	[smem:$0x3FB7] =	sst s0;
	s0 =	simm.s32 @!p1 $0x0  }
0x14: {  	s2 =	sld [smem:$0x3F9B];
	s0 =	simm.s32 @p1 $0x1  }
0x15: {  	[smem:$0x3FB8] =	sst s0;
	s0 =	simm.s32 @!p2 $0x0  }
0x16: {  	s3 =	sld [smem:$0x3FDB];
	s0 =	simm.s32 @p2 $0x1  }
0x17: {  	s4 =	simm.s32 $0x1BF5;
	[smem:$0x3FBA] =	sst s0  }
0x18: {  	s0 =	sld [smem:$0x3F9D];
	_ =	swait.ge [sflag:s4], $0x0  }
0x19: {  	s7 =	sld [smem:$0x3F9E]  }
0x1a: {  	s8 =	sadd.s32 $0xFFFFE003, lr  }
0x1b: {  	s9 =	sadd.s32 $0xFFFFFEF7, lr;
	s5 =	simm.s32 $0xFFFFFFFF;
	p2 =	slt.u32 s8, $0xFFFFF086  }
0x1c: {  	p1 =	slt.u32 s9, $0xF7A;
	s5 =	simm.s32 @!p2 $0x0  }
0x1d: {  	s5 =	simm.s32 @p1 $0x1;
	p0 =	seq.s32 s7, s2  }
0x1e: {  	s7 =	smul.u32 @!p0 $0xF7A, s2;
	p2 =	seq.s32 @!p0 s5, $0x0  }
0x1f: {  	s9 =	smul.u32 $0xF7A, s1;
	s8 =	simm.s32 @!p0 $0x1BF5;
	p2 =	por !p2, p0  }
0x20: {  	[sflag:s8] =	ssyncset.s32 @!p0 $0xFFFFF086;
	s6 =	sadd.s32 @!p0 s3, s7;
	s7 =	simm.s32 @!p0 $0x108  }
0x21: {  	s3 =	sadd.s32 s3, s9;
	s6 =	sadd.s32 @!p0 $0x88, s6;
	s7 =	simm.s32 @p2 $0x1082  }
0x22: {  	[simem:s7], [sflag:s8] =	dma.local @!p0 [hbm:s6], $0xF7A  }
0x23: {  	s9 =	sor.u32 $0xD0000000, s2;
	s6 =	simm.s32 $0x108;
	_ =	swait.ge @!p0 [sflag:s8], $0x0  }
0x24: {  	s3 =	sadd.s32 $0x88, s3;
	s6 =	simm.s32 @!p1 $0x1082;
	[sflag:s4] =	ssyncset.s32 $0xFFFFF086  }
0x25: {  	[simem:s6], [sflag:s4] =	dma.local [hbm:s3], $0xF7A  }
0x26: {  	[smem:$0x3F9E] =	sst s1;
	(tag) =	ssettag s2;
	_ =	strace s9  }
0x27: {  	s1 =	sld [smem:$0x3FAE]  }
0x28: {  	s2 =	sld [smem:$0x3FAF]  }
0x29: {  	s4 =	sld [smem:$0x3FB1]  }
0x2a: {  	p0 =	seq.s32 s5, $0x0;
	s5 =	sld [smem:$0x3FB2]  }
0x2b: {  	s6 =	sld [smem:$0x3FB3]  }
0x2c: {  	s7 =	sld [smem:$0x3FB4]  }
0x2d: {  	s3 =	simm.s32 $0x108;
	s8 =	sld [smem:$0x3FB5]  }
0x2e: {  	s3 =	simm.s32 @!p0 $0x1082;
	s9 =	sld [smem:$0x3FB6]  }
0x2f: {  	lr =	sadd.s32 s0, s3;
	s0 =	sld [smem:$0x3FAD]  }
0x30: {  	s3 =	sld [smem:$0x3FB0]  }
0x31: {  	[smem:$0x3FB9] =	sst s10  }
0x32: {  	s10 =	sld [smem:$0x3FB7];
	_ =	sdelay $0x3  }
0x33: {  	p0 =	seq.s32 s10, $0x1;
	s10 =	sld [smem:$0x3FB9];
	_ =	sdelay $0x3  }
0x34: {  	[smem:$0x3FB9] =	sst s10  }
0x35: {  	s10 =	sld [smem:$0x3FB8];
	_ =	sdelay $0x3  }
0x36: {  	p1 =	seq.s32 s10, $0x1;
	s10 =	sld [smem:$0x3FB9];
	_ =	sdelay $0x3  }
0x37: {  	[smem:$0x3FB9] =	sst s10  }
0x38: {  	s10 =	sld [smem:$0x3FBA]  }
0x39: {  	_ = 	snop;
	(pc) =	sbr.ind lr, $3  }
0x3a: {  	_ = 	snop  }
0x3b: {  	_ = 	snop  }
0x3c: {  	p2 =	seq.s32 s10, $0x1;
	s10 =	sld [smem:$0x3FB9]  }
0x3d: {  	_ =	shalt  }
0x3e: {  	_ =	shalt  }
0x3f: {  	_ =	shalt  }
0x40: {  	_ =	shalt  }
0x41: {  	_ =	shalt  }
0x42: {  	_ =	shalt  }
0x43: {  	_ =	shalt  }
0x44: {  	_ =	shalt  }
0x45: {  	_ =	shalt  }
0x46: {  	_ =	shalt  }
0x47: {  	_ =	shalt  }
0x48: {  	_ =	shalt  }
0x49: {  	_ =	shalt  }
0x4a: {  	_ =	shalt  }
0x4b: {  	_ =	shalt  }
0x4c: {  	_ =	shalt  }
0x4d: {  	_ =	shalt  }
0x4e: {  	_ =	shalt  }
0x4f: {  	_ =	shalt  }
0x50: {  	_ =	shalt  }
0x51: {  	_ =	shalt  }
0x52: {  	_ =	shalt  }
0x53: {  	_ =	shalt  }
0x54: {  	_ =	shalt  }
0x55: {  	_ =	shalt  }
0x56: {  	_ =	shalt  }
0x57: {  	_ =	shalt  }
0x58: {  	_ =	shalt  }
0x59: {  	_ =	shalt  }
0x5a: {  	_ =	shalt  }
0x5b: {  	_ =	shalt  }
0x5c: {  	_ =	shalt  }
0x5d: {  	_ =	shalt  }
0x5e: {  	_ =	shalt  }
0x5f: {  	_ =	shalt  }
0x60: {  	_ =	shalt  }
0x61: {  	_ =	shalt  }
0x62: {  	_ =	shalt  }
0x63: {  	_ =	shalt  }
0x64: {  	_ =	shalt  }
0x65: {  	_ =	shalt  }
0x66: {  	_ =	shalt  }
0x67: {  	_ =	shalt  }
0x68: {  	_ =	shalt  }
0x69: {  	_ =	shalt  }
0x6a: {  	_ =	shalt  }
0x6b: {  	_ =	shalt  }
0x6c: {  	_ =	shalt  }
0x6d: {  	_ =	shalt  }
0x6e: {  	_ =	shalt  }
0x6f: {  	_ =	shalt  }
0x70: {  	_ =	shalt  }
0x71: {  	_ =	shalt  }
0x72: {  	_ =	shalt  }
0x73: {  	_ =	shalt  }
0x74: {  	_ =	shalt  }
0x75: {  	_ =	shalt  }
0x76: {  	_ =	shalt  }
0x77: {  	_ =	shalt  }
0x78: {  	_ =	shalt  }
0x79: {  	_ =	shalt  }
0x7a: {  	_ =	shalt  }
0x7b: {  	_ =	shalt  }
0x7c: {  	_ =	shalt  }
0x7d: {  	_ =	shalt  }
0x7e: {  	_ =	shalt  }
0x7f: {  	_ =	shalt  }
0x80: {  	_ =	shalt  }
0x81: {  	_ =	shalt  }
0x82: {  	_ =	shalt  }
0x83: {  	_ =	shalt  }
0x84: {  	_ =	shalt  }
0x85: {  	_ =	shalt  }
0x86: {  	_ =	shalt  }
0x87: {  	_ =	shalt  }
.Lfunc_end0:
.L_simem_size_0:
called_computation_lowered:
.L_overlay_start_0:
0x88: {  	s2 =	sld [smem:$0x3FD9]  }
0x89: {  	s3 =	sld [smem:$0x3FFE];
	_ =	sdelay $0x1  }
0x8a: {  	s1 =	srdreg.scid  }
0x8b: {  	s0 =	sand.u32 $0x1, s1  }
0x8c: {  	s17 =	sshll.u32 s0, $0xA;
	s2 =	sadd.s32 s3, s2  }
0x8d: {  	s2 =	sadd.s32 s2, s17  }
0x8e: {  	[smem:$0x3FC5] =	sst s2  }
0x8f: {  	_ = 	snop  }
0x90: {  	s2 =	sld [smem:$0x3FD0];
	(tm) =	ssettm $0x1  }
0x91: {  	s18 =	sld [smem:$0x3FFB];
	_ =	sdelay $0x3  }
0x92: {  	_ =	strace s18  }
0x93: {  	s3 =	sld [smem:$0x3FFC];
	_ =	sdelay $0x3  }
0x94: {  	_ =	strace s3  }
0x95: {  	s3 =	sld [smem:$0x3FFD];
	_ =	sdelay $0x3  }
0x96: {  	_ =	strace s3  }
0x97: {  	_ =	strace $0x8FFFFFFF  }
0x98: {  	s19 =	sld [smem:$0x3FDB];
	_ =	sdelay $0x1  }
0x99: {  	s4 =	simm.s32 $_scs_section_size  }
0x9a: {  	s5 =	simm.s32 $_size__tile_overlayer_lowered;
	s6 =	simm.s32 $_tile_overlayer_lowered  }
0x9b: {  	s22 =	simm.s32 $0x1BFF;
	s21 =	sshll.u32 s6, $0x1;
	s3 =	sadd.s32 s4, s19  }
0x9c: {  	s7 =	simm.s32 $0x0;
	s20 =	sshll.u32 s5, $0x1;
	s5 =	sadd.s32 s21, s3  }
0x9d: {  	[timem:s7], [sflag:s22] =	dma.local [hbm:s5], s20  }
0x9e: {  	_ =	swait.ge [sflag:s22], s20  }
0x9f: {  	s4 =	ssub.s32 $0x0, s20;
	[sflag:s22] =	ssyncset.done $0x0  }
0xa0: {  	[sflag:s22] =	ssyncadd.s32 s4;
	_ =	sdelay $0x1  }
0xa1: {  	s23 =	simm.s32 $0x1B8B  }
0xa2: {  	_ =	swait.ge [sflag:s23], $0x1  }
0xa3: {  	[sflag:s23] =	ssyncset.done $0x0  }
0xa4: {  	s25 =	simm.s32 $0x1B8E;
	s24 =	sld [smem:$0x3FFE];
	[sflag:s23] =	ssyncadd.s32 $0xFFFFFFFF  }
0xa5: {  	s26 =	simm.s32 $execute0_lowered;
	[smem:$0x3FD2] =	sst s25  }
0xa6: {  	s5 =	sshll.u32 s26, $0x1;
	_ =	strace $0x80000046;
	[dreg:$0x1] =	wrdreg $0xFFFFFFFF  }
0xa7: {  	s28 =	simm.s32 $_size_execute0_lowered;
	s3 =	sadd.s32 s3, s5;
	[dreg:$0x0] =	wrdreg $0x0  }
0xa8: {  	s5 =	sshll.u32 s28, $0x1;
	[dreg:$0x2] =	wrdreg s3  }
0xa9: {  	[dreg:$0x3] =	wrdreg s5  }
0xaa: {  	[dreg:$0x4] =	wrdreg $0xC0  }
0xab: {  	_ =	task [dreg:s7], $0x5FFFF  }
0xac: {  	[dreg:$0x1] =	wrdreg $0xFFFFFFFF  }
0xad: {  	[dreg:$0x0] =	wrdreg $0x60  }
0xae: {  	[dreg:$0x2] =	wrdreg s24  }
0xaf: {  	[dreg:$0x3] =	wrdreg s2  }
0xb0: {  	[dreg:$0x4] =	wrdreg $0x0  }
0xb1: {  	[dreg:$0x5] =	wrdreg $0x140800  }
0xb2: {  	[dreg:$0x6] =	wrdreg $0x9  }
0xb3: {  	_ =	task.clear_ibuf [dreg:s7], $0x7FFFF;
	_ =	strace $0x90000046  }
0xb4: {  	s29 =	simm.s32 $0x9;
	_ =	strace $0x80000048  }
0xb5: {  	_ =	swait.ge [sflag:s29], $0x1  }
0xb6: {  	[sflag:s29] =	ssyncadd.s32 $0xFFFFFFFF  }
0xb7: {  	_ =	strace $0x90000048  }
0xb8: {  	_ =	sfence  }
0xb9: {  	s30 =	sld [smem:$0x0];
	_ =	sdelay $0x2  }
0xba: {  	s31 =	sshll.u32 s1, $0xD;
	s1 =	sshrl.u32 s1, $0x2  }
0xbb: {  	s3 =	sand.u32 $0x4000, s31;
	s1 =	sadd.s32 s1, s30  }
0xbc: {  	s0 =	sor.u32 s3, s0;
	s1 =	sshll.u32 s1, $0x11  }
0xbd: {  	s0 =	sor.u32 s1, s0  }
0xbe: {  	s0 =	sadd.s32 $0x8F2B, s0  }
0xbf: {  	[sflag:s0] =	ssyncadd.remote.s32 $0x1  }
0xc0: {  	_ =	sfence.sel $0xFFFF  }
0xc1: {  	[dreg:$0x0] =	wrdreg $0xFFFFFFFF;
	(pc) =	sbr.abs _section_cstart, $3  }
0xc2: {  	[dreg:$0x1] =	wrdreg $0xFFFFFFFF  }
0xc3: {  	_ =	task.clear_ibuf [dreg:s7], $0x2FFFF;
	_ =	strace $0x9FFFFFFF  }
0xc4: {  	(tm) =	ssettm $0x7FFFFFFF  }
0xc5: {  	_ =	shalt  }
tec
execute0_lowered:
.L_overlay_start_1:
0x0: {  	(tag) =	ssettag $0x1  }
0x1: {  	s0 =	rddreg [dreg:$0x0]  }
0x2: {  	s2 =	rddreg [dreg:$0x2]  }
0x3: {  	s9 =	rddreg [dreg:$0x3];
	s1 =	simm.s32 $0x0;
	s12 =	srdreg.scid  }
0x4: {  	s11 =	stileid.u32;
	[smem:$0x7FF] =	sst s1;
	s5 =	sadd.s32 $0x8A00, s0  }
0x5: {  	s8 =	sadd.s32 $0x800, s0;
	s10 =	sadd.s32 $0x4800, s0;
	s15 =	smul.u32 $0x50000, s11  }
0x6: {  	s1 =	sand.u32 $0x1, s12;
	s0 =	sadd.s32 $0x8800, s0;
	s7 =	smul.u32 $0x280, s11  }
0x7: {  	s4 =	sshll.u32 s11, $0x9;
	s18 =	smul.u32 $0x2800, s11;
	p0 =	sne.s32 s11, $0x0  }
0x8: {  	s11 =	simm.s32 $0x3;
	_ =	strace $0x80000047;
	[dreg:$0x7] =	wrdreg s0  }
0x9: {  	s13 =	ssub.s32 $0x2, s1;
	s6 =	sshll.u32 s1, $0x10;
	[dreg:$0x5] =	wrdreg s8  }
0xa: {  	s1 =	sshll.u32 s1, $0x3;
	[dreg:$0x6] =	wrdreg s10;
	s29 =	sor.u32 $0x2000, s4  }
0xb: {  	s3 =	sshrl.u32 s13, $0x1;
	s14 =	sor.u32 s4, s6;
	[dreg:$0x8] =	wrdreg s1  }
0xc: {  	s17 =	sshrl.u32 s15, $0x2;
	s19 =	sor.u32 $0x50, s7;
	s21 =	sadd.s32 $0xA0, s7  }
0xd: {  	s23 =	sadd.s32 $0xF0, s7;
	s25 =	sadd.s32 $0x140, s7;
	s0 =	ssub.s32 s13, s3  }
0xe: {  	s16 =	sshrl.u32 s14, $0x3;
	s13 =	sadd.s32 s17, s2;
	s14 =	sadd.s32 s5, s18  }
0xf: {  	s20 =	sshll.u32 s19, $0x7;
	s22 =	sshll.u32 s21, $0x7;
	s24 =	sshll.u32 s23, $0x7  }
0x10: {  	s6 =	sshll.u32 s21, $0x4;
	s17 =	sadd.s32 $0x1E0, s7;
	s3 =	sadd.s32 s8, s16  }
0x11: {  	s1 =	sadd.s32 s10, s16;
	s15 =	sadd.s32 s20, s2;
	s16 =	sadd.s32 s22, s2  }
0x12: {  	s18 =	sadd.s32 s24, s2;
	s26 =	sadd.s32 s5, s6;
	s6 =	sshll.u32 s25, $0x7  }
0x13: {  	s10 =	sadd.s32 $0x190, s7;
	s21 =	sshll.u32 s17, $0x7;
	[dreg:$0x9] =	wrdreg s3  }
0x14: {  	s0 =	smax.u32 s0, $0x1;
	s8 =	simm.s32 $0x2;
	[dreg:$0xa] =	wrdreg s1  }
0x15: {  	s1 =	sshll.u32 s19, $0x4;
	[dreg:$0xc] =	wrdreg s26;
	s20 =	sadd.s32 s6, s2  }
0x16: {  	s12 =	sshll.u32 s10, $0x7;
	s19 =	sshll.u32 s25, $0x4;
	s24 =	sadd.s32 s21, s2  }
0x17: {  	s3 =	sshll.u32 s10, $0x4;
	s6 =	sshll.u32 s17, $0x4;
	s25 =	sshrl.u32 s4, $0x2  }
0x18: {  	[dreg:$0x10] =	wrdreg s0;
	s0 =	simm.s32 $0x50;
	s4 =	simm.s32 $0x16D00  }
0x19: {  	s10 =	simm.s32 $0x0;
	s1 =	sadd.s32 s5, s1;
	s22 =	sadd.s32 s12, s2  }
0x1a: {  	s3 =	sadd.s32 s5, s3;
	s28 =	sadd.s32 s5, s6;
	s31 =	sadd.s32 s25, s9  }
0x1b: {  	s9 =	simm.s32 $0x19500;
	s12 =	simm.s32 $0x1BD00;
	s6 =	simm.s32 $0x6  }
.Ltmp0:
0x1c: {  	[dreg:$0xb] =	wrdreg s1;
	s1 =	sshll.u32 s23, $0x4;
	(pc) =	sbr.rel .LBB2_1-.Ltmp0, $4  }
0x1d: {  	s23 =	sadd.s32 $0x230, s7;
	[dreg:$0xf] =	wrdreg s3;
	s1 =	sadd.s32 s5, s1  }
0x1e: {  	s3 =	simm.s32 $0x1;
	[dreg:$0xd] =	wrdreg s1;
	s1 =	sadd.s32 s5, s19  }
0x1f: {  	s7 =	sshll.u32 s23, $0x7;
	[dreg:$0xe] =	wrdreg s1;
	s1 =	sshll.u32 s23, $0x4  }
0x20: {  	s26 =	sadd.s32 s7, s2;
	s30 =	sadd.s32 s5, s1;
	s1 =	simm.s32 $0x14500  }
.LBB2_21:
0x21: {  	s10 =	rddreg [dreg:$0x11]  }
0x22: {  	s7 =	rddreg [dreg:$0x10];
	s10 =	sadd.s32 $0x1, s10  }
0x23: {  	p1 =	sne.s32 s10, s7  }
.Ltmp1:
0x24: {  	_ = 	snop;
	(pc) =	sbr.rel @!p1 .LBB2_22-.Ltmp1, $1  }
0x25: {  	_ =	sdelay $0x3  }
.LBB2_1:
0x26: {  	[dreg:$0x11] =	wrdreg s10;
	s7 =	simm.s32 $0x0  }
0x27: {  	s23 =	rddreg [dreg:$0x9];
	s17 =	simm.s32 $0x14100;
	s19 =	simm.s32 $0x5  }
0x28: {  	[tilespmem:s17], [sflag:$0x5] =	stream.linear.gather [hbm4b:s23+s7], $0x200, $0x38;
	[tilespmem:$0x1EE80] =	vst v63  }
0x29: {  	_ =	swait.ge [sflag:s19], $0x200  }
0x2a: {  	[sflag:s19] =	ssyncset.done $0x0  }
0x2b: {  	s21 =	simm.s32 $0x14300;
	s25 =	rddreg [dreg:$0xa];
	[sflag:s19] =	ssyncadd.s32 $0xFFFFFE00  }
0x2c: {  	[tilespmem:s21], [sflag:$0x5] =	stream.linear.gather [hbm4b:s25+s7], $0x200, $0x38;
	[tilespmem:$0x1EE80] =	vst v63  }
0x2d: {  	s23 =	stileid.u32;
	_ =	swait.ge [sflag:s19], $0x200  }
0x2e: {  	s7 =	sshll.u32 s23, $0x6;
	[sflag:s19] =	ssyncset.done $0x0  }
0x2f: {  	s25 =	sshrl.u32 s13, $0x3;
	s7 =	sor.u32 $0x1C05, s7;
	[sflag:s19] =	ssyncadd.s32 $0xFFFFFE00  }
0x30: {  	[tilespmem:s1], [sflag:$0x1] =	stream.indirect.gather [hbm4b:s5+s0], $0x80, s17, s0, $0xb8;
	[tilespmem:$0x1EE80] =	vst v63  }
0x31: {  	[spmem:s25], [sflag:s7] =	dma.local [hbm:s14], $0x2800  }
.Ltmp2:
0x32: {  	_ =	swait.ge [sflag:s19], $0x2800;
	(pc) =	sbr.rel .LBB2_2-.Ltmp2, $4  }
0x33: {  	[sflag:s19] =	ssyncset.done $0x0  }
0x34: {  	[sflag:s19] =	ssyncadd.s32 $0xFFFFD800  }
0x35: {  	[bflag:$0x0] =	sbarrier.arrive $0xFFFF  }
0x36: {  	s7 =	simm.s32 $0x0  }
.LBB2_20:
0x37: {  	p1 =	sne.s32 s7, $0x8  }
.Ltmp3:
0x38: {  	_ = 	snop;
	(pc) =	sbr.rel @!p1 .LBB2_21-.Ltmp3, $1  }
0x39: {  	_ =	sdelay $0x3  }
.LBB2_2:
0x3a: {  	_ =	swait.ge [sflag:s3], $0x2800  }
0x3b: {  	[sflag:s3] =	ssyncset.done $0x0  }
0x3c: {  	s10 =	simm.s32 $0x14300;
	[sflag:s3] =	ssyncadd.s32 $0xFFFFD800  }
0x3d: {  	[spmem:s2] =	stream.indirect.scatter.add.f32 [tilespmem:s1], [sflag:$0x2], $0x80, s10, s0, $0xb8;
	[tilespmem:$0x1EE80] =	vst v63  }
0x3e: {  	s23 =	simm.s32 $0x14180  }
0x3f: {  	[tilespmem:s4], [sflag:$0x1] =	stream.indirect.gather [hbm4b:s5+s0], $0x80, s23, s0, $0xb8;
	[tilespmem:$0x1EE80] =	vst v63  }
0x40: {  	_ =	swait.ge [sflag:s3], $0x2800  }
0x41: {  	[sflag:s3] =	ssyncset.done $0x0  }
0x42: {  	s25 =	simm.s32 $0x14380;
	[sflag:s3] =	ssyncadd.s32 $0xFFFFD800  }
0x43: {  	[spmem:s2] =	stream.indirect.scatter.add.f32 [tilespmem:s4], [sflag:$0x2], $0x80, s25, s0, $0xb8;
	[tilespmem:$0x1EE80] =	vst v63  }
0x44: {  	_ =	swait.ge [sflag:s8], $0x2800  }
0x45: {  	[sflag:s8] =	ssyncset.done $0x0  }
0x46: {  	s17 =	simm.s32 $0x14200;
	[sflag:s8] =	ssyncadd.s32 $0xFFFFD800  }
0x47: {  	[tilespmem:s1], [sflag:$0x1] =	stream.indirect.gather [hbm4b:s5+s0], $0x80, s17, s0, $0xb8;
	[tilespmem:$0x1EE80] =	vst v63  }
0x48: {  	_ =	swait.ge [sflag:s3], $0x2800  }
0x49: {  	[sflag:s3] =	ssyncset.done $0x0  }
0x4a: {  	s19 =	simm.s32 $0x14400;
	[sflag:s3] =	ssyncadd.s32 $0xFFFFD800  }
0x4b: {  	[spmem:s2] =	stream.indirect.scatter.add.f32 [tilespmem:s1], [sflag:$0x2], $0x80, s19, s0, $0xb8;
	[tilespmem:$0x1EE80] =	vst v63  }
0x4c: {  	_ =	swait.ge [sflag:s8], $0x2800  }
0x4d: {  	[sflag:s8] =	ssyncset.done $0x0  }
0x4e: {  	s21 =	simm.s32 $0x14280;
	[sflag:s8] =	ssyncadd.s32 $0xFFFFD800  }
0x4f: {  	[tilespmem:s4], [sflag:$0x1] =	stream.indirect.gather [hbm4b:s5+s0], $0x80, s21, s0, $0xb8;
	[tilespmem:$0x1EE80] =	vst v63  }
0x50: {  	_ =	swait.ge [sflag:s3], $0x2800  }
0x51: {  	[sflag:s3] =	ssyncset.done $0x0  }
0x52: {  	s23 =	simm.s32 $0x14480;
	[sflag:s3] =	ssyncadd.s32 $0xFFFFD800  }
0x53: {  	[spmem:s2] =	stream.indirect.scatter.add.f32 [tilespmem:s4], [sflag:$0x2], $0x80, s23, s0, $0xb8;
	[tilespmem:$0x1EE80] =	vst v63  }
0x54: {  	_ =	swait.ge [sflag:s8], $0x2800  }
0x55: {  	[sflag:s8] =	ssyncset.done $0x0  }
0x56: {  	[sflag:s8] =	ssyncadd.s32 $0xFFFFD800  }
0x57: {  	_ =	swait.ge [sflag:s8], $0x2800  }
0x58: {  	[sflag:s8] =	ssyncset.done $0x0  }
0x59: {  	p1 =	seq.s32 s7, $0x7;
	[sflag:s8] =	ssyncadd.s32 $0xFFFFD800  }
0x5a: {  	s17 =	simm.s32 @p1 $0x3;
	[bflag:$0x0] =	sbarrier.arrive $0xFFFF  }
0x5b: {  	[tilespmem:s9], [sflag:$0x3] =	stream.linear.gather [spmem:s13], $0x2800, $0x38;
	[tilespmem:$0x1EE80] =	vst v63  }
0x5c: {  	_ =	swait.ge @p1 [sflag:s17], $0x2800  }
0x5d: {  	[sflag:s17] =	ssyncset.done @p1 $0x0;
	s25 =	rddreg [dreg:$0x8]  }
0x5e: {  	s10 =	sadd.s32 s25, s7;
	[sflag:s17] =	ssyncadd.s32 @p1 $0xFFFFD800;
	s17 =	simm.s32 @p1 $0x1BD00  }
0x5f: {  	[tilespmem:s17], [sflag:$0x3] =	stream.linear.gather @p1 [spmem:s15], $0x2800, $0x38;
	[tilespmem:$0x1EE80] =	vst v63  }
0x60: {  	s17 =	sshll.u32 @!p1 s10, $0xD  }
0x61: {  	s17 =	sadd.s32 @!p1 s29, s17  }
0x62: {  	s19 =	rddreg [dreg:$0x5];
	s17 =	sshrl.u32 @!p1 s17, $0x3  }
0x63: {  	s21 =	simm.s32 @!p1 $0x0;
	s23 =	simm.s32 @!p1 $0x14100;
	s19 =	sadd.s32 @!p1 s19, s17  }
0x64: {  	[tilespmem:s23], [sflag:$0x6] =	stream.linear.gather @!p1 [hbm4b:s19+s21], $0x200, $0x38;
	[tilespmem:$0x1EE80] =	vst v63  }
0x65: {  	s19 =	simm.s32 @!p1 $0x6  }
0x66: {  	_ =	swait.ge @!p1 [sflag:s19], $0x200  }
0x67: {  	[sflag:s19] =	ssyncset.done @!p1 $0x0;
	s25 =	rddreg [dreg:$0x6]  }
0x68: {  	[sflag:s19] =	ssyncadd.s32 @!p1 $0xFFFFFE00;
	s17 =	sadd.s32 @!p1 s25, s17;
	s25 =	simm.s32 @!p1 $0x14300  }
0x69: {  	[tilespmem:s25], [sflag:$0x6] =	stream.linear.gather @!p1 [hbm4b:s17+s21], $0x200, $0x38;
	[tilespmem:$0x1EE80] =	vst v63  }
0x6a: {  	_ =	swait.ge @!p1 [sflag:s19], $0x200  }
0x6b: {  	[sflag:s19] =	ssyncset.done @!p1 $0x0  }
0x6c: {  	s17 =	simm.s32 @!p1 $0x50;
	[sflag:s19] =	ssyncadd.s32 @!p1 $0xFFFFFE00;
	s19 =	simm.s32 @!p1 $0x14500  }
0x6d: {  	[tilespmem:s19], [sflag:$0x1] =	stream.indirect.gather @!p1 [hbm4b:s5+s17], $0x80, s23, s17, $0xb8;
	[tilespmem:$0x1EE80] =	vst v63  }
0x6e: {  	s17 =	simm.s32 @!p1 $0x3  }
0x6f: {  	_ =	swait.ge @!p1 [sflag:s17], $0x2800  }
0x70: {  	[sflag:s17] =	ssyncset.done @!p1 $0x0  }
0x71: {  	[sflag:s17] =	ssyncadd.s32 @!p1 $0xFFFFD800;
	s17 =	simm.s32 @!p1 $0x1BD00  }
0x72: {  	[tilespmem:s17], [sflag:$0x3] =	stream.linear.gather @!p1 [spmem:s15], $0x2800, $0x38;
	[tilespmem:$0x1EE80] =	vst v63  }
0x73: {  	s17 =	stileid.u32  }
0x74: {  	s17 =	sshll.u32 @!p1 s17, $0x6  }
0x75: {  	s19 =	sshrl.u32 @!p1 s13, $0x3;
	s17 =	sor.u32 @!p1 $0x1C04, s17  }
0x76: {  	[spmem:s19], [sflag:s17] =	dma.local @!p1 [hbm:s14], $0x500  }
0x77: {  	s19 =	simm.s32 $0x0  }
0x78: {  	v15 =	vld [tilespmem:s19+$0x19680]  }
0x79: {  	v17 =	vld [tilespmem:s19+$0x19690]  }
0x7a: {  	v5 =	vld [tilespmem:s19+$0x196A0]  }
0x7b: {  	v7 =	vld [tilespmem:s19+$0x196B0]  }
0x7c: {  	v9 =	vld [tilespmem:s19+$0x196C0]  }
0x7d: {  	v3 =	vld [tilespmem:s19+$0x196D0]  }
0x7e: {  	v1 =	vld [tilespmem:s19+$0x196E0]  }
0x7f: {  	v0 =	vld [tilespmem:s19+$0x19600]  }
0x80: {  	v2 =	vld [tilespmem:s19+$0x19610]  }
0x81: {  	v25 =	vld [tilespmem:s19+$0x19620]  }
0x82: {  	v26 =	vld [tilespmem:s19+$0x19630]  }
0x83: {  	v27 =	vld [tilespmem:s19+$0x19640]  }
0x84: {  	v11 =	vld [tilespmem:s19+$0x19650]  }
0x85: {  	v13 =	vld [tilespmem:s19+$0x19660]  }
0x86: {  	v4 =	vld [tilespmem:s19+$0x19580]  }
0x87: {  	v6 =	vld [tilespmem:s19+$0x19590]  }
0x88: {  	v34 =	vld [tilespmem:s19+$0x195A0]  }
0x89: {  	v36 =	vld [tilespmem:s19+$0x195B0]  }
0x8a: {  	v8 =	vld [tilespmem:s19+$0x19500]  }
0x8b: {  	v10 =	vld [tilespmem:s19+$0x19510]  }
0x8c: {  	v37 =	vld [tilespmem:s19+$0x195C0]  }
0x8d: {  	v28 =	vld [tilespmem:s19+$0x195D0]  }
0x8e: {  	v35 =	vld [tilespmem:s19+$0x19520]  }
0x8f: {  	v40 =	vld [tilespmem:s19+$0x19530]  }
0x90: {  	v24 =	vimm.f32 $-3.000000010e+38;
	v29 =	vimm.f32 $-3.000000010e+38;
	v30 =	vimm.f32 $-3.000000010e+38;
	v41 =	vld [tilespmem:s19+$0x19540]  }
0x91: {  	v19 =	vimm.f32 $-3.000000010e+38;
	v32 =	vld [tilespmem:s19+$0x195E0];
	v8 =	vmax.f32 v24, v8;
	v10 =	vmax.f32 v24, v10  }
0x92: {  	v21 =	vimm.f32 $-3.000000010e+38;
	v38 =	vld [tilespmem:s19+$0x19550];
	v4 =	vmax.f32 v8, v4;
	v6 =	vmax.f32 v10, v6  }
0x93: {  	v23 =	vimm.f32 $-3.000000010e+38;
	s7 =	sadd.s32 $0x1, s7;
	s21 =	simm.s32 $0x800;
	v39 =	vld [tilespmem:s19+$0x19560];
	v33 =	vmax.f32 v4, v0;
	v42 =	vmax.f32 v6, v2  }
.LBB2_3:
0x94: {  	p2 =	sne.s32 s21, $0x9800;
	v0 =	vld [tilespmem:s19+$0x19570];
	v2 =	vmax.f32 v33, v15;
	v4 =	vmax.f32 v42, v17  }
0x95: {  	v6 =	vmax.f32 v24, v35;
	v8 =	vmax.f32 v29, v40;
	v10 =	vmax.f32 v30, v41;
	v12 =	vld [tilespmem:s19+$0x195F0]  }
0x96: {  	v6 =	vmax.f32 v6, v34;
	v8 =	vmax.f32 v8, v36;
	v10 =	vmax.f32 v10, v37;
	v14 =	vld [tilespmem:s19+$0x19670]  }
0x97: {  	v6 =	vmax.f32 v6, v25;
	v8 =	vmax.f32 v8, v26;
	v10 =	vmax.f32 v10, v27;
	v16 =	vld [tilespmem:s19+$0x196F0];
	s19 =	sshra.s32 s21, $0x2  }
0x98: {  	v24 =	vmax.f32 v6, v5;
	v29 =	vmax.f32 v8, v7;
	v15 =	vld [tilespmem:s19+$0x19680];
	v30 =	vmax.f32 v10, v9  }
0x99: {  	v6 =	vmax.f32 v19, v38;
	v7 =	vmax.f32 v21, v39;
	v17 =	vld [tilespmem:s19+$0x19690];
	v0 =	vmax.f32 v23, v0  }
0x9a: {  	v6 =	vmax.f32 v6, v28;
	v8 =	vmax.f32 v7, v32;
	v5 =	vld [tilespmem:s19+$0x196A0];
	v0 =	vmax.f32 v0, v12  }
0x9b: {  	v6 =	vmax.f32 v6, v11;
	v8 =	vmax.f32 v8, v13;
	v7 =	vld [tilespmem:s19+$0x196B0];
	v0 =	vmax.f32 v0, v14  }
0x9c: {  	v19 =	vmax.f32 v6, v3;
	v21 =	vmax.f32 v8, v1;
	v9 =	vld [tilespmem:s19+$0x196C0];
	v23 =	vmax.f32 v0, v16  }
0x9d: {  	v3 =	vld [tilespmem:s19+$0x196D0]  }
0x9e: {  	v1 =	vld [tilespmem:s19+$0x196E0]  }
0x9f: {  	v0 =	vld [tilespmem:s19+$0x19600]  }
0xa0: {  	v6 =	vld [tilespmem:s19+$0x19610]  }
0xa1: {  	v25 =	vld [tilespmem:s19+$0x19620]  }
0xa2: {  	v26 =	vld [tilespmem:s19+$0x19630]  }
0xa3: {  	v27 =	vld [tilespmem:s19+$0x19640]  }
0xa4: {  	v11 =	vld [tilespmem:s19+$0x19650]  }
0xa5: {  	v13 =	vld [tilespmem:s19+$0x19660]  }
0xa6: {  	v8 =	vld [tilespmem:s19+$0x19580]  }
0xa7: {  	v10 =	vld [tilespmem:s19+$0x19590]  }
0xa8: {  	v34 =	vld [tilespmem:s19+$0x195A0]  }
0xa9: {  	v36 =	vld [tilespmem:s19+$0x195B0]  }
0xaa: {  	v37 =	vld [tilespmem:s19+$0x195C0]  }
0xab: {  	v12 =	vld [tilespmem:s19+$0x19500]  }
0xac: {  	v14 =	vld [tilespmem:s19+$0x19510]  }
0xad: {  	v28 =	vld [tilespmem:s19+$0x195D0]  }
0xae: {  	v35 =	vld [tilespmem:s19+$0x19520]  }
.Ltmp4:
0xaf: {  	v40 =	vld [tilespmem:s19+$0x19530];
	(pc) =	sbr.rel @p2 .LBB2_3-.Ltmp4, $4  }
0xb0: {  	v41 =	vld [tilespmem:s19+$0x19540]  }
0xb1: {  	v2 =	vmax.f32 v2, v12;
	v4 =	vmax.f32 v4, v14;
	v32 =	vld [tilespmem:s19+$0x195E0]  }
0xb2: {  	v2 =	vmax.f32 v2, v8;
	v38 =	vld [tilespmem:s19+$0x19550];
	v4 =	vmax.f32 v4, v10  }
0xb3: {  	s21 =	sadd.s32 $0x800, s21;
	v33 =	vmax.f32 v2, v0;
	v39 =	vld [tilespmem:s19+$0x19560];
	v42 =	vmax.f32 v4, v6  }
0xb4: {  	v43 =	vld [tilespmem:s19+$0x19570]  }
0xb5: {  	v44 =	vld [tilespmem:s19+$0x195F0]  }
0xb6: {  	v45 =	vld [tilespmem:s19+$0x19670]  }
0xb7: {  	v46 =	vld [tilespmem:s19+$0x196F0];
	_ =	swait.ge [sflag:s11], $0x2800  }
0xb8: {  	[sflag:s11] =	ssyncset.done $0x0  }
0xb9: {  	s19 =	sshrl.u32 @!p1 s15, $0x3;
	s21 =	rddreg [dreg:$0xb];
	[sflag:s11] =	ssyncadd.s32 $0xFFFFD800  }
0xba: {  	[tilespmem:s9], [sflag:$0x3] =	stream.linear.gather [spmem:s16], $0x2800, $0x38;
	[tilespmem:$0x1EE80] =	vst v63  }
0xbb: {  	[spmem:s19], [sflag:s17] =	dma.local @!p1 [hbm:s21], $0x500  }
0xbc: {  	s19 =	simm.s32 $0x0  }
0xbd: {  	v14 =	vld [tilespmem:s19+$0x1BE80]  }
0xbe: {  	v16 =	vld [tilespmem:s19+$0x1BE90]  }
0xbf: {  	v4 =	vld [tilespmem:s19+$0x1BEA0]  }
0xc0: {  	v6 =	vld [tilespmem:s19+$0x1BEB0]  }
0xc1: {  	v8 =	vld [tilespmem:s19+$0x1BEC0]  }
0xc2: {  	v2 =	vld [tilespmem:s19+$0x1BED0]  }
0xc3: {  	v0 =	vld [tilespmem:s19+$0x1BEE0]  }
0xc4: {  	v47 =	vld [tilespmem:s19+$0x1BE00]  }
0xc5: {  	v48 =	vld [tilespmem:s19+$0x1BE10]  }
0xc6: {  	v18 =	vld [tilespmem:s19+$0x1BE20]  }
0xc7: {  	v20 =	vld [tilespmem:s19+$0x1BE30]  }
0xc8: {  	v22 =	vld [tilespmem:s19+$0x1BE40]  }
0xc9: {  	v10 =	vld [tilespmem:s19+$0x1BE50]  }
0xca: {  	v12 =	vld [tilespmem:s19+$0x1BE60]  }
0xcb: {  	v49 =	vld [tilespmem:s19+$0x1BD80]  }
0xcc: {  	v50 =	vld [tilespmem:s19+$0x1BD90]  }
0xcd: {  	v31 =	vld [tilespmem:s19+$0x1BDA0]  }
0xce: {  	v15 =	vmax.f32 v33, v15;
	v17 =	vmax.f32 v42, v17;
	v33 =	vld [tilespmem:s19+$0x1BDB0]  }
0xcf: {  	v24 =	vmax.f32 v24, v35;
	v29 =	vmax.f32 v29, v40;
	v30 =	vmax.f32 v30, v41;
	v35 =	vld [tilespmem:s19+$0x1BDC0]  }
0xd0: {  	v24 =	vmax.f32 v24, v34;
	v29 =	vmax.f32 v29, v36;
	v30 =	vmax.f32 v30, v37;
	v63 =	vld [tilespmem:s19+$0x1BD00]  }
0xd1: {  	v24 =	vmax.f32 v24, v25;
	v26 =	vmax.f32 v29, v26;
	v27 =	vmax.f32 v30, v27;
	v29 =	vld [tilespmem:s19+$0x1BD10]  }
0xd2: {  	v25 =	vmax.f32 v24, v5;
	v26 =	vmax.f32 v26, v7;
	v5 =	vmax.f32 v19, v38;
	v30 =	vld [tilespmem:s19+$0x1BDD0]  }
0xd3: {  	v27 =	vmax.f32 v27, v9;
	v7 =	vmax.f32 v21, v39;
	v5 =	vmax.f32 v5, v28;
	v36 =	vld [tilespmem:s19+$0x1BD20]  }
0xd4: {  	v9 =	vmax.f32 v23, v43;
	v7 =	vmax.f32 v7, v32;
	v40 =	vld [tilespmem:s19+$0x1BD30];
	v5 =	vmax.f32 v5, v11  }
0xd5: {  	v41 =	vld [tilespmem:s19+$0x1BD40];
	v9 =	vmax.f32 v9, v44;
	v7 =	vmax.f32 v7, v13;
	v24 =	vmax.f32 v5, v3  }
0xd6: {  	v37 =	vld [tilespmem:s19+$0x1BDE0];
	v9 =	vmax.f32 v9, v45;
	v3 =	vmax.f32 v15, v63;
	v5 =	vmax.f32 v17, v29  }
0xd7: {  	v38 =	vld [tilespmem:s19+$0x1BD50];
	v28 =	vmax.f32 v7, v1;
	v1 =	vmax.f32 v3, v49;
	v3 =	vmax.f32 v5, v50  }
0xd8: {  	s21 =	simm.s32 $0x800;
	v39 =	vld [tilespmem:s19+$0x1BD60];
	v29 =	vmax.f32 v9, v46;
	v34 =	vmax.f32 v1, v47;
	v42 =	vmax.f32 v3, v48  }
.LBB2_5:
0xd9: {  	p2 =	sne.s32 s21, $0x9800;
	v1 =	vld [tilespmem:s19+$0x1BD70];
	v3 =	vmax.f32 v34, v14;
	v5 =	vmax.f32 v42, v16  }
0xda: {  	v7 =	vmax.f32 v25, v36;
	v9 =	vmax.f32 v26, v40;
	v11 =	vmax.f32 v27, v41;
	v13 =	vld [tilespmem:s19+$0x1BDF0]  }
0xdb: {  	v7 =	vmax.f32 v7, v31;
	v9 =	vmax.f32 v9, v33;
	v11 =	vmax.f32 v11, v35;
	v15 =	vld [tilespmem:s19+$0x1BE70]  }
0xdc: {  	v7 =	vmax.f32 v7, v18;
	v9 =	vmax.f32 v9, v20;
	v11 =	vmax.f32 v11, v22;
	v17 =	vld [tilespmem:s19+$0x1BEF0];
	s19 =	sshra.s32 s21, $0x2  }
0xdd: {  	v25 =	vmax.f32 v7, v4;
	v26 =	vmax.f32 v9, v6;
	v14 =	vld [tilespmem:s19+$0x1BE80];
	v27 =	vmax.f32 v11, v8  }
0xde: {  	v6 =	vmax.f32 v24, v38;
	v7 =	vmax.f32 v28, v39;
	v16 =	vld [tilespmem:s19+$0x1BE90];
	v1 =	vmax.f32 v29, v1  }
0xdf: {  	v8 =	vmax.f32 v6, v30;
	v7 =	vmax.f32 v7, v37;
	v4 =	vld [tilespmem:s19+$0x1BEA0];
	v1 =	vmax.f32 v1, v13  }
0xe0: {  	v9 =	vmax.f32 v8, v10;
	v7 =	vmax.f32 v7, v12;
	v6 =	vld [tilespmem:s19+$0x1BEB0];
	v1 =	vmax.f32 v1, v15  }
0xe1: {  	v24 =	vmax.f32 v9, v2;
	v28 =	vmax.f32 v7, v0;
	v8 =	vld [tilespmem:s19+$0x1BEC0];
	v29 =	vmax.f32 v1, v17  }
0xe2: {  	v2 =	vld [tilespmem:s19+$0x1BED0]  }
0xe3: {  	v0 =	vld [tilespmem:s19+$0x1BEE0]  }
0xe4: {  	v1 =	vld [tilespmem:s19+$0x1BE00]  }
0xe5: {  	v7 =	vld [tilespmem:s19+$0x1BE10]  }
0xe6: {  	v18 =	vld [tilespmem:s19+$0x1BE20]  }
0xe7: {  	v20 =	vld [tilespmem:s19+$0x1BE30]  }
0xe8: {  	v22 =	vld [tilespmem:s19+$0x1BE40]  }
0xe9: {  	v10 =	vld [tilespmem:s19+$0x1BE50]  }
0xea: {  	v12 =	vld [tilespmem:s19+$0x1BE60]  }
0xeb: {  	v9 =	vld [tilespmem:s19+$0x1BD80]  }
0xec: {  	v11 =	vld [tilespmem:s19+$0x1BD90]  }
0xed: {  	v31 =	vld [tilespmem:s19+$0x1BDA0]  }
0xee: {  	v33 =	vld [tilespmem:s19+$0x1BDB0]  }
0xef: {  	v35 =	vld [tilespmem:s19+$0x1BDC0]  }
0xf0: {  	v13 =	vld [tilespmem:s19+$0x1BD00]  }
0xf1: {  	v15 =	vld [tilespmem:s19+$0x1BD10]  }
0xf2: {  	v30 =	vld [tilespmem:s19+$0x1BDD0]  }
0xf3: {  	v36 =	vld [tilespmem:s19+$0x1BD20]  }
.Ltmp5:
0xf4: {  	v40 =	vld [tilespmem:s19+$0x1BD30];
	(pc) =	sbr.rel @p2 .LBB2_5-.Ltmp5, $4  }
0xf5: {  	v41 =	vld [tilespmem:s19+$0x1BD40]  }
0xf6: {  	v3 =	vmax.f32 v3, v13;
	v5 =	vmax.f32 v5, v15;
	v37 =	vld [tilespmem:s19+$0x1BDE0]  }
0xf7: {  	v3 =	vmax.f32 v3, v9;
	v38 =	vld [tilespmem:s19+$0x1BD50];
	v5 =	vmax.f32 v5, v11  }
0xf8: {  	s21 =	sadd.s32 $0x800, s21;
	v34 =	vmax.f32 v3, v1;
	v39 =	vld [tilespmem:s19+$0x1BD60];
	v42 =	vmax.f32 v5, v7  }
0xf9: {  	v43 =	vld [tilespmem:s19+$0x1BD70]  }
0xfa: {  	v44 =	vld [tilespmem:s19+$0x1BDF0]  }
0xfb: {  	v45 =	vld [tilespmem:s19+$0x1BE70]  }
0xfc: {  	v46 =	vld [tilespmem:s19+$0x1BEF0];
	_ =	swait.ge [sflag:s11], $0x2800  }
0xfd: {  	[sflag:s11] =	ssyncset.done $0x0  }
0xfe: {  	s19 =	sshrl.u32 @!p1 s16, $0x3;
	s21 =	rddreg [dreg:$0xc];
	[sflag:s11] =	ssyncadd.s32 $0xFFFFD800  }
0xff: {  	[tilespmem:s12], [sflag:$0x3] =	stream.linear.gather [spmem:s18], $0x2800, $0x38;
	[tilespmem:$0x1EE80] =	vst v63  }
0x100: {  	[spmem:s19], [sflag:s17] =	dma.local @!p1 [hbm:s21], $0x500  }
0x101: {  	s19 =	simm.s32 $0x0  }
0x102: {  	v15 =	vld [tilespmem:s19+$0x19680]  }
0x103: {  	v17 =	vld [tilespmem:s19+$0x19690]  }
0x104: {  	v5 =	vld [tilespmem:s19+$0x196A0]  }
0x105: {  	v7 =	vld [tilespmem:s19+$0x196B0]  }
0x106: {  	v9 =	vld [tilespmem:s19+$0x196C0]  }
0x107: {  	v3 =	vld [tilespmem:s19+$0x196D0]  }
0x108: {  	v1 =	vld [tilespmem:s19+$0x196E0]  }
0x109: {  	v47 =	vld [tilespmem:s19+$0x19600]  }
0x10a: {  	v48 =	vld [tilespmem:s19+$0x19610]  }
0x10b: {  	v19 =	vld [tilespmem:s19+$0x19620]  }
0x10c: {  	v21 =	vld [tilespmem:s19+$0x19630]  }
0x10d: {  	v23 =	vld [tilespmem:s19+$0x19640]  }
0x10e: {  	v11 =	vld [tilespmem:s19+$0x19650]  }
0x10f: {  	v13 =	vld [tilespmem:s19+$0x19660]  }
0x110: {  	v49 =	vld [tilespmem:s19+$0x19580]  }
0x111: {  	v50 =	vld [tilespmem:s19+$0x19590]  }
0x112: {  	v32 =	vld [tilespmem:s19+$0x195A0]  }
0x113: {  	v14 =	vmax.f32 v34, v14;
	v16 =	vmax.f32 v42, v16;
	v34 =	vld [tilespmem:s19+$0x195B0]  }
0x114: {  	v25 =	vmax.f32 v25, v36;
	v26 =	vmax.f32 v26, v40;
	v27 =	vmax.f32 v27, v41;
	v36 =	vld [tilespmem:s19+$0x195C0]  }
0x115: {  	v25 =	vmax.f32 v25, v31;
	v26 =	vmax.f32 v26, v33;
	v27 =	vmax.f32 v27, v35;
	v62 =	vld [tilespmem:s19+$0x19500]  }
0x116: {  	v18 =	vmax.f32 v25, v18;
	v20 =	vmax.f32 v26, v20;
	v22 =	vmax.f32 v27, v22;
	v63 =	vld [tilespmem:s19+$0x19510]  }
0x117: {  	v25 =	vmax.f32 v18, v4;
	v26 =	vmax.f32 v20, v6;
	v4 =	vmax.f32 v24, v38;
	v31 =	vld [tilespmem:s19+$0x195D0]  }
0x118: {  	v27 =	vmax.f32 v22, v8;
	v6 =	vmax.f32 v28, v39;
	v4 =	vmax.f32 v4, v30;
	v41 =	vld [tilespmem:s19+$0x19520]  }
0x119: {  	v8 =	vmax.f32 v29, v43;
	v6 =	vmax.f32 v6, v37;
	v30 =	vld [tilespmem:s19+$0x19530];
	v4 =	vmax.f32 v4, v10  }
0x11a: {  	v37 =	vld [tilespmem:s19+$0x19540];
	v8 =	vmax.f32 v8, v44;
	v6 =	vmax.f32 v6, v12;
	v24 =	vmax.f32 v4, v2  }
0x11b: {  	v38 =	vld [tilespmem:s19+$0x195E0];
	v8 =	vmax.f32 v8, v45;
	v2 =	vmax.f32 v14, v62;
	v4 =	vmax.f32 v16, v63  }
0x11c: {  	v39 =	vld [tilespmem:s19+$0x19550];
	v28 =	vmax.f32 v6, v0;
	v0 =	vmax.f32 v2, v49;
	v2 =	vmax.f32 v4, v50  }
0x11d: {  	s21 =	simm.s32 $0x800;
	v40 =	vld [tilespmem:s19+$0x19560];
	v29 =	vmax.f32 v8, v46;
	v35 =	vmax.f32 v0, v47;
	v42 =	vmax.f32 v2, v48  }
.LBB2_7:
0x11e: {  	p2 =	sne.s32 s21, $0x9800;
	v0 =	vld [tilespmem:s19+$0x19570];
	v2 =	vmax.f32 v35, v15;
	v4 =	vmax.f32 v42, v17  }
0x11f: {  	v6 =	vmax.f32 v25, v41;
	v8 =	vmax.f32 v26, v30;
	v10 =	vmax.f32 v27, v37;
	v12 =	vld [tilespmem:s19+$0x195F0]  }
0x120: {  	v6 =	vmax.f32 v6, v32;
	v8 =	vmax.f32 v8, v34;
	v10 =	vmax.f32 v10, v36;
	v14 =	vld [tilespmem:s19+$0x19670]  }
0x121: {  	v6 =	vmax.f32 v6, v19;
	v8 =	vmax.f32 v8, v21;
	v10 =	vmax.f32 v10, v23;
	v16 =	vld [tilespmem:s19+$0x196F0];
	s19 =	sshra.s32 s21, $0x2  }
0x122: {  	v25 =	vmax.f32 v6, v5;
	v26 =	vmax.f32 v8, v7;
	v15 =	vld [tilespmem:s19+$0x19680];
	v27 =	vmax.f32 v10, v9  }
0x123: {  	v6 =	vmax.f32 v24, v39;
	v7 =	vmax.f32 v28, v40;
	v17 =	vld [tilespmem:s19+$0x19690];
	v0 =	vmax.f32 v29, v0  }
0x124: {  	v6 =	vmax.f32 v6, v31;
	v8 =	vmax.f32 v7, v38;
	v5 =	vld [tilespmem:s19+$0x196A0];
	v0 =	vmax.f32 v0, v12  }
0x125: {  	v6 =	vmax.f32 v6, v11;
	v8 =	vmax.f32 v8, v13;
	v7 =	vld [tilespmem:s19+$0x196B0];
	v0 =	vmax.f32 v0, v14  }
0x126: {  	v24 =	vmax.f32 v6, v3;
	v28 =	vmax.f32 v8, v1;
	v9 =	vld [tilespmem:s19+$0x196C0];
	v29 =	vmax.f32 v0, v16  }
0x127: {  	v3 =	vld [tilespmem:s19+$0x196D0]  }
0x128: {  	v1 =	vld [tilespmem:s19+$0x196E0]  }
0x129: {  	v0 =	vld [tilespmem:s19+$0x19600]  }
0x12a: {  	v6 =	vld [tilespmem:s19+$0x19610]  }
0x12b: {  	v19 =	vld [tilespmem:s19+$0x19620]  }
0x12c: {  	v21 =	vld [tilespmem:s19+$0x19630]  }
0x12d: {  	v23 =	vld [tilespmem:s19+$0x19640]  }
0x12e: {  	v11 =	vld [tilespmem:s19+$0x19650]  }
0x12f: {  	v13 =	vld [tilespmem:s19+$0x19660]  }
0x130: {  	v8 =	vld [tilespmem:s19+$0x19580]  }
0x131: {  	v10 =	vld [tilespmem:s19+$0x19590]  }
0x132: {  	v32 =	vld [tilespmem:s19+$0x195A0]  }
0x133: {  	v34 =	vld [tilespmem:s19+$0x195B0]  }
0x134: {  	v36 =	vld [tilespmem:s19+$0x195C0]  }
0x135: {  	v12 =	vld [tilespmem:s19+$0x19500]  }
0x136: {  	v14 =	vld [tilespmem:s19+$0x19510]  }
0x137: {  	v31 =	vld [tilespmem:s19+$0x195D0]  }
0x138: {  	v41 =	vld [tilespmem:s19+$0x19520]  }
.Ltmp6:
0x139: {  	v30 =	vld [tilespmem:s19+$0x19530];
	(pc) =	sbr.rel @p2 .LBB2_7-.Ltmp6, $4  }
0x13a: {  	v37 =	vld [tilespmem:s19+$0x19540]  }
0x13b: {  	v2 =	vmax.f32 v2, v12;
	v4 =	vmax.f32 v4, v14;
	v38 =	vld [tilespmem:s19+$0x195E0]  }
0x13c: {  	v2 =	vmax.f32 v2, v8;
	v39 =	vld [tilespmem:s19+$0x19550];
	v4 =	vmax.f32 v4, v10  }
0x13d: {  	s21 =	sadd.s32 $0x800, s21;
	v35 =	vmax.f32 v2, v0;
	v40 =	vld [tilespmem:s19+$0x19560];
	v42 =	vmax.f32 v4, v6  }
0x13e: {  	v43 =	vld [tilespmem:s19+$0x19570]  }
0x13f: {  	v44 =	vld [tilespmem:s19+$0x195F0]  }
0x140: {  	v45 =	vld [tilespmem:s19+$0x19670]  }
0x141: {  	v46 =	vld [tilespmem:s19+$0x196F0];
	_ =	swait.ge [sflag:s11], $0x2800  }
0x142: {  	[sflag:s11] =	ssyncset.done $0x0  }
0x143: {  	s19 =	sshrl.u32 @!p1 s18, $0x3;
	s21 =	rddreg [dreg:$0xd];
	[sflag:s11] =	ssyncadd.s32 $0xFFFFD800  }
0x144: {  	[tilespmem:s9], [sflag:$0x3] =	stream.linear.gather [spmem:s20], $0x2800, $0x38;
	[tilespmem:$0x1EE80] =	vst v63  }
0x145: {  	[spmem:s19], [sflag:s17] =	dma.local @!p1 [hbm:s21], $0x500  }
0x146: {  	s19 =	simm.s32 $0x0  }
0x147: {  	v14 =	vld [tilespmem:s19+$0x1BE80]  }
0x148: {  	v16 =	vld [tilespmem:s19+$0x1BE90]  }
0x149: {  	v4 =	vld [tilespmem:s19+$0x1BEA0]  }
0x14a: {  	v6 =	vld [tilespmem:s19+$0x1BEB0]  }
0x14b: {  	v8 =	vld [tilespmem:s19+$0x1BEC0]  }
0x14c: {  	v2 =	vld [tilespmem:s19+$0x1BED0]  }
0x14d: {  	v0 =	vld [tilespmem:s19+$0x1BEE0]  }
0x14e: {  	v47 =	vld [tilespmem:s19+$0x1BE00]  }
0x14f: {  	v48 =	vld [tilespmem:s19+$0x1BE10]  }
0x150: {  	v18 =	vld [tilespmem:s19+$0x1BE20]  }
0x151: {  	v20 =	vld [tilespmem:s19+$0x1BE30]  }
0x152: {  	v22 =	vld [tilespmem:s19+$0x1BE40]  }
0x153: {  	v10 =	vld [tilespmem:s19+$0x1BE50]  }
0x154: {  	v12 =	vld [tilespmem:s19+$0x1BE60]  }
0x155: {  	v49 =	vld [tilespmem:s19+$0x1BD80]  }
0x156: {  	v50 =	vld [tilespmem:s19+$0x1BD90]  }
0x157: {  	v33 =	vld [tilespmem:s19+$0x1BDA0]  }
0x158: {  	v15 =	vmax.f32 v35, v15;
	v17 =	vmax.f32 v42, v17;
	v35 =	vld [tilespmem:s19+$0x1BDB0]  }
0x159: {  	v25 =	vmax.f32 v25, v41;
	v26 =	vmax.f32 v26, v30;
	v27 =	vmax.f32 v27, v37;
	v37 =	vld [tilespmem:s19+$0x1BDC0]  }
0x15a: {  	v25 =	vmax.f32 v25, v32;
	v26 =	vmax.f32 v26, v34;
	v27 =	vmax.f32 v27, v36;
	v62 =	vld [tilespmem:s19+$0x1BD00]  }
0x15b: {  	v19 =	vmax.f32 v25, v19;
	v21 =	vmax.f32 v26, v21;
	v23 =	vmax.f32 v27, v23;
	v63 =	vld [tilespmem:s19+$0x1BD10]  }
0x15c: {  	v25 =	vmax.f32 v19, v5;
	v26 =	vmax.f32 v21, v7;
	v5 =	vmax.f32 v24, v39;
	v30 =	vld [tilespmem:s19+$0x1BDD0]  }
0x15d: {  	v27 =	vmax.f32 v23, v9;
	v7 =	vmax.f32 v28, v40;
	v5 =	vmax.f32 v5, v31;
	v36 =	vld [tilespmem:s19+$0x1BD20]  }
0x15e: {  	v9 =	vmax.f32 v29, v43;
	v7 =	vmax.f32 v7, v38;
	v31 =	vld [tilespmem:s19+$0x1BD30];
	v5 =	vmax.f32 v5, v11  }
0x15f: {  	v41 =	vld [tilespmem:s19+$0x1BD40];
	v9 =	vmax.f32 v9, v44;
	v7 =	vmax.f32 v7, v13;
	v24 =	vmax.f32 v5, v3  }
0x160: {  	v38 =	vld [tilespmem:s19+$0x1BDE0];
	v9 =	vmax.f32 v9, v45;
	v3 =	vmax.f32 v15, v62;
	v5 =	vmax.f32 v17, v63  }
0x161: {  	v39 =	vld [tilespmem:s19+$0x1BD50];
	v28 =	vmax.f32 v7, v1;
	v1 =	vmax.f32 v3, v49;
	v3 =	vmax.f32 v5, v50  }
0x162: {  	s21 =	simm.s32 $0x800;
	v40 =	vld [tilespmem:s19+$0x1BD60];
	v29 =	vmax.f32 v9, v46;
	v34 =	vmax.f32 v1, v47;
	v42 =	vmax.f32 v3, v48  }
.LBB2_9:
0x163: {  	p2 =	sne.s32 s21, $0x9800;
	v1 =	vld [tilespmem:s19+$0x1BD70];
	v3 =	vmax.f32 v34, v14;
	v5 =	vmax.f32 v42, v16  }
0x164: {  	v7 =	vmax.f32 v25, v36;
	v9 =	vmax.f32 v26, v31;
	v11 =	vmax.f32 v27, v41;
	v13 =	vld [tilespmem:s19+$0x1BDF0]  }
0x165: {  	v7 =	vmax.f32 v7, v33;
	v9 =	vmax.f32 v9, v35;
	v11 =	vmax.f32 v11, v37;
	v15 =	vld [tilespmem:s19+$0x1BE70]  }
0x166: {  	v7 =	vmax.f32 v7, v18;
	v9 =	vmax.f32 v9, v20;
	v11 =	vmax.f32 v11, v22;
	v17 =	vld [tilespmem:s19+$0x1BEF0];
	s19 =	sshra.s32 s21, $0x2  }
0x167: {  	v25 =	vmax.f32 v7, v4;
	v26 =	vmax.f32 v9, v6;
	v14 =	vld [tilespmem:s19+$0x1BE80];
	v27 =	vmax.f32 v11, v8  }
0x168: {  	v6 =	vmax.f32 v24, v39;
	v7 =	vmax.f32 v28, v40;
	v16 =	vld [tilespmem:s19+$0x1BE90];
	v1 =	vmax.f32 v29, v1  }
0x169: {  	v8 =	vmax.f32 v6, v30;
	v7 =	vmax.f32 v7, v38;
	v4 =	vld [tilespmem:s19+$0x1BEA0];
	v1 =	vmax.f32 v1, v13  }
0x16a: {  	v9 =	vmax.f32 v8, v10;
	v7 =	vmax.f32 v7, v12;
	v6 =	vld [tilespmem:s19+$0x1BEB0];
	v1 =	vmax.f32 v1, v15  }
0x16b: {  	v24 =	vmax.f32 v9, v2;
	v28 =	vmax.f32 v7, v0;
	v8 =	vld [tilespmem:s19+$0x1BEC0];
	v29 =	vmax.f32 v1, v17  }
0x16c: {  	v2 =	vld [tilespmem:s19+$0x1BED0]  }
0x16d: {  	v0 =	vld [tilespmem:s19+$0x1BEE0]  }
0x16e: {  	v1 =	vld [tilespmem:s19+$0x1BE00]  }
0x16f: {  	v7 =	vld [tilespmem:s19+$0x1BE10]  }
0x170: {  	v18 =	vld [tilespmem:s19+$0x1BE20]  }
0x171: {  	v20 =	vld [tilespmem:s19+$0x1BE30]  }
0x172: {  	v22 =	vld [tilespmem:s19+$0x1BE40]  }
0x173: {  	v10 =	vld [tilespmem:s19+$0x1BE50]  }
0x174: {  	v12 =	vld [tilespmem:s19+$0x1BE60]  }
0x175: {  	v9 =	vld [tilespmem:s19+$0x1BD80]  }
0x176: {  	v11 =	vld [tilespmem:s19+$0x1BD90]  }
0x177: {  	v33 =	vld [tilespmem:s19+$0x1BDA0]  }
0x178: {  	v35 =	vld [tilespmem:s19+$0x1BDB0]  }
0x179: {  	v37 =	vld [tilespmem:s19+$0x1BDC0]  }
0x17a: {  	v13 =	vld [tilespmem:s19+$0x1BD00]  }
0x17b: {  	v15 =	vld [tilespmem:s19+$0x1BD10]  }
0x17c: {  	v30 =	vld [tilespmem:s19+$0x1BDD0]  }
0x17d: {  	v36 =	vld [tilespmem:s19+$0x1BD20]  }
.Ltmp7:
0x17e: {  	v31 =	vld [tilespmem:s19+$0x1BD30];
	(pc) =	sbr.rel @p2 .LBB2_9-.Ltmp7, $4  }
0x17f: {  	v41 =	vld [tilespmem:s19+$0x1BD40]  }
0x180: {  	v3 =	vmax.f32 v3, v13;
	v5 =	vmax.f32 v5, v15;
	v38 =	vld [tilespmem:s19+$0x1BDE0]  }
0x181: {  	v3 =	vmax.f32 v3, v9;
	v39 =	vld [tilespmem:s19+$0x1BD50];
	v5 =	vmax.f32 v5, v11  }
0x182: {  	s21 =	sadd.s32 $0x800, s21;
	v34 =	vmax.f32 v3, v1;
	v40 =	vld [tilespmem:s19+$0x1BD60];
	v42 =	vmax.f32 v5, v7  }
0x183: {  	v43 =	vld [tilespmem:s19+$0x1BD70]  }
0x184: {  	v44 =	vld [tilespmem:s19+$0x1BDF0]  }
0x185: {  	v45 =	vld [tilespmem:s19+$0x1BE70]  }
0x186: {  	v46 =	vld [tilespmem:s19+$0x1BEF0];
	_ =	swait.ge [sflag:s11], $0x2800  }
0x187: {  	[sflag:s11] =	ssyncset.done $0x0  }
0x188: {  	s19 =	sshrl.u32 @!p1 s20, $0x3;
	s21 =	rddreg [dreg:$0xe];
	[sflag:s11] =	ssyncadd.s32 $0xFFFFD800  }
0x189: {  	[tilespmem:s12], [sflag:$0x3] =	stream.linear.gather [spmem:s22], $0x2800, $0x38;
	[tilespmem:$0x1EE80] =	vst v63  }
0x18a: {  	[spmem:s19], [sflag:s17] =	dma.local @!p1 [hbm:s21], $0x500  }
0x18b: {  	s19 =	simm.s32 $0x0  }
0x18c: {  	v15 =	vld [tilespmem:s19+$0x19680]  }
0x18d: {  	v17 =	vld [tilespmem:s19+$0x19690]  }
0x18e: {  	v5 =	vld [tilespmem:s19+$0x196A0]  }
0x18f: {  	v7 =	vld [tilespmem:s19+$0x196B0]  }
0x190: {  	v9 =	vld [tilespmem:s19+$0x196C0]  }
0x191: {  	v3 =	vld [tilespmem:s19+$0x196D0]  }
0x192: {  	v1 =	vld [tilespmem:s19+$0x196E0]  }
0x193: {  	v47 =	vld [tilespmem:s19+$0x19600]  }
0x194: {  	v48 =	vld [tilespmem:s19+$0x19610]  }
0x195: {  	v19 =	vld [tilespmem:s19+$0x19620]  }
0x196: {  	v21 =	vld [tilespmem:s19+$0x19630]  }
0x197: {  	v23 =	vld [tilespmem:s19+$0x19640]  }
0x198: {  	v11 =	vld [tilespmem:s19+$0x19650]  }
0x199: {  	v13 =	vld [tilespmem:s19+$0x19660]  }
0x19a: {  	v49 =	vld [tilespmem:s19+$0x19580]  }
0x19b: {  	v50 =	vld [tilespmem:s19+$0x19590]  }
0x19c: {  	v32 =	vld [tilespmem:s19+$0x195A0]  }
0x19d: {  	v14 =	vmax.f32 v34, v14;
	v16 =	vmax.f32 v42, v16;
	v34 =	vld [tilespmem:s19+$0x195B0]  }
0x19e: {  	v25 =	vmax.f32 v25, v36;
	v26 =	vmax.f32 v26, v31;
	v27 =	vmax.f32 v27, v41;
	v36 =	vld [tilespmem:s19+$0x195C0]  }
0x19f: {  	v25 =	vmax.f32 v25, v33;
	v26 =	vmax.f32 v26, v35;
	v27 =	vmax.f32 v27, v37;
	v62 =	vld [tilespmem:s19+$0x19500]  }
0x1a0: {  	v18 =	vmax.f32 v25, v18;
	v20 =	vmax.f32 v26, v20;
	v22 =	vmax.f32 v27, v22;
	v63 =	vld [tilespmem:s19+$0x19510]  }
0x1a1: {  	v25 =	vmax.f32 v18, v4;
	v26 =	vmax.f32 v20, v6;
	v4 =	vmax.f32 v24, v39;
	v31 =	vld [tilespmem:s19+$0x195D0]  }
0x1a2: {  	v27 =	vmax.f32 v22, v8;
	v6 =	vmax.f32 v28, v40;
	v4 =	vmax.f32 v4, v30;
	v37 =	vld [tilespmem:s19+$0x19520]  }
0x1a3: {  	v8 =	vmax.f32 v29, v43;
	v6 =	vmax.f32 v6, v38;
	v30 =	vld [tilespmem:s19+$0x19530];
	v4 =	vmax.f32 v4, v10  }
0x1a4: {  	v41 =	vld [tilespmem:s19+$0x19540];
	v8 =	vmax.f32 v8, v44;
	v6 =	vmax.f32 v6, v12;
	v24 =	vmax.f32 v4, v2  }
0x1a5: {  	v38 =	vld [tilespmem:s19+$0x195E0];
	v8 =	vmax.f32 v8, v45;
	v2 =	vmax.f32 v14, v62;
	v4 =	vmax.f32 v16, v63  }
0x1a6: {  	v39 =	vld [tilespmem:s19+$0x19550];
	v28 =	vmax.f32 v6, v0;
	v0 =	vmax.f32 v2, v49;
	v2 =	vmax.f32 v4, v50  }
0x1a7: {  	s21 =	simm.s32 $0x800;
	v40 =	vld [tilespmem:s19+$0x19560];
	v29 =	vmax.f32 v8, v46;
	v35 =	vmax.f32 v0, v47;
	v42 =	vmax.f32 v2, v48  }
.LBB2_11:
0x1a8: {  	p2 =	sne.s32 s21, $0x9800;
	v0 =	vld [tilespmem:s19+$0x19570];
	v2 =	vmax.f32 v35, v15;
	v4 =	vmax.f32 v42, v17  }
0x1a9: {  	v6 =	vmax.f32 v25, v37;
	v8 =	vmax.f32 v26, v30;
	v10 =	vmax.f32 v27, v41;
	v12 =	vld [tilespmem:s19+$0x195F0]  }
0x1aa: {  	v6 =	vmax.f32 v6, v32;
	v8 =	vmax.f32 v8, v34;
	v10 =	vmax.f32 v10, v36;
	v14 =	vld [tilespmem:s19+$0x19670]  }
0x1ab: {  	v6 =	vmax.f32 v6, v19;
	v8 =	vmax.f32 v8, v21;
	v10 =	vmax.f32 v10, v23;
	v16 =	vld [tilespmem:s19+$0x196F0];
	s19 =	sshra.s32 s21, $0x2  }
0x1ac: {  	v25 =	vmax.f32 v6, v5;
	v26 =	vmax.f32 v8, v7;
	v15 =	vld [tilespmem:s19+$0x19680];
	v27 =	vmax.f32 v10, v9  }
0x1ad: {  	v6 =	vmax.f32 v24, v39;
	v7 =	vmax.f32 v28, v40;
	v17 =	vld [tilespmem:s19+$0x19690];
	v0 =	vmax.f32 v29, v0  }
0x1ae: {  	v6 =	vmax.f32 v6, v31;
	v8 =	vmax.f32 v7, v38;
	v5 =	vld [tilespmem:s19+$0x196A0];
	v0 =	vmax.f32 v0, v12  }
0x1af: {  	v6 =	vmax.f32 v6, v11;
	v8 =	vmax.f32 v8, v13;
	v7 =	vld [tilespmem:s19+$0x196B0];
	v0 =	vmax.f32 v0, v14  }
0x1b0: {  	v24 =	vmax.f32 v6, v3;
	v28 =	vmax.f32 v8, v1;
	v9 =	vld [tilespmem:s19+$0x196C0];
	v29 =	vmax.f32 v0, v16  }
0x1b1: {  	v3 =	vld [tilespmem:s19+$0x196D0]  }
0x1b2: {  	v1 =	vld [tilespmem:s19+$0x196E0]  }
0x1b3: {  	v0 =	vld [tilespmem:s19+$0x19600]  }
0x1b4: {  	v6 =	vld [tilespmem:s19+$0x19610]  }
0x1b5: {  	v19 =	vld [tilespmem:s19+$0x19620]  }
0x1b6: {  	v21 =	vld [tilespmem:s19+$0x19630]  }
0x1b7: {  	v23 =	vld [tilespmem:s19+$0x19640]  }
0x1b8: {  	v11 =	vld [tilespmem:s19+$0x19650]  }
0x1b9: {  	v13 =	vld [tilespmem:s19+$0x19660]  }
0x1ba: {  	v8 =	vld [tilespmem:s19+$0x19580]  }
0x1bb: {  	v10 =	vld [tilespmem:s19+$0x19590]  }
0x1bc: {  	v32 =	vld [tilespmem:s19+$0x195A0]  }
0x1bd: {  	v34 =	vld [tilespmem:s19+$0x195B0]  }
0x1be: {  	v36 =	vld [tilespmem:s19+$0x195C0]  }
0x1bf: {  	v12 =	vld [tilespmem:s19+$0x19500]  }
0x1c0: {  	v14 =	vld [tilespmem:s19+$0x19510]  }
0x1c1: {  	v31 =	vld [tilespmem:s19+$0x195D0]  }
0x1c2: {  	v37 =	vld [tilespmem:s19+$0x19520]  }
.Ltmp8:
0x1c3: {  	v30 =	vld [tilespmem:s19+$0x19530];
	(pc) =	sbr.rel @p2 .LBB2_11-.Ltmp8, $4  }
0x1c4: {  	v41 =	vld [tilespmem:s19+$0x19540]  }
0x1c5: {  	v2 =	vmax.f32 v2, v12;
	v4 =	vmax.f32 v4, v14;
	v38 =	vld [tilespmem:s19+$0x195E0]  }
0x1c6: {  	v2 =	vmax.f32 v2, v8;
	v39 =	vld [tilespmem:s19+$0x19550];
	v4 =	vmax.f32 v4, v10  }
0x1c7: {  	s21 =	sadd.s32 $0x800, s21;
	v35 =	vmax.f32 v2, v0;
	v40 =	vld [tilespmem:s19+$0x19560];
	v42 =	vmax.f32 v4, v6  }
0x1c8: {  	v43 =	vld [tilespmem:s19+$0x19570]  }
0x1c9: {  	v44 =	vld [tilespmem:s19+$0x195F0]  }
0x1ca: {  	v45 =	vld [tilespmem:s19+$0x19670]  }
0x1cb: {  	v46 =	vld [tilespmem:s19+$0x196F0];
	_ =	swait.ge [sflag:s11], $0x2800  }
0x1cc: {  	[sflag:s11] =	ssyncset.done $0x0  }
0x1cd: {  	s19 =	sshrl.u32 @!p1 s22, $0x3;
	s21 =	rddreg [dreg:$0xf];
	[sflag:s11] =	ssyncadd.s32 $0xFFFFD800  }
0x1ce: {  	[tilespmem:s9], [sflag:$0x3] =	stream.linear.gather [spmem:s24], $0x2800, $0x38;
	[tilespmem:$0x1EE80] =	vst v63  }
0x1cf: {  	[spmem:s19], [sflag:s17] =	dma.local @!p1 [hbm:s21], $0x500  }
0x1d0: {  	s19 =	simm.s32 $0x0  }
0x1d1: {  	v14 =	vld [tilespmem:s19+$0x1BE80]  }
0x1d2: {  	v16 =	vld [tilespmem:s19+$0x1BE90]  }
0x1d3: {  	v4 =	vld [tilespmem:s19+$0x1BEA0]  }
0x1d4: {  	v6 =	vld [tilespmem:s19+$0x1BEB0]  }
0x1d5: {  	v8 =	vld [tilespmem:s19+$0x1BEC0]  }
0x1d6: {  	v2 =	vld [tilespmem:s19+$0x1BED0]  }
0x1d7: {  	v0 =	vld [tilespmem:s19+$0x1BEE0]  }
0x1d8: {  	v47 =	vld [tilespmem:s19+$0x1BE00]  }
0x1d9: {  	v48 =	vld [tilespmem:s19+$0x1BE10]  }
0x1da: {  	v18 =	vld [tilespmem:s19+$0x1BE20]  }
0x1db: {  	v20 =	vld [tilespmem:s19+$0x1BE30]  }
0x1dc: {  	v22 =	vld [tilespmem:s19+$0x1BE40]  }
0x1dd: {  	v10 =	vld [tilespmem:s19+$0x1BE50]  }
0x1de: {  	v12 =	vld [tilespmem:s19+$0x1BE60]  }
0x1df: {  	v49 =	vld [tilespmem:s19+$0x1BD80]  }
0x1e0: {  	v50 =	vld [tilespmem:s19+$0x1BD90]  }
0x1e1: {  	v33 =	vld [tilespmem:s19+$0x1BDA0]  }
0x1e2: {  	v15 =	vmax.f32 v35, v15;
	v17 =	vmax.f32 v42, v17;
	v35 =	vld [tilespmem:s19+$0x1BDB0]  }
0x1e3: {  	v25 =	vmax.f32 v25, v37;
	v26 =	vmax.f32 v26, v30;
	v27 =	vmax.f32 v27, v41;
	v37 =	vld [tilespmem:s19+$0x1BDC0]  }
0x1e4: {  	v25 =	vmax.f32 v25, v32;
	v26 =	vmax.f32 v26, v34;
	v27 =	vmax.f32 v27, v36;
	v62 =	vld [tilespmem:s19+$0x1BD00]  }
0x1e5: {  	v19 =	vmax.f32 v25, v19;
	v21 =	vmax.f32 v26, v21;
	v23 =	vmax.f32 v27, v23;
	v63 =	vld [tilespmem:s19+$0x1BD10]  }
0x1e6: {  	v25 =	vmax.f32 v19, v5;
	v26 =	vmax.f32 v21, v7;
	v5 =	vmax.f32 v24, v39;
	v30 =	vld [tilespmem:s19+$0x1BDD0]  }
0x1e7: {  	v27 =	vmax.f32 v23, v9;
	v7 =	vmax.f32 v28, v40;
	v5 =	vmax.f32 v5, v31;
	v36 =	vld [tilespmem:s19+$0x1BD20]  }
0x1e8: {  	v9 =	vmax.f32 v29, v43;
	v7 =	vmax.f32 v7, v38;
	v31 =	vld [tilespmem:s19+$0x1BD30];
	v5 =	vmax.f32 v5, v11  }
0x1e9: {  	v41 =	vld [tilespmem:s19+$0x1BD40];
	v9 =	vmax.f32 v9, v44;
	v7 =	vmax.f32 v7, v13;
	v24 =	vmax.f32 v5, v3  }
0x1ea: {  	v38 =	vld [tilespmem:s19+$0x1BDE0];
	v9 =	vmax.f32 v9, v45;
	v3 =	vmax.f32 v15, v62;
	v5 =	vmax.f32 v17, v63  }
0x1eb: {  	v39 =	vld [tilespmem:s19+$0x1BD50];
	v28 =	vmax.f32 v7, v1;
	v1 =	vmax.f32 v3, v49;
	v3 =	vmax.f32 v5, v50  }
0x1ec: {  	s21 =	simm.s32 $0x800;
	v40 =	vld [tilespmem:s19+$0x1BD60];
	v29 =	vmax.f32 v9, v46;
	v34 =	vmax.f32 v1, v47;
	v42 =	vmax.f32 v3, v48  }
.LBB2_13:
0x1ed: {  	p2 =	sne.s32 s21, $0x9800;
	v1 =	vld [tilespmem:s19+$0x1BD70];
	v3 =	vmax.f32 v34, v14;
	v5 =	vmax.f32 v42, v16  }
0x1ee: {  	v7 =	vmax.f32 v25, v36;
	v9 =	vmax.f32 v26, v31;
	v11 =	vmax.f32 v27, v41;
	v13 =	vld [tilespmem:s19+$0x1BDF0]  }
0x1ef: {  	v7 =	vmax.f32 v7, v33;
	v9 =	vmax.f32 v9, v35;
	v11 =	vmax.f32 v11, v37;
	v15 =	vld [tilespmem:s19+$0x1BE70]  }
0x1f0: {  	v7 =	vmax.f32 v7, v18;
	v9 =	vmax.f32 v9, v20;
	v11 =	vmax.f32 v11, v22;
	v17 =	vld [tilespmem:s19+$0x1BEF0];
	s19 =	sshra.s32 s21, $0x2  }
0x1f1: {  	v25 =	vmax.f32 v7, v4;
	v26 =	vmax.f32 v9, v6;
	v14 =	vld [tilespmem:s19+$0x1BE80];
	v27 =	vmax.f32 v11, v8  }
0x1f2: {  	v6 =	vmax.f32 v24, v39;
	v7 =	vmax.f32 v28, v40;
	v16 =	vld [tilespmem:s19+$0x1BE90];
	v1 =	vmax.f32 v29, v1  }
0x1f3: {  	v8 =	vmax.f32 v6, v30;
	v7 =	vmax.f32 v7, v38;
	v4 =	vld [tilespmem:s19+$0x1BEA0];
	v1 =	vmax.f32 v1, v13  }
0x1f4: {  	v9 =	vmax.f32 v8, v10;
	v7 =	vmax.f32 v7, v12;
	v6 =	vld [tilespmem:s19+$0x1BEB0];
	v1 =	vmax.f32 v1, v15  }
0x1f5: {  	v24 =	vmax.f32 v9, v2;
	v28 =	vmax.f32 v7, v0;
	v8 =	vld [tilespmem:s19+$0x1BEC0];
	v29 =	vmax.f32 v1, v17  }
0x1f6: {  	v2 =	vld [tilespmem:s19+$0x1BED0]  }
0x1f7: {  	v0 =	vld [tilespmem:s19+$0x1BEE0]  }
0x1f8: {  	v1 =	vld [tilespmem:s19+$0x1BE00]  }
0x1f9: {  	v7 =	vld [tilespmem:s19+$0x1BE10]  }
0x1fa: {  	v18 =	vld [tilespmem:s19+$0x1BE20]  }
0x1fb: {  	v20 =	vld [tilespmem:s19+$0x1BE30]  }
0x1fc: {  	v22 =	vld [tilespmem:s19+$0x1BE40]  }
0x1fd: {  	v10 =	vld [tilespmem:s19+$0x1BE50]  }
0x1fe: {  	v12 =	vld [tilespmem:s19+$0x1BE60]  }
0x1ff: {  	v9 =	vld [tilespmem:s19+$0x1BD80]  }
0x200: {  	v11 =	vld [tilespmem:s19+$0x1BD90]  }
0x201: {  	v33 =	vld [tilespmem:s19+$0x1BDA0]  }
0x202: {  	v35 =	vld [tilespmem:s19+$0x1BDB0]  }
0x203: {  	v37 =	vld [tilespmem:s19+$0x1BDC0]  }
0x204: {  	v13 =	vld [tilespmem:s19+$0x1BD00]  }
0x205: {  	v15 =	vld [tilespmem:s19+$0x1BD10]  }
0x206: {  	v30 =	vld [tilespmem:s19+$0x1BDD0]  }
0x207: {  	v36 =	vld [tilespmem:s19+$0x1BD20]  }
.Ltmp9:
0x208: {  	v31 =	vld [tilespmem:s19+$0x1BD30];
	(pc) =	sbr.rel @p2 .LBB2_13-.Ltmp9, $4  }
0x209: {  	v41 =	vld [tilespmem:s19+$0x1BD40]  }
0x20a: {  	v3 =	vmax.f32 v3, v13;
	v5 =	vmax.f32 v5, v15;
	v38 =	vld [tilespmem:s19+$0x1BDE0]  }
0x20b: {  	v3 =	vmax.f32 v3, v9;
	v39 =	vld [tilespmem:s19+$0x1BD50];
	v5 =	vmax.f32 v5, v11  }
0x20c: {  	s21 =	sadd.s32 $0x800, s21;
	v34 =	vmax.f32 v3, v1;
	v40 =	vld [tilespmem:s19+$0x1BD60];
	v42 =	vmax.f32 v5, v7  }
0x20d: {  	v43 =	vld [tilespmem:s19+$0x1BD70]  }
0x20e: {  	v44 =	vld [tilespmem:s19+$0x1BDF0]  }
0x20f: {  	v45 =	vld [tilespmem:s19+$0x1BE70]  }
0x210: {  	v46 =	vld [tilespmem:s19+$0x1BEF0];
	_ =	swait.ge [sflag:s11], $0x2800  }
0x211: {  	[sflag:s11] =	ssyncset.done $0x0  }
0x212: {  	s19 =	sshrl.u32 @!p1 s24, $0x3;
	[sflag:s11] =	ssyncadd.s32 $0xFFFFD800  }
0x213: {  	[tilespmem:s12], [sflag:$0x3] =	stream.linear.gather [spmem:s26], $0x2800, $0x38;
	[tilespmem:$0x1EE80] =	vst v63  }
0x214: {  	[spmem:s19], [sflag:s17] =	dma.local @!p1 [hbm:s28], $0x500  }
0x215: {  	s19 =	simm.s32 $0x0  }
0x216: {  	v15 =	vld [tilespmem:s19+$0x19680]  }
0x217: {  	v17 =	vld [tilespmem:s19+$0x19690]  }
0x218: {  	v5 =	vld [tilespmem:s19+$0x196A0]  }
0x219: {  	v7 =	vld [tilespmem:s19+$0x196B0]  }
0x21a: {  	v9 =	vld [tilespmem:s19+$0x196C0]  }
0x21b: {  	v3 =	vld [tilespmem:s19+$0x196D0]  }
0x21c: {  	v1 =	vld [tilespmem:s19+$0x196E0]  }
0x21d: {  	v47 =	vld [tilespmem:s19+$0x19600]  }
0x21e: {  	v48 =	vld [tilespmem:s19+$0x19610]  }
0x21f: {  	v19 =	vld [tilespmem:s19+$0x19620]  }
0x220: {  	v21 =	vld [tilespmem:s19+$0x19630]  }
0x221: {  	v23 =	vld [tilespmem:s19+$0x19640]  }
0x222: {  	v11 =	vld [tilespmem:s19+$0x19650]  }
0x223: {  	v13 =	vld [tilespmem:s19+$0x19660]  }
0x224: {  	v49 =	vld [tilespmem:s19+$0x19580]  }
0x225: {  	v50 =	vld [tilespmem:s19+$0x19590]  }
0x226: {  	v32 =	vld [tilespmem:s19+$0x195A0]  }
0x227: {  	v14 =	vmax.f32 v34, v14;
	v16 =	vmax.f32 v42, v16;
	v34 =	vld [tilespmem:s19+$0x195B0]  }
0x228: {  	v25 =	vmax.f32 v25, v36;
	v26 =	vmax.f32 v26, v31;
	v27 =	vmax.f32 v27, v41;
	v36 =	vld [tilespmem:s19+$0x195C0]  }
0x229: {  	v25 =	vmax.f32 v25, v33;
	v26 =	vmax.f32 v26, v35;
	v27 =	vmax.f32 v27, v37;
	v62 =	vld [tilespmem:s19+$0x19500]  }
0x22a: {  	v18 =	vmax.f32 v25, v18;
	v20 =	vmax.f32 v26, v20;
	v22 =	vmax.f32 v27, v22;
	v63 =	vld [tilespmem:s19+$0x19510]  }
0x22b: {  	v25 =	vmax.f32 v18, v4;
	v26 =	vmax.f32 v20, v6;
	v4 =	vmax.f32 v24, v39;
	v31 =	vld [tilespmem:s19+$0x195D0]  }
0x22c: {  	v27 =	vmax.f32 v22, v8;
	v6 =	vmax.f32 v28, v40;
	v4 =	vmax.f32 v4, v30;
	v39 =	vld [tilespmem:s19+$0x19520]  }
0x22d: {  	v8 =	vmax.f32 v29, v43;
	v6 =	vmax.f32 v6, v38;
	v40 =	vld [tilespmem:s19+$0x19530];
	v4 =	vmax.f32 v4, v10  }
0x22e: {  	v41 =	vld [tilespmem:s19+$0x19540];
	v8 =	vmax.f32 v8, v44;
	v6 =	vmax.f32 v6, v12;
	v24 =	vmax.f32 v4, v2  }
0x22f: {  	v35 =	vld [tilespmem:s19+$0x195E0];
	v8 =	vmax.f32 v8, v45;
	v2 =	vmax.f32 v14, v62;
	v4 =	vmax.f32 v16, v63  }
0x230: {  	v37 =	vld [tilespmem:s19+$0x19550];
	v28 =	vmax.f32 v6, v0;
	v0 =	vmax.f32 v2, v49;
	v2 =	vmax.f32 v4, v50  }
0x231: {  	s21 =	simm.s32 $0x800;
	v38 =	vld [tilespmem:s19+$0x19560];
	v29 =	vmax.f32 v8, v46;
	v33 =	vmax.f32 v0, v47;
	v42 =	vmax.f32 v2, v48  }
.LBB2_15:
0x232: {  	p2 =	sne.s32 s21, $0x9800;
	v0 =	vld [tilespmem:s19+$0x19570];
	v2 =	vmax.f32 v33, v15;
	v4 =	vmax.f32 v42, v17  }
0x233: {  	v6 =	vmax.f32 v25, v39;
	v8 =	vmax.f32 v26, v40;
	v10 =	vmax.f32 v27, v41;
	v12 =	vld [tilespmem:s19+$0x195F0]  }
0x234: {  	v6 =	vmax.f32 v6, v32;
	v8 =	vmax.f32 v8, v34;
	v10 =	vmax.f32 v10, v36;
	v14 =	vld [tilespmem:s19+$0x19670]  }
0x235: {  	v6 =	vmax.f32 v6, v19;
	v8 =	vmax.f32 v8, v21;
	v10 =	vmax.f32 v10, v23;
	v16 =	vld [tilespmem:s19+$0x196F0];
	s19 =	sshra.s32 s21, $0x2  }
0x236: {  	v25 =	vmax.f32 v6, v5;
	v26 =	vmax.f32 v8, v7;
	v15 =	vld [tilespmem:s19+$0x19680];
	v27 =	vmax.f32 v10, v9  }
0x237: {  	v6 =	vmax.f32 v24, v37;
	v7 =	vmax.f32 v28, v38;
	v17 =	vld [tilespmem:s19+$0x19690];
	v0 =	vmax.f32 v29, v0  }
0x238: {  	v6 =	vmax.f32 v6, v31;
	v8 =	vmax.f32 v7, v35;
	v5 =	vld [tilespmem:s19+$0x196A0];
	v0 =	vmax.f32 v0, v12  }
0x239: {  	v6 =	vmax.f32 v6, v11;
	v8 =	vmax.f32 v8, v13;
	v7 =	vld [tilespmem:s19+$0x196B0];
	v0 =	vmax.f32 v0, v14  }
0x23a: {  	v24 =	vmax.f32 v6, v3;
	v28 =	vmax.f32 v8, v1;
	v9 =	vld [tilespmem:s19+$0x196C0];
	v29 =	vmax.f32 v0, v16  }
0x23b: {  	v3 =	vld [tilespmem:s19+$0x196D0]  }
0x23c: {  	v1 =	vld [tilespmem:s19+$0x196E0]  }
0x23d: {  	v0 =	vld [tilespmem:s19+$0x19600]  }
0x23e: {  	v6 =	vld [tilespmem:s19+$0x19610]  }
0x23f: {  	v19 =	vld [tilespmem:s19+$0x19620]  }
0x240: {  	v21 =	vld [tilespmem:s19+$0x19630]  }
0x241: {  	v23 =	vld [tilespmem:s19+$0x19640]  }
0x242: {  	v11 =	vld [tilespmem:s19+$0x19650]  }
0x243: {  	v13 =	vld [tilespmem:s19+$0x19660]  }
0x244: {  	v8 =	vld [tilespmem:s19+$0x19580]  }
0x245: {  	v10 =	vld [tilespmem:s19+$0x19590]  }
0x246: {  	v32 =	vld [tilespmem:s19+$0x195A0]  }
0x247: {  	v34 =	vld [tilespmem:s19+$0x195B0]  }
0x248: {  	v36 =	vld [tilespmem:s19+$0x195C0]  }
0x249: {  	v12 =	vld [tilespmem:s19+$0x19500]  }
0x24a: {  	v14 =	vld [tilespmem:s19+$0x19510]  }
0x24b: {  	v31 =	vld [tilespmem:s19+$0x195D0]  }
0x24c: {  	v39 =	vld [tilespmem:s19+$0x19520]  }
.Ltmp10:
0x24d: {  	v40 =	vld [tilespmem:s19+$0x19530];
	(pc) =	sbr.rel @p2 .LBB2_15-.Ltmp10, $4  }
0x24e: {  	v41 =	vld [tilespmem:s19+$0x19540]  }
0x24f: {  	v2 =	vmax.f32 v2, v12;
	v4 =	vmax.f32 v4, v14;
	v35 =	vld [tilespmem:s19+$0x195E0]  }
0x250: {  	v2 =	vmax.f32 v2, v8;
	v37 =	vld [tilespmem:s19+$0x19550];
	v4 =	vmax.f32 v4, v10  }
0x251: {  	s21 =	sadd.s32 $0x800, s21;
	v33 =	vmax.f32 v2, v0;
	v38 =	vld [tilespmem:s19+$0x19560];
	v42 =	vmax.f32 v4, v6  }
0x252: {  	v43 =	vld [tilespmem:s19+$0x19570]  }
0x253: {  	v44 =	vld [tilespmem:s19+$0x195F0]  }
0x254: {  	v45 =	vld [tilespmem:s19+$0x19670]  }
0x255: {  	v46 =	vld [tilespmem:s19+$0x196F0];
	_ =	swait.ge [sflag:s11], $0x2800  }
0x256: {  	[sflag:s11] =	ssyncset.done $0x0  }
0x257: {  	s19 =	sshrl.u32 @!p1 s26, $0x3;
	[sflag:s11] =	ssyncadd.s32 $0xFFFFD800  }
0x258: {  	[spmem:s19], [sflag:s17] =	dma.local @!p1 [hbm:s30], $0x500  }
0x259: {  	s17 =	simm.s32 $0x0  }
0x25a: {  	v14 =	vld [tilespmem:s17+$0x1BE80]  }
0x25b: {  	v16 =	vld [tilespmem:s17+$0x1BE90]  }
0x25c: {  	v4 =	vld [tilespmem:s17+$0x1BEA0]  }
0x25d: {  	v6 =	vld [tilespmem:s17+$0x1BEB0]  }
0x25e: {  	v8 =	vld [tilespmem:s17+$0x1BEC0]  }
0x25f: {  	v2 =	vld [tilespmem:s17+$0x1BED0]  }
0x260: {  	v0 =	vld [tilespmem:s17+$0x1BEE0]  }
0x261: {  	v47 =	vld [tilespmem:s17+$0x1BE00]  }
0x262: {  	v48 =	vld [tilespmem:s17+$0x1BE10]  }
0x263: {  	v18 =	vld [tilespmem:s17+$0x1BE20]  }
0x264: {  	v20 =	vld [tilespmem:s17+$0x1BE30]  }
0x265: {  	v22 =	vld [tilespmem:s17+$0x1BE40]  }
0x266: {  	v12 =	vld [tilespmem:s17+$0x1BE50]  }
0x267: {  	v10 =	vld [tilespmem:s17+$0x1BE60]  }
0x268: {  	v49 =	vld [tilespmem:s17+$0x1BD80]  }
0x269: {  	v50 =	vld [tilespmem:s17+$0x1BD90]  }
0x26a: {  	v30 =	vld [tilespmem:s17+$0x1BDA0]  }
0x26b: {  	v51 =	vmax.f32 v33, v15;
	v42 =	vmax.f32 v42, v17;
	v33 =	vld [tilespmem:s17+$0x1BDB0]  }
0x26c: {  	v15 =	vmax.f32 v25, v39;
	v17 =	vmax.f32 v26, v40;
	v26 =	vmax.f32 v27, v41;
	v25 =	vld [tilespmem:s17+$0x1BDC0]  }
0x26d: {  	v15 =	vmax.f32 v15, v32;
	v17 =	vmax.f32 v17, v34;
	v26 =	vmax.f32 v26, v36;
	v27 =	vld [tilespmem:s17+$0x1BD00]  }
0x26e: {  	v15 =	vmax.f32 v15, v19;
	v17 =	vmax.f32 v17, v21;
	v19 =	vmax.f32 v26, v23;
	v26 =	vld [tilespmem:s17+$0x1BD10]  }
0x26f: {  	v15 =	vmax.f32 v15, v5;
	v7 =	vmax.f32 v17, v7;
	v5 =	vmax.f32 v19, v9;
	v17 =	vld [tilespmem:s17+$0x1BDD0]  }
0x270: {  	v9 =	vmax.f32 v24, v37;
	v19 =	vmax.f32 v28, v38;
	v21 =	vld [tilespmem:s17+$0x1BD20];
	v23 =	vmax.f32 v29, v43  }
0x271: {  	v9 =	vmax.f32 v9, v31;
	v19 =	vmax.f32 v19, v35;
	v24 =	vmax.f32 v23, v44;
	v23 =	vld [tilespmem:s17+$0x1BD30]  }
0x272: {  	v9 =	vmax.f32 v9, v11;
	v13 =	vmax.f32 v19, v13;
	v19 =	vmax.f32 v24, v45;
	v24 =	vld [tilespmem:s17+$0x1BD40]  }
0x273: {  	v11 =	vld [tilespmem:s17+$0x1BDE0];
	v3 =	vmax.f32 v9, v3;
	v9 =	vmax.f32 v51, v27;
	v26 =	vmax.f32 v42, v26  }
0x274: {  	v1 =	vmax.f32 v13, v1;
	v13 =	vld [tilespmem:s17+$0x1BD50];
	v27 =	vmax.f32 v9, v49;
	v26 =	vmax.f32 v26, v50  }
0x275: {  	s19 =	simm.s32 $0x800;
	v9 =	vmax.f32 v19, v46;
	v19 =	vld [tilespmem:s17+$0x1BD60];
	v27 =	vmax.f32 v27, v47;
	v26 =	vmax.f32 v26, v48  }
.LBB2_17:
0x276: {  	p2 =	sne.s32 s19, $0x9800;
	v28 =	vld [tilespmem:s17+$0x1BD70];
	v27 =	vmax.f32 v27, v14;
	v26 =	vmax.f32 v26, v16  }
0x277: {  	v14 =	vmax.f32 v15, v21;
	v7 =	vmax.f32 v7, v23;
	v5 =	vmax.f32 v5, v24;
	v21 =	vld [tilespmem:s17+$0x1BDF0]  }
0x278: {  	v14 =	vmax.f32 v14, v30;
	v7 =	vmax.f32 v7, v33;
	v5 =	vmax.f32 v5, v25;
	v23 =	vld [tilespmem:s17+$0x1BE70]  }
0x279: {  	v15 =	vmax.f32 v14, v18;
	v7 =	vmax.f32 v7, v20;
	v5 =	vmax.f32 v5, v22;
	v18 =	vld [tilespmem:s17+$0x1BEF0];
	s17 =	sshra.s32 s19, $0x2  }
0x27a: {  	v15 =	vmax.f32 v15, v4;
	v7 =	vmax.f32 v7, v6;
	v14 =	vld [tilespmem:s17+$0x1BE80];
	v5 =	vmax.f32 v5, v8  }
0x27b: {  	v3 =	vmax.f32 v3, v13;
	v1 =	vmax.f32 v1, v19;
	v16 =	vld [tilespmem:s17+$0x1BE90];
	v6 =	vmax.f32 v9, v28  }
0x27c: {  	v3 =	vmax.f32 v3, v17;
	v1 =	vmax.f32 v1, v11;
	v4 =	vld [tilespmem:s17+$0x1BEA0];
	v8 =	vmax.f32 v6, v21  }
0x27d: {  	v3 =	vmax.f32 v3, v12;
	v1 =	vmax.f32 v1, v10;
	v6 =	vld [tilespmem:s17+$0x1BEB0];
	v9 =	vmax.f32 v8, v23  }
0x27e: {  	v3 =	vmax.f32 v3, v2;
	v1 =	vmax.f32 v1, v0;
	v8 =	vld [tilespmem:s17+$0x1BEC0];
	v9 =	vmax.f32 v9, v18  }
0x27f: {  	v2 =	vld [tilespmem:s17+$0x1BED0]  }
0x280: {  	v0 =	vld [tilespmem:s17+$0x1BEE0]  }
0x281: {  	v28 =	vld [tilespmem:s17+$0x1BE00]  }
0x282: {  	v29 =	vld [tilespmem:s17+$0x1BE10]  }
0x283: {  	v18 =	vld [tilespmem:s17+$0x1BE20]  }
0x284: {  	v20 =	vld [tilespmem:s17+$0x1BE30]  }
0x285: {  	v22 =	vld [tilespmem:s17+$0x1BE40]  }
0x286: {  	v12 =	vld [tilespmem:s17+$0x1BE50]  }
0x287: {  	v10 =	vld [tilespmem:s17+$0x1BE60]  }
0x288: {  	v19 =	vld [tilespmem:s17+$0x1BD80]  }
0x289: {  	v31 =	vld [tilespmem:s17+$0x1BD90]  }
0x28a: {  	v30 =	vld [tilespmem:s17+$0x1BDA0]  }
0x28b: {  	v33 =	vld [tilespmem:s17+$0x1BDB0]  }
0x28c: {  	v25 =	vld [tilespmem:s17+$0x1BDC0]  }
0x28d: {  	v11 =	vld [tilespmem:s17+$0x1BD00]  }
0x28e: {  	v13 =	vld [tilespmem:s17+$0x1BD10]  }
0x28f: {  	v17 =	vld [tilespmem:s17+$0x1BDD0]  }
0x290: {  	v21 =	vld [tilespmem:s17+$0x1BD20]  }
.Ltmp11:
0x291: {  	v23 =	vld [tilespmem:s17+$0x1BD30];
	(pc) =	sbr.rel @p2 .LBB2_17-.Ltmp11, $4  }
0x292: {  	v24 =	vld [tilespmem:s17+$0x1BD40]  }
0x293: {  	v27 =	vmax.f32 v27, v11;
	v26 =	vmax.f32 v26, v13;
	v11 =	vld [tilespmem:s17+$0x1BDE0]  }
0x294: {  	v27 =	vmax.f32 v27, v19;
	v13 =	vld [tilespmem:s17+$0x1BD50];
	v26 =	vmax.f32 v26, v31  }
0x295: {  	s19 =	sadd.s32 $0x800, s19;
	v27 =	vmax.f32 v27, v28;
	v19 =	vld [tilespmem:s17+$0x1BD60];
	v26 =	vmax.f32 v26, v29  }
0x296: {  	v28 =	vld [tilespmem:s17+$0x1BD70]  }
0x297: {  	v29 =	vld [tilespmem:s17+$0x1BDF0]  }
0x298: {  	v31 =	vld [tilespmem:s17+$0x1BE70]  }
0x299: {  	v32 =	vld [tilespmem:s17+$0x1BEF0];
	s17 =	simm.s32 @!p1 $0x4  }
0x29a: {  	_ =	swait.ge @!p1 [sflag:s17], $0x500  }
0x29b: {  	[sflag:s17] =	ssyncset.done @!p1 $0x0  }
0x29c: {  	[sflag:s17] =	ssyncadd.s32 @!p1 $0xFFFFFB00  }
0x29d: {  	_ =	swait.ge @!p1 [sflag:s17], $0x500  }
0x29e: {  	[sflag:s17] =	ssyncset.done @!p1 $0x0  }
0x29f: {  	[sflag:s17] =	ssyncadd.s32 @!p1 $0xFFFFFB00  }
0x2a0: {  	_ =	swait.ge @!p1 [sflag:s17], $0x500  }
0x2a1: {  	[sflag:s17] =	ssyncset.done @!p1 $0x0  }
0x2a2: {  	[sflag:s17] =	ssyncadd.s32 @!p1 $0xFFFFFB00  }
0x2a3: {  	_ =	swait.ge @!p1 [sflag:s17], $0x500  }
0x2a4: {  	[sflag:s17] =	ssyncset.done @!p1 $0x0  }
0x2a5: {  	[sflag:s17] =	ssyncadd.s32 @!p1 $0xFFFFFB00  }
0x2a6: {  	_ =	swait.ge @!p1 [sflag:s17], $0x500  }
0x2a7: {  	[sflag:s17] =	ssyncset.done @!p1 $0x0  }
0x2a8: {  	[sflag:s17] =	ssyncadd.s32 @!p1 $0xFFFFFB00  }
0x2a9: {  	_ =	swait.ge @!p1 [sflag:s17], $0x500  }
0x2aa: {  	[sflag:s17] =	ssyncset.done @!p1 $0x0  }
0x2ab: {  	[sflag:s17] =	ssyncadd.s32 @!p1 $0xFFFFFB00  }
0x2ac: {  	v14 =	vmax.f32 v27, v14;
	_ =	swait.ge @!p1 [sflag:s17], $0x500  }
0x2ad: {  	v16 =	vmax.f32 v26, v16;
	v15 =	vmax.f32 v15, v21;
	v7 =	vmax.f32 v7, v23;
	[sflag:s17] =	ssyncset.done @!p1 $0x0  }
0x2ae: {  	v5 =	vmax.f32 v5, v24;
	v15 =	vmax.f32 v15, v30;
	v7 =	vmax.f32 v7, v33;
	[sflag:s17] =	ssyncadd.s32 @!p1 $0xFFFFFB00  }
0x2af: {  	v54 =	vmax.f32 v14, $0.0e+00;
	v56 =	vmax.f32 v16, $0.0e+00;
	v5 =	vmax.f32 v5, v25;
	_ =	swait.ge @!p1 [sflag:s17], $0x500  }
0x2b0: {  	v15 =	vmax.f32 v15, v18;
	v7 =	vmax.f32 v7, v20;
	v5 =	vmax.f32 v5, v22;
	[sflag:s17] =	ssyncset.done @!p1 $0x0  }
0x2b1: {  	v4 =	vmax.f32 v15, v4;
	v6 =	vmax.f32 v7, v6;
	v3 =	vmax.f32 v3, v13;
	[sflag:s17] =	ssyncadd.s32 @!p1 $0xFFFFFB00  }
0x2b2: {  	v5 =	vmax.f32 v5, v8;
	v1 =	vmax.f32 v1, v19;
	v3 =	vmax.f32 v3, v17;
	[tilespmem:$0x1E500] =	vst v54  }
0x2b3: {  	v4 =	vmax.f32 v4, $0.0e+00;
	v58 =	vmax.f32 v6, $0.0e+00;
	v55 =	vmax.f32 v9, v28;
	[tilespmem:$0x1E510] =	vst v56  }
0x2b4: {  	v1 =	vmax.f32 v1, v11;
	v3 =	vmax.f32 v3, v12;
	v59 =	vmax.f32 v5, $0.0e+00;
	[tilespmem:$0x1E520] =	vst v4  }
0x2b5: {  	v57 =	vmax.f32 v55, v29;
	v1 =	vmax.f32 v1, v10;
	v2 =	vmax.f32 v3, v2;
	[tilespmem:$0x1E530] =	vst v58  }
0x2b6: {  	v60 =	vmax.f32 v57, v31;
	v0 =	vmax.f32 v1, v0;
	v61 =	vmax.f32 v2, $0.0e+00;
	[tilespmem:$0x1E540] =	vst v59  }
0x2b7: {  	v62 =	vmax.f32 v60, v32;
	v0 =	vmax.f32 v0, $0.0e+00;
	[tilespmem:$0x1E550] =	vst v61  }
0x2b8: {  	v63 =	vmax.f32 v62, $0.0e+00;
	[tilespmem:$0x1E560] =	vst v0  }
0x2b9: {  	s25 =	simm.s32 $0x1E500;
	[tilespmem:$0x1E570] =	vst v63  }
0x2ba: {  	[spmem:s31] =	stream.linear.scatter [tilespmem:s25], [sflag:$0x6], $0x80, $0x38;
	[tilespmem:$0x1EE80] =	vst v63  }
.Ltmp12:
0x2bb: {  	_ =	swait.ge [sflag:s6], $0x80;
	(pc) =	sbr.rel @p0 .LBB2_20-.Ltmp12, $3  }
0x2bc: {  	[sflag:s6] =	ssyncset.done $0x0  }
0x2bd: {  	[sflag:s6] =	ssyncadd.s32 $0xFFFFFF80  }
0x2be: {  	[bflag:$0x0] =	sbarrier.arrive $0xFFFF;
	_ =	sdelay $0x1  }
0x2bf: {  	s17 =	rddreg [dreg:$0x3];
	s19 =	simm.s32 $0x1E580  }
0x2c0: {  	[tilespmem:s19], [sflag:$0x6] =	stream.linear.gather [spmem:s17], $0x800, $0x38;
	[tilespmem:$0x1EE80] =	vst v63  }
0x2c1: {  	s10 =	sshll.u32 s10, $0x4;
	_ =	swait.ge [sflag:s6], $0x800  }
0x2c2: {  	s25 =	simm.s32 $0x0;
	[sflag:s6] =	ssyncset.done $0x0;
	s23 =	rddreg [dreg:$0x7]  }
0x2c3: {  	s21 =	simm.s32 $0x1ED80;
	[sflag:s6] =	ssyncadd.s32 $0xFFFFF800;
	s17 =	sadd.s32 s23, s10  }
0x2c4: {  	[tilespmem:s21], [sflag:$0x6] =	stream.linear.gather [hbm4b:s17+s25], $0x80, $0x38;
	[tilespmem:$0x1EE80] =	vst v63  }
0x2c5: {  	_ =	swait.ge [sflag:s6], $0x80  }
0x2c6: {  	[sflag:s6] =	ssyncset.done $0x0  }
0x2c7: {  	[sflag:s6] =	ssyncadd.s32 $0xFFFFFF80  }
0x2c8: {  	v6 =	vld [tilespmem:$0x1E580]  }
0x2c9: {  	v17 =	vld [tilespmem:$0x1E600]  }
0x2ca: {  	v7 =	vld [tilespmem:$0x1E680]  }
0x2cb: {  	v9 =	vld [tilespmem:$0x1E700]  }
0x2cc: {  	v12 =	vld [tilespmem:$0x1E780]  }
0x2cd: {  	v14 =	vld [tilespmem:$0x1E800]  }
0x2ce: {  	v19 =	vld [tilespmem:$0x1E880]  }
0x2cf: {  	v20 =	vld [tilespmem:$0x1E900]  }
0x2d0: {  	v21 =	vld [tilespmem:$0x1E980]  }
0x2d1: {  	v22 =	vld [tilespmem:$0x1EA00]  }
0x2d2: {  	v24 =	vld [tilespmem:$0x1EA80]  }
0x2d3: {  	v26 =	vld [tilespmem:$0x1EB00]  }
0x2d4: {  	v28 =	vld [tilespmem:$0x1EB80]  }
0x2d5: {  	v52 =	vld [tilespmem:$0x1EC00]  }
0x2d6: {  	v0 =	vld [tilespmem:$0x1EC80]  }
0x2d7: {  	v55 =	vld [tilespmem:$0x1ED00]  }
0x2d8: {  	v56 =	vld [tilespmem:$0x1ED80]  }
0x2d9: {  	v11 =	vld [tilespmem:$0x1E590]  }
0x2da: {  	v13 =	vld [tilespmem:$0x1E610]  }
0x2db: {  	v30 =	vld [tilespmem:$0x1E690]  }
0x2dc: {  	v31 =	vld [tilespmem:$0x1E710]  }
0x2dd: {  	v32 =	vld [tilespmem:$0x1E790]  }
0x2de: {  	v33 =	vld [tilespmem:$0x1E810]  }
0x2df: {  	v34 =	vld [tilespmem:$0x1E890]  }
0x2e0: {  	v35 =	vld [tilespmem:$0x1E910]  }
0x2e1: {  	v36 =	vld [tilespmem:$0x1E990]  }
0x2e2: {  	v37 =	vld [tilespmem:$0x1EA10]  }
0x2e3: {  	v38 =	vld [tilespmem:$0x1EA90]  }
0x2e4: {  	v39 =	vld [tilespmem:$0x1EB10]  }
0x2e5: {  	v40 =	vld [tilespmem:$0x1EB90]  }
0x2e6: {  	v41 =	vld [tilespmem:$0x1EC10]  }
0x2e7: {  	v42 =	vld [tilespmem:$0x1EC90]  }
0x2e8: {  	v43 =	vld [tilespmem:$0x1ED10]  }
0x2e9: {  	v44 =	vld [tilespmem:$0x1ED90]  }
0x2ea: {  	v45 =	vld [tilespmem:$0x1E5A0]  }
0x2eb: {  	v46 =	vld [tilespmem:$0x1E620]  }
0x2ec: {  	v47 =	vld [tilespmem:$0x1E6A0]  }
0x2ed: {  	v48 =	vld [tilespmem:$0x1E720]  }
0x2ee: {  	v49 =	vld [tilespmem:$0x1E7A0]  }
0x2ef: {  	v50 =	vld [tilespmem:$0x1E820]  }
0x2f0: {  	v54 =	vld [tilespmem:$0x1E8A0]  }
0x2f1: {  	v57 =	vld [tilespmem:$0x1E920]  }
0x2f2: {  	v58 =	vld [tilespmem:$0x1E9A0]  }
0x2f3: {  	v59 =	vld [tilespmem:$0x1EA20]  }
0x2f4: {  	v60 =	vld [tilespmem:$0x1EAA0]  }
0x2f5: {  	v61 =	vld [tilespmem:$0x1EB20]  }
0x2f6: {  	v62 =	vld [tilespmem:$0x1EBA0]  }
0x2f7: {  	v63 =	vld [tilespmem:$0x1EC20]  }
0x2f8: {  	v4 =	vld [tilespmem:$0x1ECA0]  }
0x2f9: {  	v5 =	vld [tilespmem:$0x1ED20]  }
0x2fa: {  	v8 =	vld [tilespmem:$0x1EDA0]  }
0x2fb: {  	v25 =	vld [tilespmem:$0x1E9B0]  }
0x2fc: {  	v29 =	vld [tilespmem:$0x1EA30]  }
0x2fd: {  	v10 =	vld [tilespmem:$0x1EB30]  }
0x2fe: {  	v15 =	vld [tilespmem:$0x1EBB0]  }
0x2ff: {  	v16 =	vld [tilespmem:$0x1EC30]  }
0x300: {  	v18 =	vld [tilespmem:$0x1ECB0]  }
0x301: {  	v23 =	vld [tilespmem:$0x1ED30]  }
0x302: {  	v27 =	vld [tilespmem:$0x1EDB0]  }
0x303: {  	v3 =	vld [tilespmem:$0x1E640]  }
0x304: {  	v1 =	vld [tilespmem:$0x1E6C0]  }
0x305: {  	v2 =	vld [tilespmem:$0x1E740]  }
0x306: {  	v51 =	vld [tilespmem:$0x1EC40]  }
0x307: {  	v53 =	vld [tilespmem:$0x1ECC0]  }
0x308: {  	[tilespmem:$0x1FE50] =	vst v56;
	v56 =	vld [tilespmem:$0x1E5B0]  }
0x309: {  	[tilespmem:$0x1FE60] =	vst v57;
	v57 =	vld [tilespmem:$0x1E630]  }
0x30a: {  	[tilespmem:$0x1FE70] =	vst v58;
	v58 =	vld [tilespmem:$0x1E6B0]  }
0x30b: {  	[tilespmem:$0x1FE80] =	vst v59;
	v59 =	vld [tilespmem:$0x1E730]  }
0x30c: {  	[tilespmem:$0x1FE90] =	vst v60;
	v60 =	vld [tilespmem:$0x1E7B0]  }
0x30d: {  	[tilespmem:$0x1FEA0] =	vst v61;
	v61 =	vld [tilespmem:$0x1E830]  }
0x30e: {  	[tilespmem:$0x1FEB0] =	vst v62;
	v62 =	vld [tilespmem:$0x1E8B0]  }
0x30f: {  	[tilespmem:$0x1FED0] =	vst v63;
	v63 =	vld [tilespmem:$0x1E930]  }
0x310: {  	[tilespmem:$0x1FE40] =	vst v55;
	v55 =	vld [tilespmem:$0x1EAB0]  }
0x311: {  	[tilespmem:$0x1FE30] =	vst v0;
	v0 =	vld [tilespmem:$0x1E5C0]  }
0x312: {  	[tilespmem:$0x1FEF0] =	vst v4;
	v4 =	vld [tilespmem:$0x1E7C0]  }
0x313: {  	[tilespmem:$0x1FF10] =	vst v5;
	v5 =	vld [tilespmem:$0x1E840]  }
0x314: {  	[tilespmem:$0x1FF30] =	vst v8;
	v8 =	vld [tilespmem:$0x1E8C0]  }
0x315: {  	[tilespmem:$0x1FEC0] =	vst v10;
	v10 =	vld [tilespmem:$0x1E940]  }
0x316: {  	[tilespmem:$0x1FEE0] =	vst v15;
	v15 =	vld [tilespmem:$0x1E9C0]  }
0x317: {  	[tilespmem:$0x1FF00] =	vst v16;
	v16 =	vld [tilespmem:$0x1EA40]  }
0x318: {  	[tilespmem:$0x1FF20] =	vst v18;
	v18 =	vld [tilespmem:$0x1EAC0]  }
0x319: {  	[tilespmem:$0x1FF40] =	vst v23;
	v23 =	vld [tilespmem:$0x1EB40]  }
0x31a: {  	[tilespmem:$0x1FF60] =	vst v27;
	v27 =	vld [tilespmem:$0x1EBC0]  }
0x31b: {  	[tilespmem:$0x1FF50] =	vst v53;
	v53 =	vld [tilespmem:$0x1ED40]  }
0x31c: {  	v6 =	vmax.f32 v6, v17;
	v17 =	vld [tilespmem:$0x1E950]  }
0x31d: {  	v11 =	vmax.f32 v11, v13;
	v13 =	vld [tilespmem:$0x1EA50]  }
0x31e: {  	v7 =	vmax.f32 v6, v7;
	v6 =	vld [tilespmem:$0x1E9D0]  }
0x31f: {  	v30 =	vmax.f32 v11, v30;
	v11 =	vld [tilespmem:$0x1EAD0]  }
0x320: {  	v7 =	vmax.f32 v7, v9;
	v9 =	vmax.f32 v30, v31;
	v30 =	vld [tilespmem:$0x1E760]  }
0x321: {  	v31 =	vld [tilespmem:$0x1E7E0]  }
0x322: {  	v32 =	vmax.f32 v9, v32;
	v9 =	vld [tilespmem:$0x1EB50]  }
0x323: {  	v7 =	vmax.f32 v7, v12;
	v12 =	vld [tilespmem:$0x1EBD0]  }
0x324: {  	v33 =	vmax.f32 v32, v33;
	[tilespmem:$0x1FF70] =	vst v53;
	v53 =	vld [tilespmem:$0x1EDC0]  }
0x325: {  	v7 =	vmax.f32 v7, v14;
	v14 =	vmax.f32 v33, v34;
	v33 =	vld [tilespmem:$0x1E860]  }
0x326: {  	v0 =	vmax.f32 v0, v3;
	v3 =	vld [tilespmem:$0x1E960]  }
0x327: {  	v7 =	vmax.f32 v7, v19;
	v57 =	vmax.f32 v56, v57;
	v56 =	vld [tilespmem:$0x1FF40]  }
0x328: {  	v19 =	vmax.f32 v7, v20;
	v7 =	vld [tilespmem:$0x1EC50]  }
0x329: {  	v20 =	vld [tilespmem:$0x1ED50]  }
0x32a: {  	v14 =	vmax.f32 v14, v35;
	v35 =	vld [tilespmem:$0x1E8E0]  }
0x32b: {  	v0 =	vmax.f32 v0, v1;
	v1 =	vld [tilespmem:$0x1E9E0]  }
0x32c: {  	v34 =	vmax.f32 v57, v58;
	v57 =	vld [tilespmem:$0x1FF50]  }
0x32d: {  	v58 =	vld [tilespmem:$0x1E770]  }
0x32e: {  	v19 =	vmax.f32 v19, v21;
	v21 =	vld [tilespmem:$0x1ECD0]  }
0x32f: {  	[tilespmem:$0x1FFA0] =	vst v53;
	v53 =	vld [tilespmem:$0x1E5D0]  }
0x330: {  	v0 =	vmax.f32 v0, v2;
	v2 =	vld [tilespmem:$0x1EA60]  }
0x331: {  	v34 =	vmax.f32 v34, v59;
	v59 =	vld [tilespmem:$0x1FF60]  }
0x332: {  	v0 =	vmax.f32 v0, v4;
	v4 =	vld [tilespmem:$0x1EAE0]  }
0x333: {  	v34 =	vmax.f32 v34, v60;
	v60 =	vld [tilespmem:$0x1FF70]  }
0x334: {  	v19 =	vmax.f32 v19, v22;
	[tilespmem:$0x1FF80] =	vst v53;
	v53 =	vld [tilespmem:$0x1E650]  }
0x335: {  	v22 =	vmax.f32 v19, v24;
	v24 =	vld [tilespmem:$0x1E5E0]  }
0x336: {  	v34 =	vmax.f32 v34, v61;
	v61 =	vld [tilespmem:$0x1FE60]  }
0x337: {  	v0 =	vmax.f32 v0, v5;
	v5 =	vld [tilespmem:$0x1EB60]  }
0x338: {  	v22 =	vmax.f32 v22, v26;
	v26 =	vld [tilespmem:$0x1E660]  }
0x339: {  	v14 =	vmax.f32 v14, v36;
	[tilespmem:$0x1FF90] =	vst v53;
	v53 =	vld [tilespmem:$0x1E6D0]  }
0x33a: {  	v14 =	vmax.f32 v14, v37;
	v34 =	vmax.f32 v34, v62;
	v62 =	vld [tilespmem:$0x1FE70]  }
0x33b: {  	v14 =	vmax.f32 v14, v38;
	v0 =	vmax.f32 v0, v8;
	v8 =	vld [tilespmem:$0x1EBE0]  }
0x33c: {  	v14 =	vmax.f32 v14, v39;
	v22 =	vmax.f32 v22, v28;
	v28 =	vld [tilespmem:$0x1E6E0]  }
0x33d: {  	v14 =	vmax.f32 v14, v40;
	v40 =	vld [tilespmem:$0x1FE30]  }
0x33e: {  	[tilespmem:$0x1FFB0] =	vst v53;
	v53 =	vld [tilespmem:$0x1E750]  }
0x33f: {  	v0 =	vmax.f32 v0, v10;
	v10 =	vld [tilespmem:$0x1EC60]  }
0x340: {  	v34 =	vmax.f32 v34, v63;
	v63 =	vld [tilespmem:$0x1E7F0]  }
0x341: {  	v14 =	vmax.f32 v14, v41;
	v41 =	vld [tilespmem:$0x1FE40]  }
0x342: {  	v22 =	vmax.f32 v22, v52;
	v52 =	vld [tilespmem:$0x1FE50]  }
0x343: {  	[tilespmem:$0x1FFC0] =	vst v53;
	v53 =	vld [tilespmem:$0x1E7D0]  }
0x344: {  	v0 =	vmax.f32 v0, v15;
	v15 =	vld [tilespmem:$0x1ECE0]  }
0x345: {  	v14 =	vmax.f32 v14, v42;
	v42 =	vld [tilespmem:$0x1FEA0]  }
0x346: {  	v0 =	vmax.f32 v0, v16;
	v16 =	vld [tilespmem:$0x1ED60]  }
0x347: {  	v14 =	vmax.f32 v14, v43;
	v43 =	vld [tilespmem:$0x1FEB0]  }
0x348: {  	v25 =	vmax.f32 v34, v25;
	[tilespmem:$0x1FFD0] =	vst v53;
	v53 =	vld [tilespmem:$0x1E850]  }
0x349: {  	v25 =	vmax.f32 v25, v29;
	v0 =	vmax.f32 v0, v18;
	v18 =	vld [tilespmem:$0x1EDE0]  }
0x34a: {  	v25 =	vmax.f32 v25, v55;
	v55 =	vld [tilespmem:$0x1FF30]  }
0x34b: {  	v14 =	vadd.f32 v44, v14;
	v44 =	vld [tilespmem:$0x1FEC0]  }
0x34c: {  	v22 =	vmax.f32 v22, v40;
	v40 =	vld [tilespmem:$0x1FE80]  }
0x34d: {  	v0 =	vmax.f32 v0, v23;
	[tilespmem:$0x1FFE0] =	vst v53;
	v53 =	vld [tilespmem:$0x1E8D0]  }
0x34e: {  	v0 =	vmax.f32 v0, v27;
	v22 =	vmax.f32 v22, v41;
	v41 =	vld [tilespmem:$0x1FE90]  }
0x34f: {  	v0 =	vmax.f32 v0, v51;
	v51 =	vld [tilespmem:$0x1EAF0]  }
0x350: {  	v22 =	vadd.f32 v52, v22;
	v52 =	vld [tilespmem:$0x1FF10]  }
0x351: {  	v25 =	vmax.f32 v25, v44;
	v44 =	vld [tilespmem:$0x1E8F0]  }
0x352: {  	[tilespmem:$0x1FFF0] =	vst v53;
	v53 =	vmax.f32 v45, v46;
	v45 =	vld [tilespmem:$0x1FED0]  }
0x353: {  	v46 =	vld [tilespmem:$0x1FEE0]  }
0x354: {  	v32 =	vmax.f32 v53, v47;
	v47 =	vld [tilespmem:$0x1E5F0]  }
0x355: {  	v53 =	vld [tilespmem:$0x1FF20]  }
0x356: {  	v32 =	vmax.f32 v32, v48;
	v48 =	vld [tilespmem:$0x1FEF0]  }
0x357: {  	v24 =	vmax.f32 v24, v26;
	v32 =	vmax.f32 v32, v49;
	v49 =	vld [tilespmem:$0x1FF00]  }
0x358: {  	v24 =	vmax.f32 v24, v28;
	v32 =	vmax.f32 v32, v50;
	v50 =	vld [tilespmem:$0x1E670]  }
0x359: {  	v24 =	vmax.f32 v24, v30;
	v32 =	vmax.f32 v32, v54;
	v54 =	vld [tilespmem:$0x1E6F0]  }
0x35a: {  	v24 =	vmax.f32 v24, v31;
	v25 =	vmax.f32 v25, v46;
	v46 =	vld [tilespmem:$0x1E970];
	v32 =	vmax.f32 v32, v61  }
0x35b: {  	v24 =	vmax.f32 v24, v33;
	v61 =	vld [tilespmem:$0x1FF80];
	v32 =	vmax.f32 v32, v62  }
0x35c: {  	v24 =	vmax.f32 v24, v35;
	v62 =	vld [tilespmem:$0x1FF90];
	v32 =	vmax.f32 v32, v40  }
0x35d: {  	v3 =	vmax.f32 v24, v3;
	v32 =	vmax.f32 v32, v41;
	v41 =	vld [tilespmem:$0x1FFB0]  }
0x35e: {  	v1 =	vmax.f32 v3, v1;
	v29 =	vmax.f32 v32, v42;
	v42 =	vld [tilespmem:$0x1E870]  }
0x35f: {  	v1 =	vmax.f32 v1, v2;
	v29 =	vmax.f32 v29, v43;
	v43 =	vld [tilespmem:$0x1FFC0]  }
0x360: {  	v0 =	vmax.f32 v0, v57;
	v1 =	vmax.f32 v1, v4;
	v29 =	vmax.f32 v29, v45;
	v45 =	vld [tilespmem:$0x1FFD0]  }
0x361: {  	v0 =	vmax.f32 v0, v60;
	v1 =	vmax.f32 v1, v5;
	v23 =	vmax.f32 v47, v50;
	v47 =	vld [tilespmem:$0x1FFE0]  }
0x362: {  	v25 =	vmax.f32 v25, v49;
	v49 =	vld [tilespmem:$0x1FFF0];
	v23 =	vmax.f32 v23, v54;
	v36 =	vmax.f32 v61, v62  }
0x363: {  	v23 =	vmax.f32 v23, v58;
	v29 =	vmax.f32 v29, v48;
	v48 =	vld [tilespmem:$0x1E9F0];
	v36 =	vmax.f32 v36, v41  }
0x364: {  	v1 =	vmax.f32 v1, v8;
	v50 =	vld [tilespmem:$0x1EA70];
	v23 =	vmax.f32 v23, v63;
	v36 =	vmax.f32 v36, v43  }
0x365: {  	v57 =	vld [tilespmem:$0x1EC70];
	v25 =	vmax.f32 v25, v53;
	v23 =	vmax.f32 v23, v42;
	v28 =	vmax.f32 v36, v45  }
0x366: {  	v53 =	vld [tilespmem:$0x1EB70];
	v29 =	vmax.f32 v29, v52;
	v52 =	vmax.f32 v23, v44;
	v28 =	vmax.f32 v28, v47  }
0x367: {  	v29 =	vadd.f32 v55, v29;
	v55 =	vld [tilespmem:$0x1EBF0];
	v54 =	vmax.f32 v52, v46;
	v28 =	vmax.f32 v28, v49  }
0x368: {  	v40 =	vld [tilespmem:$0x1FFA0];
	v25 =	vmax.f32 v25, v56;
	v56 =	vmax.f32 v54, v48;
	v17 =	vmax.f32 v28, v17  }
0x369: {  	v1 =	vmax.f32 v1, v10;
	v58 =	vld [tilespmem:$0x1ECF0];
	v2 =	vmax.f32 v56, v50;
	v6 =	vmax.f32 v17, v6  }
0x36a: {  	v25 =	vadd.f32 v59, v25;
	v59 =	vld [tilespmem:$0x1ED70];
	v2 =	vmax.f32 v2, v51;
	v6 =	vmax.f32 v6, v13  }
0x36b: {  	v60 =	vld [tilespmem:$0x1EDF0];
	v1 =	vmax.f32 v1, v15;
	v2 =	vmax.f32 v2, v53;
	v6 =	vmax.f32 v6, v11  }
0x36c: {  	v19 =	vld [tilespmem:$0x1EDD0];
	[tilespmem:$0x1EE10] =	vst v14;
	v1 =	vmax.f32 v1, v16;
	v2 =	vmax.f32 v2, v55;
	v6 =	vmax.f32 v6, v9  }
0x36d: {  	[tilespmem:$0x1EE00] =	vst v22;
	v62 =	vadd.f32 v18, v1;
	v2 =	vmax.f32 v2, v57;
	v6 =	vmax.f32 v6, v12  }
0x36e: {  	v0 =	vadd.f32 v40, v0;
	[tilespmem:$0x1EE30] =	vst v25;
	v2 =	vmax.f32 v2, v58;
	v6 =	vmax.f32 v6, v7  }
0x36f: {  	[tilespmem:$0x1EE60] =	vst v62;
	v63 =	vmax.f32 v2, v59;
	v6 =	vmax.f32 v6, v21  }
0x370: {  	[tilespmem:$0x1EE40] =	vst v0;
	v1 =	vadd.f32 v60, v63;
	v6 =	vmax.f32 v6, v20  }
0x371: {  	[tilespmem:$0x1EE20] =	vst v29;
	v61 =	vadd.f32 v19, v6  }
0x372: {  	s21 =	rddreg [dreg:$0x1];
	[tilespmem:$0x1EE70] =	vst v1  }
0x373: {  	s23 =	simm.s32 $0x1EE00;
	s10 =	sadd.s32 s21, s10;
	[tilespmem:$0x1EE50] =	vst v61  }
0x374: {  	[hbm4b:s10+s25] =	stream.linear.scatter [tilespmem:s23], [sflag:$0x5], $0x80, $0x38;
	[tilespmem:$0x1EE80] =	vst v63  }
.Ltmp13:
0x375: {  	_ = 	snop;
	(pc) =	sbr.rel .LBB2_20-.Ltmp13, $4  }
0x376: {  	s25 =	simm.s32 $0x5  }
0x377: {  	_ =	swait.ge [sflag:s25], $0x80  }
0x378: {  	[sflag:s25] =	ssyncset.done $0x0  }
0x379: {  	[sflag:s25] =	ssyncadd.s32 $0xFFFFFF80  }
.LBB2_22:
0x37a: {  	_ =	sfence.sel $0x180000  }
0x37b: {  	[bflag:$0x0] =	sbarrier.arrive $0xFFFF  }
0x37c: {  	_ =	strace $0x90000047  }
0x37d: {  	[bflag:$0x2] =	sbarrier.arrive $0xFFFF  }
0x37e: {  	s0 =	rddreg [dreg:$0x4]  }
0x37f: {  	s0 =	sadd.s32 @!p0 $0x100000, s0  }
0x380: {  	[sflag:s0] =	ssyncadd.tile.s32 @!p0 $0x1;
	_ =	shalt  }
.Lfunc_end2:
_tile_overlayer_lowered:
.L_overlay_start_2:
0x381: {  	(tag) =	ssettag $0x2  }
0x382: {  	s0 =	rddreg [dreg:$0x0];
	s2 =	stileid.u32  }
0x383: {  	s1 =	rddreg [dreg:$0x1];
	p0 =	sne.s32 s2, $0x0  }
0x384: {  	s3 =	rddreg [dreg:$0x2];
	[bflag:$0x3] =	sbarrier.arrive $0xFFFF;
	s2 =	simm.s32 @!p0 $0x1C05  }
0x385: {  	[timem:s3], [sflag:s2] =	dma.local @!p0 [hbm:s0], s1  }
0x386: {  	s0 =	simm.s32 @!p0 $0x5  }
0x387: {  	_ =	swait.ge @!p0 [sflag:s0], s1  }
0x388: {  	s1 =	ssub.s32 @!p0 $0x0, s1;
	[sflag:s0] =	ssyncset.done @!p0 $0x0  }
0x389: {  	[sflag:s0] =	ssyncadd.s32 @!p0 s1  }
0x38a: {  	[bflag:$0x3] =	sbarrier.arrive $0xFFFF  }
0x38b: {  	_ =	shalt  }

</sc_bundles>
